<compile_context>
chip_gen: v7x
topology: tpu7x:2x2x1
jax: 0.10.2.dev20260603
libtpu: 0.0.44.dev20260713+nightly
codegen_flags: <defaults>
</compile_context>

<pallas_src>
import functools

import jax
import jax.numpy as jnp
from jax import lax
from jax.experimental import pallas as pl
from jax.experimental.pallas import tpu as pltpu
from jax.experimental.pallas import tpu_sc as plsc

N = 10000
E = 320000
D = 128

NC = 2
NS = 16
NW = NC * NS
C = 80
G = 5
IB = 25
CH = G * IB
NP = 10240
RPS = NP // NS


def _sc_agg_body(const_rows, *refs):
    if const_rows:
        (ones_cd, dstr, z2d, out_agg, dst_v, rows_v, sh_agg) = refs
    else:
        (feat, srcr, dstr, z2d, out_agg,
         src_v, dst_v, rows_v, rows_v1, rows_v2, sh_agg) = refs
        bufs = (rows_v, rows_v1, rows_v2)

    cid = lax.axis_index("c")
    sid = lax.axis_index("s")
    wid = sid * NC + cid

    pltpu.sync_copy(z2d, rows_v)

    def zero_blk(j, carry):
        pltpu.sync_copy(rows_v, sh_agg.at[pl.ds(sid * RPS + j * C, C)])
        return carry

    lax.fori_loop(0, RPS // C, zero_blk, 0)
    if const_rows:
        pltpu.sync_copy(ones_cd, rows_v)
    plsc.subcore_barrier()

    def pipeline(sem_g, sem_s):
        def superchunk(g, carry):
            if not const_rows:
                pltpu.sync_copy(srcr.at[wid, g], src_v)
            pltpu.sync_copy(dstr.at[wid, g], dst_v)

            if const_rows:
                cps = [
                    pltpu.async_copy(
                        rows_v, sh_agg.at[dst_v.at[k]], sem_s, add=True)
                    for k in range(IB)
                ]
                for cp in cps:
                    cp.wait()
                return carry

            nb = len(bufs)
            gathers = [None] * IB
            scatters = [None] * IB
            for k in range(min(nb - 1, IB)):
                gathers[k] = pltpu.async_copy(
                    feat.at[src_v.at[k]], bufs[k % nb], sem_g)
            for k in range(IB):
                gathers[k].wait()
                if k >= 1:
                    scatters[k - 1].wait()
                if k + nb - 1 < IB:
                    gathers[k + nb - 1] = pltpu.async_copy(
                        feat.at[src_v.at[k + nb - 1]],
                        bufs[(k + nb - 1) % nb], sem_g)
                scatters[k] = pltpu.async_copy(
                    bufs[k % nb], sh_agg.at[dst_v.at[k]], sem_s, add=True)
            scatters[IB - 1].wait()
            return carry

        lax.fori_loop(0, G, superchunk, 0)

    pl.run_scoped(pipeline, pltpu.SemaphoreType.DMA, pltpu.SemaphoreType.DMA)
    plsc.subcore_barrier()

    def emit_blk(j, carry):
        base = sid * RPS + j * C
        pltpu.sync_copy(sh_agg.at[pl.ds(base, C)], rows_v)
        pltpu.sync_copy(rows_v, out_agg.at[cid, pl.ds(base, C)])
        return carry

    lax.fori_loop(0, RPS // C, emit_blk, 0)


def _make_sc_agg(const_rows):
    scratch = []
    if not const_rows:
        scratch.append(pltpu.VMEM((IB, C), jnp.int32))
    scratch.extend([
        pltpu.VMEM((IB, C), jnp.int32),
        pltpu.VMEM((C, D), jnp.float32),
        pltpu.VMEM_SHARED((NP, D), jnp.float32),
    ])
    if not const_rows:
        scratch.insert(-1, pltpu.VMEM((C, D), jnp.float32))
        scratch.insert(-1, pltpu.VMEM((C, D), jnp.float32))
    return pl.kernel(
        functools.partial(_sc_agg_body, const_rows),
        out_type=[jax.ShapeDtypeStruct((NC, NP, D), jnp.float32)],
        mesh=plsc.VectorSubcoreMesh(core_axis_name="c", subcore_axis_name="s"),
        scratch_types=scratch,
    )


def _tc_layer_body(x_ref, p_ref, d_ref, w_ref, b_ref, o_ref):
    deg = d_ref[0, :, :1] + d_ref[1, :, :1]
    inv = 1.0 / jnp.maximum(deg, 1.0)
    agg = (p_ref[0] + p_ref[1]) * inv
    acc = jnp.dot(x_ref[...], w_ref[:D], preferred_element_type=jnp.float32)
    acc = acc + jnp.dot(agg, w_ref[D:], preferred_element_type=jnp.float32)
    o_ref[...] = jnp.maximum(acc + b_ref[...], 0.0)


def _tc_layer(x, parts, degp, W, b2d, blk=2000):
    grid = (N // blk,)
    return pl.pallas_call(
        _tc_layer_body,
        grid=grid,
        in_specs=[
            pl.BlockSpec((blk, D), lambda i: (i, 0)),
            pl.BlockSpec((NC, blk, D), lambda i: (0, i, 0)),
            pl.BlockSpec((NC, blk, D), lambda i: (0, i, 0)),
            pl.BlockSpec((2 * D, D), lambda i: (0, 0)),
            pl.BlockSpec((1, D), lambda i: (0, 0)),
        ],
        out_specs=pl.BlockSpec((blk, D), lambda i: (i, 0)),
        out_shape=jax.ShapeDtypeStruct((N, D), jnp.float32),
    )(x, parts, degp, W, b2d)


_sc_agg = _make_sc_agg(False)
_sc_deg = _make_sc_agg(True)


@jax.jit
def kernel(x, edge_index, W1, b1, W2, b2):
    src = edge_index[0].reshape(NW, G, IB, C)
    dst = edge_index[1].reshape(NW, G, IB, C)
    z2d = jnp.zeros((C, D), jnp.float32)
    ones_cd = jnp.ones((C, D), jnp.float32)

    (degp,) = _sc_deg(ones_cd, dst, z2d)
    (parts1,) = _sc_agg(x, src, dst, z2d)
    h = _tc_layer(x, parts1, degp, W1, b1.reshape(1, D))
    (parts2,) = _sc_agg(h, src, dst, z2d)
    return _tc_layer(h, parts2, degp, W2, b2.reshape(1, D))

# --- scband reference (transcript-rebuilt; emitter-appended) ---
"""Pipeline reference for scband-euc-sageencoder-9869834846905 (READ-ONLY COPY).

The authoritative reference and input builder live on the scoring server;
editing this copy changes nothing except your own understanding.
"""

import jax, jax.numpy as jnp
import numpy as np

N = 10000
E = 320000
D_IN = 128
D_HID = 128
D_OUT = 128


def setup_inputs(seed: int = 0) -> dict:
    key = jax.random.key(seed)
    k1, k2, k3, k4, k5, k6 = jax.random.split(key, 6)
    x = jax.random.normal(k1, (N, D_IN), dtype=jnp.float32)
    edge_index = jax.random.randint(k2, (2, E), 0, N, dtype=jnp.int32)
    W1 = jax.random.normal(k3, (2 * D_IN, D_HID), dtype=jnp.float32) / np.sqrt(2 * D_IN)
    b1 = jnp.zeros((D_HID,), dtype=jnp.float32)
    W2 = jax.random.normal(k4, (2 * D_HID, D_OUT), dtype=jnp.float32) / np.sqrt(2 * D_HID)
    b2 = jnp.zeros((D_OUT,), dtype=jnp.float32)
    return {"x": x, "edge_index": edge_index, "W1": W1, "b1": b1, "W2": W2, "b2": b2}


def _sage_layer(x, src, dst, W, b, n_nodes, apply_act=True):
    # GraphSAGE mean aggregation: gather neighbor features, scatter-add to dst,
    # divide by in-degree, concat with self features, linear transform.
    msgs = x[src]  # gather: [E, d]
    agg = jax.ops.segment_sum(msgs, dst, num_segments=n_nodes)  # scatter-add
    deg = jax.ops.segment_sum(jnp.ones((src.shape[0],), dtype=x.dtype), dst, num_segments=n_nodes)
    agg = agg / jnp.clip(deg, 1.0, None)[:, None]
    h = jnp.concatenate([x, agg], axis=-1) @ W + b
    if apply_act:
        h = jax.nn.relu(h)
    return h


def reference(x, edge_index, W1, b1, W2, b2):
    # EucSageencoder: two stacked EucSage (GraphSAGE-style) layers.
    # adj[0] and adj[1] both correspond to the same graph's edge_index here.
    src = edge_index[0]
    dst = edge_index[1]
    h = _sage_layer(x, src, dst, W1, b1, N, apply_act=True)
    out = _sage_layer(h, src, dst, W2, b2, N, apply_act=True)
    return out

if __name__ == "__main__":
    import jax
    _d = setup_inputs()
    print(jax.jit(kernel)(*tuple(_d.values())))

</pallas_src>

<mosaic_0001>
#map = affine_map<(d0, d1) -> (0, 0)>
#map1 = affine_map<(d0, d1) -> (0, 0, 0, 0)>
#map2 = affine_map<(d0, d1) -> (0, 0, 0)>
module attributes {stable_mosaic.version = 14 : i64} {
  func.func @_sc_agg_body(%arg0: i32, %arg1: i32, %arg2: memref<80x128xf32, #tpu.memory_space<hbm>>, %arg3: memref<32x5x25x80xi32, #tpu.memory_space<hbm>>, %arg4: memref<80x128xf32, #tpu.memory_space<hbm>>, %arg5: memref<2x10240x128xf32, #tpu.memory_space<hbm>>, %arg6: memref<25x80xi32, #tpu.memory_space<vmem>>, %arg7: memref<80x128xf32, #tpu.memory_space<vmem>>, %arg8: memref<10240x128xf32, #tpu.memory_space<vmem_shared>>) attributes {dimension_semantics = [#tpu.dimension_semantics<core_parallel>, #tpu.dimension_semantics<subcore_parallel>], iteration_bounds = array<i64: 2, 16>, scalar_prefetch = 0 : i64, scratch_operands = 3 : i64, tpu.core_type = #tpu.core_type<sc_vector_subcore>, window_params = [{transform_indices = #map}, {transform_indices = #map1}, {transform_indices = #map}, {transform_indices = #map2}]} {
    %mul3A = arith.constant 2 : i32
    %mul3A_0 = arith.muli %arg1, %mul3A : i32
    %add3A = arith.addi %mul3A_0, %arg0 : i32
    "tpu.region"() ({
      %run_scoped3A = tpu.sem_alloc : memref<!tpu.dma_semaphore, #tpu.memory_space<semaphore_mem>>
      tpu.enqueue_dma source(%arg4 : memref<80x128xf32, #tpu.memory_space<hbm>>) target(%arg7 : memref<80x128xf32, #tpu.memory_space<vmem>>) target_semaphore(%run_scoped3A : memref<!tpu.dma_semaphore, #tpu.memory_space<semaphore_mem>>)
      tpu.wait_dma2 semaphore(%run_scoped3A : memref<!tpu.dma_semaphore, #tpu.memory_space<semaphore_mem>>) src(%arg4 : memref<80x128xf32, #tpu.memory_space<hbm>>) dst(%arg7 : memref<80x128xf32, #tpu.memory_space<vmem>>)
      tpu.yield
    }) : () -> ()
    %scan3A = arith.constant 0 : i32
    %scan3A_1 = arith.constant 0 : i32
    %scan3A_2 = arith.constant 8 : i32
    %scan3A_3 = arith.addi %scan3A_1, %scan3A_2 : i32
    %scan3A_4 = arith.constant 1 : i32
    scf.for %scan3A_13 = %scan3A_1 to %scan3A_3 step %scan3A_4  : i32 {
      %mul3A_14 = arith.constant 640 : i32
      %mul3A_15 = arith.muli %arg1, %mul3A_14 : i32
      %mul3A_16 = arith.constant 80 : i32
      %mul3A_17 = arith.muli %scan3A_13, %mul3A_16 : i32
      %add3A_18 = arith.addi %mul3A_15, %mul3A_17 : i32
      "tpu.region"() ({
        %run_scoped3A = tpu.sem_alloc : memref<!tpu.dma_semaphore, #tpu.memory_space<semaphore_mem>>
        %dma_start3A = arith.constant 0 : i32
        %dma_start3A_19 = tpu.memref_slice %arg8[%add3A_18, %dma_start3A] : memref<10240x128xf32, #tpu.memory_space<vmem_shared>> -> memref<80x128xf32, #tpu.memory_space<vmem_shared>>
        %dma_start3A_20 = arith.constant 0 : i32
        %dma_start3A_21 = tpu.memref_slice %arg8[%add3A_18, %dma_start3A_20] : memref<10240x128xf32, #tpu.memory_space<vmem_shared>> -> memref<80x128xf32, #tpu.memory_space<vmem_shared>>
        tpu.enqueue_dma source(%arg7 : memref<80x128xf32, #tpu.memory_space<vmem>>) target(%dma_start3A_21 : memref<80x128xf32, #tpu.memory_space<vmem_shared>>) target_semaphore(%run_scoped3A : memref<!tpu.dma_semaphore, #tpu.memory_space<semaphore_mem>>)
        %dma_wait3A = arith.constant 0 : i32
        %dma_wait3A_22 = tpu.memref_slice %arg8[%add3A_18, %dma_wait3A] : memref<10240x128xf32, #tpu.memory_space<vmem_shared>> -> memref<80x128xf32, #tpu.memory_space<vmem_shared>>
        %dma_wait3A_23 = arith.constant 0 : i32
        %dma_wait3A_24 = tpu.memref_slice %arg8[%add3A_18, %dma_wait3A_23] : memref<10240x128xf32, #tpu.memory_space<vmem_shared>> -> memref<80x128xf32, #tpu.memory_space<vmem_shared>>
        tpu.wait_dma2 semaphore(%run_scoped3A : memref<!tpu.dma_semaphore, #tpu.memory_space<semaphore_mem>>) src(%arg7 : memref<80x128xf32, #tpu.memory_space<vmem>>) dst(%dma_wait3A_24 : memref<80x128xf32, #tpu.memory_space<vmem_shared>>)
        tpu.yield
      }) : () -> ()
    }
    %scan3A_5 = arith.constant 8 : i32
    "tpu.region"() ({
      %run_scoped3A = tpu.sem_alloc : memref<!tpu.dma_semaphore, #tpu.memory_space<semaphore_mem>>
      tpu.enqueue_dma source(%arg2 : memref<80x128xf32, #tpu.memory_space<hbm>>) target(%arg7 : memref<80x128xf32, #tpu.memory_space<vmem>>) target_semaphore(%run_scoped3A : memref<!tpu.dma_semaphore, #tpu.memory_space<semaphore_mem>>)
      tpu.wait_dma2 semaphore(%run_scoped3A : memref<!tpu.dma_semaphore, #tpu.memory_space<semaphore_mem>>) src(%arg2 : memref<80x128xf32, #tpu.memory_space<hbm>>) dst(%arg7 : memref<80x128xf32, #tpu.memory_space<vmem>>)
      tpu.yield
    }) : () -> ()
    %barrier3A = arith.constant 0 : index
    tpu.barrier barrier_id(%barrier3A)
    "tpu.region"() ({
      %run_scoped3A = tpu.sem_alloc : memref<!tpu.dma_semaphore, #tpu.memory_space<semaphore_mem>>
      %run_scoped3A_13 = tpu.sem_alloc : memref<!tpu.dma_semaphore, #tpu.memory_space<semaphore_mem>>
      %scan3A_14 = arith.constant 0 : i32
      %scan3A_15 = arith.constant 0 : i32
      %scan3A_16 = arith.constant 5 : i32
      %scan3A_17 = arith.addi %scan3A_15, %scan3A_16 : i32
      %scan3A_18 = arith.constant 1 : i32
      scf.for %scan3A_20 = %scan3A_15 to %scan3A_17 step %scan3A_18  : i32 {
        "tpu.region"() ({
          %run_scoped3A_369 = tpu.sem_alloc : memref<!tpu.dma_semaphore, #tpu.memory_space<semaphore_mem>>
          %dma_start3A_370 = arith.constant 0 : i32
          %dma_start3A_371 = arith.constant 0 : i32
          %dma_start3A_372 = tpu.memref_slice %arg3[%add3A, %scan3A_20, %dma_start3A_370, %dma_start3A_371] : memref<32x5x25x80xi32, #tpu.memory_space<hbm>> -> memref<1x1x25x80xi32, #tpu.memory_space<hbm>>
          %dma_start3A_373 = tpu.memref_squeeze %dma_start3A_372 : memref<1x1x25x80xi32, #tpu.memory_space<hbm>> -> memref<25x80xi32, #tpu.memory_space<hbm>>
          %dma_start3A_374 = arith.constant 0 : i32
          %dma_start3A_375 = arith.constant 0 : i32
          %dma_start3A_376 = tpu.memref_slice %arg3[%add3A, %scan3A_20, %dma_start3A_374, %dma_start3A_375] : memref<32x5x25x80xi32, #tpu.memory_space<hbm>> -> memref<1x1x25x80xi32, #tpu.memory_space<hbm>>
          %dma_start3A_377 = tpu.memref_squeeze %dma_start3A_376 : memref<1x1x25x80xi32, #tpu.memory_space<hbm>> -> memref<25x80xi32, #tpu.memory_space<hbm>>
          tpu.enqueue_dma source(%dma_start3A_377 : memref<25x80xi32, #tpu.memory_space<hbm>>) target(%arg6 : memref<25x80xi32, #tpu.memory_space<vmem>>) target_semaphore(%run_scoped3A_369 : memref<!tpu.dma_semaphore, #tpu.memory_space<semaphore_mem>>)
          %dma_wait3A_378 = arith.constant 0 : i32
          %dma_wait3A_379 = arith.constant 0 : i32
          %dma_wait3A_380 = tpu.memref_slice %arg3[%add3A, %scan3A_20, %dma_wait3A_378, %dma_wait3A_379] : memref<32x5x25x80xi32, #tpu.memory_space<hbm>> -> memref<1x1x25x80xi32, #tpu.memory_space<hbm>>
          %dma_wait3A_381 = tpu.memref_squeeze %dma_wait3A_380 : memref<1x1x25x80xi32, #tpu.memory_space<hbm>> -> memref<25x80xi32, #tpu.memory_space<hbm>>
          %dma_wait3A_382 = arith.constant 0 : i32
          %dma_wait3A_383 = arith.constant 0 : i32
          %dma_wait3A_384 = tpu.memref_slice %arg3[%add3A, %scan3A_20, %dma_wait3A_382, %dma_wait3A_383] : memref<32x5x25x80xi32, #tpu.memory_space<hbm>> -> memref<1x1x25x80xi32, #tpu.memory_space<hbm>>
          %dma_wait3A_385 = tpu.memref_squeeze %dma_wait3A_384 : memref<1x1x25x80xi32, #tpu.memory_space<hbm>> -> memref<25x80xi32, #tpu.memory_space<hbm>>
          tpu.wait_dma2 semaphore(%run_scoped3A_369 : memref<!tpu.dma_semaphore, #tpu.memory_space<semaphore_mem>>) src(%dma_wait3A_385 : memref<25x80xi32, #tpu.memory_space<hbm>>) dst(%arg6 : memref<25x80xi32, #tpu.memory_space<vmem>>)
          tpu.yield
        }) : () -> ()
        %dma_start3A = arith.constant 0 : i32
        %dma_start3A_21 = arith.constant 0 : i32
        %dma_start3A_22 = tpu.memref_slice %arg6[%dma_start3A, %dma_start3A_21] : memref<25x80xi32, #tpu.memory_space<vmem>> -> memref<1x80xi32, #tpu.memory_space<vmem>>
        %dma_start3A_23 = tpu.memref_squeeze %dma_start3A_22 : memref<1x80xi32, #tpu.memory_space<vmem>> -> memref<80xi32, #tpu.memory_space<vmem>>
        %dma_start3A_24 = arith.constant 0 : i32
        %dma_start3A_25 = arith.constant 0 : i32
        %dma_start3A_26 = tpu.memref_slice %arg8[%dma_start3A_24, %dma_start3A_25] : memref<10240x128xf32, #tpu.memory_space<vmem_shared>> -> memref<10240x128xf32, #tpu.memory_space<vmem_shared>>
        tpu.enqueue_indirect_dma source(%arg7 : memref<80x128xf32, #tpu.memory_space<vmem>>) target(%dma_start3A_26 : memref<10240x128xf32, #tpu.memory_space<vmem_shared>>) offsets(%dma_start3A_23 : memref<80xi32, #tpu.memory_space<vmem>>) semaphore(%run_scoped3A_13 : memref<!tpu.dma_semaphore, #tpu.memory_space<semaphore_mem>>) {add = true}
        %dma_start3A_27 = arith.constant 1 : i32
        %dma_start3A_28 = arith.constant 0 : i32
        %dma_start3A_29 = tpu.memref_slice %arg6[%dma_start3A_27, %dma_start3A_28] : memref<25x80xi32, #tpu.memory_space<vmem>> -> memref<1x80xi32, #tpu.memory_space<vmem>>
        %dma_start3A_30 = tpu.memref_squeeze %dma_start3A_29 : memref<1x80xi32, #tpu.memory_space<vmem>> -> memref<80xi32, #tpu.memory_space<vmem>>
        %dma_start3A_31 = arith.constant 0 : i32
        %dma_start3A_32 = arith.constant 0 : i32
        %dma_start3A_33 = tpu.memref_slice %arg8[%dma_start3A_31, %dma_start3A_32] : memref<10240x128xf32, #tpu.memory_space<vmem_shared>> -> memref<10240x128xf32, #tpu.memory_space<vmem_shared>>
        tpu.enqueue_indirect_dma source(%arg7 : memref<80x128xf32, #tpu.memory_space<vmem>>) target(%dma_start3A_33 : memref<10240x128xf32, #tpu.memory_space<vmem_shared>>) offsets(%dma_start3A_30 : memref<80xi32, #tpu.memory_space<vmem>>) semaphore(%run_scoped3A_13 : memref<!tpu.dma_semaphore, #tpu.memory_space<semaphore_mem>>) {add = true}
        %dma_start3A_34 = arith.constant 2 : i32
        %dma_start3A_35 = arith.constant 0 : i32
        %dma_start3A_36 = tpu.memref_slice %arg6[%dma_start3A_34, %dma_start3A_35] : memref<25x80xi32, #tpu.memory_space<vmem>> -> memref<1x80xi32, #tpu.memory_space<vmem>>
        %dma_start3A_37 = tpu.memref_squeeze %dma_start3A_36 : memref<1x80xi32, #tpu.memory_space<vmem>> -> memref<80xi32, #tpu.memory_space<vmem>>
        %dma_start3A_38 = arith.constant 0 : i32
        %dma_start3A_39 = arith.constant 0 : i32
        %dma_start3A_40 = tpu.memref_slice %arg8[%dma_start3A_38, %dma_start3A_39] : memref<10240x128xf32, #tpu.memory_space<vmem_shared>> -> memref<10240x128xf32, #tpu.memory_space<vmem_shared>>
        tpu.enqueue_indirect_dma source(%arg7 : memref<80x128xf32, #tpu.memory_space<vmem>>) target(%dma_start3A_40 : memref<10240x128xf32, #tpu.memory_space<vmem_shared>>) offsets(%dma_start3A_37 : memref<80xi32, #tpu.memory_space<vmem>>) semaphore(%run_scoped3A_13 : memref<!tpu.dma_semaphore, #tpu.memory_space<semaphore_mem>>) {add = true}
        %dma_start3A_41 = arith.constant 3 : i32
        %dma_start3A_42 = arith.constant 0 : i32
        %dma_start3A_43 = tpu.memref_slice %arg6[%dma_start3A_41, %dma_start3A_42] : memref<25x80xi32, #tpu.memory_space<vmem>> -> memref<1x80xi32, #tpu.memory_space<vmem>>
        %dma_start3A_44 = tpu.memref_squeeze %dma_start3A_43 : memref<1x80xi32, #tpu.memory_space<vmem>> -> memref<80xi32, #tpu.memory_space<vmem>>
        %dma_start3A_45 = arith.constant 0 : i32
        %dma_start3A_46 = arith.constant 0 : i32
        %dma_start3A_47 = tpu.memref_slice %arg8[%dma_start3A_45, %dma_start3A_46] : memref<10240x128xf32, #tpu.memory_space<vmem_shared>> -> memref<10240x128xf32, #tpu.memory_space<vmem_shared>>
        tpu.enqueue_indirect_dma source(%arg7 : memref<80x128xf32, #tpu.memory_space<vmem>>) target(%dma_start3A_47 : memref<10240x128xf32, #tpu.memory_space<vmem_shared>>) offsets(%dma_start3A_44 : memref<80xi32, #tpu.memory_space<vmem>>) semaphore(%run_scoped3A_13 : memref<!tpu.dma_semaphore, #tpu.memory_space<semaphore_mem>>) {add = true}
        %dma_start3A_48 = arith.constant 4 : i32
        %dma_start3A_49 = arith.constant 0 : i32
        %dma_start3A_50 = tpu.memref_slice %arg6[%dma_start3A_48, %dma_start3A_49] : memref<25x80xi32, #tpu.memory_space<vmem>> -> memref<1x80xi32, #tpu.memory_space<vmem>>
        %dma_start3A_51 = tpu.memref_squeeze %dma_start3A_50 : memref<1x80xi32, #tpu.memory_space<vmem>> -> memref<80xi32, #tpu.memory_space<vmem>>
        %dma_start3A_52 = arith.constant 0 : i32
        %dma_start3A_53 = arith.constant 0 : i32
        %dma_start3A_54 = tpu.memref_slice %arg8[%dma_start3A_52, %dma_start3A_53] : memref<10240x128xf32, #tpu.memory_space<vmem_shared>> -> memref<10240x128xf32, #tpu.memory_space<vmem_shared>>
        tpu.enqueue_indirect_dma source(%arg7 : memref<80x128xf32, #tpu.memory_space<vmem>>) target(%dma_start3A_54 : memref<10240x128xf32, #tpu.memory_space<vmem_shared>>) offsets(%dma_start3A_51 : memref<80xi32, #tpu.memory_space<vmem>>) semaphore(%run_scoped3A_13 : memref<!tpu.dma_semaphore, #tpu.memory_space<semaphore_mem>>) {add = true}
        %dma_start3A_55 = arith.constant 5 : i32
        %dma_start3A_56 = arith.constant 0 : i32
        %dma_start3A_57 = tpu.memref_slice %arg6[%dma_start3A_55, %dma_start3A_56] : memref<25x80xi32, #tpu.memory_space<vmem>> -> memref<1x80xi32, #tpu.memory_space<vmem>>
        %dma_start3A_58 = tpu.memref_squeeze %dma_start3A_57 : memref<1x80xi32, #tpu.memory_space<vmem>> -> memref<80xi32, #tpu.memory_space<vmem>>
        %dma_start3A_59 = arith.constant 0 : i32
        %dma_start3A_60 = arith.constant 0 : i32
        %dma_start3A_61 = tpu.memref_slice %arg8[%dma_start3A_59, %dma_start3A_60] : memref<10240x128xf32, #tpu.memory_space<vmem_shared>> -> memref<10240x128xf32, #tpu.memory_space<vmem_shared>>
        tpu.enqueue_indirect_dma source(%arg7 : memref<80x128xf32, #tpu.memory_space<vmem>>) target(%dma_start3A_61 : memref<10240x128xf32, #tpu.memory_space<vmem_shared>>) offsets(%dma_start3A_58 : memref<80xi32, #tpu.memory_space<vmem>>) semaphore(%run_scoped3A_13 : memref<!tpu.dma_semaphore, #tpu.memory_space<semaphore_mem>>) {add = true}
        %dma_start3A_62 = arith.constant 6 : i32
        %dma_start3A_63 = arith.constant 0 : i32
        %dma_start3A_64 = tpu.memref_slice %arg6[%dma_start3A_62, %dma_start3A_63] : memref<25x80xi32, #tpu.memory_space<vmem>> -> memref<1x80xi32, #tpu.memory_space<vmem>>
        %dma_start3A_65 = tpu.memref_squeeze %dma_start3A_64 : memref<1x80xi32, #tpu.memory_space<vmem>> -> memref<80xi32, #tpu.memory_space<vmem>>
        %dma_start3A_66 = arith.constant 0 : i32
        %dma_start3A_67 = arith.constant 0 : i32
        %dma_start3A_68 = tpu.memref_slice %arg8[%dma_start3A_66, %dma_start3A_67] : memref<10240x128xf32, #tpu.memory_space<vmem_shared>> -> memref<10240x128xf32, #tpu.memory_space<vmem_shared>>
        tpu.enqueue_indirect_dma source(%arg7 : memref<80x128xf32, #tpu.memory_space<vmem>>) target(%dma_start3A_68 : memref<10240x128xf32, #tpu.memory_space<vmem_shared>>) offsets(%dma_start3A_65 : memref<80xi32, #tpu.memory_space<vmem>>) semaphore(%run_scoped3A_13 : memref<!tpu.dma_semaphore, #tpu.memory_space<semaphore_mem>>) {add = true}
        %dma_start3A_69 = arith.constant 7 : i32
        %dma_start3A_70 = arith.constant 0 : i32
        %dma_start3A_71 = tpu.memref_slice %arg6[%dma_start3A_69, %dma_start3A_70] : memref<25x80xi32, #tpu.memory_space<vmem>> -> memref<1x80xi32, #tpu.memory_space<vmem>>
        %dma_start3A_72 = tpu.memref_squeeze %dma_start3A_71 : memref<1x80xi32, #tpu.memory_space<vmem>> -> memref<80xi32, #tpu.memory_space<vmem>>
        %dma_start3A_73 = arith.constant 0 : i32
        %dma_start3A_74 = arith.constant 0 : i32
        %dma_start3A_75 = tpu.memref_slice %arg8[%dma_start3A_73, %dma_start3A_74] : memref<10240x128xf32, #tpu.memory_space<vmem_shared>> -> memref<10240x128xf32, #tpu.memory_space<vmem_shared>>
        tpu.enqueue_indirect_dma source(%arg7 : memref<80x128xf32, #tpu.memory_space<vmem>>) target(%dma_start3A_75 : memref<10240x128xf32, #tpu.memory_space<vmem_shared>>) offsets(%dma_start3A_72 : memref<80xi32, #tpu.memory_space<vmem>>) semaphore(%run_scoped3A_13 : memref<!tpu.dma_semaphore, #tpu.memory_space<semaphore_mem>>) {add = true}
        %dma_start3A_76 = arith.constant 8 : i32
        %dma_start3A_77 = arith.constant 0 : i32
        %dma_start3A_78 = tpu.memref_slice %arg6[%dma_start3A_76, %dma_start3A_77] : memref<25x80xi32, #tpu.memory_space<vmem>> -> memref<1x80xi32, #tpu.memory_space<vmem>>
        %dma_start3A_79 = tpu.memref_squeeze %dma_start3A_78 : memref<1x80xi32, #tpu.memory_space<vmem>> -> memref<80xi32, #tpu.memory_space<vmem>>
        %dma_start3A_80 = arith.constant 0 : i32
        %dma_start3A_81 = arith.constant 0 : i32
        %dma_start3A_82 = tpu.memref_slice %arg8[%dma_start3A_80, %dma_start3A_81] : memref<10240x128xf32, #tpu.memory_space<vmem_shared>> -> memref<10240x128xf32, #tpu.memory_space<vmem_shared>>
        tpu.enqueue_indirect_dma source(%arg7 : memref<80x128xf32, #tpu.memory_space<vmem>>) target(%dma_start3A_82 : memref<10240x128xf32, #tpu.memory_space<vmem_shared>>) offsets(%dma_start3A_79 : memref<80xi32, #tpu.memory_space<vmem>>) semaphore(%run_scoped3A_13 : memref<!tpu.dma_semaphore, #tpu.memory_space<semaphore_mem>>) {add = true}
        %dma_start3A_83 = arith.constant 9 : i32
        %dma_start3A_84 = arith.constant 0 : i32
        %dma_start3A_85 = tpu.memref_slice %arg6[%dma_start3A_83, %dma_start3A_84] : memref<25x80xi32, #tpu.memory_space<vmem>> -> memref<1x80xi32, #tpu.memory_space<vmem>>
        %dma_start3A_86 = tpu.memref_squeeze %dma_start3A_85 : memref<1x80xi32, #tpu.memory_space<vmem>> -> memref<80xi32, #tpu.memory_space<vmem>>
        %dma_start3A_87 = arith.constant 0 : i32
        %dma_start3A_88 = arith.constant 0 : i32
        %dma_start3A_89 = tpu.memref_slice %arg8[%dma_start3A_87, %dma_start3A_88] : memref<10240x128xf32, #tpu.memory_space<vmem_shared>> -> memref<10240x128xf32, #tpu.memory_space<vmem_shared>>
        tpu.enqueue_indirect_dma source(%arg7 : memref<80x128xf32, #tpu.memory_space<vmem>>) target(%dma_start3A_89 : memref<10240x128xf32, #tpu.memory_space<vmem_shared>>) offsets(%dma_start3A_86 : memref<80xi32, #tpu.memory_space<vmem>>) semaphore(%run_scoped3A_13 : memref<!tpu.dma_semaphore, #tpu.memory_space<semaphore_mem>>) {add = true}
        %dma_start3A_90 = arith.constant 10 : i32
        %dma_start3A_91 = arith.constant 0 : i32
        %dma_start3A_92 = tpu.memref_slice %arg6[%dma_start3A_90, %dma_start3A_91] : memref<25x80xi32, #tpu.memory_space<vmem>> -> memref<1x80xi32, #tpu.memory_space<vmem>>
        %dma_start3A_93 = tpu.memref_squeeze %dma_start3A_92 : memref<1x80xi32, #tpu.memory_space<vmem>> -> memref<80xi32, #tpu.memory_space<vmem>>
        %dma_start3A_94 = arith.constant 0 : i32
        %dma_start3A_95 = arith.constant 0 : i32
        %dma_start3A_96 = tpu.memref_slice %arg8[%dma_start3A_94, %dma_start3A_95] : memref<10240x128xf32, #tpu.memory_space<vmem_shared>> -> memref<10240x128xf32, #tpu.memory_space<vmem_shared>>
        tpu.enqueue_indirect_dma source(%arg7 : memref<80x128xf32, #tpu.memory_space<vmem>>) target(%dma_start3A_96 : memref<10240x128xf32, #tpu.memory_space<vmem_shared>>) offsets(%dma_start3A_93 : memref<80xi32, #tpu.memory_space<vmem>>) semaphore(%run_scoped3A_13 : memref<!tpu.dma_semaphore, #tpu.memory_space<semaphore_mem>>) {add = true}
        %dma_start3A_97 = arith.constant 11 : i32
        %dma_start3A_98 = arith.constant 0 : i32
        %dma_start3A_99 = tpu.memref_slice %arg6[%dma_start3A_97, %dma_start3A_98] : memref<25x80xi32, #tpu.memory_space<vmem>> -> memref<1x80xi32, #tpu.memory_space<vmem>>
        %dma_start3A_100 = tpu.memref_squeeze %dma_start3A_99 : memref<1x80xi32, #tpu.memory_space<vmem>> -> memref<80xi32, #tpu.memory_space<vmem>>
        %dma_start3A_101 = arith.constant 0 : i32
        %dma_start3A_102 = arith.constant 0 : i32
        %dma_start3A_103 = tpu.memref_slice %arg8[%dma_start3A_101, %dma_start3A_102] : memref<10240x128xf32, #tpu.memory_space<vmem_shared>> -> memref<10240x128xf32, #tpu.memory_space<vmem_shared>>
        tpu.enqueue_indirect_dma source(%arg7 : memref<80x128xf32, #tpu.memory_space<vmem>>) target(%dma_start3A_103 : memref<10240x128xf32, #tpu.memory_space<vmem_shared>>) offsets(%dma_start3A_100 : memref<80xi32, #tpu.memory_space<vmem>>) semaphore(%run_scoped3A_13 : memref<!tpu.dma_semaphore, #tpu.memory_space<semaphore_mem>>) {add = true}
        %dma_start3A_104 = arith.constant 12 : i32
        %dma_start3A_105 = arith.constant 0 : i32
        %dma_start3A_106 = tpu.memref_slice %arg6[%dma_start3A_104, %dma_start3A_105] : memref<25x80xi32, #tpu.memory_space<vmem>> -> memref<1x80xi32, #tpu.memory_space<vmem>>
        %dma_start3A_107 = tpu.memref_squeeze %dma_start3A_106 : memref<1x80xi32, #tpu.memory_space<vmem>> -> memref<80xi32, #tpu.memory_space<vmem>>
        %dma_start3A_108 = arith.constant 0 : i32
        %dma_start3A_109 = arith.constant 0 : i32
        %dma_start3A_110 = tpu.memref_slice %arg8[%dma_start3A_108, %dma_start3A_109] : memref<10240x128xf32, #tpu.memory_space<vmem_shared>> -> memref<10240x128xf32, #tpu.memory_space<vmem_shared>>
        tpu.enqueue_indirect_dma source(%arg7 : memref<80x128xf32, #tpu.memory_space<vmem>>) target(%dma_start3A_110 : memref<10240x128xf32, #tpu.memory_space<vmem_shared>>) offsets(%dma_start3A_107 : memref<80xi32, #tpu.memory_space<vmem>>) semaphore(%run_scoped3A_13 : memref<!tpu.dma_semaphore, #tpu.memory_space<semaphore_mem>>) {add = true}
        %dma_start3A_111 = arith.constant 13 : i32
        %dma_start3A_112 = arith.constant 0 : i32
        %dma_start3A_113 = tpu.memref_slice %arg6[%dma_start3A_111, %dma_start3A_112] : memref<25x80xi32, #tpu.memory_space<vmem>> -> memref<1x80xi32, #tpu.memory_space<vmem>>
        %dma_start3A_114 = tpu.memref_squeeze %dma_start3A_113 : memref<1x80xi32, #tpu.memory_space<vmem>> -> memref<80xi32, #tpu.memory_space<vmem>>
        %dma_start3A_115 = arith.constant 0 : i32
        %dma_start3A_116 = arith.constant 0 : i32
        %dma_start3A_117 = tpu.memref_slice %arg8[%dma_start3A_115, %dma_start3A_116] : memref<10240x128xf32, #tpu.memory_space<vmem_shared>> -> memref<10240x128xf32, #tpu.memory_space<vmem_shared>>
        tpu.enqueue_indirect_dma source(%arg7 : memref<80x128xf32, #tpu.memory_space<vmem>>) target(%dma_start3A_117 : memref<10240x128xf32, #tpu.memory_space<vmem_shared>>) offsets(%dma_start3A_114 : memref<80xi32, #tpu.memory_space<vmem>>) semaphore(%run_scoped3A_13 : memref<!tpu.dma_semaphore, #tpu.memory_space<semaphore_mem>>) {add = true}
        %dma_start3A_118 = arith.constant 14 : i32
        %dma_start3A_119 = arith.constant 0 : i32
        %dma_start3A_120 = tpu.memref_slice %arg6[%dma_start3A_118, %dma_start3A_119] : memref<25x80xi32, #tpu.memory_space<vmem>> -> memref<1x80xi32, #tpu.memory_space<vmem>>
        %dma_start3A_121 = tpu.memref_squeeze %dma_start3A_120 : memref<1x80xi32, #tpu.memory_space<vmem>> -> memref<80xi32, #tpu.memory_space<vmem>>
        %dma_start3A_122 = arith.constant 0 : i32
        %dma_start3A_123 = arith.constant 0 : i32
        %dma_start3A_124 = tpu.memref_slice %arg8[%dma_start3A_122, %dma_start3A_123] : memref<10240x128xf32, #tpu.memory_space<vmem_shared>> -> memref<10240x128xf32, #tpu.memory_space<vmem_shared>>
        tpu.enqueue_indirect_dma source(%arg7 : memref<80x128xf32, #tpu.memory_space<vmem>>) target(%dma_start3A_124 : memref<10240x128xf32, #tpu.memory_space<vmem_shared>>) offsets(%dma_start3A_121 : memref<80xi32, #tpu.memory_space<vmem>>) semaphore(%run_scoped3A_13 : memref<!tpu.dma_semaphore, #tpu.memory_space<semaphore_mem>>) {add = true}
        %dma_start3A_125 = arith.constant 15 : i32
        %dma_start3A_126 = arith.constant 0 : i32
        %dma_start3A_127 = tpu.memref_slice %arg6[%dma_start3A_125, %dma_start3A_126] : memref<25x80xi32, #tpu.memory_space<vmem>> -> memref<1x80xi32, #tpu.memory_space<vmem>>
        %dma_start3A_128 = tpu.memref_squeeze %dma_start3A_127 : memref<1x80xi32, #tpu.memory_space<vmem>> -> memref<80xi32, #tpu.memory_space<vmem>>
        %dma_start3A_129 = arith.constant 0 : i32
        %dma_start3A_130 = arith.constant 0 : i32
        %dma_start3A_131 = tpu.memref_slice %arg8[%dma_start3A_129, %dma_start3A_130] : memref<10240x128xf32, #tpu.memory_space<vmem_shared>> -> memref<10240x128xf32, #tpu.memory_space<vmem_shared>>
        tpu.enqueue_indirect_dma source(%arg7 : memref<80x128xf32, #tpu.memory_space<vmem>>) target(%dma_start3A_131 : memref<10240x128xf32, #tpu.memory_space<vmem_shared>>) offsets(%dma_start3A_128 : memref<80xi32, #tpu.memory_space<vmem>>) semaphore(%run_scoped3A_13 : memref<!tpu.dma_semaphore, #tpu.memory_space<semaphore_mem>>) {add = true}
        %dma_start3A_132 = arith.constant 16 : i32
        %dma_start3A_133 = arith.constant 0 : i32
        %dma_start3A_134 = tpu.memref_slice %arg6[%dma_start3A_132, %dma_start3A_133] : memref<25x80xi32, #tpu.memory_space<vmem>> -> memref<1x80xi32, #tpu.memory_space<vmem>>
        %dma_start3A_135 = tpu.memref_squeeze %dma_start3A_134 : memref<1x80xi32, #tpu.memory_space<vmem>> -> memref<80xi32, #tpu.memory_space<vmem>>
        %dma_start3A_136 = arith.constant 0 : i32
        %dma_start3A_137 = arith.constant 0 : i32
        %dma_start3A_138 = tpu.memref_slice %arg8[%dma_start3A_136, %dma_start3A_137] : memref<10240x128xf32, #tpu.memory_space<vmem_shared>> -> memref<10240x128xf32, #tpu.memory_space<vmem_shared>>
        tpu.enqueue_indirect_dma source(%arg7 : memref<80x128xf32, #tpu.memory_space<vmem>>) target(%dma_start3A_138 : memref<10240x128xf32, #tpu.memory_space<vmem_shared>>) offsets(%dma_start3A_135 : memref<80xi32, #tpu.memory_space<vmem>>) semaphore(%run_scoped3A_13 : memref<!tpu.dma_semaphore, #tpu.memory_space<semaphore_mem>>) {add = true}
        %dma_start3A_139 = arith.constant 17 : i32
        %dma_start3A_140 = arith.constant 0 : i32
        %dma_start3A_141 = tpu.memref_slice %arg6[%dma_start3A_139, %dma_start3A_140] : memref<25x80xi32, #tpu.memory_space<vmem>> -> memref<1x80xi32, #tpu.memory_space<vmem>>
        %dma_start3A_142 = tpu.memref_squeeze %dma_start3A_141 : memref<1x80xi32, #tpu.memory_space<vmem>> -> memref<80xi32, #tpu.memory_space<vmem>>
        %dma_start3A_143 = arith.constant 0 : i32
        %dma_start3A_144 = arith.constant 0 : i32
        %dma_start3A_145 = tpu.memref_slice %arg8[%dma_start3A_143, %dma_start3A_144] : memref<10240x128xf32, #tpu.memory_space<vmem_shared>> -> memref<10240x128xf32, #tpu.memory_space<vmem_shared>>
        tpu.enqueue_indirect_dma source(%arg7 : memref<80x128xf32, #tpu.memory_space<vmem>>) target(%dma_start3A_145 : memref<10240x128xf32, #tpu.memory_space<vmem_shared>>) offsets(%dma_start3A_142 : memref<80xi32, #tpu.memory_space<vmem>>) semaphore(%run_scoped3A_13 : memref<!tpu.dma_semaphore, #tpu.memory_space<semaphore_mem>>) {add = true}
        %dma_start3A_146 = arith.constant 18 : i32
        %dma_start3A_147 = arith.constant 0 : i32
        %dma_start3A_148 = tpu.memref_slice %arg6[%dma_start3A_146, %dma_start3A_147] : memref<25x80xi32, #tpu.memory_space<vmem>> -> memref<1x80xi32, #tpu.memory_space<vmem>>
        %dma_start3A_149 = tpu.memref_squeeze %dma_start3A_148 : memref<1x80xi32, #tpu.memory_space<vmem>> -> memref<80xi32, #tpu.memory_space<vmem>>
        %dma_start3A_150 = arith.constant 0 : i32
        %dma_start3A_151 = arith.constant 0 : i32
        %dma_start3A_152 = tpu.memref_slice %arg8[%dma_start3A_150, %dma_start3A_151] : memref<10240x128xf32, #tpu.memory_space<vmem_shared>> -> memref<10240x128xf32, #tpu.memory_space<vmem_shared>>
        tpu.enqueue_indirect_dma source(%arg7 : memref<80x128xf32, #tpu.memory_space<vmem>>) target(%dma_start3A_152 : memref<10240x128xf32, #tpu.memory_space<vmem_shared>>) offsets(%dma_start3A_149 : memref<80xi32, #tpu.memory_space<vmem>>) semaphore(%run_scoped3A_13 : memref<!tpu.dma_semaphore, #tpu.memory_space<semaphore_mem>>) {add = true}
        %dma_start3A_153 = arith.constant 19 : i32
        %dma_start3A_154 = arith.constant 0 : i32
        %dma_start3A_155 = tpu.memref_slice %arg6[%dma_start3A_153, %dma_start3A_154] : memref<25x80xi32, #tpu.memory_space<vmem>> -> memref<1x80xi32, #tpu.memory_space<vmem>>
        %dma_start3A_156 = tpu.memref_squeeze %dma_start3A_155 : memref<1x80xi32, #tpu.memory_space<vmem>> -> memref<80xi32, #tpu.memory_space<vmem>>
        %dma_start3A_157 = arith.constant 0 : i32
        %dma_start3A_158 = arith.constant 0 : i32
        %dma_start3A_159 = tpu.memref_slice %arg8[%dma_start3A_157, %dma_start3A_158] : memref<10240x128xf32, #tpu.memory_space<vmem_shared>> -> memref<10240x128xf32, #tpu.memory_space<vmem_shared>>
        tpu.enqueue_indirect_dma source(%arg7 : memref<80x128xf32, #tpu.memory_space<vmem>>) target(%dma_start3A_159 : memref<10240x128xf32, #tpu.memory_space<vmem_shared>>) offsets(%dma_start3A_156 : memref<80xi32, #tpu.memory_space<vmem>>) semaphore(%run_scoped3A_13 : memref<!tpu.dma_semaphore, #tpu.memory_space<semaphore_mem>>) {add = true}
        %dma_start3A_160 = arith.constant 20 : i32
        %dma_start3A_161 = arith.constant 0 : i32
        %dma_start3A_162 = tpu.memref_slice %arg6[%dma_start3A_160, %dma_start3A_161] : memref<25x80xi32, #tpu.memory_space<vmem>> -> memref<1x80xi32, #tpu.memory_space<vmem>>
        %dma_start3A_163 = tpu.memref_squeeze %dma_start3A_162 : memref<1x80xi32, #tpu.memory_space<vmem>> -> memref<80xi32, #tpu.memory_space<vmem>>
        %dma_start3A_164 = arith.constant 0 : i32
        %dma_start3A_165 = arith.constant 0 : i32
        %dma_start3A_166 = tpu.memref_slice %arg8[%dma_start3A_164, %dma_start3A_165] : memref<10240x128xf32, #tpu.memory_space<vmem_shared>> -> memref<10240x128xf32, #tpu.memory_space<vmem_shared>>
        tpu.enqueue_indirect_dma source(%arg7 : memref<80x128xf32, #tpu.memory_space<vmem>>) target(%dma_start3A_166 : memref<10240x128xf32, #tpu.memory_space<vmem_shared>>) offsets(%dma_start3A_163 : memref<80xi32, #tpu.memory_space<vmem>>) semaphore(%run_scoped3A_13 : memref<!tpu.dma_semaphore, #tpu.memory_space<semaphore_mem>>) {add = true}
        %dma_start3A_167 = arith.constant 21 : i32
        %dma_start3A_168 = arith.constant 0 : i32
        %dma_start3A_169 = tpu.memref_slice %arg6[%dma_start3A_167, %dma_start3A_168] : memref<25x80xi32, #tpu.memory_space<vmem>> -> memref<1x80xi32, #tpu.memory_space<vmem>>
        %dma_start3A_170 = tpu.memref_squeeze %dma_start3A_169 : memref<1x80xi32, #tpu.memory_space<vmem>> -> memref<80xi32, #tpu.memory_space<vmem>>
        %dma_start3A_171 = arith.constant 0 : i32
        %dma_start3A_172 = arith.constant 0 : i32
        %dma_start3A_173 = tpu.memref_slice %arg8[%dma_start3A_171, %dma_start3A_172] : memref<10240x128xf32, #tpu.memory_space<vmem_shared>> -> memref<10240x128xf32, #tpu.memory_space<vmem_shared>>
        tpu.enqueue_indirect_dma source(%arg7 : memref<80x128xf32, #tpu.memory_space<vmem>>) target(%dma_start3A_173 : memref<10240x128xf32, #tpu.memory_space<vmem_shared>>) offsets(%dma_start3A_170 : memref<80xi32, #tpu.memory_space<vmem>>) semaphore(%run_scoped3A_13 : memref<!tpu.dma_semaphore, #tpu.memory_space<semaphore_mem>>) {add = true}
        %dma_start3A_174 = arith.constant 22 : i32
        %dma_start3A_175 = arith.constant 0 : i32
        %dma_start3A_176 = tpu.memref_slice %arg6[%dma_start3A_174, %dma_start3A_175] : memref<25x80xi32, #tpu.memory_space<vmem>> -> memref<1x80xi32, #tpu.memory_space<vmem>>
        %dma_start3A_177 = tpu.memref_squeeze %dma_start3A_176 : memref<1x80xi32, #tpu.memory_space<vmem>> -> memref<80xi32, #tpu.memory_space<vmem>>
        %dma_start3A_178 = arith.constant 0 : i32
        %dma_start3A_179 = arith.constant 0 : i32
        %dma_start3A_180 = tpu.memref_slice %arg8[%dma_start3A_178, %dma_start3A_179] : memref<10240x128xf32, #tpu.memory_space<vmem_shared>> -> memref<10240x128xf32, #tpu.memory_space<vmem_shared>>
        tpu.enqueue_indirect_dma source(%arg7 : memref<80x128xf32, #tpu.memory_space<vmem>>) target(%dma_start3A_180 : memref<10240x128xf32, #tpu.memory_space<vmem_shared>>) offsets(%dma_start3A_177 : memref<80xi32, #tpu.memory_space<vmem>>) semaphore(%run_scoped3A_13 : memref<!tpu.dma_semaphore, #tpu.memory_space<semaphore_mem>>) {add = true}
        %dma_start3A_181 = arith.constant 23 : i32
        %dma_start3A_182 = arith.constant 0 : i32
        %dma_start3A_183 = tpu.memref_slice %arg6[%dma_start3A_181, %dma_start3A_182] : memref<25x80xi32, #tpu.memory_space<vmem>> -> memref<1x80xi32, #tpu.memory_space<vmem>>
        %dma_start3A_184 = tpu.memref_squeeze %dma_start3A_183 : memref<1x80xi32, #tpu.memory_space<vmem>> -> memref<80xi32, #tpu.memory_space<vmem>>
        %dma_start3A_185 = arith.constant 0 : i32
        %dma_start3A_186 = arith.constant 0 : i32
        %dma_start3A_187 = tpu.memref_slice %arg8[%dma_start3A_185, %dma_start3A_186] : memref<10240x128xf32, #tpu.memory_space<vmem_shared>> -> memref<10240x128xf32, #tpu.memory_space<vmem_shared>>
        tpu.enqueue_indirect_dma source(%arg7 : memref<80x128xf32, #tpu.memory_space<vmem>>) target(%dma_start3A_187 : memref<10240x128xf32, #tpu.memory_space<vmem_shared>>) offsets(%dma_start3A_184 : memref<80xi32, #tpu.memory_space<vmem>>) semaphore(%run_scoped3A_13 : memref<!tpu.dma_semaphore, #tpu.memory_space<semaphore_mem>>) {add = true}
        %dma_start3A_188 = arith.constant 24 : i32
        %dma_start3A_189 = arith.constant 0 : i32
        %dma_start3A_190 = tpu.memref_slice %arg6[%dma_start3A_188, %dma_start3A_189] : memref<25x80xi32, #tpu.memory_space<vmem>> -> memref<1x80xi32, #tpu.memory_space<vmem>>
        %dma_start3A_191 = tpu.memref_squeeze %dma_start3A_190 : memref<1x80xi32, #tpu.memory_space<vmem>> -> memref<80xi32, #tpu.memory_space<vmem>>
        %dma_start3A_192 = arith.constant 0 : i32
        %dma_start3A_193 = arith.constant 0 : i32
        %dma_start3A_194 = tpu.memref_slice %arg8[%dma_start3A_192, %dma_start3A_193] : memref<10240x128xf32, #tpu.memory_space<vmem_shared>> -> memref<10240x128xf32, #tpu.memory_space<vmem_shared>>
        tpu.enqueue_indirect_dma source(%arg7 : memref<80x128xf32, #tpu.memory_space<vmem>>) target(%dma_start3A_194 : memref<10240x128xf32, #tpu.memory_space<vmem_shared>>) offsets(%dma_start3A_191 : memref<80xi32, #tpu.memory_space<vmem>>) semaphore(%run_scoped3A_13 : memref<!tpu.dma_semaphore, #tpu.memory_space<semaphore_mem>>) {add = true}
        %dma_wait3A = arith.constant 0 : i32
        %dma_wait3A_195 = arith.constant 0 : i32
        %dma_wait3A_196 = tpu.memref_slice %arg6[%dma_wait3A, %dma_wait3A_195] : memref<25x80xi32, #tpu.memory_space<vmem>> -> memref<1x80xi32, #tpu.memory_space<vmem>>
        %dma_wait3A_197 = tpu.memref_squeeze %dma_wait3A_196 : memref<1x80xi32, #tpu.memory_space<vmem>> -> memref<80xi32, #tpu.memory_space<vmem>>
        %dma_wait3A_198 = arith.constant 0 : i32
        %dma_wait3A_199 = arith.constant 0 : i32
        %dma_wait3A_200 = tpu.memref_slice %arg8[%dma_wait3A_198, %dma_wait3A_199] : memref<10240x128xf32, #tpu.memory_space<vmem_shared>> -> memref<10240x128xf32, #tpu.memory_space<vmem_shared>>
        tpu.wait_indirect_dma semaphore(%run_scoped3A_13 : memref<!tpu.dma_semaphore, #tpu.memory_space<semaphore_mem>>) src(%arg7 : memref<80x128xf32, #tpu.memory_space<vmem>>) dst(%dma_wait3A_200 : memref<10240x128xf32, #tpu.memory_space<vmem_shared>>)
        %dma_wait3A_201 = arith.constant 1 : i32
        %dma_wait3A_202 = arith.constant 0 : i32
        %dma_wait3A_203 = tpu.memref_slice %arg6[%dma_wait3A_201, %dma_wait3A_202] : memref<25x80xi32, #tpu.memory_space<vmem>> -> memref<1x80xi32, #tpu.memory_space<vmem>>
        %dma_wait3A_204 = tpu.memref_squeeze %dma_wait3A_203 : memref<1x80xi32, #tpu.memory_space<vmem>> -> memref<80xi32, #tpu.memory_space<vmem>>
        %dma_wait3A_205 = arith.constant 0 : i32
        %dma_wait3A_206 = arith.constant 0 : i32
        %dma_wait3A_207 = tpu.memref_slice %arg8[%dma_wait3A_205, %dma_wait3A_206] : memref<10240x128xf32, #tpu.memory_space<vmem_shared>> -> memref<10240x128xf32, #tpu.memory_space<vmem_shared>>
        tpu.wait_indirect_dma semaphore(%run_scoped3A_13 : memref<!tpu.dma_semaphore, #tpu.memory_space<semaphore_mem>>) src(%arg7 : memref<80x128xf32, #tpu.memory_space<vmem>>) dst(%dma_wait3A_207 : memref<10240x128xf32, #tpu.memory_space<vmem_shared>>)
        %dma_wait3A_208 = arith.constant 2 : i32
        %dma_wait3A_209 = arith.constant 0 : i32
        %dma_wait3A_210 = tpu.memref_slice %arg6[%dma_wait3A_208, %dma_wait3A_209] : memref<25x80xi32, #tpu.memory_space<vmem>> -> memref<1x80xi32, #tpu.memory_space<vmem>>
        %dma_wait3A_211 = tpu.memref_squeeze %dma_wait3A_210 : memref<1x80xi32, #tpu.memory_space<vmem>> -> memref<80xi32, #tpu.memory_space<vmem>>
        %dma_wait3A_212 = arith.constant 0 : i32
        %dma_wait3A_213 = arith.constant 0 : i32
        %dma_wait3A_214 = tpu.memref_slice %arg8[%dma_wait3A_212, %dma_wait3A_213] : memref<10240x128xf32, #tpu.memory_space<vmem_shared>> -> memref<10240x128xf32, #tpu.memory_space<vmem_shared>>
        tpu.wait_indirect_dma semaphore(%run_scoped3A_13 : memref<!tpu.dma_semaphore, #tpu.memory_space<semaphore_mem>>) src(%arg7 : memref<80x128xf32, #tpu.memory_space<vmem>>) dst(%dma_wait3A_214 : memref<10240x128xf32, #tpu.memory_space<vmem_shared>>)
        %dma_wait3A_215 = arith.constant 3 : i32
        %dma_wait3A_216 = arith.constant 0 : i32
        %dma_wait3A_217 = tpu.memref_slice %arg6[%dma_wait3A_215, %dma_wait3A_216] : memref<25x80xi32, #tpu.memory_space<vmem>> -> memref<1x80xi32, #tpu.memory_space<vmem>>
        %dma_wait3A_218 = tpu.memref_squeeze %dma_wait3A_217 : memref<1x80xi32, #tpu.memory_space<vmem>> -> memref<80xi32, #tpu.memory_space<vmem>>
        %dma_wait3A_219 = arith.constant 0 : i32
        %dma_wait3A_220 = arith.constant 0 : i32
        %dma_wait3A_221 = tpu.memref_slice %arg8[%dma_wait3A_219, %dma_wait3A_220] : memref<10240x128xf32, #tpu.memory_space<vmem_shared>> -> memref<10240x128xf32, #tpu.memory_space<vmem_shared>>
        tpu.wait_indirect_dma semaphore(%run_scoped3A_13 : memref<!tpu.dma_semaphore, #tpu.memory_space<semaphore_mem>>) src(%arg7 : memref<80x128xf32, #tpu.memory_space<vmem>>) dst(%dma_wait3A_221 : memref<10240x128xf32, #tpu.memory_space<vmem_shared>>)
        %dma_wait3A_222 = arith.constant 4 : i32
        %dma_wait3A_223 = arith.constant 0 : i32
        %dma_wait3A_224 = tpu.memref_slice %arg6[%dma_wait3A_222, %dma_wait3A_223] : memref<25x80xi32, #tpu.memory_space<vmem>> -> memref<1x80xi32, #tpu.memory_space<vmem>>
        %dma_wait3A_225 = tpu.memref_squeeze %dma_wait3A_224 : memref<1x80xi32, #tpu.memory_space<vmem>> -> memref<80xi32, #tpu.memory_space<vmem>>
        %dma_wait3A_226 = arith.constant 0 : i32
        %dma_wait3A_227 = arith.constant 0 : i32
        %dma_wait3A_228 = tpu.memref_slice %arg8[%dma_wait3A_226, %dma_wait3A_227] : memref<10240x128xf32, #tpu.memory_space<vmem_shared>> -> memref<10240x128xf32, #tpu.memory_space<vmem_shared>>
        tpu.wait_indirect_dma semaphore(%run_scoped3A_13 : memref<!tpu.dma_semaphore, #tpu.memory_space<semaphore_mem>>) src(%arg7 : memref<80x128xf32, #tpu.memory_space<vmem>>) dst(%dma_wait3A_228 : memref<10240x128xf32, #tpu.memory_space<vmem_shared>>)
        %dma_wait3A_229 = arith.constant 5 : i32
        %dma_wait3A_230 = arith.constant 0 : i32
        %dma_wait3A_231 = tpu.memref_slice %arg6[%dma_wait3A_229, %dma_wait3A_230] : memref<25x80xi32, #tpu.memory_space<vmem>> -> memref<1x80xi32, #tpu.memory_space<vmem>>
        %dma_wait3A_232 = tpu.memref_squeeze %dma_wait3A_231 : memref<1x80xi32, #tpu.memory_space<vmem>> -> memref<80xi32, #tpu.memory_space<vmem>>
        %dma_wait3A_233 = arith.constant 0 : i32
        %dma_wait3A_234 = arith.constant 0 : i32
        %dma_wait3A_235 = tpu.memref_slice %arg8[%dma_wait3A_233, %dma_wait3A_234] : memref<10240x128xf32, #tpu.memory_space<vmem_shared>> -> memref<10240x128xf32, #tpu.memory_space<vmem_shared>>
        tpu.wait_indirect_dma semaphore(%run_scoped3A_13 : memref<!tpu.dma_semaphore, #tpu.memory_space<semaphore_mem>>) src(%arg7 : memref<80x128xf32, #tpu.memory_space<vmem>>) dst(%dma_wait3A_235 : memref<10240x128xf32, #tpu.memory_space<vmem_shared>>)
        %dma_wait3A_236 = arith.constant 6 : i32
        %dma_wait3A_237 = arith.constant 0 : i32
        %dma_wait3A_238 = tpu.memref_slice %arg6[%dma_wait3A_236, %dma_wait3A_237] : memref<25x80xi32, #tpu.memory_space<vmem>> -> memref<1x80xi32, #tpu.memory_space<vmem>>
        %dma_wait3A_239 = tpu.memref_squeeze %dma_wait3A_238 : memref<1x80xi32, #tpu.memory_space<vmem>> -> memref<80xi32, #tpu.memory_space<vmem>>
        %dma_wait3A_240 = arith.constant 0 : i32
        %dma_wait3A_241 = arith.constant 0 : i32
        %dma_wait3A_242 = tpu.memref_slice %arg8[%dma_wait3A_240, %dma_wait3A_241] : memref<10240x128xf32, #tpu.memory_space<vmem_shared>> -> memref<10240x128xf32, #tpu.memory_space<vmem_shared>>
        tpu.wait_indirect_dma semaphore(%run_scoped3A_13 : memref<!tpu.dma_semaphore, #tpu.memory_space<semaphore_mem>>) src(%arg7 : memref<80x128xf32, #tpu.memory_space<vmem>>) dst(%dma_wait3A_242 : memref<10240x128xf32, #tpu.memory_space<vmem_shared>>)
        %dma_wait3A_243 = arith.constant 7 : i32
        %dma_wait3A_244 = arith.constant 0 : i32
        %dma_wait3A_245 = tpu.memref_slice %arg6[%dma_wait3A_243, %dma_wait3A_244] : memref<25x80xi32, #tpu.memory_space<vmem>> -> memref<1x80xi32, #tpu.memory_space<vmem>>
        %dma_wait3A_246 = tpu.memref_squeeze %dma_wait3A_245 : memref<1x80xi32, #tpu.memory_space<vmem>> -> memref<80xi32, #tpu.memory_space<vmem>>
        %dma_wait3A_247 = arith.constant 0 : i32
        %dma_wait3A_248 = arith.constant 0 : i32
        %dma_wait3A_249 = tpu.memref_slice %arg8[%dma_wait3A_247, %dma_wait3A_248] : memref<10240x128xf32, #tpu.memory_space<vmem_shared>> -> memref<10240x128xf32, #tpu.memory_space<vmem_shared>>
        tpu.wait_indirect_dma semaphore(%run_scoped3A_13 : memref<!tpu.dma_semaphore, #tpu.memory_space<semaphore_mem>>) src(%arg7 : memref<80x128xf32, #tpu.memory_space<vmem>>) dst(%dma_wait3A_249 : memref<10240x128xf32, #tpu.memory_space<vmem_shared>>)
        %dma_wait3A_250 = arith.constant 8 : i32
        %dma_wait3A_251 = arith.constant 0 : i32
        %dma_wait3A_252 = tpu.memref_slice %arg6[%dma_wait3A_250, %dma_wait3A_251] : memref<25x80xi32, #tpu.memory_space<vmem>> -> memref<1x80xi32, #tpu.memory_space<vmem>>
        %dma_wait3A_253 = tpu.memref_squeeze %dma_wait3A_252 : memref<1x80xi32, #tpu.memory_space<vmem>> -> memref<80xi32, #tpu.memory_space<vmem>>
        %dma_wait3A_254 = arith.constant 0 : i32
        %dma_wait3A_255 = arith.constant 0 : i32
        %dma_wait3A_256 = tpu.memref_slice %arg8[%dma_wait3A_254, %dma_wait3A_255] : memref<10240x128xf32, #tpu.memory_space<vmem_shared>> -> memref<10240x128xf32, #tpu.memory_space<vmem_shared>>
        tpu.wait_indirect_dma semaphore(%run_scoped3A_13 : memref<!tpu.dma_semaphore, #tpu.memory_space<semaphore_mem>>) src(%arg7 : memref<80x128xf32, #tpu.memory_space<vmem>>) dst(%dma_wait3A_256 : memref<10240x128xf32, #tpu.memory_space<vmem_shared>>)
        %dma_wait3A_257 = arith.constant 9 : i32
        %dma_wait3A_258 = arith.constant 0 : i32
        %dma_wait3A_259 = tpu.memref_slice %arg6[%dma_wait3A_257, %dma_wait3A_258] : memref<25x80xi32, #tpu.memory_space<vmem>> -> memref<1x80xi32, #tpu.memory_space<vmem>>
        %dma_wait3A_260 = tpu.memref_squeeze %dma_wait3A_259 : memref<1x80xi32, #tpu.memory_space<vmem>> -> memref<80xi32, #tpu.memory_space<vmem>>
        %dma_wait3A_261 = arith.constant 0 : i32
        %dma_wait3A_262 = arith.constant 0 : i32
        %dma_wait3A_263 = tpu.memref_slice %arg8[%dma_wait3A_261, %dma_wait3A_262] : memref<10240x128xf32, #tpu.memory_space<vmem_shared>> -> memref<10240x128xf32, #tpu.memory_space<vmem_shared>>
        tpu.wait_indirect_dma semaphore(%run_scoped3A_13 : memref<!tpu.dma_semaphore, #tpu.memory_space<semaphore_mem>>) src(%arg7 : memref<80x128xf32, #tpu.memory_space<vmem>>) dst(%dma_wait3A_263 : memref<10240x128xf32, #tpu.memory_space<vmem_shared>>)
        %dma_wait3A_264 = arith.constant 10 : i32
        %dma_wait3A_265 = arith.constant 0 : i32
        %dma_wait3A_266 = tpu.memref_slice %arg6[%dma_wait3A_264, %dma_wait3A_265] : memref<25x80xi32, #tpu.memory_space<vmem>> -> memref<1x80xi32, #tpu.memory_space<vmem>>
        %dma_wait3A_267 = tpu.memref_squeeze %dma_wait3A_266 : memref<1x80xi32, #tpu.memory_space<vmem>> -> memref<80xi32, #tpu.memory_space<vmem>>
        %dma_wait3A_268 = arith.constant 0 : i32
        %dma_wait3A_269 = arith.constant 0 : i32
        %dma_wait3A_270 = tpu.memref_slice %arg8[%dma_wait3A_268, %dma_wait3A_269] : memref<10240x128xf32, #tpu.memory_space<vmem_shared>> -> memref<10240x128xf32, #tpu.memory_space<vmem_shared>>
        tpu.wait_indirect_dma semaphore(%run_scoped3A_13 : memref<!tpu.dma_semaphore, #tpu.memory_space<semaphore_mem>>) src(%arg7 : memref<80x128xf32, #tpu.memory_space<vmem>>) dst(%dma_wait3A_270 : memref<10240x128xf32, #tpu.memory_space<vmem_shared>>)
        %dma_wait3A_271 = arith.constant 11 : i32
        %dma_wait3A_272 = arith.constant 0 : i32
        %dma_wait3A_273 = tpu.memref_slice %arg6[%dma_wait3A_271, %dma_wait3A_272] : memref<25x80xi32, #tpu.memory_space<vmem>> -> memref<1x80xi32, #tpu.memory_space<vmem>>
        %dma_wait3A_274 = tpu.memref_squeeze %dma_wait3A_273 : memref<1x80xi32, #tpu.memory_space<vmem>> -> memref<80xi32, #tpu.memory_space<vmem>>
        %dma_wait3A_275 = arith.constant 0 : i32
        %dma_wait3A_276 = arith.constant 0 : i32
        %dma_wait3A_277 = tpu.memref_slice %arg8[%dma_wait3A_275, %dma_wait3A_276] : memref<10240x128xf32, #tpu.memory_space<vmem_shared>> -> memref<10240x128xf32, #tpu.memory_space<vmem_shared>>
        tpu.wait_indirect_dma semaphore(%run_scoped3A_13 : memref<!tpu.dma_semaphore, #tpu.memory_space<semaphore_mem>>) src(%arg7 : memref<80x128xf32, #tpu.memory_space<vmem>>) dst(%dma_wait3A_277 : memref<10240x128xf32, #tpu.memory_space<vmem_shared>>)
        %dma_wait3A_278 = arith.constant 12 : i32
        %dma_wait3A_279 = arith.constant 0 : i32
        %dma_wait3A_280 = tpu.memref_slice %arg6[%dma_wait3A_278, %dma_wait3A_279] : memref<25x80xi32, #tpu.memory_space<vmem>> -> memref<1x80xi32, #tpu.memory_space<vmem>>
        %dma_wait3A_281 = tpu.memref_squeeze %dma_wait3A_280 : memref<1x80xi32, #tpu.memory_space<vmem>> -> memref<80xi32, #tpu.memory_space<vmem>>
        %dma_wait3A_282 = arith.constant 0 : i32
        %dma_wait3A_283 = arith.constant 0 : i32
        %dma_wait3A_284 = tpu.memref_slice %arg8[%dma_wait3A_282, %dma_wait3A_283] : memref<10240x128xf32, #tpu.memory_space<vmem_shared>> -> memref<10240x128xf32, #tpu.memory_space<vmem_shared>>
        tpu.wait_indirect_dma semaphore(%run_scoped3A_13 : memref<!tpu.dma_semaphore, #tpu.memory_space<semaphore_mem>>) src(%arg7 : memref<80x128xf32, #tpu.memory_space<vmem>>) dst(%dma_wait3A_284 : memref<10240x128xf32, #tpu.memory_space<vmem_shared>>)
        %dma_wait3A_285 = arith.constant 13 : i32
        %dma_wait3A_286 = arith.constant 0 : i32
        %dma_wait3A_287 = tpu.memref_slice %arg6[%dma_wait3A_285, %dma_wait3A_286] : memref<25x80xi32, #tpu.memory_space<vmem>> -> memref<1x80xi32, #tpu.memory_space<vmem>>
        %dma_wait3A_288 = tpu.memref_squeeze %dma_wait3A_287 : memref<1x80xi32, #tpu.memory_space<vmem>> -> memref<80xi32, #tpu.memory_space<vmem>>
        %dma_wait3A_289 = arith.constant 0 : i32
        %dma_wait3A_290 = arith.constant 0 : i32
        %dma_wait3A_291 = tpu.memref_slice %arg8[%dma_wait3A_289, %dma_wait3A_290] : memref<10240x128xf32, #tpu.memory_space<vmem_shared>> -> memref<10240x128xf32, #tpu.memory_space<vmem_shared>>
        tpu.wait_indirect_dma semaphore(%run_scoped3A_13 : memref<!tpu.dma_semaphore, #tpu.memory_space<semaphore_mem>>) src(%arg7 : memref<80x128xf32, #tpu.memory_space<vmem>>) dst(%dma_wait3A_291 : memref<10240x128xf32, #tpu.memory_space<vmem_shared>>)
        %dma_wait3A_292 = arith.constant 14 : i32
        %dma_wait3A_293 = arith.constant 0 : i32
        %dma_wait3A_294 = tpu.memref_slice %arg6[%dma_wait3A_292, %dma_wait3A_293] : memref<25x80xi32, #tpu.memory_space<vmem>> -> memref<1x80xi32, #tpu.memory_space<vmem>>
        %dma_wait3A_295 = tpu.memref_squeeze %dma_wait3A_294 : memref<1x80xi32, #tpu.memory_space<vmem>> -> memref<80xi32, #tpu.memory_space<vmem>>
        %dma_wait3A_296 = arith.constant 0 : i32
        %dma_wait3A_297 = arith.constant 0 : i32
        %dma_wait3A_298 = tpu.memref_slice %arg8[%dma_wait3A_296, %dma_wait3A_297] : memref<10240x128xf32, #tpu.memory_space<vmem_shared>> -> memref<10240x128xf32, #tpu.memory_space<vmem_shared>>
        tpu.wait_indirect_dma semaphore(%run_scoped3A_13 : memref<!tpu.dma_semaphore, #tpu.memory_space<semaphore_mem>>) src(%arg7 : memref<80x128xf32, #tpu.memory_space<vmem>>) dst(%dma_wait3A_298 : memref<10240x128xf32, #tpu.memory_space<vmem_shared>>)
        %dma_wait3A_299 = arith.constant 15 : i32
        %dma_wait3A_300 = arith.constant 0 : i32
        %dma_wait3A_301 = tpu.memref_slice %arg6[%dma_wait3A_299, %dma_wait3A_300] : memref<25x80xi32, #tpu.memory_space<vmem>> -> memref<1x80xi32, #tpu.memory_space<vmem>>
        %dma_wait3A_302 = tpu.memref_squeeze %dma_wait3A_301 : memref<1x80xi32, #tpu.memory_space<vmem>> -> memref<80xi32, #tpu.memory_space<vmem>>
        %dma_wait3A_303 = arith.constant 0 : i32
        %dma_wait3A_304 = arith.constant 0 : i32
        %dma_wait3A_305 = tpu.memref_slice %arg8[%dma_wait3A_303, %dma_wait3A_304] : memref<10240x128xf32, #tpu.memory_space<vmem_shared>> -> memref<10240x128xf32, #tpu.memory_space<vmem_shared>>
        tpu.wait_indirect_dma semaphore(%run_scoped3A_13 : memref<!tpu.dma_semaphore, #tpu.memory_space<semaphore_mem>>) src(%arg7 : memref<80x128xf32, #tpu.memory_space<vmem>>) dst(%dma_wait3A_305 : memref<10240x128xf32, #tpu.memory_space<vmem_shared>>)
        %dma_wait3A_306 = arith.constant 16 : i32
        %dma_wait3A_307 = arith.constant 0 : i32
        %dma_wait3A_308 = tpu.memref_slice %arg6[%dma_wait3A_306, %dma_wait3A_307] : memref<25x80xi32, #tpu.memory_space<vmem>> -> memref<1x80xi32, #tpu.memory_space<vmem>>
        %dma_wait3A_309 = tpu.memref_squeeze %dma_wait3A_308 : memref<1x80xi32, #tpu.memory_space<vmem>> -> memref<80xi32, #tpu.memory_space<vmem>>
        %dma_wait3A_310 = arith.constant 0 : i32
        %dma_wait3A_311 = arith.constant 0 : i32
        %dma_wait3A_312 = tpu.memref_slice %arg8[%dma_wait3A_310, %dma_wait3A_311] : memref<10240x128xf32, #tpu.memory_space<vmem_shared>> -> memref<10240x128xf32, #tpu.memory_space<vmem_shared>>
        tpu.wait_indirect_dma semaphore(%run_scoped3A_13 : memref<!tpu.dma_semaphore, #tpu.memory_space<semaphore_mem>>) src(%arg7 : memref<80x128xf32, #tpu.memory_space<vmem>>) dst(%dma_wait3A_312 : memref<10240x128xf32, #tpu.memory_space<vmem_shared>>)
        %dma_wait3A_313 = arith.constant 17 : i32
        %dma_wait3A_314 = arith.constant 0 : i32
        %dma_wait3A_315 = tpu.memref_slice %arg6[%dma_wait3A_313, %dma_wait3A_314] : memref<25x80xi32, #tpu.memory_space<vmem>> -> memref<1x80xi32, #tpu.memory_space<vmem>>
        %dma_wait3A_316 = tpu.memref_squeeze %dma_wait3A_315 : memref<1x80xi32, #tpu.memory_space<vmem>> -> memref<80xi32, #tpu.memory_space<vmem>>
        %dma_wait3A_317 = arith.constant 0 : i32
        %dma_wait3A_318 = arith.constant 0 : i32
        %dma_wait3A_319 = tpu.memref_slice %arg8[%dma_wait3A_317, %dma_wait3A_318] : memref<10240x128xf32, #tpu.memory_space<vmem_shared>> -> memref<10240x128xf32, #tpu.memory_space<vmem_shared>>
        tpu.wait_indirect_dma semaphore(%run_scoped3A_13 : memref<!tpu.dma_semaphore, #tpu.memory_space<semaphore_mem>>) src(%arg7 : memref<80x128xf32, #tpu.memory_space<vmem>>) dst(%dma_wait3A_319 : memref<10240x128xf32, #tpu.memory_space<vmem_shared>>)
        %dma_wait3A_320 = arith.constant 18 : i32
        %dma_wait3A_321 = arith.constant 0 : i32
        %dma_wait3A_322 = tpu.memref_slice %arg6[%dma_wait3A_320, %dma_wait3A_321] : memref<25x80xi32, #tpu.memory_space<vmem>> -> memref<1x80xi32, #tpu.memory_space<vmem>>
        %dma_wait3A_323 = tpu.memref_squeeze %dma_wait3A_322 : memref<1x80xi32, #tpu.memory_space<vmem>> -> memref<80xi32, #tpu.memory_space<vmem>>
        %dma_wait3A_324 = arith.constant 0 : i32
        %dma_wait3A_325 = arith.constant 0 : i32
        %dma_wait3A_326 = tpu.memref_slice %arg8[%dma_wait3A_324, %dma_wait3A_325] : memref<10240x128xf32, #tpu.memory_space<vmem_shared>> -> memref<10240x128xf32, #tpu.memory_space<vmem_shared>>
        tpu.wait_indirect_dma semaphore(%run_scoped3A_13 : memref<!tpu.dma_semaphore, #tpu.memory_space<semaphore_mem>>) src(%arg7 : memref<80x128xf32, #tpu.memory_space<vmem>>) dst(%dma_wait3A_326 : memref<10240x128xf32, #tpu.memory_space<vmem_shared>>)
        %dma_wait3A_327 = arith.constant 19 : i32
        %dma_wait3A_328 = arith.constant 0 : i32
        %dma_wait3A_329 = tpu.memref_slice %arg6[%dma_wait3A_327, %dma_wait3A_328] : memref<25x80xi32, #tpu.memory_space<vmem>> -> memref<1x80xi32, #tpu.memory_space<vmem>>
        %dma_wait3A_330 = tpu.memref_squeeze %dma_wait3A_329 : memref<1x80xi32, #tpu.memory_space<vmem>> -> memref<80xi32, #tpu.memory_space<vmem>>
        %dma_wait3A_331 = arith.constant 0 : i32
        %dma_wait3A_332 = arith.constant 0 : i32
        %dma_wait3A_333 = tpu.memref_slice %arg8[%dma_wait3A_331, %dma_wait3A_332] : memref<10240x128xf32, #tpu.memory_space<vmem_shared>> -> memref<10240x128xf32, #tpu.memory_space<vmem_shared>>
        tpu.wait_indirect_dma semaphore(%run_scoped3A_13 : memref<!tpu.dma_semaphore, #tpu.memory_space<semaphore_mem>>) src(%arg7 : memref<80x128xf32, #tpu.memory_space<vmem>>) dst(%dma_wait3A_333 : memref<10240x128xf32, #tpu.memory_space<vmem_shared>>)
        %dma_wait3A_334 = arith.constant 20 : i32
        %dma_wait3A_335 = arith.constant 0 : i32
        %dma_wait3A_336 = tpu.memref_slice %arg6[%dma_wait3A_334, %dma_wait3A_335] : memref<25x80xi32, #tpu.memory_space<vmem>> -> memref<1x80xi32, #tpu.memory_space<vmem>>
        %dma_wait3A_337 = tpu.memref_squeeze %dma_wait3A_336 : memref<1x80xi32, #tpu.memory_space<vmem>> -> memref<80xi32, #tpu.memory_space<vmem>>
        %dma_wait3A_338 = arith.constant 0 : i32
        %dma_wait3A_339 = arith.constant 0 : i32
        %dma_wait3A_340 = tpu.memref_slice %arg8[%dma_wait3A_338, %dma_wait3A_339] : memref<10240x128xf32, #tpu.memory_space<vmem_shared>> -> memref<10240x128xf32, #tpu.memory_space<vmem_shared>>
        tpu.wait_indirect_dma semaphore(%run_scoped3A_13 : memref<!tpu.dma_semaphore, #tpu.memory_space<semaphore_mem>>) src(%arg7 : memref<80x128xf32, #tpu.memory_space<vmem>>) dst(%dma_wait3A_340 : memref<10240x128xf32, #tpu.memory_space<vmem_shared>>)
        %dma_wait3A_341 = arith.constant 21 : i32
        %dma_wait3A_342 = arith.constant 0 : i32
        %dma_wait3A_343 = tpu.memref_slice %arg6[%dma_wait3A_341, %dma_wait3A_342] : memref<25x80xi32, #tpu.memory_space<vmem>> -> memref<1x80xi32, #tpu.memory_space<vmem>>
        %dma_wait3A_344 = tpu.memref_squeeze %dma_wait3A_343 : memref<1x80xi32, #tpu.memory_space<vmem>> -> memref<80xi32, #tpu.memory_space<vmem>>
        %dma_wait3A_345 = arith.constant 0 : i32
        %dma_wait3A_346 = arith.constant 0 : i32
        %dma_wait3A_347 = tpu.memref_slice %arg8[%dma_wait3A_345, %dma_wait3A_346] : memref<10240x128xf32, #tpu.memory_space<vmem_shared>> -> memref<10240x128xf32, #tpu.memory_space<vmem_shared>>
        tpu.wait_indirect_dma semaphore(%run_scoped3A_13 : memref<!tpu.dma_semaphore, #tpu.memory_space<semaphore_mem>>) src(%arg7 : memref<80x128xf32, #tpu.memory_space<vmem>>) dst(%dma_wait3A_347 : memref<10240x128xf32, #tpu.memory_space<vmem_shared>>)
        %dma_wait3A_348 = arith.constant 22 : i32
        %dma_wait3A_349 = arith.constant 0 : i32
        %dma_wait3A_350 = tpu.memref_slice %arg6[%dma_wait3A_348, %dma_wait3A_349] : memref<25x80xi32, #tpu.memory_space<vmem>> -> memref<1x80xi32, #tpu.memory_space<vmem>>
        %dma_wait3A_351 = tpu.memref_squeeze %dma_wait3A_350 : memref<1x80xi32, #tpu.memory_space<vmem>> -> memref<80xi32, #tpu.memory_space<vmem>>
        %dma_wait3A_352 = arith.constant 0 : i32
        %dma_wait3A_353 = arith.constant 0 : i32
        %dma_wait3A_354 = tpu.memref_slice %arg8[%dma_wait3A_352, %dma_wait3A_353] : memref<10240x128xf32, #tpu.memory_space<vmem_shared>> -> memref<10240x128xf32, #tpu.memory_space<vmem_shared>>
        tpu.wait_indirect_dma semaphore(%run_scoped3A_13 : memref<!tpu.dma_semaphore, #tpu.memory_space<semaphore_mem>>) src(%arg7 : memref<80x128xf32, #tpu.memory_space<vmem>>) dst(%dma_wait3A_354 : memref<10240x128xf32, #tpu.memory_space<vmem_shared>>)
        %dma_wait3A_355 = arith.constant 23 : i32
        %dma_wait3A_356 = arith.constant 0 : i32
        %dma_wait3A_357 = tpu.memref_slice %arg6[%dma_wait3A_355, %dma_wait3A_356] : memref<25x80xi32, #tpu.memory_space<vmem>> -> memref<1x80xi32, #tpu.memory_space<vmem>>
        %dma_wait3A_358 = tpu.memref_squeeze %dma_wait3A_357 : memref<1x80xi32, #tpu.memory_space<vmem>> -> memref<80xi32, #tpu.memory_space<vmem>>
        %dma_wait3A_359 = arith.constant 0 : i32
        %dma_wait3A_360 = arith.constant 0 : i32
        %dma_wait3A_361 = tpu.memref_slice %arg8[%dma_wait3A_359, %dma_wait3A_360] : memref<10240x128xf32, #tpu.memory_space<vmem_shared>> -> memref<10240x128xf32, #tpu.memory_space<vmem_shared>>
        tpu.wait_indirect_dma semaphore(%run_scoped3A_13 : memref<!tpu.dma_semaphore, #tpu.memory_space<semaphore_mem>>) src(%arg7 : memref<80x128xf32, #tpu.memory_space<vmem>>) dst(%dma_wait3A_361 : memref<10240x128xf32, #tpu.memory_space<vmem_shared>>)
        %dma_wait3A_362 = arith.constant 24 : i32
        %dma_wait3A_363 = arith.constant 0 : i32
        %dma_wait3A_364 = tpu.memref_slice %arg6[%dma_wait3A_362, %dma_wait3A_363] : memref<25x80xi32, #tpu.memory_space<vmem>> -> memref<1x80xi32, #tpu.memory_space<vmem>>
        %dma_wait3A_365 = tpu.memref_squeeze %dma_wait3A_364 : memref<1x80xi32, #tpu.memory_space<vmem>> -> memref<80xi32, #tpu.memory_space<vmem>>
        %dma_wait3A_366 = arith.constant 0 : i32
        %dma_wait3A_367 = arith.constant 0 : i32
        %dma_wait3A_368 = tpu.memref_slice %arg8[%dma_wait3A_366, %dma_wait3A_367] : memref<10240x128xf32, #tpu.memory_space<vmem_shared>> -> memref<10240x128xf32, #tpu.memory_space<vmem_shared>>
        tpu.wait_indirect_dma semaphore(%run_scoped3A_13 : memref<!tpu.dma_semaphore, #tpu.memory_space<semaphore_mem>>) src(%arg7 : memref<80x128xf32, #tpu.memory_space<vmem>>) dst(%dma_wait3A_368 : memref<10240x128xf32, #tpu.memory_space<vmem_shared>>)
      }
      %scan3A_19 = arith.constant 5 : i32
      tpu.yield
    }) : () -> ()
    %barrier3A_6 = arith.constant 0 : index
    tpu.barrier barrier_id(%barrier3A_6)
    %scan3A_7 = arith.constant 0 : i32
    %scan3A_8 = arith.constant 0 : i32
    %scan3A_9 = arith.constant 8 : i32
    %scan3A_10 = arith.addi %scan3A_8, %scan3A_9 : i32
    %scan3A_11 = arith.constant 1 : i32
    scf.for %scan3A_13 = %scan3A_8 to %scan3A_10 step %scan3A_11  : i32 {
      %mul3A_14 = arith.constant 640 : i32
      %mul3A_15 = arith.muli %arg1, %mul3A_14 : i32
      %mul3A_16 = arith.constant 80 : i32
      %mul3A_17 = arith.muli %scan3A_13, %mul3A_16 : i32
      %add3A_18 = arith.addi %mul3A_15, %mul3A_17 : i32
      "tpu.region"() ({
        %run_scoped3A = tpu.sem_alloc : memref<!tpu.dma_semaphore, #tpu.memory_space<semaphore_mem>>
        %dma_start3A = arith.constant 0 : i32
        %dma_start3A_19 = tpu.memref_slice %arg8[%add3A_18, %dma_start3A] : memref<10240x128xf32, #tpu.memory_space<vmem_shared>> -> memref<80x128xf32, #tpu.memory_space<vmem_shared>>
        %dma_start3A_20 = arith.constant 0 : i32
        %dma_start3A_21 = tpu.memref_slice %arg8[%add3A_18, %dma_start3A_20] : memref<10240x128xf32, #tpu.memory_space<vmem_shared>> -> memref<80x128xf32, #tpu.memory_space<vmem_shared>>
        tpu.enqueue_dma source(%dma_start3A_21 : memref<80x128xf32, #tpu.memory_space<vmem_shared>>) target(%arg7 : memref<80x128xf32, #tpu.memory_space<vmem>>) target_semaphore(%run_scoped3A : memref<!tpu.dma_semaphore, #tpu.memory_space<semaphore_mem>>)
        %dma_wait3A = arith.constant 0 : i32
        %dma_wait3A_22 = tpu.memref_slice %arg8[%add3A_18, %dma_wait3A] : memref<10240x128xf32, #tpu.memory_space<vmem_shared>> -> memref<80x128xf32, #tpu.memory_space<vmem_shared>>
        %dma_wait3A_23 = arith.constant 0 : i32
        %dma_wait3A_24 = tpu.memref_slice %arg8[%add3A_18, %dma_wait3A_23] : memref<10240x128xf32, #tpu.memory_space<vmem_shared>> -> memref<80x128xf32, #tpu.memory_space<vmem_shared>>
        tpu.wait_dma2 semaphore(%run_scoped3A : memref<!tpu.dma_semaphore, #tpu.memory_space<semaphore_mem>>) src(%dma_wait3A_24 : memref<80x128xf32, #tpu.memory_space<vmem_shared>>) dst(%arg7 : memref<80x128xf32, #tpu.memory_space<vmem>>)
        tpu.yield
      }) : () -> ()
      "tpu.region"() ({
        %run_scoped3A = tpu.sem_alloc : memref<!tpu.dma_semaphore, #tpu.memory_space<semaphore_mem>>
        %dma_start3A = arith.constant 0 : i32
        %dma_start3A_19 = tpu.memref_slice %arg5[%arg0, %add3A_18, %dma_start3A] : memref<2x10240x128xf32, #tpu.memory_space<hbm>> -> memref<1x80x128xf32, #tpu.memory_space<hbm>>
        %dma_start3A_20 = tpu.memref_squeeze %dma_start3A_19 : memref<1x80x128xf32, #tpu.memory_space<hbm>> -> memref<80x128xf32, #tpu.memory_space<hbm>>
        %dma_start3A_21 = arith.constant 0 : i32
        %dma_start3A_22 = tpu.memref_slice %arg5[%arg0, %add3A_18, %dma_start3A_21] : memref<2x10240x128xf32, #tpu.memory_space<hbm>> -> memref<1x80x128xf32, #tpu.memory_space<hbm>>
        %dma_start3A_23 = tpu.memref_squeeze %dma_start3A_22 : memref<1x80x128xf32, #tpu.memory_space<hbm>> -> memref<80x128xf32, #tpu.memory_space<hbm>>
        tpu.enqueue_dma source(%arg7 : memref<80x128xf32, #tpu.memory_space<vmem>>) target(%dma_start3A_23 : memref<80x128xf32, #tpu.memory_space<hbm>>) target_semaphore(%run_scoped3A : memref<!tpu.dma_semaphore, #tpu.memory_space<semaphore_mem>>)
        %dma_wait3A = arith.constant 0 : i32
        %dma_wait3A_24 = tpu.memref_slice %arg5[%arg0, %add3A_18, %dma_wait3A] : memref<2x10240x128xf32, #tpu.memory_space<hbm>> -> memref<1x80x128xf32, #tpu.memory_space<hbm>>
        %dma_wait3A_25 = tpu.memref_squeeze %dma_wait3A_24 : memref<1x80x128xf32, #tpu.memory_space<hbm>> -> memref<80x128xf32, #tpu.memory_space<hbm>>
        %dma_wait3A_26 = arith.constant 0 : i32
        %dma_wait3A_27 = tpu.memref_slice %arg5[%arg0, %add3A_18, %dma_wait3A_26] : memref<2x10240x128xf32, #tpu.memory_space<hbm>> -> memref<1x80x128xf32, #tpu.memory_space<hbm>>
        %dma_wait3A_28 = tpu.memref_squeeze %dma_wait3A_27 : memref<1x80x128xf32, #tpu.memory_space<hbm>> -> memref<80x128xf32, #tpu.memory_space<hbm>>
        tpu.wait_dma2 semaphore(%run_scoped3A : memref<!tpu.dma_semaphore, #tpu.memory_space<semaphore_mem>>) src(%arg7 : memref<80x128xf32, #tpu.memory_space<vmem>>) dst(%dma_wait3A_28 : memref<80x128xf32, #tpu.memory_space<hbm>>)
        tpu.yield
      }) : () -> ()
    }
    %scan3A_12 = arith.constant 8 : i32
    return
  }
}

#map = affine_map<(d0, d1) -> (0, 0)>
#map1 = affine_map<(d0, d1) -> (0, 0, 0, 0)>
#map2 = affine_map<(d0, d1) -> (0, 0, 0)>
module attributes {stable_mosaic.version = 14 : i64} {
  func.func @_sc_agg_body(%arg0: i32, %arg1: i32, %arg2: memref<10000x128xf32, #tpu.memory_space<hbm>>, %arg3: memref<32x5x25x80xi32, #tpu.memory_space<hbm>>, %arg4: memref<32x5x25x80xi32, #tpu.memory_space<hbm>>, %arg5: memref<80x128xf32, #tpu.memory_space<hbm>>, %arg6: memref<2x10240x128xf32, #tpu.memory_space<hbm>>, %arg7: memref<25x80xi32, #tpu.memory_space<vmem>>, %arg8: memref<25x80xi32, #tpu.memory_space<vmem>>, %arg9: memref<80x128xf32, #tpu.memory_space<vmem>>, %arg10: memref<80x128xf32, #tpu.memory_space<vmem>>, %arg11: memref<80x128xf32, #tpu.memory_space<vmem>>, %arg12: memref<10240x128xf32, #tpu.memory_space<vmem_shared>>) attributes {dimension_semantics = [#tpu.dimension_semantics<core_parallel>, #tpu.dimension_semantics<subcore_parallel>], iteration_bounds = array<i64: 2, 16>, scalar_prefetch = 0 : i64, scratch_operands = 6 : i64, tpu.core_type = #tpu.core_type<sc_vector_subcore>, window_params = [{transform_indices = #map}, {transform_indices = #map1}, {transform_indices = #map1}, {transform_indices = #map}, {transform_indices = #map2}]} {
    %mul3A = arith.constant 2 : i32
    %mul3A_0 = arith.muli %arg1, %mul3A : i32
    %add3A = arith.addi %mul3A_0, %arg0 : i32
    "tpu.region"() ({
      %run_scoped3A = tpu.sem_alloc : memref<!tpu.dma_semaphore, #tpu.memory_space<semaphore_mem>>
      tpu.enqueue_dma source(%arg5 : memref<80x128xf32, #tpu.memory_space<hbm>>) target(%arg9 : memref<80x128xf32, #tpu.memory_space<vmem>>) target_semaphore(%run_scoped3A : memref<!tpu.dma_semaphore, #tpu.memory_space<semaphore_mem>>)
      tpu.wait_dma2 semaphore(%run_scoped3A : memref<!tpu.dma_semaphore, #tpu.memory_space<semaphore_mem>>) src(%arg5 : memref<80x128xf32, #tpu.memory_space<hbm>>) dst(%arg9 : memref<80x128xf32, #tpu.memory_space<vmem>>)
      tpu.yield
    }) : () -> ()
    %scan3A = arith.constant 0 : i32
    %scan3A_1 = arith.constant 0 : i32
    %scan3A_2 = arith.constant 8 : i32
    %scan3A_3 = arith.addi %scan3A_1, %scan3A_2 : i32
    %scan3A_4 = arith.constant 1 : i32
    scf.for %scan3A_13 = %scan3A_1 to %scan3A_3 step %scan3A_4  : i32 {
      %mul3A_14 = arith.constant 640 : i32
      %mul3A_15 = arith.muli %arg1, %mul3A_14 : i32
      %mul3A_16 = arith.constant 80 : i32
      %mul3A_17 = arith.muli %scan3A_13, %mul3A_16 : i32
      %add3A_18 = arith.addi %mul3A_15, %mul3A_17 : i32
      "tpu.region"() ({
        %run_scoped3A = tpu.sem_alloc : memref<!tpu.dma_semaphore, #tpu.memory_space<semaphore_mem>>
        %dma_start3A = arith.constant 0 : i32
        %dma_start3A_19 = tpu.memref_slice %arg12[%add3A_18, %dma_start3A] : memref<10240x128xf32, #tpu.memory_space<vmem_shared>> -> memref<80x128xf32, #tpu.memory_space<vmem_shared>>
        %dma_start3A_20 = arith.constant 0 : i32
        %dma_start3A_21 = tpu.memref_slice %arg12[%add3A_18, %dma_start3A_20] : memref<10240x128xf32, #tpu.memory_space<vmem_shared>> -> memref<80x128xf32, #tpu.memory_space<vmem_shared>>
        tpu.enqueue_dma source(%arg9 : memref<80x128xf32, #tpu.memory_space<vmem>>) target(%dma_start3A_21 : memref<80x128xf32, #tpu.memory_space<vmem_shared>>) target_semaphore(%run_scoped3A : memref<!tpu.dma_semaphore, #tpu.memory_space<semaphore_mem>>)
        %dma_wait3A = arith.constant 0 : i32
        %dma_wait3A_22 = tpu.memref_slice %arg12[%add3A_18, %dma_wait3A] : memref<10240x128xf32, #tpu.memory_space<vmem_shared>> -> memref<80x128xf32, #tpu.memory_space<vmem_shared>>
        %dma_wait3A_23 = arith.constant 0 : i32
        %dma_wait3A_24 = tpu.memref_slice %arg12[%add3A_18, %dma_wait3A_23] : memref<10240x128xf32, #tpu.memory_space<vmem_shared>> -> memref<80x128xf32, #tpu.memory_space<vmem_shared>>
        tpu.wait_dma2 semaphore(%run_scoped3A : memref<!tpu.dma_semaphore, #tpu.memory_space<semaphore_mem>>) src(%arg9 : memref<80x128xf32, #tpu.memory_space<vmem>>) dst(%dma_wait3A_24 : memref<80x128xf32, #tpu.memory_space<vmem_shared>>)
        tpu.yield
      }) : () -> ()
    }
    %scan3A_5 = arith.constant 8 : i32
    %barrier3A = arith.constant 0 : index
    tpu.barrier barrier_id(%barrier3A)
    "tpu.region"() ({
      %run_scoped3A = tpu.sem_alloc : memref<!tpu.dma_semaphore, #tpu.memory_space<semaphore_mem>>
      %run_scoped3A_13 = tpu.sem_alloc : memref<!tpu.dma_semaphore, #tpu.memory_space<semaphore_mem>>
      %scan3A_14 = arith.constant 0 : i32
      %scan3A_15 = arith.constant 0 : i32
      %scan3A_16 = arith.constant 5 : i32
      %scan3A_17 = arith.addi %scan3A_15, %scan3A_16 : i32
      %scan3A_18 = arith.constant 1 : i32
      scf.for %scan3A_20 = %scan3A_15 to %scan3A_17 step %scan3A_18  : i32 {
        "tpu.region"() ({
          %run_scoped3A_719 = tpu.sem_alloc : memref<!tpu.dma_semaphore, #tpu.memory_space<semaphore_mem>>
          %dma_start3A_720 = arith.constant 0 : i32
          %dma_start3A_721 = arith.constant 0 : i32
          %dma_start3A_722 = tpu.memref_slice %arg3[%add3A, %scan3A_20, %dma_start3A_720, %dma_start3A_721] : memref<32x5x25x80xi32, #tpu.memory_space<hbm>> -> memref<1x1x25x80xi32, #tpu.memory_space<hbm>>
          %dma_start3A_723 = tpu.memref_squeeze %dma_start3A_722 : memref<1x1x25x80xi32, #tpu.memory_space<hbm>> -> memref<25x80xi32, #tpu.memory_space<hbm>>
          %dma_start3A_724 = arith.constant 0 : i32
          %dma_start3A_725 = arith.constant 0 : i32
          %dma_start3A_726 = tpu.memref_slice %arg3[%add3A, %scan3A_20, %dma_start3A_724, %dma_start3A_725] : memref<32x5x25x80xi32, #tpu.memory_space<hbm>> -> memref<1x1x25x80xi32, #tpu.memory_space<hbm>>
          %dma_start3A_727 = tpu.memref_squeeze %dma_start3A_726 : memref<1x1x25x80xi32, #tpu.memory_space<hbm>> -> memref<25x80xi32, #tpu.memory_space<hbm>>
          tpu.enqueue_dma source(%dma_start3A_727 : memref<25x80xi32, #tpu.memory_space<hbm>>) target(%arg7 : memref<25x80xi32, #tpu.memory_space<vmem>>) target_semaphore(%run_scoped3A_719 : memref<!tpu.dma_semaphore, #tpu.memory_space<semaphore_mem>>)
          %dma_wait3A_728 = arith.constant 0 : i32
          %dma_wait3A_729 = arith.constant 0 : i32
          %dma_wait3A_730 = tpu.memref_slice %arg3[%add3A, %scan3A_20, %dma_wait3A_728, %dma_wait3A_729] : memref<32x5x25x80xi32, #tpu.memory_space<hbm>> -> memref<1x1x25x80xi32, #tpu.memory_space<hbm>>
          %dma_wait3A_731 = tpu.memref_squeeze %dma_wait3A_730 : memref<1x1x25x80xi32, #tpu.memory_space<hbm>> -> memref<25x80xi32, #tpu.memory_space<hbm>>
          %dma_wait3A_732 = arith.constant 0 : i32
          %dma_wait3A_733 = arith.constant 0 : i32
          %dma_wait3A_734 = tpu.memref_slice %arg3[%add3A, %scan3A_20, %dma_wait3A_732, %dma_wait3A_733] : memref<32x5x25x80xi32, #tpu.memory_space<hbm>> -> memref<1x1x25x80xi32, #tpu.memory_space<hbm>>
          %dma_wait3A_735 = tpu.memref_squeeze %dma_wait3A_734 : memref<1x1x25x80xi32, #tpu.memory_space<hbm>> -> memref<25x80xi32, #tpu.memory_space<hbm>>
          tpu.wait_dma2 semaphore(%run_scoped3A_719 : memref<!tpu.dma_semaphore, #tpu.memory_space<semaphore_mem>>) src(%dma_wait3A_735 : memref<25x80xi32, #tpu.memory_space<hbm>>) dst(%arg7 : memref<25x80xi32, #tpu.memory_space<vmem>>)
          tpu.yield
        }) : () -> ()
        "tpu.region"() ({
          %run_scoped3A_719 = tpu.sem_alloc : memref<!tpu.dma_semaphore, #tpu.memory_space<semaphore_mem>>
          %dma_start3A_720 = arith.constant 0 : i32
          %dma_start3A_721 = arith.constant 0 : i32
          %dma_start3A_722 = tpu.memref_slice %arg4[%add3A, %scan3A_20, %dma_start3A_720, %dma_start3A_721] : memref<32x5x25x80xi32, #tpu.memory_space<hbm>> -> memref<1x1x25x80xi32, #tpu.memory_space<hbm>>
          %dma_start3A_723 = tpu.memref_squeeze %dma_start3A_722 : memref<1x1x25x80xi32, #tpu.memory_space<hbm>> -> memref<25x80xi32, #tpu.memory_space<hbm>>
          %dma_start3A_724 = arith.constant 0 : i32
          %dma_start3A_725 = arith.constant 0 : i32
          %dma_start3A_726 = tpu.memref_slice %arg4[%add3A, %scan3A_20, %dma_start3A_724, %dma_start3A_725] : memref<32x5x25x80xi32, #tpu.memory_space<hbm>> -> memref<1x1x25x80xi32, #tpu.memory_space<hbm>>
          %dma_start3A_727 = tpu.memref_squeeze %dma_start3A_726 : memref<1x1x25x80xi32, #tpu.memory_space<hbm>> -> memref<25x80xi32, #tpu.memory_space<hbm>>
          tpu.enqueue_dma source(%dma_start3A_727 : memref<25x80xi32, #tpu.memory_space<hbm>>) target(%arg8 : memref<25x80xi32, #tpu.memory_space<vmem>>) target_semaphore(%run_scoped3A_719 : memref<!tpu.dma_semaphore, #tpu.memory_space<semaphore_mem>>)
          %dma_wait3A_728 = arith.constant 0 : i32
          %dma_wait3A_729 = arith.constant 0 : i32
          %dma_wait3A_730 = tpu.memref_slice %arg4[%add3A, %scan3A_20, %dma_wait3A_728, %dma_wait3A_729] : memref<32x5x25x80xi32, #tpu.memory_space<hbm>> -> memref<1x1x25x80xi32, #tpu.memory_space<hbm>>
          %dma_wait3A_731 = tpu.memref_squeeze %dma_wait3A_730 : memref<1x1x25x80xi32, #tpu.memory_space<hbm>> -> memref<25x80xi32, #tpu.memory_space<hbm>>
          %dma_wait3A_732 = arith.constant 0 : i32
          %dma_wait3A_733 = arith.constant 0 : i32
          %dma_wait3A_734 = tpu.memref_slice %arg4[%add3A, %scan3A_20, %dma_wait3A_732, %dma_wait3A_733] : memref<32x5x25x80xi32, #tpu.memory_space<hbm>> -> memref<1x1x25x80xi32, #tpu.memory_space<hbm>>
          %dma_wait3A_735 = tpu.memref_squeeze %dma_wait3A_734 : memref<1x1x25x80xi32, #tpu.memory_space<hbm>> -> memref<25x80xi32, #tpu.memory_space<hbm>>
          tpu.wait_dma2 semaphore(%run_scoped3A_719 : memref<!tpu.dma_semaphore, #tpu.memory_space<semaphore_mem>>) src(%dma_wait3A_735 : memref<25x80xi32, #tpu.memory_space<hbm>>) dst(%arg8 : memref<25x80xi32, #tpu.memory_space<vmem>>)
          tpu.yield
        }) : () -> ()
        %dma_start3A = arith.constant 0 : i32
        %dma_start3A_21 = arith.constant 0 : i32
        %dma_start3A_22 = tpu.memref_slice %arg7[%dma_start3A, %dma_start3A_21] : memref<25x80xi32, #tpu.memory_space<vmem>> -> memref<1x80xi32, #tpu.memory_space<vmem>>
        %dma_start3A_23 = tpu.memref_squeeze %dma_start3A_22 : memref<1x80xi32, #tpu.memory_space<vmem>> -> memref<80xi32, #tpu.memory_space<vmem>>
        %dma_start3A_24 = arith.constant 0 : i32
        %dma_start3A_25 = arith.constant 0 : i32
        %dma_start3A_26 = tpu.memref_slice %arg2[%dma_start3A_24, %dma_start3A_25] : memref<10000x128xf32, #tpu.memory_space<hbm>> -> memref<10000x128xf32, #tpu.memory_space<hbm>>
        tpu.enqueue_indirect_dma source(%dma_start3A_26 : memref<10000x128xf32, #tpu.memory_space<hbm>>) target(%arg9 : memref<80x128xf32, #tpu.memory_space<vmem>>) offsets(%dma_start3A_23 : memref<80xi32, #tpu.memory_space<vmem>>) semaphore(%run_scoped3A : memref<!tpu.dma_semaphore, #tpu.memory_space<semaphore_mem>>)
        %dma_start3A_27 = arith.constant 1 : i32
        %dma_start3A_28 = arith.constant 0 : i32
        %dma_start3A_29 = tpu.memref_slice %arg7[%dma_start3A_27, %dma_start3A_28] : memref<25x80xi32, #tpu.memory_space<vmem>> -> memref<1x80xi32, #tpu.memory_space<vmem>>
        %dma_start3A_30 = tpu.memref_squeeze %dma_start3A_29 : memref<1x80xi32, #tpu.memory_space<vmem>> -> memref<80xi32, #tpu.memory_space<vmem>>
        %dma_start3A_31 = arith.constant 0 : i32
        %dma_start3A_32 = arith.constant 0 : i32
        %dma_start3A_33 = tpu.memref_slice %arg2[%dma_start3A_31, %dma_start3A_32] : memref<10000x128xf32, #tpu.memory_space<hbm>> -> memref<10000x128xf32, #tpu.memory_space<hbm>>
        tpu.enqueue_indirect_dma source(%dma_start3A_33 : memref<10000x128xf32, #tpu.memory_space<hbm>>) target(%arg10 : memref<80x128xf32, #tpu.memory_space<vmem>>) offsets(%dma_start3A_30 : memref<80xi32, #tpu.memory_space<vmem>>) semaphore(%run_scoped3A : memref<!tpu.dma_semaphore, #tpu.memory_space<semaphore_mem>>)
        %dma_wait3A = arith.constant 0 : i32
        %dma_wait3A_34 = arith.constant 0 : i32
        %dma_wait3A_35 = tpu.memref_slice %arg7[%dma_wait3A, %dma_wait3A_34] : memref<25x80xi32, #tpu.memory_space<vmem>> -> memref<1x80xi32, #tpu.memory_space<vmem>>
        %dma_wait3A_36 = tpu.memref_squeeze %dma_wait3A_35 : memref<1x80xi32, #tpu.memory_space<vmem>> -> memref<80xi32, #tpu.memory_space<vmem>>
        %dma_wait3A_37 = arith.constant 0 : i32
        %dma_wait3A_38 = arith.constant 0 : i32
        %dma_wait3A_39 = tpu.memref_slice %arg2[%dma_wait3A_37, %dma_wait3A_38] : memref<10000x128xf32, #tpu.memory_space<hbm>> -> memref<10000x128xf32, #tpu.memory_space<hbm>>
        tpu.wait_indirect_dma semaphore(%run_scoped3A : memref<!tpu.dma_semaphore, #tpu.memory_space<semaphore_mem>>) src(%dma_wait3A_39 : memref<10000x128xf32, #tpu.memory_space<hbm>>) dst(%arg9 : memref<80x128xf32, #tpu.memory_space<vmem>>)
        %dma_start3A_40 = arith.constant 2 : i32
        %dma_start3A_41 = arith.constant 0 : i32
        %dma_start3A_42 = tpu.memref_slice %arg7[%dma_start3A_40, %dma_start3A_41] : memref<25x80xi32, #tpu.memory_space<vmem>> -> memref<1x80xi32, #tpu.memory_space<vmem>>
        %dma_start3A_43 = tpu.memref_squeeze %dma_start3A_42 : memref<1x80xi32, #tpu.memory_space<vmem>> -> memref<80xi32, #tpu.memory_space<vmem>>
        %dma_start3A_44 = arith.constant 0 : i32
        %dma_start3A_45 = arith.constant 0 : i32
        %dma_start3A_46 = tpu.memref_slice %arg2[%dma_start3A_44, %dma_start3A_45] : memref<10000x128xf32, #tpu.memory_space<hbm>> -> memref<10000x128xf32, #tpu.memory_space<hbm>>
        tpu.enqueue_indirect_dma source(%dma_start3A_46 : memref<10000x128xf32, #tpu.memory_space<hbm>>) target(%arg11 : memref<80x128xf32, #tpu.memory_space<vmem>>) offsets(%dma_start3A_43 : memref<80xi32, #tpu.memory_space<vmem>>) semaphore(%run_scoped3A : memref<!tpu.dma_semaphore, #tpu.memory_space<semaphore_mem>>)
        %dma_start3A_47 = arith.constant 0 : i32
        %dma_start3A_48 = arith.constant 0 : i32
        %dma_start3A_49 = tpu.memref_slice %arg8[%dma_start3A_47, %dma_start3A_48] : memref<25x80xi32, #tpu.memory_space<vmem>> -> memref<1x80xi32, #tpu.memory_space<vmem>>
        %dma_start3A_50 = tpu.memref_squeeze %dma_start3A_49 : memref<1x80xi32, #tpu.memory_space<vmem>> -> memref<80xi32, #tpu.memory_space<vmem>>
        %dma_start3A_51 = arith.constant 0 : i32
        %dma_start3A_52 = arith.constant 0 : i32
        %dma_start3A_53 = tpu.memref_slice %arg12[%dma_start3A_51, %dma_start3A_52] : memref<10240x128xf32, #tpu.memory_space<vmem_shared>> -> memref<10240x128xf32, #tpu.memory_space<vmem_shared>>
        tpu.enqueue_indirect_dma source(%arg9 : memref<80x128xf32, #tpu.memory_space<vmem>>) target(%dma_start3A_53 : memref<10240x128xf32, #tpu.memory_space<vmem_shared>>) offsets(%dma_start3A_50 : memref<80xi32, #tpu.memory_space<vmem>>) semaphore(%run_scoped3A_13 : memref<!tpu.dma_semaphore, #tpu.memory_space<semaphore_mem>>) {add = true}
        %dma_wait3A_54 = arith.constant 1 : i32
        %dma_wait3A_55 = arith.constant 0 : i32
        %dma_wait3A_56 = tpu.memref_slice %arg7[%dma_wait3A_54, %dma_wait3A_55] : memref<25x80xi32, #tpu.memory_space<vmem>> -> memref<1x80xi32, #tpu.memory_space<vmem>>
        %dma_wait3A_57 = tpu.memref_squeeze %dma_wait3A_56 : memref<1x80xi32, #tpu.memory_space<vmem>> -> memref<80xi32, #tpu.memory_space<vmem>>
        %dma_wait3A_58 = arith.constant 0 : i32
        %dma_wait3A_59 = arith.constant 0 : i32
        %dma_wait3A_60 = tpu.memref_slice %arg2[%dma_wait3A_58, %dma_wait3A_59] : memref<10000x128xf32, #tpu.memory_space<hbm>> -> memref<10000x128xf32, #tpu.memory_space<hbm>>
        tpu.wait_indirect_dma semaphore(%run_scoped3A : memref<!tpu.dma_semaphore, #tpu.memory_space<semaphore_mem>>) src(%dma_wait3A_60 : memref<10000x128xf32, #tpu.memory_space<hbm>>) dst(%arg10 : memref<80x128xf32, #tpu.memory_space<vmem>>)
        %dma_wait3A_61 = arith.constant 0 : i32
        %dma_wait3A_62 = arith.constant 0 : i32
        %dma_wait3A_63 = tpu.memref_slice %arg8[%dma_wait3A_61, %dma_wait3A_62] : memref<25x80xi32, #tpu.memory_space<vmem>> -> memref<1x80xi32, #tpu.memory_space<vmem>>
        %dma_wait3A_64 = tpu.memref_squeeze %dma_wait3A_63 : memref<1x80xi32, #tpu.memory_space<vmem>> -> memref<80xi32, #tpu.memory_space<vmem>>
        %dma_wait3A_65 = arith.constant 0 : i32
        %dma_wait3A_66 = arith.constant 0 : i32
        %dma_wait3A_67 = tpu.memref_slice %arg12[%dma_wait3A_65, %dma_wait3A_66] : memref<10240x128xf32, #tpu.memory_space<vmem_shared>> -> memref<10240x128xf32, #tpu.memory_space<vmem_shared>>
        tpu.wait_indirect_dma semaphore(%run_scoped3A_13 : memref<!tpu.dma_semaphore, #tpu.memory_space<semaphore_mem>>) src(%arg9 : memref<80x128xf32, #tpu.memory_space<vmem>>) dst(%dma_wait3A_67 : memref<10240x128xf32, #tpu.memory_space<vmem_shared>>)
        %dma_start3A_68 = arith.constant 3 : i32
        %dma_start3A_69 = arith.constant 0 : i32
        %dma_start3A_70 = tpu.memref_slice %arg7[%dma_start3A_68, %dma_start3A_69] : memref<25x80xi32, #tpu.memory_space<vmem>> -> memref<1x80xi32, #tpu.memory_space<vmem>>
        %dma_start3A_71 = tpu.memref_squeeze %dma_start3A_70 : memref<1x80xi32, #tpu.memory_space<vmem>> -> memref<80xi32, #tpu.memory_space<vmem>>
        %dma_start3A_72 = arith.constant 0 : i32
        %dma_start3A_73 = arith.constant 0 : i32
        %dma_start3A_74 = tpu.memref_slice %arg2[%dma_start3A_72, %dma_start3A_73] : memref<10000x128xf32, #tpu.memory_space<hbm>> -> memref<10000x128xf32, #tpu.memory_space<hbm>>
        tpu.enqueue_indirect_dma source(%dma_start3A_74 : memref<10000x128xf32, #tpu.memory_space<hbm>>) target(%arg9 : memref<80x128xf32, #tpu.memory_space<vmem>>) offsets(%dma_start3A_71 : memref<80xi32, #tpu.memory_space<vmem>>) semaphore(%run_scoped3A : memref<!tpu.dma_semaphore, #tpu.memory_space<semaphore_mem>>)
        %dma_start3A_75 = arith.constant 1 : i32
        %dma_start3A_76 = arith.constant 0 : i32
        %dma_start3A_77 = tpu.memref_slice %arg8[%dma_start3A_75, %dma_start3A_76] : memref<25x80xi32, #tpu.memory_space<vmem>> -> memref<1x80xi32, #tpu.memory_space<vmem>>
        %dma_start3A_78 = tpu.memref_squeeze %dma_start3A_77 : memref<1x80xi32, #tpu.memory_space<vmem>> -> memref<80xi32, #tpu.memory_space<vmem>>
        %dma_start3A_79 = arith.constant 0 : i32
        %dma_start3A_80 = arith.constant 0 : i32
        %dma_start3A_81 = tpu.memref_slice %arg12[%dma_start3A_79, %dma_start3A_80] : memref<10240x128xf32, #tpu.memory_space<vmem_shared>> -> memref<10240x128xf32, #tpu.memory_space<vmem_shared>>
        tpu.enqueue_indirect_dma source(%arg10 : memref<80x128xf32, #tpu.memory_space<vmem>>) target(%dma_start3A_81 : memref<10240x128xf32, #tpu.memory_space<vmem_shared>>) offsets(%dma_start3A_78 : memref<80xi32, #tpu.memory_space<vmem>>) semaphore(%run_scoped3A_13 : memref<!tpu.dma_semaphore, #tpu.memory_space<semaphore_mem>>) {add = true}
        %dma_wait3A_82 = arith.constant 2 : i32
        %dma_wait3A_83 = arith.constant 0 : i32
        %dma_wait3A_84 = tpu.memref_slice %arg7[%dma_wait3A_82, %dma_wait3A_83] : memref<25x80xi32, #tpu.memory_space<vmem>> -> memref<1x80xi32, #tpu.memory_space<vmem>>
        %dma_wait3A_85 = tpu.memref_squeeze %dma_wait3A_84 : memref<1x80xi32, #tpu.memory_space<vmem>> -> memref<80xi32, #tpu.memory_space<vmem>>
        %dma_wait3A_86 = arith.constant 0 : i32
        %dma_wait3A_87 = arith.constant 0 : i32
        %dma_wait3A_88 = tpu.memref_slice %arg2[%dma_wait3A_86, %dma_wait3A_87] : memref<10000x128xf32, #tpu.memory_space<hbm>> -> memref<10000x128xf32, #tpu.memory_space<hbm>>
        tpu.wait_indirect_dma semaphore(%run_scoped3A : memref<!tpu.dma_semaphore, #tpu.memory_space<semaphore_mem>>) src(%dma_wait3A_88 : memref<10000x128xf32, #tpu.memory_space<hbm>>) dst(%arg11 : memref<80x128xf32, #tpu.memory_space<vmem>>)
        %dma_wait3A_89 = arith.constant 1 : i32
        %dma_wait3A_90 = arith.constant 0 : i32
        %dma_wait3A_91 = tpu.memref_slice %arg8[%dma_wait3A_89, %dma_wait3A_90] : memref<25x80xi32, #tpu.memory_space<vmem>> -> memref<1x80xi32, #tpu.memory_space<vmem>>
        %dma_wait3A_92 = tpu.memref_squeeze %dma_wait3A_91 : memref<1x80xi32, #tpu.memory_space<vmem>> -> memref<80xi32, #tpu.memory_space<vmem>>
        %dma_wait3A_93 = arith.constant 0 : i32
        %dma_wait3A_94 = arith.constant 0 : i32
        %dma_wait3A_95 = tpu.memref_slice %arg12[%dma_wait3A_93, %dma_wait3A_94] : memref<10240x128xf32, #tpu.memory_space<vmem_shared>> -> memref<10240x128xf32, #tpu.memory_space<vmem_shared>>
        tpu.wait_indirect_dma semaphore(%run_scoped3A_13 : memref<!tpu.dma_semaphore, #tpu.memory_space<semaphore_mem>>) src(%arg10 : memref<80x128xf32, #tpu.memory_space<vmem>>) dst(%dma_wait3A_95 : memref<10240x128xf32, #tpu.memory_space<vmem_shared>>)
        %dma_start3A_96 = arith.constant 4 : i32
        %dma_start3A_97 = arith.constant 0 : i32
        %dma_start3A_98 = tpu.memref_slice %arg7[%dma_start3A_96, %dma_start3A_97] : memref<25x80xi32, #tpu.memory_space<vmem>> -> memref<1x80xi32, #tpu.memory_space<vmem>>
        %dma_start3A_99 = tpu.memref_squeeze %dma_start3A_98 : memref<1x80xi32, #tpu.memory_space<vmem>> -> memref<80xi32, #tpu.memory_space<vmem>>
        %dma_start3A_100 = arith.constant 0 : i32
        %dma_start3A_101 = arith.constant 0 : i32
        %dma_start3A_102 = tpu.memref_slice %arg2[%dma_start3A_100, %dma_start3A_101] : memref<10000x128xf32, #tpu.memory_space<hbm>> -> memref<10000x128xf32, #tpu.memory_space<hbm>>
        tpu.enqueue_indirect_dma source(%dma_start3A_102 : memref<10000x128xf32, #tpu.memory_space<hbm>>) target(%arg10 : memref<80x128xf32, #tpu.memory_space<vmem>>) offsets(%dma_start3A_99 : memref<80xi32, #tpu.memory_space<vmem>>) semaphore(%run_scoped3A : memref<!tpu.dma_semaphore, #tpu.memory_space<semaphore_mem>>)
        %dma_start3A_103 = arith.constant 2 : i32
        %dma_start3A_104 = arith.constant 0 : i32
        %dma_start3A_105 = tpu.memref_slice %arg8[%dma_start3A_103, %dma_start3A_104] : memref<25x80xi32, #tpu.memory_space<vmem>> -> memref<1x80xi32, #tpu.memory_space<vmem>>
        %dma_start3A_106 = tpu.memref_squeeze %dma_start3A_105 : memref<1x80xi32, #tpu.memory_space<vmem>> -> memref<80xi32, #tpu.memory_space<vmem>>
        %dma_start3A_107 = arith.constant 0 : i32
        %dma_start3A_108 = arith.constant 0 : i32
        %dma_start3A_109 = tpu.memref_slice %arg12[%dma_start3A_107, %dma_start3A_108] : memref<10240x128xf32, #tpu.memory_space<vmem_shared>> -> memref<10240x128xf32, #tpu.memory_space<vmem_shared>>
        tpu.enqueue_indirect_dma source(%arg11 : memref<80x128xf32, #tpu.memory_space<vmem>>) target(%dma_start3A_109 : memref<10240x128xf32, #tpu.memory_space<vmem_shared>>) offsets(%dma_start3A_106 : memref<80xi32, #tpu.memory_space<vmem>>) semaphore(%run_scoped3A_13 : memref<!tpu.dma_semaphore, #tpu.memory_space<semaphore_mem>>) {add = true}
        %dma_wait3A_110 = arith.constant 3 : i32
        %dma_wait3A_111 = arith.constant 0 : i32
        %dma_wait3A_112 = tpu.memref_slice %arg7[%dma_wait3A_110, %dma_wait3A_111] : memref<25x80xi32, #tpu.memory_space<vmem>> -> memref<1x80xi32, #tpu.memory_space<vmem>>
        %dma_wait3A_113 = tpu.memref_squeeze %dma_wait3A_112 : memref<1x80xi32, #tpu.memory_space<vmem>> -> memref<80xi32, #tpu.memory_space<vmem>>
        %dma_wait3A_114 = arith.constant 0 : i32
        %dma_wait3A_115 = arith.constant 0 : i32
        %dma_wait3A_116 = tpu.memref_slice %arg2[%dma_wait3A_114, %dma_wait3A_115] : memref<10000x128xf32, #tpu.memory_space<hbm>> -> memref<10000x128xf32, #tpu.memory_space<hbm>>
        tpu.wait_indirect_dma semaphore(%run_scoped3A : memref<!tpu.dma_semaphore, #tpu.memory_space<semaphore_mem>>) src(%dma_wait3A_116 : memref<10000x128xf32, #tpu.memory_space<hbm>>) dst(%arg9 : memref<80x128xf32, #tpu.memory_space<vmem>>)
        %dma_wait3A_117 = arith.constant 2 : i32
        %dma_wait3A_118 = arith.constant 0 : i32
        %dma_wait3A_119 = tpu.memref_slice %arg8[%dma_wait3A_117, %dma_wait3A_118] : memref<25x80xi32, #tpu.memory_space<vmem>> -> memref<1x80xi32, #tpu.memory_space<vmem>>
        %dma_wait3A_120 = tpu.memref_squeeze %dma_wait3A_119 : memref<1x80xi32, #tpu.memory_space<vmem>> -> memref<80xi32, #tpu.memory_space<vmem>>
        %dma_wait3A_121 = arith.constant 0 : i32
        %dma_wait3A_122 = arith.constant 0 : i32
        %dma_wait3A_123 = tpu.memref_slice %arg12[%dma_wait3A_121, %dma_wait3A_122] : memref<10240x128xf32, #tpu.memory_space<vmem_shared>> -> memref<10240x128xf32, #tpu.memory_space<vmem_shared>>
        tpu.wait_indirect_dma semaphore(%run_scoped3A_13 : memref<!tpu.dma_semaphore, #tpu.memory_space<semaphore_mem>>) src(%arg11 : memref<80x128xf32, #tpu.memory_space<vmem>>) dst(%dma_wait3A_123 : memref<10240x128xf32, #tpu.memory_space<vmem_shared>>)
        %dma_start3A_124 = arith.constant 5 : i32
        %dma_start3A_125 = arith.constant 0 : i32
        %dma_start3A_126 = tpu.memref_slice %arg7[%dma_start3A_124, %dma_start3A_125] : memref<25x80xi32, #tpu.memory_space<vmem>> -> memref<1x80xi32, #tpu.memory_space<vmem>>
        %dma_start3A_127 = tpu.memref_squeeze %dma_start3A_126 : memref<1x80xi32, #tpu.memory_space<vmem>> -> memref<80xi32, #tpu.memory_space<vmem>>
        %dma_start3A_128 = arith.constant 0 : i32
        %dma_start3A_129 = arith.constant 0 : i32
        %dma_start3A_130 = tpu.memref_slice %arg2[%dma_start3A_128, %dma_start3A_129] : memref<10000x128xf32, #tpu.memory_space<hbm>> -> memref<10000x128xf32, #tpu.memory_space<hbm>>
        tpu.enqueue_indirect_dma source(%dma_start3A_130 : memref<10000x128xf32, #tpu.memory_space<hbm>>) target(%arg11 : memref<80x128xf32, #tpu.memory_space<vmem>>) offsets(%dma_start3A_127 : memref<80xi32, #tpu.memory_space<vmem>>) semaphore(%run_scoped3A : memref<!tpu.dma_semaphore, #tpu.memory_space<semaphore_mem>>)
        %dma_start3A_131 = arith.constant 3 : i32
        %dma_start3A_132 = arith.constant 0 : i32
        %dma_start3A_133 = tpu.memref_slice %arg8[%dma_start3A_131, %dma_start3A_132] : memref<25x80xi32, #tpu.memory_space<vmem>> -> memref<1x80xi32, #tpu.memory_space<vmem>>
        %dma_start3A_134 = tpu.memref_squeeze %dma_start3A_133 : memref<1x80xi32, #tpu.memory_space<vmem>> -> memref<80xi32, #tpu.memory_space<vmem>>
        %dma_start3A_135 = arith.constant 0 : i32
        %dma_start3A_136 = arith.constant 0 : i32
        %dma_start3A_137 = tpu.memref_slice %arg12[%dma_start3A_135, %dma_start3A_136] : memref<10240x128xf32, #tpu.memory_space<vmem_shared>> -> memref<10240x128xf32, #tpu.memory_space<vmem_shared>>
        tpu.enqueue_indirect_dma source(%arg9 : memref<80x128xf32, #tpu.memory_space<vmem>>) target(%dma_start3A_137 : memref<10240x128xf32, #tpu.memory_space<vmem_shared>>) offsets(%dma_start3A_134 : memref<80xi32, #tpu.memory_space<vmem>>) semaphore(%run_scoped3A_13 : memref<!tpu.dma_semaphore, #tpu.memory_space<semaphore_mem>>) {add = true}
        %dma_wait3A_138 = arith.constant 4 : i32
        %dma_wait3A_139 = arith.constant 0 : i32
        %dma_wait3A_140 = tpu.memref_slice %arg7[%dma_wait3A_138, %dma_wait3A_139] : memref<25x80xi32, #tpu.memory_space<vmem>> -> memref<1x80xi32, #tpu.memory_space<vmem>>
        %dma_wait3A_141 = tpu.memref_squeeze %dma_wait3A_140 : memref<1x80xi32, #tpu.memory_space<vmem>> -> memref<80xi32, #tpu.memory_space<vmem>>
        %dma_wait3A_142 = arith.constant 0 : i32
        %dma_wait3A_143 = arith.constant 0 : i32
        %dma_wait3A_144 = tpu.memref_slice %arg2[%dma_wait3A_142, %dma_wait3A_143] : memref<10000x128xf32, #tpu.memory_space<hbm>> -> memref<10000x128xf32, #tpu.memory_space<hbm>>
        tpu.wait_indirect_dma semaphore(%run_scoped3A : memref<!tpu.dma_semaphore, #tpu.memory_space<semaphore_mem>>) src(%dma_wait3A_144 : memref<10000x128xf32, #tpu.memory_space<hbm>>) dst(%arg10 : memref<80x128xf32, #tpu.memory_space<vmem>>)
        %dma_wait3A_145 = arith.constant 3 : i32
        %dma_wait3A_146 = arith.constant 0 : i32
        %dma_wait3A_147 = tpu.memref_slice %arg8[%dma_wait3A_145, %dma_wait3A_146] : memref<25x80xi32, #tpu.memory_space<vmem>> -> memref<1x80xi32, #tpu.memory_space<vmem>>
        %dma_wait3A_148 = tpu.memref_squeeze %dma_wait3A_147 : memref<1x80xi32, #tpu.memory_space<vmem>> -> memref<80xi32, #tpu.memory_space<vmem>>
        %dma_wait3A_149 = arith.constant 0 : i32
        %dma_wait3A_150 = arith.constant 0 : i32
        %dma_wait3A_151 = tpu.memref_slice %arg12[%dma_wait3A_149, %dma_wait3A_150] : memref<10240x128xf32, #tpu.memory_space<vmem_shared>> -> memref<10240x128xf32, #tpu.memory_space<vmem_shared>>
        tpu.wait_indirect_dma semaphore(%run_scoped3A_13 : memref<!tpu.dma_semaphore, #tpu.memory_space<semaphore_mem>>) src(%arg9 : memref<80x128xf32, #tpu.memory_space<vmem>>) dst(%dma_wait3A_151 : memref<10240x128xf32, #tpu.memory_space<vmem_shared>>)
        %dma_start3A_152 = arith.constant 6 : i32
        %dma_start3A_153 = arith.constant 0 : i32
        %dma_start3A_154 = tpu.memref_slice %arg7[%dma_start3A_152, %dma_start3A_153] : memref<25x80xi32, #tpu.memory_space<vmem>> -> memref<1x80xi32, #tpu.memory_space<vmem>>
        %dma_start3A_155 = tpu.memref_squeeze %dma_start3A_154 : memref<1x80xi32, #tpu.memory_space<vmem>> -> memref<80xi32, #tpu.memory_space<vmem>>
        %dma_start3A_156 = arith.constant 0 : i32
        %dma_start3A_157 = arith.constant 0 : i32
        %dma_start3A_158 = tpu.memref_slice %arg2[%dma_start3A_156, %dma_start3A_157] : memref<10000x128xf32, #tpu.memory_space<hbm>> -> memref<10000x128xf32, #tpu.memory_space<hbm>>
        tpu.enqueue_indirect_dma source(%dma_start3A_158 : memref<10000x128xf32, #tpu.memory_space<hbm>>) target(%arg9 : memref<80x128xf32, #tpu.memory_space<vmem>>) offsets(%dma_start3A_155 : memref<80xi32, #tpu.memory_space<vmem>>) semaphore(%run_scoped3A : memref<!tpu.dma_semaphore, #tpu.memory_space<semaphore_mem>>)
        %dma_start3A_159 = arith.constant 4 : i32
        %dma_start3A_160 = arith.constant 0 : i32
        %dma_start3A_161 = tpu.memref_slice %arg8[%dma_start3A_159, %dma_start3A_160] : memref<25x80xi32, #tpu.memory_space<vmem>> -> memref<1x80xi32, #tpu.memory_space<vmem>>
        %dma_start3A_162 = tpu.memref_squeeze %dma_start3A_161 : memref<1x80xi32, #tpu.memory_space<vmem>> -> memref<80xi32, #tpu.memory_space<vmem>>
        %dma_start3A_163 = arith.constant 0 : i32
        %dma_start3A_164 = arith.constant 0 : i32
        %dma_start3A_165 = tpu.memref_slice %arg12[%dma_start3A_163, %dma_start3A_164] : memref<10240x128xf32, #tpu.memory_space<vmem_shared>> -> memref<10240x128xf32, #tpu.memory_space<vmem_shared>>
        tpu.enqueue_indirect_dma source(%arg10 : memref<80x128xf32, #tpu.memory_space<vmem>>) target(%dma_start3A_165 : memref<10240x128xf32, #tpu.memory_space<vmem_shared>>) offsets(%dma_start3A_162 : memref<80xi32, #tpu.memory_space<vmem>>) semaphore(%run_scoped3A_13 : memref<!tpu.dma_semaphore, #tpu.memory_space<semaphore_mem>>) {add = true}
        %dma_wait3A_166 = arith.constant 5 : i32
        %dma_wait3A_167 = arith.constant 0 : i32
        %dma_wait3A_168 = tpu.memref_slice %arg7[%dma_wait3A_166, %dma_wait3A_167] : memref<25x80xi32, #tpu.memory_space<vmem>> -> memref<1x80xi32, #tpu.memory_space<vmem>>
        %dma_wait3A_169 = tpu.memref_squeeze %dma_wait3A_168 : memref<1x80xi32, #tpu.memory_space<vmem>> -> memref<80xi32, #tpu.memory_space<vmem>>
        %dma_wait3A_170 = arith.constant 0 : i32
        %dma_wait3A_171 = arith.constant 0 : i32
        %dma_wait3A_172 = tpu.memref_slice %arg2[%dma_wait3A_170, %dma_wait3A_171] : memref<10000x128xf32, #tpu.memory_space<hbm>> -> memref<10000x128xf32, #tpu.memory_space<hbm>>
        tpu.wait_indirect_dma semaphore(%run_scoped3A : memref<!tpu.dma_semaphore, #tpu.memory_space<semaphore_mem>>) src(%dma_wait3A_172 : memref<10000x128xf32, #tpu.memory_space<hbm>>) dst(%arg11 : memref<80x128xf32, #tpu.memory_space<vmem>>)
        %dma_wait3A_173 = arith.constant 4 : i32
        %dma_wait3A_174 = arith.constant 0 : i32
        %dma_wait3A_175 = tpu.memref_slice %arg8[%dma_wait3A_173, %dma_wait3A_174] : memref<25x80xi32, #tpu.memory_space<vmem>> -> memref<1x80xi32, #tpu.memory_space<vmem>>
        %dma_wait3A_176 = tpu.memref_squeeze %dma_wait3A_175 : memref<1x80xi32, #tpu.memory_space<vmem>> -> memref<80xi32, #tpu.memory_space<vmem>>
        %dma_wait3A_177 = arith.constant 0 : i32
        %dma_wait3A_178 = arith.constant 0 : i32
        %dma_wait3A_179 = tpu.memref_slice %arg12[%dma_wait3A_177, %dma_wait3A_178] : memref<10240x128xf32, #tpu.memory_space<vmem_shared>> -> memref<10240x128xf32, #tpu.memory_space<vmem_shared>>
        tpu.wait_indirect_dma semaphore(%run_scoped3A_13 : memref<!tpu.dma_semaphore, #tpu.memory_space<semaphore_mem>>) src(%arg10 : memref<80x128xf32, #tpu.memory_space<vmem>>) dst(%dma_wait3A_179 : memref<10240x128xf32, #tpu.memory_space<vmem_shared>>)
        %dma_start3A_180 = arith.constant 7 : i32
        %dma_start3A_181 = arith.constant 0 : i32
        %dma_start3A_182 = tpu.memref_slice %arg7[%dma_start3A_180, %dma_start3A_181] : memref<25x80xi32, #tpu.memory_space<vmem>> -> memref<1x80xi32, #tpu.memory_space<vmem>>
        %dma_start3A_183 = tpu.memref_squeeze %dma_start3A_182 : memref<1x80xi32, #tpu.memory_space<vmem>> -> memref<80xi32, #tpu.memory_space<vmem>>
        %dma_start3A_184 = arith.constant 0 : i32
        %dma_start3A_185 = arith.constant 0 : i32
        %dma_start3A_186 = tpu.memref_slice %arg2[%dma_start3A_184, %dma_start3A_185] : memref<10000x128xf32, #tpu.memory_space<hbm>> -> memref<10000x128xf32, #tpu.memory_space<hbm>>
        tpu.enqueue_indirect_dma source(%dma_start3A_186 : memref<10000x128xf32, #tpu.memory_space<hbm>>) target(%arg10 : memref<80x128xf32, #tpu.memory_space<vmem>>) offsets(%dma_start3A_183 : memref<80xi32, #tpu.memory_space<vmem>>) semaphore(%run_scoped3A : memref<!tpu.dma_semaphore, #tpu.memory_space<semaphore_mem>>)
        %dma_start3A_187 = arith.constant 5 : i32
        %dma_start3A_188 = arith.constant 0 : i32
        %dma_start3A_189 = tpu.memref_slice %arg8[%dma_start3A_187, %dma_start3A_188] : memref<25x80xi32, #tpu.memory_space<vmem>> -> memref<1x80xi32, #tpu.memory_space<vmem>>
        %dma_start3A_190 = tpu.memref_squeeze %dma_start3A_189 : memref<1x80xi32, #tpu.memory_space<vmem>> -> memref<80xi32, #tpu.memory_space<vmem>>
        %dma_start3A_191 = arith.constant 0 : i32
        %dma_start3A_192 = arith.constant 0 : i32
        %dma_start3A_193 = tpu.memref_slice %arg12[%dma_start3A_191, %dma_start3A_192] : memref<10240x128xf32, #tpu.memory_space<vmem_shared>> -> memref<10240x128xf32, #tpu.memory_space<vmem_shared>>
        tpu.enqueue_indirect_dma source(%arg11 : memref<80x128xf32, #tpu.memory_space<vmem>>) target(%dma_start3A_193 : memref<10240x128xf32, #tpu.memory_space<vmem_shared>>) offsets(%dma_start3A_190 : memref<80xi32, #tpu.memory_space<vmem>>) semaphore(%run_scoped3A_13 : memref<!tpu.dma_semaphore, #tpu.memory_space<semaphore_mem>>) {add = true}
        %dma_wait3A_194 = arith.constant 6 : i32
        %dma_wait3A_195 = arith.constant 0 : i32
        %dma_wait3A_196 = tpu.memref_slice %arg7[%dma_wait3A_194, %dma_wait3A_195] : memref<25x80xi32, #tpu.memory_space<vmem>> -> memref<1x80xi32, #tpu.memory_space<vmem>>
        %dma_wait3A_197 = tpu.memref_squeeze %dma_wait3A_196 : memref<1x80xi32, #tpu.memory_space<vmem>> -> memref<80xi32, #tpu.memory_space<vmem>>
        %dma_wait3A_198 = arith.constant 0 : i32
        %dma_wait3A_199 = arith.constant 0 : i32
        %dma_wait3A_200 = tpu.memref_slice %arg2[%dma_wait3A_198, %dma_wait3A_199] : memref<10000x128xf32, #tpu.memory_space<hbm>> -> memref<10000x128xf32, #tpu.memory_space<hbm>>
        tpu.wait_indirect_dma semaphore(%run_scoped3A : memref<!tpu.dma_semaphore, #tpu.memory_space<semaphore_mem>>) src(%dma_wait3A_200 : memref<10000x128xf32, #tpu.memory_space<hbm>>) dst(%arg9 : memref<80x128xf32, #tpu.memory_space<vmem>>)
        %dma_wait3A_201 = arith.constant 5 : i32
        %dma_wait3A_202 = arith.constant 0 : i32
        %dma_wait3A_203 = tpu.memref_slice %arg8[%dma_wait3A_201, %dma_wait3A_202] : memref<25x80xi32, #tpu.memory_space<vmem>> -> memref<1x80xi32, #tpu.memory_space<vmem>>
        %dma_wait3A_204 = tpu.memref_squeeze %dma_wait3A_203 : memref<1x80xi32, #tpu.memory_space<vmem>> -> memref<80xi32, #tpu.memory_space<vmem>>
        %dma_wait3A_205 = arith.constant 0 : i32
        %dma_wait3A_206 = arith.constant 0 : i32
        %dma_wait3A_207 = tpu.memref_slice %arg12[%dma_wait3A_205, %dma_wait3A_206] : memref<10240x128xf32, #tpu.memory_space<vmem_shared>> -> memref<10240x128xf32, #tpu.memory_space<vmem_shared>>
        tpu.wait_indirect_dma semaphore(%run_scoped3A_13 : memref<!tpu.dma_semaphore, #tpu.memory_space<semaphore_mem>>) src(%arg11 : memref<80x128xf32, #tpu.memory_space<vmem>>) dst(%dma_wait3A_207 : memref<10240x128xf32, #tpu.memory_space<vmem_shared>>)
        %dma_start3A_208 = arith.constant 8 : i32
        %dma_start3A_209 = arith.constant 0 : i32
        %dma_start3A_210 = tpu.memref_slice %arg7[%dma_start3A_208, %dma_start3A_209] : memref<25x80xi32, #tpu.memory_space<vmem>> -> memref<1x80xi32, #tpu.memory_space<vmem>>
        %dma_start3A_211 = tpu.memref_squeeze %dma_start3A_210 : memref<1x80xi32, #tpu.memory_space<vmem>> -> memref<80xi32, #tpu.memory_space<vmem>>
        %dma_start3A_212 = arith.constant 0 : i32
        %dma_start3A_213 = arith.constant 0 : i32
        %dma_start3A_214 = tpu.memref_slice %arg2[%dma_start3A_212, %dma_start3A_213] : memref<10000x128xf32, #tpu.memory_space<hbm>> -> memref<10000x128xf32, #tpu.memory_space<hbm>>
        tpu.enqueue_indirect_dma source(%dma_start3A_214 : memref<10000x128xf32, #tpu.memory_space<hbm>>) target(%arg11 : memref<80x128xf32, #tpu.memory_space<vmem>>) offsets(%dma_start3A_211 : memref<80xi32, #tpu.memory_space<vmem>>) semaphore(%run_scoped3A : memref<!tpu.dma_semaphore, #tpu.memory_space<semaphore_mem>>)
        %dma_start3A_215 = arith.constant 6 : i32
        %dma_start3A_216 = arith.constant 0 : i32
        %dma_start3A_217 = tpu.memref_slice %arg8[%dma_start3A_215, %dma_start3A_216] : memref<25x80xi32, #tpu.memory_space<vmem>> -> memref<1x80xi32, #tpu.memory_space<vmem>>
        %dma_start3A_218 = tpu.memref_squeeze %dma_start3A_217 : memref<1x80xi32, #tpu.memory_space<vmem>> -> memref<80xi32, #tpu.memory_space<vmem>>
        %dma_start3A_219 = arith.constant 0 : i32
        %dma_start3A_220 = arith.constant 0 : i32
        %dma_start3A_221 = tpu.memref_slice %arg12[%dma_start3A_219, %dma_start3A_220] : memref<10240x128xf32, #tpu.memory_space<vmem_shared>> -> memref<10240x128xf32, #tpu.memory_space<vmem_shared>>
        tpu.enqueue_indirect_dma source(%arg9 : memref<80x128xf32, #tpu.memory_space<vmem>>) target(%dma_start3A_221 : memref<10240x128xf32, #tpu.memory_space<vmem_shared>>) offsets(%dma_start3A_218 : memref<80xi32, #tpu.memory_space<vmem>>) semaphore(%run_scoped3A_13 : memref<!tpu.dma_semaphore, #tpu.memory_space<semaphore_mem>>) {add = true}
        %dma_wait3A_222 = arith.constant 7 : i32
        %dma_wait3A_223 = arith.constant 0 : i32
        %dma_wait3A_224 = tpu.memref_slice %arg7[%dma_wait3A_222, %dma_wait3A_223] : memref<25x80xi32, #tpu.memory_space<vmem>> -> memref<1x80xi32, #tpu.memory_space<vmem>>
        %dma_wait3A_225 = tpu.memref_squeeze %dma_wait3A_224 : memref<1x80xi32, #tpu.memory_space<vmem>> -> memref<80xi32, #tpu.memory_space<vmem>>
        %dma_wait3A_226 = arith.constant 0 : i32
        %dma_wait3A_227 = arith.constant 0 : i32
        %dma_wait3A_228 = tpu.memref_slice %arg2[%dma_wait3A_226, %dma_wait3A_227] : memref<10000x128xf32, #tpu.memory_space<hbm>> -> memref<10000x128xf32, #tpu.memory_space<hbm>>
        tpu.wait_indirect_dma semaphore(%run_scoped3A : memref<!tpu.dma_semaphore, #tpu.memory_space<semaphore_mem>>) src(%dma_wait3A_228 : memref<10000x128xf32, #tpu.memory_space<hbm>>) dst(%arg10 : memref<80x128xf32, #tpu.memory_space<vmem>>)
        %dma_wait3A_229 = arith.constant 6 : i32
        %dma_wait3A_230 = arith.constant 0 : i32
        %dma_wait3A_231 = tpu.memref_slice %arg8[%dma_wait3A_229, %dma_wait3A_230] : memref<25x80xi32, #tpu.memory_space<vmem>> -> memref<1x80xi32, #tpu.memory_space<vmem>>
        %dma_wait3A_232 = tpu.memref_squeeze %dma_wait3A_231 : memref<1x80xi32, #tpu.memory_space<vmem>> -> memref<80xi32, #tpu.memory_space<vmem>>
        %dma_wait3A_233 = arith.constant 0 : i32
        %dma_wait3A_234 = arith.constant 0 : i32
        %dma_wait3A_235 = tpu.memref_slice %arg12[%dma_wait3A_233, %dma_wait3A_234] : memref<10240x128xf32, #tpu.memory_space<vmem_shared>> -> memref<10240x128xf32, #tpu.memory_space<vmem_shared>>
        tpu.wait_indirect_dma semaphore(%run_scoped3A_13 : memref<!tpu.dma_semaphore, #tpu.memory_space<semaphore_mem>>) src(%arg9 : memref<80x128xf32, #tpu.memory_space<vmem>>) dst(%dma_wait3A_235 : memref<10240x128xf32, #tpu.memory_space<vmem_shared>>)
        %dma_start3A_236 = arith.constant 9 : i32
        %dma_start3A_237 = arith.constant 0 : i32
        %dma_start3A_238 = tpu.memref_slice %arg7[%dma_start3A_236, %dma_start3A_237] : memref<25x80xi32, #tpu.memory_space<vmem>> -> memref<1x80xi32, #tpu.memory_space<vmem>>
        %dma_start3A_239 = tpu.memref_squeeze %dma_start3A_238 : memref<1x80xi32, #tpu.memory_space<vmem>> -> memref<80xi32, #tpu.memory_space<vmem>>
        %dma_start3A_240 = arith.constant 0 : i32
        %dma_start3A_241 = arith.constant 0 : i32
        %dma_start3A_242 = tpu.memref_slice %arg2[%dma_start3A_240, %dma_start3A_241] : memref<10000x128xf32, #tpu.memory_space<hbm>> -> memref<10000x128xf32, #tpu.memory_space<hbm>>
        tpu.enqueue_indirect_dma source(%dma_start3A_242 : memref<10000x128xf32, #tpu.memory_space<hbm>>) target(%arg9 : memref<80x128xf32, #tpu.memory_space<vmem>>) offsets(%dma_start3A_239 : memref<80xi32, #tpu.memory_space<vmem>>) semaphore(%run_scoped3A : memref<!tpu.dma_semaphore, #tpu.memory_space<semaphore_mem>>)
        %dma_start3A_243 = arith.constant 7 : i32
        %dma_start3A_244 = arith.constant 0 : i32
        %dma_start3A_245 = tpu.memref_slice %arg8[%dma_start3A_243, %dma_start3A_244] : memref<25x80xi32, #tpu.memory_space<vmem>> -> memref<1x80xi32, #tpu.memory_space<vmem>>
        %dma_start3A_246 = tpu.memref_squeeze %dma_start3A_245 : memref<1x80xi32, #tpu.memory_space<vmem>> -> memref<80xi32, #tpu.memory_space<vmem>>
        %dma_start3A_247 = arith.constant 0 : i32
        %dma_start3A_248 = arith.constant 0 : i32
        %dma_start3A_249 = tpu.memref_slice %arg12[%dma_start3A_247, %dma_start3A_248] : memref<10240x128xf32, #tpu.memory_space<vmem_shared>> -> memref<10240x128xf32, #tpu.memory_space<vmem_shared>>
        tpu.enqueue_indirect_dma source(%arg10 : memref<80x128xf32, #tpu.memory_space<vmem>>) target(%dma_start3A_249 : memref<10240x128xf32, #tpu.memory_space<vmem_shared>>) offsets(%dma_start3A_246 : memref<80xi32, #tpu.memory_space<vmem>>) semaphore(%run_scoped3A_13 : memref<!tpu.dma_semaphore, #tpu.memory_space<semaphore_mem>>) {add = true}
        %dma_wait3A_250 = arith.constant 8 : i32
        %dma_wait3A_251 = arith.constant 0 : i32
        %dma_wait3A_252 = tpu.memref_slice %arg7[%dma_wait3A_250, %dma_wait3A_251] : memref<25x80xi32, #tpu.memory_space<vmem>> -> memref<1x80xi32, #tpu.memory_space<vmem>>
        %dma_wait3A_253 = tpu.memref_squeeze %dma_wait3A_252 : memref<1x80xi32, #tpu.memory_space<vmem>> -> memref<80xi32, #tpu.memory_space<vmem>>
        %dma_wait3A_254 = arith.constant 0 : i32
        %dma_wait3A_255 = arith.constant 0 : i32
        %dma_wait3A_256 = tpu.memref_slice %arg2[%dma_wait3A_254, %dma_wait3A_255] : memref<10000x128xf32, #tpu.memory_space<hbm>> -> memref<10000x128xf32, #tpu.memory_space<hbm>>
        tpu.wait_indirect_dma semaphore(%run_scoped3A : memref<!tpu.dma_semaphore, #tpu.memory_space<semaphore_mem>>) src(%dma_wait3A_256 : memref<10000x128xf32, #tpu.memory_space<hbm>>) dst(%arg11 : memref<80x128xf32, #tpu.memory_space<vmem>>)
        %dma_wait3A_257 = arith.constant 7 : i32
        %dma_wait3A_258 = arith.constant 0 : i32
        %dma_wait3A_259 = tpu.memref_slice %arg8[%dma_wait3A_257, %dma_wait3A_258] : memref<25x80xi32, #tpu.memory_space<vmem>> -> memref<1x80xi32, #tpu.memory_space<vmem>>
        %dma_wait3A_260 = tpu.memref_squeeze %dma_wait3A_259 : memref<1x80xi32, #tpu.memory_space<vmem>> -> memref<80xi32, #tpu.memory_space<vmem>>
        %dma_wait3A_261 = arith.constant 0 : i32
        %dma_wait3A_262 = arith.constant 0 : i32
        %dma_wait3A_263 = tpu.memref_slice %arg12[%dma_wait3A_261, %dma_wait3A_262] : memref<10240x128xf32, #tpu.memory_space<vmem_shared>> -> memref<10240x128xf32, #tpu.memory_space<vmem_shared>>
        tpu.wait_indirect_dma semaphore(%run_scoped3A_13 : memref<!tpu.dma_semaphore, #tpu.memory_space<semaphore_mem>>) src(%arg10 : memref<80x128xf32, #tpu.memory_space<vmem>>) dst(%dma_wait3A_263 : memref<10240x128xf32, #tpu.memory_space<vmem_shared>>)
        %dma_start3A_264 = arith.constant 10 : i32
        %dma_start3A_265 = arith.constant 0 : i32
        %dma_start3A_266 = tpu.memref_slice %arg7[%dma_start3A_264, %dma_start3A_265] : memref<25x80xi32, #tpu.memory_space<vmem>> -> memref<1x80xi32, #tpu.memory_space<vmem>>
        %dma_start3A_267 = tpu.memref_squeeze %dma_start3A_266 : memref<1x80xi32, #tpu.memory_space<vmem>> -> memref<80xi32, #tpu.memory_space<vmem>>
        %dma_start3A_268 = arith.constant 0 : i32
        %dma_start3A_269 = arith.constant 0 : i32
        %dma_start3A_270 = tpu.memref_slice %arg2[%dma_start3A_268, %dma_start3A_269] : memref<10000x128xf32, #tpu.memory_space<hbm>> -> memref<10000x128xf32, #tpu.memory_space<hbm>>
        tpu.enqueue_indirect_dma source(%dma_start3A_270 : memref<10000x128xf32, #tpu.memory_space<hbm>>) target(%arg10 : memref<80x128xf32, #tpu.memory_space<vmem>>) offsets(%dma_start3A_267 : memref<80xi32, #tpu.memory_space<vmem>>) semaphore(%run_scoped3A : memref<!tpu.dma_semaphore, #tpu.memory_space<semaphore_mem>>)
        %dma_start3A_271 = arith.constant 8 : i32
        %dma_start3A_272 = arith.constant 0 : i32
        %dma_start3A_273 = tpu.memref_slice %arg8[%dma_start3A_271, %dma_start3A_272] : memref<25x80xi32, #tpu.memory_space<vmem>> -> memref<1x80xi32, #tpu.memory_space<vmem>>
        %dma_start3A_274 = tpu.memref_squeeze %dma_start3A_273 : memref<1x80xi32, #tpu.memory_space<vmem>> -> memref<80xi32, #tpu.memory_space<vmem>>
        %dma_start3A_275 = arith.constant 0 : i32
        %dma_start3A_276 = arith.constant 0 : i32
        %dma_start3A_277 = tpu.memref_slice %arg12[%dma_start3A_275, %dma_start3A_276] : memref<10240x128xf32, #tpu.memory_space<vmem_shared>> -> memref<10240x128xf32, #tpu.memory_space<vmem_shared>>
        tpu.enqueue_indirect_dma source(%arg11 : memref<80x128xf32, #tpu.memory_space<vmem>>) target(%dma_start3A_277 : memref<10240x128xf32, #tpu.memory_space<vmem_shared>>) offsets(%dma_start3A_274 : memref<80xi32, #tpu.memory_space<vmem>>) semaphore(%run_scoped3A_13 : memref<!tpu.dma_semaphore, #tpu.memory_space<semaphore_mem>>) {add = true}
        %dma_wait3A_278 = arith.constant 9 : i32
        %dma_wait3A_279 = arith.constant 0 : i32
        %dma_wait3A_280 = tpu.memref_slice %arg7[%dma_wait3A_278, %dma_wait3A_279] : memref<25x80xi32, #tpu.memory_space<vmem>> -> memref<1x80xi32, #tpu.memory_space<vmem>>
        %dma_wait3A_281 = tpu.memref_squeeze %dma_wait3A_280 : memref<1x80xi32, #tpu.memory_space<vmem>> -> memref<80xi32, #tpu.memory_space<vmem>>
        %dma_wait3A_282 = arith.constant 0 : i32
        %dma_wait3A_283 = arith.constant 0 : i32
        %dma_wait3A_284 = tpu.memref_slice %arg2[%dma_wait3A_282, %dma_wait3A_283] : memref<10000x128xf32, #tpu.memory_space<hbm>> -> memref<10000x128xf32, #tpu.memory_space<hbm>>
        tpu.wait_indirect_dma semaphore(%run_scoped3A : memref<!tpu.dma_semaphore, #tpu.memory_space<semaphore_mem>>) src(%dma_wait3A_284 : memref<10000x128xf32, #tpu.memory_space<hbm>>) dst(%arg9 : memref<80x128xf32, #tpu.memory_space<vmem>>)
        %dma_wait3A_285 = arith.constant 8 : i32
        %dma_wait3A_286 = arith.constant 0 : i32
        %dma_wait3A_287 = tpu.memref_slice %arg8[%dma_wait3A_285, %dma_wait3A_286] : memref<25x80xi32, #tpu.memory_space<vmem>> -> memref<1x80xi32, #tpu.memory_space<vmem>>
        %dma_wait3A_288 = tpu.memref_squeeze %dma_wait3A_287 : memref<1x80xi32, #tpu.memory_space<vmem>> -> memref<80xi32, #tpu.memory_space<vmem>>
        %dma_wait3A_289 = arith.constant 0 : i32
        %dma_wait3A_290 = arith.constant 0 : i32
        %dma_wait3A_291 = tpu.memref_slice %arg12[%dma_wait3A_289, %dma_wait3A_290] : memref<10240x128xf32, #tpu.memory_space<vmem_shared>> -> memref<10240x128xf32, #tpu.memory_space<vmem_shared>>
        tpu.wait_indirect_dma semaphore(%run_scoped3A_13 : memref<!tpu.dma_semaphore, #tpu.memory_space<semaphore_mem>>) src(%arg11 : memref<80x128xf32, #tpu.memory_space<vmem>>) dst(%dma_wait3A_291 : memref<10240x128xf32, #tpu.memory_space<vmem_shared>>)
        %dma_start3A_292 = arith.constant 11 : i32
        %dma_start3A_293 = arith.constant 0 : i32
        %dma_start3A_294 = tpu.memref_slice %arg7[%dma_start3A_292, %dma_start3A_293] : memref<25x80xi32, #tpu.memory_space<vmem>> -> memref<1x80xi32, #tpu.memory_space<vmem>>
        %dma_start3A_295 = tpu.memref_squeeze %dma_start3A_294 : memref<1x80xi32, #tpu.memory_space<vmem>> -> memref<80xi32, #tpu.memory_space<vmem>>
        %dma_start3A_296 = arith.constant 0 : i32
        %dma_start3A_297 = arith.constant 0 : i32
        %dma_start3A_298 = tpu.memref_slice %arg2[%dma_start3A_296, %dma_start3A_297] : memref<10000x128xf32, #tpu.memory_space<hbm>> -> memref<10000x128xf32, #tpu.memory_space<hbm>>
        tpu.enqueue_indirect_dma source(%dma_start3A_298 : memref<10000x128xf32, #tpu.memory_space<hbm>>) target(%arg11 : memref<80x128xf32, #tpu.memory_space<vmem>>) offsets(%dma_start3A_295 : memref<80xi32, #tpu.memory_space<vmem>>) semaphore(%run_scoped3A : memref<!tpu.dma_semaphore, #tpu.memory_space<semaphore_mem>>)
        %dma_start3A_299 = arith.constant 9 : i32
        %dma_start3A_300 = arith.constant 0 : i32
        %dma_start3A_301 = tpu.memref_slice %arg8[%dma_start3A_299, %dma_start3A_300] : memref<25x80xi32, #tpu.memory_space<vmem>> -> memref<1x80xi32, #tpu.memory_space<vmem>>
        %dma_start3A_302 = tpu.memref_squeeze %dma_start3A_301 : memref<1x80xi32, #tpu.memory_space<vmem>> -> memref<80xi32, #tpu.memory_space<vmem>>
        %dma_start3A_303 = arith.constant 0 : i32
        %dma_start3A_304 = arith.constant 0 : i32
        %dma_start3A_305 = tpu.memref_slice %arg12[%dma_start3A_303, %dma_start3A_304] : memref<10240x128xf32, #tpu.memory_space<vmem_shared>> -> memref<10240x128xf32, #tpu.memory_space<vmem_shared>>
        tpu.enqueue_indirect_dma source(%arg9 : memref<80x128xf32, #tpu.memory_space<vmem>>) target(%dma_start3A_305 : memref<10240x128xf32, #tpu.memory_space<vmem_shared>>) offsets(%dma_start3A_302 : memref<80xi32, #tpu.memory_space<vmem>>) semaphore(%run_scoped3A_13 : memref<!tpu.dma_semaphore, #tpu.memory_space<semaphore_mem>>) {add = true}
        %dma_wait3A_306 = arith.constant 10 : i32
        %dma_wait3A_307 = arith.constant 0 : i32
        %dma_wait3A_308 = tpu.memref_slice %arg7[%dma_wait3A_306, %dma_wait3A_307] : memref<25x80xi32, #tpu.memory_space<vmem>> -> memref<1x80xi32, #tpu.memory_space<vmem>>
        %dma_wait3A_309 = tpu.memref_squeeze %dma_wait3A_308 : memref<1x80xi32, #tpu.memory_space<vmem>> -> memref<80xi32, #tpu.memory_space<vmem>>
        %dma_wait3A_310 = arith.constant 0 : i32
        %dma_wait3A_311 = arith.constant 0 : i32
        %dma_wait3A_312 = tpu.memref_slice %arg2[%dma_wait3A_310, %dma_wait3A_311] : memref<10000x128xf32, #tpu.memory_space<hbm>> -> memref<10000x128xf32, #tpu.memory_space<hbm>>
        tpu.wait_indirect_dma semaphore(%run_scoped3A : memref<!tpu.dma_semaphore, #tpu.memory_space<semaphore_mem>>) src(%dma_wait3A_312 : memref<10000x128xf32, #tpu.memory_space<hbm>>) dst(%arg10 : memref<80x128xf32, #tpu.memory_space<vmem>>)
        %dma_wait3A_313 = arith.constant 9 : i32
        %dma_wait3A_314 = arith.constant 0 : i32
        %dma_wait3A_315 = tpu.memref_slice %arg8[%dma_wait3A_313, %dma_wait3A_314] : memref<25x80xi32, #tpu.memory_space<vmem>> -> memref<1x80xi32, #tpu.memory_space<vmem>>
        %dma_wait3A_316 = tpu.memref_squeeze %dma_wait3A_315 : memref<1x80xi32, #tpu.memory_space<vmem>> -> memref<80xi32, #tpu.memory_space<vmem>>
        %dma_wait3A_317 = arith.constant 0 : i32
        %dma_wait3A_318 = arith.constant 0 : i32
        %dma_wait3A_319 = tpu.memref_slice %arg12[%dma_wait3A_317, %dma_wait3A_318] : memref<10240x128xf32, #tpu.memory_space<vmem_shared>> -> memref<10240x128xf32, #tpu.memory_space<vmem_shared>>
        tpu.wait_indirect_dma semaphore(%run_scoped3A_13 : memref<!tpu.dma_semaphore, #tpu.memory_space<semaphore_mem>>) src(%arg9 : memref<80x128xf32, #tpu.memory_space<vmem>>) dst(%dma_wait3A_319 : memref<10240x128xf32, #tpu.memory_space<vmem_shared>>)
        %dma_start3A_320 = arith.constant 12 : i32
        %dma_start3A_321 = arith.constant 0 : i32
        %dma_start3A_322 = tpu.memref_slice %arg7[%dma_start3A_320, %dma_start3A_321] : memref<25x80xi32, #tpu.memory_space<vmem>> -> memref<1x80xi32, #tpu.memory_space<vmem>>
        %dma_start3A_323 = tpu.memref_squeeze %dma_start3A_322 : memref<1x80xi32, #tpu.memory_space<vmem>> -> memref<80xi32, #tpu.memory_space<vmem>>
        %dma_start3A_324 = arith.constant 0 : i32
        %dma_start3A_325 = arith.constant 0 : i32
        %dma_start3A_326 = tpu.memref_slice %arg2[%dma_start3A_324, %dma_start3A_325] : memref<10000x128xf32, #tpu.memory_space<hbm>> -> memref<10000x128xf32, #tpu.memory_space<hbm>>
        tpu.enqueue_indirect_dma source(%dma_start3A_326 : memref<10000x128xf32, #tpu.memory_space<hbm>>) target(%arg9 : memref<80x128xf32, #tpu.memory_space<vmem>>) offsets(%dma_start3A_323 : memref<80xi32, #tpu.memory_space<vmem>>) semaphore(%run_scoped3A : memref<!tpu.dma_semaphore, #tpu.memory_space<semaphore_mem>>)
        %dma_start3A_327 = arith.constant 10 : i32
        %dma_start3A_328 = arith.constant 0 : i32
        %dma_start3A_329 = tpu.memref_slice %arg8[%dma_start3A_327, %dma_start3A_328] : memref<25x80xi32, #tpu.memory_space<vmem>> -> memref<1x80xi32, #tpu.memory_space<vmem>>
        %dma_start3A_330 = tpu.memref_squeeze %dma_start3A_329 : memref<1x80xi32, #tpu.memory_space<vmem>> -> memref<80xi32, #tpu.memory_space<vmem>>
        %dma_start3A_331 = arith.constant 0 : i32
        %dma_start3A_332 = arith.constant 0 : i32
        %dma_start3A_333 = tpu.memref_slice %arg12[%dma_start3A_331, %dma_start3A_332] : memref<10240x128xf32, #tpu.memory_space<vmem_shared>> -> memref<10240x128xf32, #tpu.memory_space<vmem_shared>>
        tpu.enqueue_indirect_dma source(%arg10 : memref<80x128xf32, #tpu.memory_space<vmem>>) target(%dma_start3A_333 : memref<10240x128xf32, #tpu.memory_space<vmem_shared>>) offsets(%dma_start3A_330 : memref<80xi32, #tpu.memory_space<vmem>>) semaphore(%run_scoped3A_13 : memref<!tpu.dma_semaphore, #tpu.memory_space<semaphore_mem>>) {add = true}
        %dma_wait3A_334 = arith.constant 11 : i32
        %dma_wait3A_335 = arith.constant 0 : i32
        %dma_wait3A_336 = tpu.memref_slice %arg7[%dma_wait3A_334, %dma_wait3A_335] : memref<25x80xi32, #tpu.memory_space<vmem>> -> memref<1x80xi32, #tpu.memory_space<vmem>>
        %dma_wait3A_337 = tpu.memref_squeeze %dma_wait3A_336 : memref<1x80xi32, #tpu.memory_space<vmem>> -> memref<80xi32, #tpu.memory_space<vmem>>
        %dma_wait3A_338 = arith.constant 0 : i32
        %dma_wait3A_339 = arith.constant 0 : i32
        %dma_wait3A_340 = tpu.memref_slice %arg2[%dma_wait3A_338, %dma_wait3A_339] : memref<10000x128xf32, #tpu.memory_space<hbm>> -> memref<10000x128xf32, #tpu.memory_space<hbm>>
        tpu.wait_indirect_dma semaphore(%run_scoped3A : memref<!tpu.dma_semaphore, #tpu.memory_space<semaphore_mem>>) src(%dma_wait3A_340 : memref<10000x128xf32, #tpu.memory_space<hbm>>) dst(%arg11 : memref<80x128xf32, #tpu.memory_space<vmem>>)
        %dma_wait3A_341 = arith.constant 10 : i32
        %dma_wait3A_342 = arith.constant 0 : i32
        %dma_wait3A_343 = tpu.memref_slice %arg8[%dma_wait3A_341, %dma_wait3A_342] : memref<25x80xi32, #tpu.memory_space<vmem>> -> memref<1x80xi32, #tpu.memory_space<vmem>>
        %dma_wait3A_344 = tpu.memref_squeeze %dma_wait3A_343 : memref<1x80xi32, #tpu.memory_space<vmem>> -> memref<80xi32, #tpu.memory_space<vmem>>
        %dma_wait3A_345 = arith.constant 0 : i32
        %dma_wait3A_346 = arith.constant 0 : i32
        %dma_wait3A_347 = tpu.memref_slice %arg12[%dma_wait3A_345, %dma_wait3A_346] : memref<10240x128xf32, #tpu.memory_space<vmem_shared>> -> memref<10240x128xf32, #tpu.memory_space<vmem_shared>>
        tpu.wait_indirect_dma semaphore(%run_scoped3A_13 : memref<!tpu.dma_semaphore, #tpu.memory_space<semaphore_mem>>) src(%arg10 : memref<80x128xf32, #tpu.memory_space<vmem>>) dst(%dma_wait3A_347 : memref<10240x128xf32, #tpu.memory_space<vmem_shared>>)
        %dma_start3A_348 = arith.constant 13 : i32
        %dma_start3A_349 = arith.constant 0 : i32
        %dma_start3A_350 = tpu.memref_slice %arg7[%dma_start3A_348, %dma_start3A_349] : memref<25x80xi32, #tpu.memory_space<vmem>> -> memref<1x80xi32, #tpu.memory_space<vmem>>
        %dma_start3A_351 = tpu.memref_squeeze %dma_start3A_350 : memref<1x80xi32, #tpu.memory_space<vmem>> -> memref<80xi32, #tpu.memory_space<vmem>>
        %dma_start3A_352 = arith.constant 0 : i32
        %dma_start3A_353 = arith.constant 0 : i32
        %dma_start3A_354 = tpu.memref_slice %arg2[%dma_start3A_352, %dma_start3A_353] : memref<10000x128xf32, #tpu.memory_space<hbm>> -> memref<10000x128xf32, #tpu.memory_space<hbm>>
        tpu.enqueue_indirect_dma source(%dma_start3A_354 : memref<10000x128xf32, #tpu.memory_space<hbm>>) target(%arg10 : memref<80x128xf32, #tpu.memory_space<vmem>>) offsets(%dma_start3A_351 : memref<80xi32, #tpu.memory_space<vmem>>) semaphore(%run_scoped3A : memref<!tpu.dma_semaphore, #tpu.memory_space<semaphore_mem>>)
        %dma_start3A_355 = arith.constant 11 : i32
        %dma_start3A_356 = arith.constant 0 : i32
        %dma_start3A_357 = tpu.memref_slice %arg8[%dma_start3A_355, %dma_start3A_356] : memref<25x80xi32, #tpu.memory_space<vmem>> -> memref<1x80xi32, #tpu.memory_space<vmem>>
        %dma_start3A_358 = tpu.memref_squeeze %dma_start3A_357 : memref<1x80xi32, #tpu.memory_space<vmem>> -> memref<80xi32, #tpu.memory_space<vmem>>
        %dma_start3A_359 = arith.constant 0 : i32
        %dma_start3A_360 = arith.constant 0 : i32
        %dma_start3A_361 = tpu.memref_slice %arg12[%dma_start3A_359, %dma_start3A_360] : memref<10240x128xf32, #tpu.memory_space<vmem_shared>> -> memref<10240x128xf32, #tpu.memory_space<vmem_shared>>
        tpu.enqueue_indirect_dma source(%arg11 : memref<80x128xf32, #tpu.memory_space<vmem>>) target(%dma_start3A_361 : memref<10240x128xf32, #tpu.memory_space<vmem_shared>>) offsets(%dma_start3A_358 : memref<80xi32, #tpu.memory_space<vmem>>) semaphore(%run_scoped3A_13 : memref<!tpu.dma_semaphore, #tpu.memory_space<semaphore_mem>>) {add = true}
        %dma_wait3A_362 = arith.constant 12 : i32
        %dma_wait3A_363 = arith.constant 0 : i32
        %dma_wait3A_364 = tpu.memref_slice %arg7[%dma_wait3A_362, %dma_wait3A_363] : memref<25x80xi32, #tpu.memory_space<vmem>> -> memref<1x80xi32, #tpu.memory_space<vmem>>
        %dma_wait3A_365 = tpu.memref_squeeze %dma_wait3A_364 : memref<1x80xi32, #tpu.memory_space<vmem>> -> memref<80xi32, #tpu.memory_space<vmem>>
        %dma_wait3A_366 = arith.constant 0 : i32
        %dma_wait3A_367 = arith.constant 0 : i32
        %dma_wait3A_368 = tpu.memref_slice %arg2[%dma_wait3A_366, %dma_wait3A_367] : memref<10000x128xf32, #tpu.memory_space<hbm>> -> memref<10000x128xf32, #tpu.memory_space<hbm>>
        tpu.wait_indirect_dma semaphore(%run_scoped3A : memref<!tpu.dma_semaphore, #tpu.memory_space<semaphore_mem>>) src(%dma_wait3A_368 : memref<10000x128xf32, #tpu.memory_space<hbm>>) dst(%arg9 : memref<80x128xf32, #tpu.memory_space<vmem>>)
        %dma_wait3A_369 = arith.constant 11 : i32
        %dma_wait3A_370 = arith.constant 0 : i32
        %dma_wait3A_371 = tpu.memref_slice %arg8[%dma_wait3A_369, %dma_wait3A_370] : memref<25x80xi32, #tpu.memory_space<vmem>> -> memref<1x80xi32, #tpu.memory_space<vmem>>
        %dma_wait3A_372 = tpu.memref_squeeze %dma_wait3A_371 : memref<1x80xi32, #tpu.memory_space<vmem>> -> memref<80xi32, #tpu.memory_space<vmem>>
        %dma_wait3A_373 = arith.constant 0 : i32
        %dma_wait3A_374 = arith.constant 0 : i32
        %dma_wait3A_375 = tpu.memref_slice %arg12[%dma_wait3A_373, %dma_wait3A_374] : memref<10240x128xf32, #tpu.memory_space<vmem_shared>> -> memref<10240x128xf32, #tpu.memory_space<vmem_shared>>
        tpu.wait_indirect_dma semaphore(%run_scoped3A_13 : memref<!tpu.dma_semaphore, #tpu.memory_space<semaphore_mem>>) src(%arg11 : memref<80x128xf32, #tpu.memory_space<vmem>>) dst(%dma_wait3A_375 : memref<10240x128xf32, #tpu.memory_space<vmem_shared>>)
        %dma_start3A_376 = arith.constant 14 : i32
        %dma_start3A_377 = arith.constant 0 : i32
        %dma_start3A_378 = tpu.memref_slice %arg7[%dma_start3A_376, %dma_start3A_377] : memref<25x80xi32, #tpu.memory_space<vmem>> -> memref<1x80xi32, #tpu.memory_space<vmem>>
        %dma_start3A_379 = tpu.memref_squeeze %dma_start3A_378 : memref<1x80xi32, #tpu.memory_space<vmem>> -> memref<80xi32, #tpu.memory_space<vmem>>
        %dma_start3A_380 = arith.constant 0 : i32
        %dma_start3A_381 = arith.constant 0 : i32
        %dma_start3A_382 = tpu.memref_slice %arg2[%dma_start3A_380, %dma_start3A_381] : memref<10000x128xf32, #tpu.memory_space<hbm>> -> memref<10000x128xf32, #tpu.memory_space<hbm>>
        tpu.enqueue_indirect_dma source(%dma_start3A_382 : memref<10000x128xf32, #tpu.memory_space<hbm>>) target(%arg11 : memref<80x128xf32, #tpu.memory_space<vmem>>) offsets(%dma_start3A_379 : memref<80xi32, #tpu.memory_space<vmem>>) semaphore(%run_scoped3A : memref<!tpu.dma_semaphore, #tpu.memory_space<semaphore_mem>>)
        %dma_start3A_383 = arith.constant 12 : i32
        %dma_start3A_384 = arith.constant 0 : i32
        %dma_start3A_385 = tpu.memref_slice %arg8[%dma_start3A_383, %dma_start3A_384] : memref<25x80xi32, #tpu.memory_space<vmem>> -> memref<1x80xi32, #tpu.memory_space<vmem>>
        %dma_start3A_386 = tpu.memref_squeeze %dma_start3A_385 : memref<1x80xi32, #tpu.memory_space<vmem>> -> memref<80xi32, #tpu.memory_space<vmem>>
        %dma_start3A_387 = arith.constant 0 : i32
        %dma_start3A_388 = arith.constant 0 : i32
        %dma_start3A_389 = tpu.memref_slice %arg12[%dma_start3A_387, %dma_start3A_388] : memref<10240x128xf32, #tpu.memory_space<vmem_shared>> -> memref<10240x128xf32, #tpu.memory_space<vmem_shared>>
        tpu.enqueue_indirect_dma source(%arg9 : memref<80x128xf32, #tpu.memory_space<vmem>>) target(%dma_start3A_389 : memref<10240x128xf32, #tpu.memory_space<vmem_shared>>) offsets(%dma_start3A_386 : memref<80xi32, #tpu.memory_space<vmem>>) semaphore(%run_scoped3A_13 : memref<!tpu.dma_semaphore, #tpu.memory_space<semaphore_mem>>) {add = true}
        %dma_wait3A_390 = arith.constant 13 : i32
        %dma_wait3A_391 = arith.constant 0 : i32
        %dma_wait3A_392 = tpu.memref_slice %arg7[%dma_wait3A_390, %dma_wait3A_391] : memref<25x80xi32, #tpu.memory_space<vmem>> -> memref<1x80xi32, #tpu.memory_space<vmem>>
        %dma_wait3A_393 = tpu.memref_squeeze %dma_wait3A_392 : memref<1x80xi32, #tpu.memory_space<vmem>> -> memref<80xi32, #tpu.memory_space<vmem>>
        %dma_wait3A_394 = arith.constant 0 : i32
        %dma_wait3A_395 = arith.constant 0 : i32
        %dma_wait3A_396 = tpu.memref_slice %arg2[%dma_wait3A_394, %dma_wait3A_395] : memref<10000x128xf32, #tpu.memory_space<hbm>> -> memref<10000x128xf32, #tpu.memory_space<hbm>>
        tpu.wait_indirect_dma semaphore(%run_scoped3A : memref<!tpu.dma_semaphore, #tpu.memory_space<semaphore_mem>>) src(%dma_wait3A_396 : memref<10000x128xf32, #tpu.memory_space<hbm>>) dst(%arg10 : memref<80x128xf32, #tpu.memory_space<vmem>>)
        %dma_wait3A_397 = arith.constant 12 : i32
        %dma_wait3A_398 = arith.constant 0 : i32
        %dma_wait3A_399 = tpu.memref_slice %arg8[%dma_wait3A_397, %dma_wait3A_398] : memref<25x80xi32, #tpu.memory_space<vmem>> -> memref<1x80xi32, #tpu.memory_space<vmem>>
        %dma_wait3A_400 = tpu.memref_squeeze %dma_wait3A_399 : memref<1x80xi32, #tpu.memory_space<vmem>> -> memref<80xi32, #tpu.memory_space<vmem>>
        %dma_wait3A_401 = arith.constant 0 : i32
        %dma_wait3A_402 = arith.constant 0 : i32
        %dma_wait3A_403 = tpu.memref_slice %arg12[%dma_wait3A_401, %dma_wait3A_402] : memref<10240x128xf32, #tpu.memory_space<vmem_shared>> -> memref<10240x128xf32, #tpu.memory_space<vmem_shared>>
        tpu.wait_indirect_dma semaphore(%run_scoped3A_13 : memref<!tpu.dma_semaphore, #tpu.memory_space<semaphore_mem>>) src(%arg9 : memref<80x128xf32, #tpu.memory_space<vmem>>) dst(%dma_wait3A_403 : memref<10240x128xf32, #tpu.memory_space<vmem_shared>>)
        %dma_start3A_404 = arith.constant 15 : i32
        %dma_start3A_405 = arith.constant 0 : i32
        %dma_start3A_406 = tpu.memref_slice %arg7[%dma_start3A_404, %dma_start3A_405] : memref<25x80xi32, #tpu.memory_space<vmem>> -> memref<1x80xi32, #tpu.memory_space<vmem>>
        %dma_start3A_407 = tpu.memref_squeeze %dma_start3A_406 : memref<1x80xi32, #tpu.memory_space<vmem>> -> memref<80xi32, #tpu.memory_space<vmem>>
        %dma_start3A_408 = arith.constant 0 : i32
        %dma_start3A_409 = arith.constant 0 : i32
        %dma_start3A_410 = tpu.memref_slice %arg2[%dma_start3A_408, %dma_start3A_409] : memref<10000x128xf32, #tpu.memory_space<hbm>> -> memref<10000x128xf32, #tpu.memory_space<hbm>>
        tpu.enqueue_indirect_dma source(%dma_start3A_410 : memref<10000x128xf32, #tpu.memory_space<hbm>>) target(%arg9 : memref<80x128xf32, #tpu.memory_space<vmem>>) offsets(%dma_start3A_407 : memref<80xi32, #tpu.memory_space<vmem>>) semaphore(%run_scoped3A : memref<!tpu.dma_semaphore, #tpu.memory_space<semaphore_mem>>)
        %dma_start3A_411 = arith.constant 13 : i32
        %dma_start3A_412 = arith.constant 0 : i32
        %dma_start3A_413 = tpu.memref_slice %arg8[%dma_start3A_411, %dma_start3A_412] : memref<25x80xi32, #tpu.memory_space<vmem>> -> memref<1x80xi32, #tpu.memory_space<vmem>>
        %dma_start3A_414 = tpu.memref_squeeze %dma_start3A_413 : memref<1x80xi32, #tpu.memory_space<vmem>> -> memref<80xi32, #tpu.memory_space<vmem>>
        %dma_start3A_415 = arith.constant 0 : i32
        %dma_start3A_416 = arith.constant 0 : i32
        %dma_start3A_417 = tpu.memref_slice %arg12[%dma_start3A_415, %dma_start3A_416] : memref<10240x128xf32, #tpu.memory_space<vmem_shared>> -> memref<10240x128xf32, #tpu.memory_space<vmem_shared>>
        tpu.enqueue_indirect_dma source(%arg10 : memref<80x128xf32, #tpu.memory_space<vmem>>) target(%dma_start3A_417 : memref<10240x128xf32, #tpu.memory_space<vmem_shared>>) offsets(%dma_start3A_414 : memref<80xi32, #tpu.memory_space<vmem>>) semaphore(%run_scoped3A_13 : memref<!tpu.dma_semaphore, #tpu.memory_space<semaphore_mem>>) {add = true}
        %dma_wait3A_418 = arith.constant 14 : i32
        %dma_wait3A_419 = arith.constant 0 : i32
        %dma_wait3A_420 = tpu.memref_slice %arg7[%dma_wait3A_418, %dma_wait3A_419] : memref<25x80xi32, #tpu.memory_space<vmem>> -> memref<1x80xi32, #tpu.memory_space<vmem>>
        %dma_wait3A_421 = tpu.memref_squeeze %dma_wait3A_420 : memref<1x80xi32, #tpu.memory_space<vmem>> -> memref<80xi32, #tpu.memory_space<vmem>>
        %dma_wait3A_422 = arith.constant 0 : i32
        %dma_wait3A_423 = arith.constant 0 : i32
        %dma_wait3A_424 = tpu.memref_slice %arg2[%dma_wait3A_422, %dma_wait3A_423] : memref<10000x128xf32, #tpu.memory_space<hbm>> -> memref<10000x128xf32, #tpu.memory_space<hbm>>
        tpu.wait_indirect_dma semaphore(%run_scoped3A : memref<!tpu.dma_semaphore, #tpu.memory_space<semaphore_mem>>) src(%dma_wait3A_424 : memref<10000x128xf32, #tpu.memory_space<hbm>>) dst(%arg11 : memref<80x128xf32, #tpu.memory_space<vmem>>)
        %dma_wait3A_425 = arith.constant 13 : i32
        %dma_wait3A_426 = arith.constant 0 : i32
        %dma_wait3A_427 = tpu.memref_slice %arg8[%dma_wait3A_425, %dma_wait3A_426] : memref<25x80xi32, #tpu.memory_space<vmem>> -> memref<1x80xi32, #tpu.memory_space<vmem>>
        %dma_wait3A_428 = tpu.memref_squeeze %dma_wait3A_427 : memref<1x80xi32, #tpu.memory_space<vmem>> -> memref<80xi32, #tpu.memory_space<vmem>>
        %dma_wait3A_429 = arith.constant 0 : i32
        %dma_wait3A_430 = arith.constant 0 : i32
        %dma_wait3A_431 = tpu.memref_slice %arg12[%dma_wait3A_429, %dma_wait3A_430] : memref<10240x128xf32, #tpu.memory_space<vmem_shared>> -> memref<10240x128xf32, #tpu.memory_space<vmem_shared>>
        tpu.wait_indirect_dma semaphore(%run_scoped3A_13 : memref<!tpu.dma_semaphore, #tpu.memory_space<semaphore_mem>>) src(%arg10 : memref<80x128xf32, #tpu.memory_space<vmem>>) dst(%dma_wait3A_431 : memref<10240x128xf32, #tpu.memory_space<vmem_shared>>)
        %dma_start3A_432 = arith.constant 16 : i32
        %dma_start3A_433 = arith.constant 0 : i32
        %dma_start3A_434 = tpu.memref_slice %arg7[%dma_start3A_432, %dma_start3A_433] : memref<25x80xi32, #tpu.memory_space<vmem>> -> memref<1x80xi32, #tpu.memory_space<vmem>>
        %dma_start3A_435 = tpu.memref_squeeze %dma_start3A_434 : memref<1x80xi32, #tpu.memory_space<vmem>> -> memref<80xi32, #tpu.memory_space<vmem>>
        %dma_start3A_436 = arith.constant 0 : i32
        %dma_start3A_437 = arith.constant 0 : i32
        %dma_start3A_438 = tpu.memref_slice %arg2[%dma_start3A_436, %dma_start3A_437] : memref<10000x128xf32, #tpu.memory_space<hbm>> -> memref<10000x128xf32, #tpu.memory_space<hbm>>
        tpu.enqueue_indirect_dma source(%dma_start3A_438 : memref<10000x128xf32, #tpu.memory_space<hbm>>) target(%arg10 : memref<80x128xf32, #tpu.memory_space<vmem>>) offsets(%dma_start3A_435 : memref<80xi32, #tpu.memory_space<vmem>>) semaphore(%run_scoped3A : memref<!tpu.dma_semaphore, #tpu.memory_space<semaphore_mem>>)
        %dma_start3A_439 = arith.constant 14 : i32
        %dma_start3A_440 = arith.constant 0 : i32
        %dma_start3A_441 = tpu.memref_slice %arg8[%dma_start3A_439, %dma_start3A_440] : memref<25x80xi32, #tpu.memory_space<vmem>> -> memref<1x80xi32, #tpu.memory_space<vmem>>
        %dma_start3A_442 = tpu.memref_squeeze %dma_start3A_441 : memref<1x80xi32, #tpu.memory_space<vmem>> -> memref<80xi32, #tpu.memory_space<vmem>>
        %dma_start3A_443 = arith.constant 0 : i32
        %dma_start3A_444 = arith.constant 0 : i32
        %dma_start3A_445 = tpu.memref_slice %arg12[%dma_start3A_443, %dma_start3A_444] : memref<10240x128xf32, #tpu.memory_space<vmem_shared>> -> memref<10240x128xf32, #tpu.memory_space<vmem_shared>>
        tpu.enqueue_indirect_dma source(%arg11 : memref<80x128xf32, #tpu.memory_space<vmem>>) target(%dma_start3A_445 : memref<10240x128xf32, #tpu.memory_space<vmem_shared>>) offsets(%dma_start3A_442 : memref<80xi32, #tpu.memory_space<vmem>>) semaphore(%run_scoped3A_13 : memref<!tpu.dma_semaphore, #tpu.memory_space<semaphore_mem>>) {add = true}
        %dma_wait3A_446 = arith.constant 15 : i32
        %dma_wait3A_447 = arith.constant 0 : i32
        %dma_wait3A_448 = tpu.memref_slice %arg7[%dma_wait3A_446, %dma_wait3A_447] : memref<25x80xi32, #tpu.memory_space<vmem>> -> memref<1x80xi32, #tpu.memory_space<vmem>>
        %dma_wait3A_449 = tpu.memref_squeeze %dma_wait3A_448 : memref<1x80xi32, #tpu.memory_space<vmem>> -> memref<80xi32, #tpu.memory_space<vmem>>
        %dma_wait3A_450 = arith.constant 0 : i32
        %dma_wait3A_451 = arith.constant 0 : i32
        %dma_wait3A_452 = tpu.memref_slice %arg2[%dma_wait3A_450, %dma_wait3A_451] : memref<10000x128xf32, #tpu.memory_space<hbm>> -> memref<10000x128xf32, #tpu.memory_space<hbm>>
        tpu.wait_indirect_dma semaphore(%run_scoped3A : memref<!tpu.dma_semaphore, #tpu.memory_space<semaphore_mem>>) src(%dma_wait3A_452 : memref<10000x128xf32, #tpu.memory_space<hbm>>) dst(%arg9 : memref<80x128xf32, #tpu.memory_space<vmem>>)
        %dma_wait3A_453 = arith.constant 14 : i32
        %dma_wait3A_454 = arith.constant 0 : i32
        %dma_wait3A_455 = tpu.memref_slice %arg8[%dma_wait3A_453, %dma_wait3A_454] : memref<25x80xi32, #tpu.memory_space<vmem>> -> memref<1x80xi32, #tpu.memory_space<vmem>>
        %dma_wait3A_456 = tpu.memref_squeeze %dma_wait3A_455 : memref<1x80xi32, #tpu.memory_space<vmem>> -> memref<80xi32, #tpu.memory_space<vmem>>
        %dma_wait3A_457 = arith.constant 0 : i32
        %dma_wait3A_458 = arith.constant 0 : i32
        %dma_wait3A_459 = tpu.memref_slice %arg12[%dma_wait3A_457, %dma_wait3A_458] : memref<10240x128xf32, #tpu.memory_space<vmem_shared>> -> memref<10240x128xf32, #tpu.memory_space<vmem_shared>>
        tpu.wait_indirect_dma semaphore(%run_scoped3A_13 : memref<!tpu.dma_semaphore, #tpu.memory_space<semaphore_mem>>) src(%arg11 : memref<80x128xf32, #tpu.memory_space<vmem>>) dst(%dma_wait3A_459 : memref<10240x128xf32, #tpu.memory_space<vmem_shared>>)
        %dma_start3A_460 = arith.constant 17 : i32
        %dma_start3A_461 = arith.constant 0 : i32
        %dma_start3A_462 = tpu.memref_slice %arg7[%dma_start3A_460, %dma_start3A_461] : memref<25x80xi32, #tpu.memory_space<vmem>> -> memref<1x80xi32, #tpu.memory_space<vmem>>
        %dma_start3A_463 = tpu.memref_squeeze %dma_start3A_462 : memref<1x80xi32, #tpu.memory_space<vmem>> -> memref<80xi32, #tpu.memory_space<vmem>>
        %dma_start3A_464 = arith.constant 0 : i32
        %dma_start3A_465 = arith.constant 0 : i32
        %dma_start3A_466 = tpu.memref_slice %arg2[%dma_start3A_464, %dma_start3A_465] : memref<10000x128xf32, #tpu.memory_space<hbm>> -> memref<10000x128xf32, #tpu.memory_space<hbm>>
        tpu.enqueue_indirect_dma source(%dma_start3A_466 : memref<10000x128xf32, #tpu.memory_space<hbm>>) target(%arg11 : memref<80x128xf32, #tpu.memory_space<vmem>>) offsets(%dma_start3A_463 : memref<80xi32, #tpu.memory_space<vmem>>) semaphore(%run_scoped3A : memref<!tpu.dma_semaphore, #tpu.memory_space<semaphore_mem>>)
        %dma_start3A_467 = arith.constant 15 : i32
        %dma_start3A_468 = arith.constant 0 : i32
        %dma_start3A_469 = tpu.memref_slice %arg8[%dma_start3A_467, %dma_start3A_468] : memref<25x80xi32, #tpu.memory_space<vmem>> -> memref<1x80xi32, #tpu.memory_space<vmem>>
        %dma_start3A_470 = tpu.memref_squeeze %dma_start3A_469 : memref<1x80xi32, #tpu.memory_space<vmem>> -> memref<80xi32, #tpu.memory_space<vmem>>
        %dma_start3A_471 = arith.constant 0 : i32
        %dma_start3A_472 = arith.constant 0 : i32
        %dma_start3A_473 = tpu.memref_slice %arg12[%dma_start3A_471, %dma_start3A_472] : memref<10240x128xf32, #tpu.memory_space<vmem_shared>> -> memref<10240x128xf32, #tpu.memory_space<vmem_shared>>
        tpu.enqueue_indirect_dma source(%arg9 : memref<80x128xf32, #tpu.memory_space<vmem>>) target(%dma_start3A_473 : memref<10240x128xf32, #tpu.memory_space<vmem_shared>>) offsets(%dma_start3A_470 : memref<80xi32, #tpu.memory_space<vmem>>) semaphore(%run_scoped3A_13 : memref<!tpu.dma_semaphore, #tpu.memory_space<semaphore_mem>>) {add = true}
        %dma_wait3A_474 = arith.constant 16 : i32
        %dma_wait3A_475 = arith.constant 0 : i32
        %dma_wait3A_476 = tpu.memref_slice %arg7[%dma_wait3A_474, %dma_wait3A_475] : memref<25x80xi32, #tpu.memory_space<vmem>> -> memref<1x80xi32, #tpu.memory_space<vmem>>
        %dma_wait3A_477 = tpu.memref_squeeze %dma_wait3A_476 : memref<1x80xi32, #tpu.memory_space<vmem>> -> memref<80xi32, #tpu.memory_space<vmem>>
        %dma_wait3A_478 = arith.constant 0 : i32
        %dma_wait3A_479 = arith.constant 0 : i32
        %dma_wait3A_480 = tpu.memref_slice %arg2[%dma_wait3A_478, %dma_wait3A_479] : memref<10000x128xf32, #tpu.memory_space<hbm>> -> memref<10000x128xf32, #tpu.memory_space<hbm>>
        tpu.wait_indirect_dma semaphore(%run_scoped3A : memref<!tpu.dma_semaphore, #tpu.memory_space<semaphore_mem>>) src(%dma_wait3A_480 : memref<10000x128xf32, #tpu.memory_space<hbm>>) dst(%arg10 : memref<80x128xf32, #tpu.memory_space<vmem>>)
        %dma_wait3A_481 = arith.constant 15 : i32
        %dma_wait3A_482 = arith.constant 0 : i32
        %dma_wait3A_483 = tpu.memref_slice %arg8[%dma_wait3A_481, %dma_wait3A_482] : memref<25x80xi32, #tpu.memory_space<vmem>> -> memref<1x80xi32, #tpu.memory_space<vmem>>
        %dma_wait3A_484 = tpu.memref_squeeze %dma_wait3A_483 : memref<1x80xi32, #tpu.memory_space<vmem>> -> memref<80xi32, #tpu.memory_space<vmem>>
        %dma_wait3A_485 = arith.constant 0 : i32
        %dma_wait3A_486 = arith.constant 0 : i32
        %dma_wait3A_487 = tpu.memref_slice %arg12[%dma_wait3A_485, %dma_wait3A_486] : memref<10240x128xf32, #tpu.memory_space<vmem_shared>> -> memref<10240x128xf32, #tpu.memory_space<vmem_shared>>
        tpu.wait_indirect_dma semaphore(%run_scoped3A_13 : memref<!tpu.dma_semaphore, #tpu.memory_space<semaphore_mem>>) src(%arg9 : memref<80x128xf32, #tpu.memory_space<vmem>>) dst(%dma_wait3A_487 : memref<10240x128xf32, #tpu.memory_space<vmem_shared>>)
        %dma_start3A_488 = arith.constant 18 : i32
        %dma_start3A_489 = arith.constant 0 : i32
        %dma_start3A_490 = tpu.memref_slice %arg7[%dma_start3A_488, %dma_start3A_489] : memref<25x80xi32, #tpu.memory_space<vmem>> -> memref<1x80xi32, #tpu.memory_space<vmem>>
        %dma_start3A_491 = tpu.memref_squeeze %dma_start3A_490 : memref<1x80xi32, #tpu.memory_space<vmem>> -> memref<80xi32, #tpu.memory_space<vmem>>
        %dma_start3A_492 = arith.constant 0 : i32
        %dma_start3A_493 = arith.constant 0 : i32
        %dma_start3A_494 = tpu.memref_slice %arg2[%dma_start3A_492, %dma_start3A_493] : memref<10000x128xf32, #tpu.memory_space<hbm>> -> memref<10000x128xf32, #tpu.memory_space<hbm>>
        tpu.enqueue_indirect_dma source(%dma_start3A_494 : memref<10000x128xf32, #tpu.memory_space<hbm>>) target(%arg9 : memref<80x128xf32, #tpu.memory_space<vmem>>) offsets(%dma_start3A_491 : memref<80xi32, #tpu.memory_space<vmem>>) semaphore(%run_scoped3A : memref<!tpu.dma_semaphore, #tpu.memory_space<semaphore_mem>>)
        %dma_start3A_495 = arith.constant 16 : i32
        %dma_start3A_496 = arith.constant 0 : i32
        %dma_start3A_497 = tpu.memref_slice %arg8[%dma_start3A_495, %dma_start3A_496] : memref<25x80xi32, #tpu.memory_space<vmem>> -> memref<1x80xi32, #tpu.memory_space<vmem>>
        %dma_start3A_498 = tpu.memref_squeeze %dma_start3A_497 : memref<1x80xi32, #tpu.memory_space<vmem>> -> memref<80xi32, #tpu.memory_space<vmem>>
        %dma_start3A_499 = arith.constant 0 : i32
        %dma_start3A_500 = arith.constant 0 : i32
        %dma_start3A_501 = tpu.memref_slice %arg12[%dma_start3A_499, %dma_start3A_500] : memref<10240x128xf32, #tpu.memory_space<vmem_shared>> -> memref<10240x128xf32, #tpu.memory_space<vmem_shared>>
        tpu.enqueue_indirect_dma source(%arg10 : memref<80x128xf32, #tpu.memory_space<vmem>>) target(%dma_start3A_501 : memref<10240x128xf32, #tpu.memory_space<vmem_shared>>) offsets(%dma_start3A_498 : memref<80xi32, #tpu.memory_space<vmem>>) semaphore(%run_scoped3A_13 : memref<!tpu.dma_semaphore, #tpu.memory_space<semaphore_mem>>) {add = true}
        %dma_wait3A_502 = arith.constant 17 : i32
        %dma_wait3A_503 = arith.constant 0 : i32
        %dma_wait3A_504 = tpu.memref_slice %arg7[%dma_wait3A_502, %dma_wait3A_503] : memref<25x80xi32, #tpu.memory_space<vmem>> -> memref<1x80xi32, #tpu.memory_space<vmem>>
        %dma_wait3A_505 = tpu.memref_squeeze %dma_wait3A_504 : memref<1x80xi32, #tpu.memory_space<vmem>> -> memref<80xi32, #tpu.memory_space<vmem>>
        %dma_wait3A_506 = arith.constant 0 : i32
        %dma_wait3A_507 = arith.constant 0 : i32
        %dma_wait3A_508 = tpu.memref_slice %arg2[%dma_wait3A_506, %dma_wait3A_507] : memref<10000x128xf32, #tpu.memory_space<hbm>> -> memref<10000x128xf32, #tpu.memory_space<hbm>>
        tpu.wait_indirect_dma semaphore(%run_scoped3A : memref<!tpu.dma_semaphore, #tpu.memory_space<semaphore_mem>>) src(%dma_wait3A_508 : memref<10000x128xf32, #tpu.memory_space<hbm>>) dst(%arg11 : memref<80x128xf32, #tpu.memory_space<vmem>>)
        %dma_wait3A_509 = arith.constant 16 : i32
        %dma_wait3A_510 = arith.constant 0 : i32
        %dma_wait3A_511 = tpu.memref_slice %arg8[%dma_wait3A_509, %dma_wait3A_510] : memref<25x80xi32, #tpu.memory_space<vmem>> -> memref<1x80xi32, #tpu.memory_space<vmem>>
        %dma_wait3A_512 = tpu.memref_squeeze %dma_wait3A_511 : memref<1x80xi32, #tpu.memory_space<vmem>> -> memref<80xi32, #tpu.memory_space<vmem>>
        %dma_wait3A_513 = arith.constant 0 : i32
        %dma_wait3A_514 = arith.constant 0 : i32
        %dma_wait3A_515 = tpu.memref_slice %arg12[%dma_wait3A_513, %dma_wait3A_514] : memref<10240x128xf32, #tpu.memory_space<vmem_shared>> -> memref<10240x128xf32, #tpu.memory_space<vmem_shared>>
        tpu.wait_indirect_dma semaphore(%run_scoped3A_13 : memref<!tpu.dma_semaphore, #tpu.memory_space<semaphore_mem>>) src(%arg10 : memref<80x128xf32, #tpu.memory_space<vmem>>) dst(%dma_wait3A_515 : memref<10240x128xf32, #tpu.memory_space<vmem_shared>>)
        %dma_start3A_516 = arith.constant 19 : i32
        %dma_start3A_517 = arith.constant 0 : i32
        %dma_start3A_518 = tpu.memref_slice %arg7[%dma_start3A_516, %dma_start3A_517] : memref<25x80xi32, #tpu.memory_space<vmem>> -> memref<1x80xi32, #tpu.memory_space<vmem>>
        %dma_start3A_519 = tpu.memref_squeeze %dma_start3A_518 : memref<1x80xi32, #tpu.memory_space<vmem>> -> memref<80xi32, #tpu.memory_space<vmem>>
        %dma_start3A_520 = arith.constant 0 : i32
        %dma_start3A_521 = arith.constant 0 : i32
        %dma_start3A_522 = tpu.memref_slice %arg2[%dma_start3A_520, %dma_start3A_521] : memref<10000x128xf32, #tpu.memory_space<hbm>> -> memref<10000x128xf32, #tpu.memory_space<hbm>>
        tpu.enqueue_indirect_dma source(%dma_start3A_522 : memref<10000x128xf32, #tpu.memory_space<hbm>>) target(%arg10 : memref<80x128xf32, #tpu.memory_space<vmem>>) offsets(%dma_start3A_519 : memref<80xi32, #tpu.memory_space<vmem>>) semaphore(%run_scoped3A : memref<!tpu.dma_semaphore, #tpu.memory_space<semaphore_mem>>)
        %dma_start3A_523 = arith.constant 17 : i32
        %dma_start3A_524 = arith.constant 0 : i32
        %dma_start3A_525 = tpu.memref_slice %arg8[%dma_start3A_523, %dma_start3A_524] : memref<25x80xi32, #tpu.memory_space<vmem>> -> memref<1x80xi32, #tpu.memory_space<vmem>>
        %dma_start3A_526 = tpu.memref_squeeze %dma_start3A_525 : memref<1x80xi32, #tpu.memory_space<vmem>> -> memref<80xi32, #tpu.memory_space<vmem>>
        %dma_start3A_527 = arith.constant 0 : i32
        %dma_start3A_528 = arith.constant 0 : i32
        %dma_start3A_529 = tpu.memref_slice %arg12[%dma_start3A_527, %dma_start3A_528] : memref<10240x128xf32, #tpu.memory_space<vmem_shared>> -> memref<10240x128xf32, #tpu.memory_space<vmem_shared>>
        tpu.enqueue_indirect_dma source(%arg11 : memref<80x128xf32, #tpu.memory_space<vmem>>) target(%dma_start3A_529 : memref<10240x128xf32, #tpu.memory_space<vmem_shared>>) offsets(%dma_start3A_526 : memref<80xi32, #tpu.memory_space<vmem>>) semaphore(%run_scoped3A_13 : memref<!tpu.dma_semaphore, #tpu.memory_space<semaphore_mem>>) {add = true}
        %dma_wait3A_530 = arith.constant 18 : i32
        %dma_wait3A_531 = arith.constant 0 : i32
        %dma_wait3A_532 = tpu.memref_slice %arg7[%dma_wait3A_530, %dma_wait3A_531] : memref<25x80xi32, #tpu.memory_space<vmem>> -> memref<1x80xi32, #tpu.memory_space<vmem>>
        %dma_wait3A_533 = tpu.memref_squeeze %dma_wait3A_532 : memref<1x80xi32, #tpu.memory_space<vmem>> -> memref<80xi32, #tpu.memory_space<vmem>>
        %dma_wait3A_534 = arith.constant 0 : i32
        %dma_wait3A_535 = arith.constant 0 : i32
        %dma_wait3A_536 = tpu.memref_slice %arg2[%dma_wait3A_534, %dma_wait3A_535] : memref<10000x128xf32, #tpu.memory_space<hbm>> -> memref<10000x128xf32, #tpu.memory_space<hbm>>
        tpu.wait_indirect_dma semaphore(%run_scoped3A : memref<!tpu.dma_semaphore, #tpu.memory_space<semaphore_mem>>) src(%dma_wait3A_536 : memref<10000x128xf32, #tpu.memory_space<hbm>>) dst(%arg9 : memref<80x128xf32, #tpu.memory_space<vmem>>)
        %dma_wait3A_537 = arith.constant 17 : i32
        %dma_wait3A_538 = arith.constant 0 : i32
        %dma_wait3A_539 = tpu.memref_slice %arg8[%dma_wait3A_537, %dma_wait3A_538] : memref<25x80xi32, #tpu.memory_space<vmem>> -> memref<1x80xi32, #tpu.memory_space<vmem>>
        %dma_wait3A_540 = tpu.memref_squeeze %dma_wait3A_539 : memref<1x80xi32, #tpu.memory_space<vmem>> -> memref<80xi32, #tpu.memory_space<vmem>>
        %dma_wait3A_541 = arith.constant 0 : i32
        %dma_wait3A_542 = arith.constant 0 : i32
        %dma_wait3A_543 = tpu.memref_slice %arg12[%dma_wait3A_541, %dma_wait3A_542] : memref<10240x128xf32, #tpu.memory_space<vmem_shared>> -> memref<10240x128xf32, #tpu.memory_space<vmem_shared>>
        tpu.wait_indirect_dma semaphore(%run_scoped3A_13 : memref<!tpu.dma_semaphore, #tpu.memory_space<semaphore_mem>>) src(%arg11 : memref<80x128xf32, #tpu.memory_space<vmem>>) dst(%dma_wait3A_543 : memref<10240x128xf32, #tpu.memory_space<vmem_shared>>)
        %dma_start3A_544 = arith.constant 20 : i32
        %dma_start3A_545 = arith.constant 0 : i32
        %dma_start3A_546 = tpu.memref_slice %arg7[%dma_start3A_544, %dma_start3A_545] : memref<25x80xi32, #tpu.memory_space<vmem>> -> memref<1x80xi32, #tpu.memory_space<vmem>>
        %dma_start3A_547 = tpu.memref_squeeze %dma_start3A_546 : memref<1x80xi32, #tpu.memory_space<vmem>> -> memref<80xi32, #tpu.memory_space<vmem>>
        %dma_start3A_548 = arith.constant 0 : i32
        %dma_start3A_549 = arith.constant 0 : i32
        %dma_start3A_550 = tpu.memref_slice %arg2[%dma_start3A_548, %dma_start3A_549] : memref<10000x128xf32, #tpu.memory_space<hbm>> -> memref<10000x128xf32, #tpu.memory_space<hbm>>
        tpu.enqueue_indirect_dma source(%dma_start3A_550 : memref<10000x128xf32, #tpu.memory_space<hbm>>) target(%arg11 : memref<80x128xf32, #tpu.memory_space<vmem>>) offsets(%dma_start3A_547 : memref<80xi32, #tpu.memory_space<vmem>>) semaphore(%run_scoped3A : memref<!tpu.dma_semaphore, #tpu.memory_space<semaphore_mem>>)
        %dma_start3A_551 = arith.constant 18 : i32
        %dma_start3A_552 = arith.constant 0 : i32
        %dma_start3A_553 = tpu.memref_slice %arg8[%dma_start3A_551, %dma_start3A_552] : memref<25x80xi32, #tpu.memory_space<vmem>> -> memref<1x80xi32, #tpu.memory_space<vmem>>
        %dma_start3A_554 = tpu.memref_squeeze %dma_start3A_553 : memref<1x80xi32, #tpu.memory_space<vmem>> -> memref<80xi32, #tpu.memory_space<vmem>>
        %dma_start3A_555 = arith.constant 0 : i32
        %dma_start3A_556 = arith.constant 0 : i32
        %dma_start3A_557 = tpu.memref_slice %arg12[%dma_start3A_555, %dma_start3A_556] : memref<10240x128xf32, #tpu.memory_space<vmem_shared>> -> memref<10240x128xf32, #tpu.memory_space<vmem_shared>>
        tpu.enqueue_indirect_dma source(%arg9 : memref<80x128xf32, #tpu.memory_space<vmem>>) target(%dma_start3A_557 : memref<10240x128xf32, #tpu.memory_space<vmem_shared>>) offsets(%dma_start3A_554 : memref<80xi32, #tpu.memory_space<vmem>>) semaphore(%run_scoped3A_13 : memref<!tpu.dma_semaphore, #tpu.memory_space<semaphore_mem>>) {add = true}
        %dma_wait3A_558 = arith.constant 19 : i32
        %dma_wait3A_559 = arith.constant 0 : i32
        %dma_wait3A_560 = tpu.memref_slice %arg7[%dma_wait3A_558, %dma_wait3A_559] : memref<25x80xi32, #tpu.memory_space<vmem>> -> memref<1x80xi32, #tpu.memory_space<vmem>>
        %dma_wait3A_561 = tpu.memref_squeeze %dma_wait3A_560 : memref<1x80xi32, #tpu.memory_space<vmem>> -> memref<80xi32, #tpu.memory_space<vmem>>
        %dma_wait3A_562 = arith.constant 0 : i32
        %dma_wait3A_563 = arith.constant 0 : i32
        %dma_wait3A_564 = tpu.memref_slice %arg2[%dma_wait3A_562, %dma_wait3A_563] : memref<10000x128xf32, #tpu.memory_space<hbm>> -> memref<10000x128xf32, #tpu.memory_space<hbm>>
        tpu.wait_indirect_dma semaphore(%run_scoped3A : memref<!tpu.dma_semaphore, #tpu.memory_space<semaphore_mem>>) src(%dma_wait3A_564 : memref<10000x128xf32, #tpu.memory_space<hbm>>) dst(%arg10 : memref<80x128xf32, #tpu.memory_space<vmem>>)
        %dma_wait3A_565 = arith.constant 18 : i32
        %dma_wait3A_566 = arith.constant 0 : i32
        %dma_wait3A_567 = tpu.memref_slice %arg8[%dma_wait3A_565, %dma_wait3A_566] : memref<25x80xi32, #tpu.memory_space<vmem>> -> memref<1x80xi32, #tpu.memory_space<vmem>>
        %dma_wait3A_568 = tpu.memref_squeeze %dma_wait3A_567 : memref<1x80xi32, #tpu.memory_space<vmem>> -> memref<80xi32, #tpu.memory_space<vmem>>
        %dma_wait3A_569 = arith.constant 0 : i32
        %dma_wait3A_570 = arith.constant 0 : i32
        %dma_wait3A_571 = tpu.memref_slice %arg12[%dma_wait3A_569, %dma_wait3A_570] : memref<10240x128xf32, #tpu.memory_space<vmem_shared>> -> memref<10240x128xf32, #tpu.memory_space<vmem_shared>>
        tpu.wait_indirect_dma semaphore(%run_scoped3A_13 : memref<!tpu.dma_semaphore, #tpu.memory_space<semaphore_mem>>) src(%arg9 : memref<80x128xf32, #tpu.memory_space<vmem>>) dst(%dma_wait3A_571 : memref<10240x128xf32, #tpu.memory_space<vmem_shared>>)
        %dma_start3A_572 = arith.constant 21 : i32
        %dma_start3A_573 = arith.constant 0 : i32
        %dma_start3A_574 = tpu.memref_slice %arg7[%dma_start3A_572, %dma_start3A_573] : memref<25x80xi32, #tpu.memory_space<vmem>> -> memref<1x80xi32, #tpu.memory_space<vmem>>
        %dma_start3A_575 = tpu.memref_squeeze %dma_start3A_574 : memref<1x80xi32, #tpu.memory_space<vmem>> -> memref<80xi32, #tpu.memory_space<vmem>>
        %dma_start3A_576 = arith.constant 0 : i32
        %dma_start3A_577 = arith.constant 0 : i32
        %dma_start3A_578 = tpu.memref_slice %arg2[%dma_start3A_576, %dma_start3A_577] : memref<10000x128xf32, #tpu.memory_space<hbm>> -> memref<10000x128xf32, #tpu.memory_space<hbm>>
        tpu.enqueue_indirect_dma source(%dma_start3A_578 : memref<10000x128xf32, #tpu.memory_space<hbm>>) target(%arg9 : memref<80x128xf32, #tpu.memory_space<vmem>>) offsets(%dma_start3A_575 : memref<80xi32, #tpu.memory_space<vmem>>) semaphore(%run_scoped3A : memref<!tpu.dma_semaphore, #tpu.memory_space<semaphore_mem>>)
        %dma_start3A_579 = arith.constant 19 : i32
        %dma_start3A_580 = arith.constant 0 : i32
        %dma_start3A_581 = tpu.memref_slice %arg8[%dma_start3A_579, %dma_start3A_580] : memref<25x80xi32, #tpu.memory_space<vmem>> -> memref<1x80xi32, #tpu.memory_space<vmem>>
        %dma_start3A_582 = tpu.memref_squeeze %dma_start3A_581 : memref<1x80xi32, #tpu.memory_space<vmem>> -> memref<80xi32, #tpu.memory_space<vmem>>
        %dma_start3A_583 = arith.constant 0 : i32
        %dma_start3A_584 = arith.constant 0 : i32
        %dma_start3A_585 = tpu.memref_slice %arg12[%dma_start3A_583, %dma_start3A_584] : memref<10240x128xf32, #tpu.memory_space<vmem_shared>> -> memref<10240x128xf32, #tpu.memory_space<vmem_shared>>
        tpu.enqueue_indirect_dma source(%arg10 : memref<80x128xf32, #tpu.memory_space<vmem>>) target(%dma_start3A_585 : memref<10240x128xf32, #tpu.memory_space<vmem_shared>>) offsets(%dma_start3A_582 : memref<80xi32, #tpu.memory_space<vmem>>) semaphore(%run_scoped3A_13 : memref<!tpu.dma_semaphore, #tpu.memory_space<semaphore_mem>>) {add = true}
        %dma_wait3A_586 = arith.constant 20 : i32
        %dma_wait3A_587 = arith.constant 0 : i32
        %dma_wait3A_588 = tpu.memref_slice %arg7[%dma_wait3A_586, %dma_wait3A_587] : memref<25x80xi32, #tpu.memory_space<vmem>> -> memref<1x80xi32, #tpu.memory_space<vmem>>
        %dma_wait3A_589 = tpu.memref_squeeze %dma_wait3A_588 : memref<1x80xi32, #tpu.memory_space<vmem>> -> memref<80xi32, #tpu.memory_space<vmem>>
        %dma_wait3A_590 = arith.constant 0 : i32
        %dma_wait3A_591 = arith.constant 0 : i32
        %dma_wait3A_592 = tpu.memref_slice %arg2[%dma_wait3A_590, %dma_wait3A_591] : memref<10000x128xf32, #tpu.memory_space<hbm>> -> memref<10000x128xf32, #tpu.memory_space<hbm>>
        tpu.wait_indirect_dma semaphore(%run_scoped3A : memref<!tpu.dma_semaphore, #tpu.memory_space<semaphore_mem>>) src(%dma_wait3A_592 : memref<10000x128xf32, #tpu.memory_space<hbm>>) dst(%arg11 : memref<80x128xf32, #tpu.memory_space<vmem>>)
        %dma_wait3A_593 = arith.constant 19 : i32
        %dma_wait3A_594 = arith.constant 0 : i32
        %dma_wait3A_595 = tpu.memref_slice %arg8[%dma_wait3A_593, %dma_wait3A_594] : memref<25x80xi32, #tpu.memory_space<vmem>> -> memref<1x80xi32, #tpu.memory_space<vmem>>
        %dma_wait3A_596 = tpu.memref_squeeze %dma_wait3A_595 : memref<1x80xi32, #tpu.memory_space<vmem>> -> memref<80xi32, #tpu.memory_space<vmem>>
        %dma_wait3A_597 = arith.constant 0 : i32
        %dma_wait3A_598 = arith.constant 0 : i32
        %dma_wait3A_599 = tpu.memref_slice %arg12[%dma_wait3A_597, %dma_wait3A_598] : memref<10240x128xf32, #tpu.memory_space<vmem_shared>> -> memref<10240x128xf32, #tpu.memory_space<vmem_shared>>
        tpu.wait_indirect_dma semaphore(%run_scoped3A_13 : memref<!tpu.dma_semaphore, #tpu.memory_space<semaphore_mem>>) src(%arg10 : memref<80x128xf32, #tpu.memory_space<vmem>>) dst(%dma_wait3A_599 : memref<10240x128xf32, #tpu.memory_space<vmem_shared>>)
        %dma_start3A_600 = arith.constant 22 : i32
        %dma_start3A_601 = arith.constant 0 : i32
        %dma_start3A_602 = tpu.memref_slice %arg7[%dma_start3A_600, %dma_start3A_601] : memref<25x80xi32, #tpu.memory_space<vmem>> -> memref<1x80xi32, #tpu.memory_space<vmem>>
        %dma_start3A_603 = tpu.memref_squeeze %dma_start3A_602 : memref<1x80xi32, #tpu.memory_space<vmem>> -> memref<80xi32, #tpu.memory_space<vmem>>
        %dma_start3A_604 = arith.constant 0 : i32
        %dma_start3A_605 = arith.constant 0 : i32
        %dma_start3A_606 = tpu.memref_slice %arg2[%dma_start3A_604, %dma_start3A_605] : memref<10000x128xf32, #tpu.memory_space<hbm>> -> memref<10000x128xf32, #tpu.memory_space<hbm>>
        tpu.enqueue_indirect_dma source(%dma_start3A_606 : memref<10000x128xf32, #tpu.memory_space<hbm>>) target(%arg10 : memref<80x128xf32, #tpu.memory_space<vmem>>) offsets(%dma_start3A_603 : memref<80xi32, #tpu.memory_space<vmem>>) semaphore(%run_scoped3A : memref<!tpu.dma_semaphore, #tpu.memory_space<semaphore_mem>>)
        %dma_start3A_607 = arith.constant 20 : i32
        %dma_start3A_608 = arith.constant 0 : i32
        %dma_start3A_609 = tpu.memref_slice %arg8[%dma_start3A_607, %dma_start3A_608] : memref<25x80xi32, #tpu.memory_space<vmem>> -> memref<1x80xi32, #tpu.memory_space<vmem>>
        %dma_start3A_610 = tpu.memref_squeeze %dma_start3A_609 : memref<1x80xi32, #tpu.memory_space<vmem>> -> memref<80xi32, #tpu.memory_space<vmem>>
        %dma_start3A_611 = arith.constant 0 : i32
        %dma_start3A_612 = arith.constant 0 : i32
        %dma_start3A_613 = tpu.memref_slice %arg12[%dma_start3A_611, %dma_start3A_612] : memref<10240x128xf32, #tpu.memory_space<vmem_shared>> -> memref<10240x128xf32, #tpu.memory_space<vmem_shared>>
        tpu.enqueue_indirect_dma source(%arg11 : memref<80x128xf32, #tpu.memory_space<vmem>>) target(%dma_start3A_613 : memref<10240x128xf32, #tpu.memory_space<vmem_shared>>) offsets(%dma_start3A_610 : memref<80xi32, #tpu.memory_space<vmem>>) semaphore(%run_scoped3A_13 : memref<!tpu.dma_semaphore, #tpu.memory_space<semaphore_mem>>) {add = true}
        %dma_wait3A_614 = arith.constant 21 : i32
        %dma_wait3A_615 = arith.constant 0 : i32
        %dma_wait3A_616 = tpu.memref_slice %arg7[%dma_wait3A_614, %dma_wait3A_615] : memref<25x80xi32, #tpu.memory_space<vmem>> -> memref<1x80xi32, #tpu.memory_space<vmem>>
        %dma_wait3A_617 = tpu.memref_squeeze %dma_wait3A_616 : memref<1x80xi32, #tpu.memory_space<vmem>> -> memref<80xi32, #tpu.memory_space<vmem>>
        %dma_wait3A_618 = arith.constant 0 : i32
        %dma_wait3A_619 = arith.constant 0 : i32
        %dma_wait3A_620 = tpu.memref_slice %arg2[%dma_wait3A_618, %dma_wait3A_619] : memref<10000x128xf32, #tpu.memory_space<hbm>> -> memref<10000x128xf32, #tpu.memory_space<hbm>>
        tpu.wait_indirect_dma semaphore(%run_scoped3A : memref<!tpu.dma_semaphore, #tpu.memory_space<semaphore_mem>>) src(%dma_wait3A_620 : memref<10000x128xf32, #tpu.memory_space<hbm>>) dst(%arg9 : memref<80x128xf32, #tpu.memory_space<vmem>>)
        %dma_wait3A_621 = arith.constant 20 : i32
        %dma_wait3A_622 = arith.constant 0 : i32
        %dma_wait3A_623 = tpu.memref_slice %arg8[%dma_wait3A_621, %dma_wait3A_622] : memref<25x80xi32, #tpu.memory_space<vmem>> -> memref<1x80xi32, #tpu.memory_space<vmem>>
        %dma_wait3A_624 = tpu.memref_squeeze %dma_wait3A_623 : memref<1x80xi32, #tpu.memory_space<vmem>> -> memref<80xi32, #tpu.memory_space<vmem>>
        %dma_wait3A_625 = arith.constant 0 : i32
        %dma_wait3A_626 = arith.constant 0 : i32
        %dma_wait3A_627 = tpu.memref_slice %arg12[%dma_wait3A_625, %dma_wait3A_626] : memref<10240x128xf32, #tpu.memory_space<vmem_shared>> -> memref<10240x128xf32, #tpu.memory_space<vmem_shared>>
        tpu.wait_indirect_dma semaphore(%run_scoped3A_13 : memref<!tpu.dma_semaphore, #tpu.memory_space<semaphore_mem>>) src(%arg11 : memref<80x128xf32, #tpu.memory_space<vmem>>) dst(%dma_wait3A_627 : memref<10240x128xf32, #tpu.memory_space<vmem_shared>>)
        %dma_start3A_628 = arith.constant 23 : i32
        %dma_start3A_629 = arith.constant 0 : i32
        %dma_start3A_630 = tpu.memref_slice %arg7[%dma_start3A_628, %dma_start3A_629] : memref<25x80xi32, #tpu.memory_space<vmem>> -> memref<1x80xi32, #tpu.memory_space<vmem>>
        %dma_start3A_631 = tpu.memref_squeeze %dma_start3A_630 : memref<1x80xi32, #tpu.memory_space<vmem>> -> memref<80xi32, #tpu.memory_space<vmem>>
        %dma_start3A_632 = arith.constant 0 : i32
        %dma_start3A_633 = arith.constant 0 : i32
        %dma_start3A_634 = tpu.memref_slice %arg2[%dma_start3A_632, %dma_start3A_633] : memref<10000x128xf32, #tpu.memory_space<hbm>> -> memref<10000x128xf32, #tpu.memory_space<hbm>>
        tpu.enqueue_indirect_dma source(%dma_start3A_634 : memref<10000x128xf32, #tpu.memory_space<hbm>>) target(%arg11 : memref<80x128xf32, #tpu.memory_space<vmem>>) offsets(%dma_start3A_631 : memref<80xi32, #tpu.memory_space<vmem>>) semaphore(%run_scoped3A : memref<!tpu.dma_semaphore, #tpu.memory_space<semaphore_mem>>)
        %dma_start3A_635 = arith.constant 21 : i32
        %dma_start3A_636 = arith.constant 0 : i32
        %dma_start3A_637 = tpu.memref_slice %arg8[%dma_start3A_635, %dma_start3A_636] : memref<25x80xi32, #tpu.memory_space<vmem>> -> memref<1x80xi32, #tpu.memory_space<vmem>>
        %dma_start3A_638 = tpu.memref_squeeze %dma_start3A_637 : memref<1x80xi32, #tpu.memory_space<vmem>> -> memref<80xi32, #tpu.memory_space<vmem>>
        %dma_start3A_639 = arith.constant 0 : i32
        %dma_start3A_640 = arith.constant 0 : i32
        %dma_start3A_641 = tpu.memref_slice %arg12[%dma_start3A_639, %dma_start3A_640] : memref<10240x128xf32, #tpu.memory_space<vmem_shared>> -> memref<10240x128xf32, #tpu.memory_space<vmem_shared>>
        tpu.enqueue_indirect_dma source(%arg9 : memref<80x128xf32, #tpu.memory_space<vmem>>) target(%dma_start3A_641 : memref<10240x128xf32, #tpu.memory_space<vmem_shared>>) offsets(%dma_start3A_638 : memref<80xi32, #tpu.memory_space<vmem>>) semaphore(%run_scoped3A_13 : memref<!tpu.dma_semaphore, #tpu.memory_space<semaphore_mem>>) {add = true}
        %dma_wait3A_642 = arith.constant 22 : i32
        %dma_wait3A_643 = arith.constant 0 : i32
        %dma_wait3A_644 = tpu.memref_slice %arg7[%dma_wait3A_642, %dma_wait3A_643] : memref<25x80xi32, #tpu.memory_space<vmem>> -> memref<1x80xi32, #tpu.memory_space<vmem>>
        %dma_wait3A_645 = tpu.memref_squeeze %dma_wait3A_644 : memref<1x80xi32, #tpu.memory_space<vmem>> -> memref<80xi32, #tpu.memory_space<vmem>>
        %dma_wait3A_646 = arith.constant 0 : i32
        %dma_wait3A_647 = arith.constant 0 : i32
        %dma_wait3A_648 = tpu.memref_slice %arg2[%dma_wait3A_646, %dma_wait3A_647] : memref<10000x128xf32, #tpu.memory_space<hbm>> -> memref<10000x128xf32, #tpu.memory_space<hbm>>
        tpu.wait_indirect_dma semaphore(%run_scoped3A : memref<!tpu.dma_semaphore, #tpu.memory_space<semaphore_mem>>) src(%dma_wait3A_648 : memref<10000x128xf32, #tpu.memory_space<hbm>>) dst(%arg10 : memref<80x128xf32, #tpu.memory_space<vmem>>)
        %dma_wait3A_649 = arith.constant 21 : i32
        %dma_wait3A_650 = arith.constant 0 : i32
        %dma_wait3A_651 = tpu.memref_slice %arg8[%dma_wait3A_649, %dma_wait3A_650] : memref<25x80xi32, #tpu.memory_space<vmem>> -> memref<1x80xi32, #tpu.memory_space<vmem>>
        %dma_wait3A_652 = tpu.memref_squeeze %dma_wait3A_651 : memref<1x80xi32, #tpu.memory_space<vmem>> -> memref<80xi32, #tpu.memory_space<vmem>>
        %dma_wait3A_653 = arith.constant 0 : i32
        %dma_wait3A_654 = arith.constant 0 : i32
        %dma_wait3A_655 = tpu.memref_slice %arg12[%dma_wait3A_653, %dma_wait3A_654] : memref<10240x128xf32, #tpu.memory_space<vmem_shared>> -> memref<10240x128xf32, #tpu.memory_space<vmem_shared>>
        tpu.wait_indirect_dma semaphore(%run_scoped3A_13 : memref<!tpu.dma_semaphore, #tpu.memory_space<semaphore_mem>>) src(%arg9 : memref<80x128xf32, #tpu.memory_space<vmem>>) dst(%dma_wait3A_655 : memref<10240x128xf32, #tpu.memory_space<vmem_shared>>)
        %dma_start3A_656 = arith.constant 24 : i32
        %dma_start3A_657 = arith.constant 0 : i32
        %dma_start3A_658 = tpu.memref_slice %arg7[%dma_start3A_656, %dma_start3A_657] : memref<25x80xi32, #tpu.memory_space<vmem>> -> memref<1x80xi32, #tpu.memory_space<vmem>>
        %dma_start3A_659 = tpu.memref_squeeze %dma_start3A_658 : memref<1x80xi32, #tpu.memory_space<vmem>> -> memref<80xi32, #tpu.memory_space<vmem>>
        %dma_start3A_660 = arith.constant 0 : i32
        %dma_start3A_661 = arith.constant 0 : i32
        %dma_start3A_662 = tpu.memref_slice %arg2[%dma_start3A_660, %dma_start3A_661] : memref<10000x128xf32, #tpu.memory_space<hbm>> -> memref<10000x128xf32, #tpu.memory_space<hbm>>
        tpu.enqueue_indirect_dma source(%dma_start3A_662 : memref<10000x128xf32, #tpu.memory_space<hbm>>) target(%arg9 : memref<80x128xf32, #tpu.memory_space<vmem>>) offsets(%dma_start3A_659 : memref<80xi32, #tpu.memory_space<vmem>>) semaphore(%run_scoped3A : memref<!tpu.dma_semaphore, #tpu.memory_space<semaphore_mem>>)
        %dma_start3A_663 = arith.constant 22 : i32
        %dma_start3A_664 = arith.constant 0 : i32
        %dma_start3A_665 = tpu.memref_slice %arg8[%dma_start3A_663, %dma_start3A_664] : memref<25x80xi32, #tpu.memory_space<vmem>> -> memref<1x80xi32, #tpu.memory_space<vmem>>
        %dma_start3A_666 = tpu.memref_squeeze %dma_start3A_665 : memref<1x80xi32, #tpu.memory_space<vmem>> -> memref<80xi32, #tpu.memory_space<vmem>>
        %dma_start3A_667 = arith.constant 0 : i32
        %dma_start3A_668 = arith.constant 0 : i32
        %dma_start3A_669 = tpu.memref_slice %arg12[%dma_start3A_667, %dma_start3A_668] : memref<10240x128xf32, #tpu.memory_space<vmem_shared>> -> memref<10240x128xf32, #tpu.memory_space<vmem_shared>>
        tpu.enqueue_indirect_dma source(%arg10 : memref<80x128xf32, #tpu.memory_space<vmem>>) target(%dma_start3A_669 : memref<10240x128xf32, #tpu.memory_space<vmem_shared>>) offsets(%dma_start3A_666 : memref<80xi32, #tpu.memory_space<vmem>>) semaphore(%run_scoped3A_13 : memref<!tpu.dma_semaphore, #tpu.memory_space<semaphore_mem>>) {add = true}
        %dma_wait3A_670 = arith.constant 23 : i32
        %dma_wait3A_671 = arith.constant 0 : i32
        %dma_wait3A_672 = tpu.memref_slice %arg7[%dma_wait3A_670, %dma_wait3A_671] : memref<25x80xi32, #tpu.memory_space<vmem>> -> memref<1x80xi32, #tpu.memory_space<vmem>>
        %dma_wait3A_673 = tpu.memref_squeeze %dma_wait3A_672 : memref<1x80xi32, #tpu.memory_space<vmem>> -> memref<80xi32, #tpu.memory_space<vmem>>
        %dma_wait3A_674 = arith.constant 0 : i32
        %dma_wait3A_675 = arith.constant 0 : i32
        %dma_wait3A_676 = tpu.memref_slice %arg2[%dma_wait3A_674, %dma_wait3A_675] : memref<10000x128xf32, #tpu.memory_space<hbm>> -> memref<10000x128xf32, #tpu.memory_space<hbm>>
        tpu.wait_indirect_dma semaphore(%run_scoped3A : memref<!tpu.dma_semaphore, #tpu.memory_space<semaphore_mem>>) src(%dma_wait3A_676 : memref<10000x128xf32, #tpu.memory_space<hbm>>) dst(%arg11 : memref<80x128xf32, #tpu.memory_space<vmem>>)
        %dma_wait3A_677 = arith.constant 22 : i32
        %dma_wait3A_678 = arith.constant 0 : i32
        %dma_wait3A_679 = tpu.memref_slice %arg8[%dma_wait3A_677, %dma_wait3A_678] : memref<25x80xi32, #tpu.memory_space<vmem>> -> memref<1x80xi32, #tpu.memory_space<vmem>>
        %dma_wait3A_680 = tpu.memref_squeeze %dma_wait3A_679 : memref<1x80xi32, #tpu.memory_space<vmem>> -> memref<80xi32, #tpu.memory_space<vmem>>
        %dma_wait3A_681 = arith.constant 0 : i32
        %dma_wait3A_682 = arith.constant 0 : i32
        %dma_wait3A_683 = tpu.memref_slice %arg12[%dma_wait3A_681, %dma_wait3A_682] : memref<10240x128xf32, #tpu.memory_space<vmem_shared>> -> memref<10240x128xf32, #tpu.memory_space<vmem_shared>>
        tpu.wait_indirect_dma semaphore(%run_scoped3A_13 : memref<!tpu.dma_semaphore, #tpu.memory_space<semaphore_mem>>) src(%arg10 : memref<80x128xf32, #tpu.memory_space<vmem>>) dst(%dma_wait3A_683 : memref<10240x128xf32, #tpu.memory_space<vmem_shared>>)
        %dma_start3A_684 = arith.constant 23 : i32
        %dma_start3A_685 = arith.constant 0 : i32
        %dma_start3A_686 = tpu.memref_slice %arg8[%dma_start3A_684, %dma_start3A_685] : memref<25x80xi32, #tpu.memory_space<vmem>> -> memref<1x80xi32, #tpu.memory_space<vmem>>
        %dma_start3A_687 = tpu.memref_squeeze %dma_start3A_686 : memref<1x80xi32, #tpu.memory_space<vmem>> -> memref<80xi32, #tpu.memory_space<vmem>>
        %dma_start3A_688 = arith.constant 0 : i32
        %dma_start3A_689 = arith.constant 0 : i32
        %dma_start3A_690 = tpu.memref_slice %arg12[%dma_start3A_688, %dma_start3A_689] : memref<10240x128xf32, #tpu.memory_space<vmem_shared>> -> memref<10240x128xf32, #tpu.memory_space<vmem_shared>>
        tpu.enqueue_indirect_dma source(%arg11 : memref<80x128xf32, #tpu.memory_space<vmem>>) target(%dma_start3A_690 : memref<10240x128xf32, #tpu.memory_space<vmem_shared>>) offsets(%dma_start3A_687 : memref<80xi32, #tpu.memory_space<vmem>>) semaphore(%run_scoped3A_13 : memref<!tpu.dma_semaphore, #tpu.memory_space<semaphore_mem>>) {add = true}
        %dma_wait3A_691 = arith.constant 24 : i32
        %dma_wait3A_692 = arith.constant 0 : i32
        %dma_wait3A_693 = tpu.memref_slice %arg7[%dma_wait3A_691, %dma_wait3A_692] : memref<25x80xi32, #tpu.memory_space<vmem>> -> memref<1x80xi32, #tpu.memory_space<vmem>>
        %dma_wait3A_694 = tpu.memref_squeeze %dma_wait3A_693 : memref<1x80xi32, #tpu.memory_space<vmem>> -> memref<80xi32, #tpu.memory_space<vmem>>
        %dma_wait3A_695 = arith.constant 0 : i32
        %dma_wait3A_696 = arith.constant 0 : i32
        %dma_wait3A_697 = tpu.memref_slice %arg2[%dma_wait3A_695, %dma_wait3A_696] : memref<10000x128xf32, #tpu.memory_space<hbm>> -> memref<10000x128xf32, #tpu.memory_space<hbm>>
        tpu.wait_indirect_dma semaphore(%run_scoped3A : memref<!tpu.dma_semaphore, #tpu.memory_space<semaphore_mem>>) src(%dma_wait3A_697 : memref<10000x128xf32, #tpu.memory_space<hbm>>) dst(%arg9 : memref<80x128xf32, #tpu.memory_space<vmem>>)
        %dma_wait3A_698 = arith.constant 23 : i32
        %dma_wait3A_699 = arith.constant 0 : i32
        %dma_wait3A_700 = tpu.memref_slice %arg8[%dma_wait3A_698, %dma_wait3A_699] : memref<25x80xi32, #tpu.memory_space<vmem>> -> memref<1x80xi32, #tpu.memory_space<vmem>>
        %dma_wait3A_701 = tpu.memref_squeeze %dma_wait3A_700 : memref<1x80xi32, #tpu.memory_space<vmem>> -> memref<80xi32, #tpu.memory_space<vmem>>
        %dma_wait3A_702 = arith.constant 0 : i32
        %dma_wait3A_703 = arith.constant 0 : i32
        %dma_wait3A_704 = tpu.memref_slice %arg12[%dma_wait3A_702, %dma_wait3A_703] : memref<10240x128xf32, #tpu.memory_space<vmem_shared>> -> memref<10240x128xf32, #tpu.memory_space<vmem_shared>>
        tpu.wait_indirect_dma semaphore(%run_scoped3A_13 : memref<!tpu.dma_semaphore, #tpu.memory_space<semaphore_mem>>) src(%arg11 : memref<80x128xf32, #tpu.memory_space<vmem>>) dst(%dma_wait3A_704 : memref<10240x128xf32, #tpu.memory_space<vmem_shared>>)
        %dma_start3A_705 = arith.constant 24 : i32
        %dma_start3A_706 = arith.constant 0 : i32
        %dma_start3A_707 = tpu.memref_slice %arg8[%dma_start3A_705, %dma_start3A_706] : memref<25x80xi32, #tpu.memory_space<vmem>> -> memref<1x80xi32, #tpu.memory_space<vmem>>
        %dma_start3A_708 = tpu.memref_squeeze %dma_start3A_707 : memref<1x80xi32, #tpu.memory_space<vmem>> -> memref<80xi32, #tpu.memory_space<vmem>>
        %dma_start3A_709 = arith.constant 0 : i32
        %dma_start3A_710 = arith.constant 0 : i32
        %dma_start3A_711 = tpu.memref_slice %arg12[%dma_start3A_709, %dma_start3A_710] : memref<10240x128xf32, #tpu.memory_space<vmem_shared>> -> memref<10240x128xf32, #tpu.memory_space<vmem_shared>>
        tpu.enqueue_indirect_dma source(%arg9 : memref<80x128xf32, #tpu.memory_space<vmem>>) target(%dma_start3A_711 : memref<10240x128xf32, #tpu.memory_space<vmem_shared>>) offsets(%dma_start3A_708 : memref<80xi32, #tpu.memory_space<vmem>>) semaphore(%run_scoped3A_13 : memref<!tpu.dma_semaphore, #tpu.memory_space<semaphore_mem>>) {add = true}
        %dma_wait3A_712 = arith.constant 24 : i32
        %dma_wait3A_713 = arith.constant 0 : i32
        %dma_wait3A_714 = tpu.memref_slice %arg8[%dma_wait3A_712, %dma_wait3A_713] : memref<25x80xi32, #tpu.memory_space<vmem>> -> memref<1x80xi32, #tpu.memory_space<vmem>>
        %dma_wait3A_715 = tpu.memref_squeeze %dma_wait3A_714 : memref<1x80xi32, #tpu.memory_space<vmem>> -> memref<80xi32, #tpu.memory_space<vmem>>
        %dma_wait3A_716 = arith.constant 0 : i32
        %dma_wait3A_717 = arith.constant 0 : i32
        %dma_wait3A_718 = tpu.memref_slice %arg12[%dma_wait3A_716, %dma_wait3A_717] : memref<10240x128xf32, #tpu.memory_space<vmem_shared>> -> memref<10240x128xf32, #tpu.memory_space<vmem_shared>>
        tpu.wait_indirect_dma semaphore(%run_scoped3A_13 : memref<!tpu.dma_semaphore, #tpu.memory_space<semaphore_mem>>) src(%arg9 : memref<80x128xf32, #tpu.memory_space<vmem>>) dst(%dma_wait3A_718 : memref<10240x128xf32, #tpu.memory_space<vmem_shared>>)
      }
      %scan3A_19 = arith.constant 5 : i32
      tpu.yield
    }) : () -> ()
    %barrier3A_6 = arith.constant 0 : index
    tpu.barrier barrier_id(%barrier3A_6)
    %scan3A_7 = arith.constant 0 : i32
    %scan3A_8 = arith.constant 0 : i32
    %scan3A_9 = arith.constant 8 : i32
    %scan3A_10 = arith.addi %scan3A_8, %scan3A_9 : i32
    %scan3A_11 = arith.constant 1 : i32
    scf.for %scan3A_13 = %scan3A_8 to %scan3A_10 step %scan3A_11  : i32 {
      %mul3A_14 = arith.constant 640 : i32
      %mul3A_15 = arith.muli %arg1, %mul3A_14 : i32
      %mul3A_16 = arith.constant 80 : i32
      %mul3A_17 = arith.muli %scan3A_13, %mul3A_16 : i32
      %add3A_18 = arith.addi %mul3A_15, %mul3A_17 : i32
      "tpu.region"() ({
        %run_scoped3A = tpu.sem_alloc : memref<!tpu.dma_semaphore, #tpu.memory_space<semaphore_mem>>
        %dma_start3A = arith.constant 0 : i32
        %dma_start3A_19 = tpu.memref_slice %arg12[%add3A_18, %dma_start3A] : memref<10240x128xf32, #tpu.memory_space<vmem_shared>> -> memref<80x128xf32, #tpu.memory_space<vmem_shared>>
        %dma_start3A_20 = arith.constant 0 : i32
        %dma_start3A_21 = tpu.memref_slice %arg12[%add3A_18, %dma_start3A_20] : memref<10240x128xf32, #tpu.memory_space<vmem_shared>> -> memref<80x128xf32, #tpu.memory_space<vmem_shared>>
        tpu.enqueue_dma source(%dma_start3A_21 : memref<80x128xf32, #tpu.memory_space<vmem_shared>>) target(%arg9 : memref<80x128xf32, #tpu.memory_space<vmem>>) target_semaphore(%run_scoped3A : memref<!tpu.dma_semaphore, #tpu.memory_space<semaphore_mem>>)
        %dma_wait3A = arith.constant 0 : i32
        %dma_wait3A_22 = tpu.memref_slice %arg12[%add3A_18, %dma_wait3A] : memref<10240x128xf32, #tpu.memory_space<vmem_shared>> -> memref<80x128xf32, #tpu.memory_space<vmem_shared>>
        %dma_wait3A_23 = arith.constant 0 : i32
        %dma_wait3A_24 = tpu.memref_slice %arg12[%add3A_18, %dma_wait3A_23] : memref<10240x128xf32, #tpu.memory_space<vmem_shared>> -> memref<80x128xf32, #tpu.memory_space<vmem_shared>>
        tpu.wait_dma2 semaphore(%run_scoped3A : memref<!tpu.dma_semaphore, #tpu.memory_space<semaphore_mem>>) src(%dma_wait3A_24 : memref<80x128xf32, #tpu.memory_space<vmem_shared>>) dst(%arg9 : memref<80x128xf32, #tpu.memory_space<vmem>>)
        tpu.yield
      }) : () -> ()
      "tpu.region"() ({
        %run_scoped3A = tpu.sem_alloc : memref<!tpu.dma_semaphore, #tpu.memory_space<semaphore_mem>>
        %dma_start3A = arith.constant 0 : i32
        %dma_start3A_19 = tpu.memref_slice %arg6[%arg0, %add3A_18, %dma_start3A] : memref<2x10240x128xf32, #tpu.memory_space<hbm>> -> memref<1x80x128xf32, #tpu.memory_space<hbm>>
        %dma_start3A_20 = tpu.memref_squeeze %dma_start3A_19 : memref<1x80x128xf32, #tpu.memory_space<hbm>> -> memref<80x128xf32, #tpu.memory_space<hbm>>
        %dma_start3A_21 = arith.constant 0 : i32
        %dma_start3A_22 = tpu.memref_slice %arg6[%arg0, %add3A_18, %dma_start3A_21] : memref<2x10240x128xf32, #tpu.memory_space<hbm>> -> memref<1x80x128xf32, #tpu.memory_space<hbm>>
        %dma_start3A_23 = tpu.memref_squeeze %dma_start3A_22 : memref<1x80x128xf32, #tpu.memory_space<hbm>> -> memref<80x128xf32, #tpu.memory_space<hbm>>
        tpu.enqueue_dma source(%arg9 : memref<80x128xf32, #tpu.memory_space<vmem>>) target(%dma_start3A_23 : memref<80x128xf32, #tpu.memory_space<hbm>>) target_semaphore(%run_scoped3A : memref<!tpu.dma_semaphore, #tpu.memory_space<semaphore_mem>>)
        %dma_wait3A = arith.constant 0 : i32
        %dma_wait3A_24 = tpu.memref_slice %arg6[%arg0, %add3A_18, %dma_wait3A] : memref<2x10240x128xf32, #tpu.memory_space<hbm>> -> memref<1x80x128xf32, #tpu.memory_space<hbm>>
        %dma_wait3A_25 = tpu.memref_squeeze %dma_wait3A_24 : memref<1x80x128xf32, #tpu.memory_space<hbm>> -> memref<80x128xf32, #tpu.memory_space<hbm>>
        %dma_wait3A_26 = arith.constant 0 : i32
        %dma_wait3A_27 = tpu.memref_slice %arg6[%arg0, %add3A_18, %dma_wait3A_26] : memref<2x10240x128xf32, #tpu.memory_space<hbm>> -> memref<1x80x128xf32, #tpu.memory_space<hbm>>
        %dma_wait3A_28 = tpu.memref_squeeze %dma_wait3A_27 : memref<1x80x128xf32, #tpu.memory_space<hbm>> -> memref<80x128xf32, #tpu.memory_space<hbm>>
        tpu.wait_dma2 semaphore(%run_scoped3A : memref<!tpu.dma_semaphore, #tpu.memory_space<semaphore_mem>>) src(%arg9 : memref<80x128xf32, #tpu.memory_space<vmem>>) dst(%dma_wait3A_28 : memref<80x128xf32, #tpu.memory_space<hbm>>)
        tpu.yield
      }) : () -> ()
    }
    %scan3A_12 = arith.constant 8 : i32
    return
  }
}

#map = affine_map<(d0, d1) -> (0, 0)>
#map1 = affine_map<(d0, d1) -> (0, 0, 0, 0)>
#map2 = affine_map<(d0, d1) -> (0, 0, 0)>
module attributes {stable_mosaic.version = 14 : i64} {
  func.func @_sc_agg_body(%arg0: i32, %arg1: i32, %arg2: memref<10000x128xf32, #tpu.memory_space<hbm>>, %arg3: memref<32x5x25x80xi32, #tpu.memory_space<hbm>>, %arg4: memref<32x5x25x80xi32, #tpu.memory_space<hbm>>, %arg5: memref<80x128xf32, #tpu.memory_space<hbm>>, %arg6: memref<2x10240x128xf32, #tpu.memory_space<hbm>>, %arg7: memref<25x80xi32, #tpu.memory_space<vmem>>, %arg8: memref<25x80xi32, #tpu.memory_space<vmem>>, %arg9: memref<80x128xf32, #tpu.memory_space<vmem>>, %arg10: memref<80x128xf32, #tpu.memory_space<vmem>>, %arg11: memref<80x128xf32, #tpu.memory_space<vmem>>, %arg12: memref<10240x128xf32, #tpu.memory_space<vmem_shared>>) attributes {dimension_semantics = [#tpu.dimension_semantics<core_parallel>, #tpu.dimension_semantics<subcore_parallel>], iteration_bounds = array<i64: 2, 16>, scalar_prefetch = 0 : i64, scratch_operands = 6 : i64, tpu.core_type = #tpu.core_type<sc_vector_subcore>, window_params = [{transform_indices = #map}, {transform_indices = #map1}, {transform_indices = #map1}, {transform_indices = #map}, {transform_indices = #map2}]} {
    %mul3A = arith.constant 2 : i32
    %mul3A_0 = arith.muli %arg1, %mul3A : i32
    %add3A = arith.addi %mul3A_0, %arg0 : i32
    "tpu.region"() ({
      %run_scoped3A = tpu.sem_alloc : memref<!tpu.dma_semaphore, #tpu.memory_space<semaphore_mem>>
      tpu.enqueue_dma source(%arg5 : memref<80x128xf32, #tpu.memory_space<hbm>>) target(%arg9 : memref<80x128xf32, #tpu.memory_space<vmem>>) target_semaphore(%run_scoped3A : memref<!tpu.dma_semaphore, #tpu.memory_space<semaphore_mem>>)
      tpu.wait_dma2 semaphore(%run_scoped3A : memref<!tpu.dma_semaphore, #tpu.memory_space<semaphore_mem>>) src(%arg5 : memref<80x128xf32, #tpu.memory_space<hbm>>) dst(%arg9 : memref<80x128xf32, #tpu.memory_space<vmem>>)
      tpu.yield
    }) : () -> ()
    %scan3A = arith.constant 0 : i32
    %scan3A_1 = arith.constant 0 : i32
    %scan3A_2 = arith.constant 8 : i32
    %scan3A_3 = arith.addi %scan3A_1, %scan3A_2 : i32
    %scan3A_4 = arith.constant 1 : i32
    scf.for %scan3A_13 = %scan3A_1 to %scan3A_3 step %scan3A_4  : i32 {
      %mul3A_14 = arith.constant 640 : i32
      %mul3A_15 = arith.muli %arg1, %mul3A_14 : i32
      %mul3A_16 = arith.constant 80 : i32
      %mul3A_17 = arith.muli %scan3A_13, %mul3A_16 : i32
      %add3A_18 = arith.addi %mul3A_15, %mul3A_17 : i32
      "tpu.region"() ({
        %run_scoped3A = tpu.sem_alloc : memref<!tpu.dma_semaphore, #tpu.memory_space<semaphore_mem>>
        %dma_start3A = arith.constant 0 : i32
        %dma_start3A_19 = tpu.memref_slice %arg12[%add3A_18, %dma_start3A] : memref<10240x128xf32, #tpu.memory_space<vmem_shared>> -> memref<80x128xf32, #tpu.memory_space<vmem_shared>>
        %dma_start3A_20 = arith.constant 0 : i32
        %dma_start3A_21 = tpu.memref_slice %arg12[%add3A_18, %dma_start3A_20] : memref<10240x128xf32, #tpu.memory_space<vmem_shared>> -> memref<80x128xf32, #tpu.memory_space<vmem_shared>>
        tpu.enqueue_dma source(%arg9 : memref<80x128xf32, #tpu.memory_space<vmem>>) target(%dma_start3A_21 : memref<80x128xf32, #tpu.memory_space<vmem_shared>>) target_semaphore(%run_scoped3A : memref<!tpu.dma_semaphore, #tpu.memory_space<semaphore_mem>>)
        %dma_wait3A = arith.constant 0 : i32
        %dma_wait3A_22 = tpu.memref_slice %arg12[%add3A_18, %dma_wait3A] : memref<10240x128xf32, #tpu.memory_space<vmem_shared>> -> memref<80x128xf32, #tpu.memory_space<vmem_shared>>
        %dma_wait3A_23 = arith.constant 0 : i32
        %dma_wait3A_24 = tpu.memref_slice %arg12[%add3A_18, %dma_wait3A_23] : memref<10240x128xf32, #tpu.memory_space<vmem_shared>> -> memref<80x128xf32, #tpu.memory_space<vmem_shared>>
        tpu.wait_dma2 semaphore(%run_scoped3A : memref<!tpu.dma_semaphore, #tpu.memory_space<semaphore_mem>>) src(%arg9 : memref<80x128xf32, #tpu.memory_space<vmem>>) dst(%dma_wait3A_24 : memref<80x128xf32, #tpu.memory_space<vmem_shared>>)
        tpu.yield
      }) : () -> ()
    }
    %scan3A_5 = arith.constant 8 : i32
    %barrier3A = arith.constant 0 : index
    tpu.barrier barrier_id(%barrier3A)
    "tpu.region"() ({
      %run_scoped3A = tpu.sem_alloc : memref<!tpu.dma_semaphore, #tpu.memory_space<semaphore_mem>>
      %run_scoped3A_13 = tpu.sem_alloc : memref<!tpu.dma_semaphore, #tpu.memory_space<semaphore_mem>>
      %scan3A_14 = arith.constant 0 : i32
      %scan3A_15 = arith.constant 0 : i32
      %scan3A_16 = arith.constant 5 : i32
      %scan3A_17 = arith.addi %scan3A_15, %scan3A_16 : i32
      %scan3A_18 = arith.constant 1 : i32
      scf.for %scan3A_20 = %scan3A_15 to %scan3A_17 step %scan3A_18  : i32 {
        "tpu.region"() ({
          %run_scoped3A_719 = tpu.sem_alloc : memref<!tpu.dma_semaphore, #tpu.memory_space<semaphore_mem>>
          %dma_start3A_720 = arith.constant 0 : i32
          %dma_start3A_721 = arith.constant 0 : i32
          %dma_start3A_722 = tpu.memref_slice %arg3[%add3A, %scan3A_20, %dma_start3A_720, %dma_start3A_721] : memref<32x5x25x80xi32, #tpu.memory_space<hbm>> -> memref<1x1x25x80xi32, #tpu.memory_space<hbm>>
          %dma_start3A_723 = tpu.memref_squeeze %dma_start3A_722 : memref<1x1x25x80xi32, #tpu.memory_space<hbm>> -> memref<25x80xi32, #tpu.memory_space<hbm>>
          %dma_start3A_724 = arith.constant 0 : i32
          %dma_start3A_725 = arith.constant 0 : i32
          %dma_start3A_726 = tpu.memref_slice %arg3[%add3A, %scan3A_20, %dma_start3A_724, %dma_start3A_725] : memref<32x5x25x80xi32, #tpu.memory_space<hbm>> -> memref<1x1x25x80xi32, #tpu.memory_space<hbm>>
          %dma_start3A_727 = tpu.memref_squeeze %dma_start3A_726 : memref<1x1x25x80xi32, #tpu.memory_space<hbm>> -> memref<25x80xi32, #tpu.memory_space<hbm>>
          tpu.enqueue_dma source(%dma_start3A_727 : memref<25x80xi32, #tpu.memory_space<hbm>>) target(%arg7 : memref<25x80xi32, #tpu.memory_space<vmem>>) target_semaphore(%run_scoped3A_719 : memref<!tpu.dma_semaphore, #tpu.memory_space<semaphore_mem>>)
          %dma_wait3A_728 = arith.constant 0 : i32
          %dma_wait3A_729 = arith.constant 0 : i32
          %dma_wait3A_730 = tpu.memref_slice %arg3[%add3A, %scan3A_20, %dma_wait3A_728, %dma_wait3A_729] : memref<32x5x25x80xi32, #tpu.memory_space<hbm>> -> memref<1x1x25x80xi32, #tpu.memory_space<hbm>>
          %dma_wait3A_731 = tpu.memref_squeeze %dma_wait3A_730 : memref<1x1x25x80xi32, #tpu.memory_space<hbm>> -> memref<25x80xi32, #tpu.memory_space<hbm>>
          %dma_wait3A_732 = arith.constant 0 : i32
          %dma_wait3A_733 = arith.constant 0 : i32
          %dma_wait3A_734 = tpu.memref_slice %arg3[%add3A, %scan3A_20, %dma_wait3A_732, %dma_wait3A_733] : memref<32x5x25x80xi32, #tpu.memory_space<hbm>> -> memref<1x1x25x80xi32, #tpu.memory_space<hbm>>
          %dma_wait3A_735 = tpu.memref_squeeze %dma_wait3A_734 : memref<1x1x25x80xi32, #tpu.memory_space<hbm>> -> memref<25x80xi32, #tpu.memory_space<hbm>>
          tpu.wait_dma2 semaphore(%run_scoped3A_719 : memref<!tpu.dma_semaphore, #tpu.memory_space<semaphore_mem>>) src(%dma_wait3A_735 : memref<25x80xi32, #tpu.memory_space<hbm>>) dst(%arg7 : memref<25x80xi32, #tpu.memory_space<vmem>>)
          tpu.yield
        }) : () -> ()
        "tpu.region"() ({
          %run_scoped3A_719 = tpu.sem_alloc : memref<!tpu.dma_semaphore, #tpu.memory_space<semaphore_mem>>
          %dma_start3A_720 = arith.constant 0 : i32
          %dma_start3A_721 = arith.constant 0 : i32
          %dma_start3A_722 = tpu.memref_slice %arg4[%add3A, %scan3A_20, %dma_start3A_720, %dma_start3A_721] : memref<32x5x25x80xi32, #tpu.memory_space<hbm>> -> memref<1x1x25x80xi32, #tpu.memory_space<hbm>>
          %dma_start3A_723 = tpu.memref_squeeze %dma_start3A_722 : memref<1x1x25x80xi32, #tpu.memory_space<hbm>> -> memref<25x80xi32, #tpu.memory_space<hbm>>
          %dma_start3A_724 = arith.constant 0 : i32
          %dma_start3A_725 = arith.constant 0 : i32
          %dma_start3A_726 = tpu.memref_slice %arg4[%add3A, %scan3A_20, %dma_start3A_724, %dma_start3A_725] : memref<32x5x25x80xi32, #tpu.memory_space<hbm>> -> memref<1x1x25x80xi32, #tpu.memory_space<hbm>>
          %dma_start3A_727 = tpu.memref_squeeze %dma_start3A_726 : memref<1x1x25x80xi32, #tpu.memory_space<hbm>> -> memref<25x80xi32, #tpu.memory_space<hbm>>
          tpu.enqueue_dma source(%dma_start3A_727 : memref<25x80xi32, #tpu.memory_space<hbm>>) target(%arg8 : memref<25x80xi32, #tpu.memory_space<vmem>>) target_semaphore(%run_scoped3A_719 : memref<!tpu.dma_semaphore, #tpu.memory_space<semaphore_mem>>)
          %dma_wait3A_728 = arith.constant 0 : i32
          %dma_wait3A_729 = arith.constant 0 : i32
          %dma_wait3A_730 = tpu.memref_slice %arg4[%add3A, %scan3A_20, %dma_wait3A_728, %dma_wait3A_729] : memref<32x5x25x80xi32, #tpu.memory_space<hbm>> -> memref<1x1x25x80xi32, #tpu.memory_space<hbm>>
          %dma_wait3A_731 = tpu.memref_squeeze %dma_wait3A_730 : memref<1x1x25x80xi32, #tpu.memory_space<hbm>> -> memref<25x80xi32, #tpu.memory_space<hbm>>
          %dma_wait3A_732 = arith.constant 0 : i32
          %dma_wait3A_733 = arith.constant 0 : i32
          %dma_wait3A_734 = tpu.memref_slice %arg4[%add3A, %scan3A_20, %dma_wait3A_732, %dma_wait3A_733] : memref<32x5x25x80xi32, #tpu.memory_space<hbm>> -> memref<1x1x25x80xi32, #tpu.memory_space<hbm>>
          %dma_wait3A_735 = tpu.memref_squeeze %dma_wait3A_734 : memref<1x1x25x80xi32, #tpu.memory_space<hbm>> -> memref<25x80xi32, #tpu.memory_space<hbm>>
          tpu.wait_dma2 semaphore(%run_scoped3A_719 : memref<!tpu.dma_semaphore, #tpu.memory_space<semaphore_mem>>) src(%dma_wait3A_735 : memref<25x80xi32, #tpu.memory_space<hbm>>) dst(%arg8 : memref<25x80xi32, #tpu.memory_space<vmem>>)
          tpu.yield
        }) : () -> ()
        %dma_start3A = arith.constant 0 : i32
        %dma_start3A_21 = arith.constant 0 : i32
        %dma_start3A_22 = tpu.memref_slice %arg7[%dma_start3A, %dma_start3A_21] : memref<25x80xi32, #tpu.memory_space<vmem>> -> memref<1x80xi32, #tpu.memory_space<vmem>>
        %dma_start3A_23 = tpu.memref_squeeze %dma_start3A_22 : memref<1x80xi32, #tpu.memory_space<vmem>> -> memref<80xi32, #tpu.memory_space<vmem>>
        %dma_start3A_24 = arith.constant 0 : i32
        %dma_start3A_25 = arith.constant 0 : i32
        %dma_start3A_26 = tpu.memref_slice %arg2[%dma_start3A_24, %dma_start3A_25] : memref<10000x128xf32, #tpu.memory_space<hbm>> -> memref<10000x128xf32, #tpu.memory_space<hbm>>
        tpu.enqueue_indirect_dma source(%dma_start3A_26 : memref<10000x128xf32, #tpu.memory_space<hbm>>) target(%arg9 : memref<80x128xf32, #tpu.memory_space<vmem>>) offsets(%dma_start3A_23 : memref<80xi32, #tpu.memory_space<vmem>>) semaphore(%run_scoped3A : memref<!tpu.dma_semaphore, #tpu.memory_space<semaphore_mem>>)
        %dma_start3A_27 = arith.constant 1 : i32
        %dma_start3A_28 = arith.constant 0 : i32
        %dma_start3A_29 = tpu.memref_slice %arg7[%dma_start3A_27, %dma_start3A_28] : memref<25x80xi32, #tpu.memory_space<vmem>> -> memref<1x80xi32, #tpu.memory_space<vmem>>
        %dma_start3A_30 = tpu.memref_squeeze %dma_start3A_29 : memref<1x80xi32, #tpu.memory_space<vmem>> -> memref<80xi32, #tpu.memory_space<vmem>>
        %dma_start3A_31 = arith.constant 0 : i32
        %dma_start3A_32 = arith.constant 0 : i32
        %dma_start3A_33 = tpu.memref_slice %arg2[%dma_start3A_31, %dma_start3A_32] : memref<10000x128xf32, #tpu.memory_space<hbm>> -> memref<10000x128xf32, #tpu.memory_space<hbm>>
        tpu.enqueue_indirect_dma source(%dma_start3A_33 : memref<10000x128xf32, #tpu.memory_space<hbm>>) target(%arg10 : memref<80x128xf32, #tpu.memory_space<vmem>>) offsets(%dma_start3A_30 : memref<80xi32, #tpu.memory_space<vmem>>) semaphore(%run_scoped3A : memref<!tpu.dma_semaphore, #tpu.memory_space<semaphore_mem>>)
        %dma_wait3A = arith.constant 0 : i32
        %dma_wait3A_34 = arith.constant 0 : i32
        %dma_wait3A_35 = tpu.memref_slice %arg7[%dma_wait3A, %dma_wait3A_34] : memref<25x80xi32, #tpu.memory_space<vmem>> -> memref<1x80xi32, #tpu.memory_space<vmem>>
        %dma_wait3A_36 = tpu.memref_squeeze %dma_wait3A_35 : memref<1x80xi32, #tpu.memory_space<vmem>> -> memref<80xi32, #tpu.memory_space<vmem>>
        %dma_wait3A_37 = arith.constant 0 : i32
        %dma_wait3A_38 = arith.constant 0 : i32
        %dma_wait3A_39 = tpu.memref_slice %arg2[%dma_wait3A_37, %dma_wait3A_38] : memref<10000x128xf32, #tpu.memory_space<hbm>> -> memref<10000x128xf32, #tpu.memory_space<hbm>>
        tpu.wait_indirect_dma semaphore(%run_scoped3A : memref<!tpu.dma_semaphore, #tpu.memory_space<semaphore_mem>>) src(%dma_wait3A_39 : memref<10000x128xf32, #tpu.memory_space<hbm>>) dst(%arg9 : memref<80x128xf32, #tpu.memory_space<vmem>>)
        %dma_start3A_40 = arith.constant 2 : i32
        %dma_start3A_41 = arith.constant 0 : i32
        %dma_start3A_42 = tpu.memref_slice %arg7[%dma_start3A_40, %dma_start3A_41] : memref<25x80xi32, #tpu.memory_space<vmem>> -> memref<1x80xi32, #tpu.memory_space<vmem>>
        %dma_start3A_43 = tpu.memref_squeeze %dma_start3A_42 : memref<1x80xi32, #tpu.memory_space<vmem>> -> memref<80xi32, #tpu.memory_space<vmem>>
        %dma_start3A_44 = arith.constant 0 : i32
        %dma_start3A_45 = arith.constant 0 : i32
        %dma_start3A_46 = tpu.memref_slice %arg2[%dma_start3A_44, %dma_start3A_45] : memref<10000x128xf32, #tpu.memory_space<hbm>> -> memref<10000x128xf32, #tpu.memory_space<hbm>>
        tpu.enqueue_indirect_dma source(%dma_start3A_46 : memref<10000x128xf32, #tpu.memory_space<hbm>>) target(%arg11 : memref<80x128xf32, #tpu.memory_space<vmem>>) offsets(%dma_start3A_43 : memref<80xi32, #tpu.memory_space<vmem>>) semaphore(%run_scoped3A : memref<!tpu.dma_semaphore, #tpu.memory_space<semaphore_mem>>)
        %dma_start3A_47 = arith.constant 0 : i32
        %dma_start3A_48 = arith.constant 0 : i32
        %dma_start3A_49 = tpu.memref_slice %arg8[%dma_start3A_47, %dma_start3A_48] : memref<25x80xi32, #tpu.memory_space<vmem>> -> memref<1x80xi32, #tpu.memory_space<vmem>>
        %dma_start3A_50 = tpu.memref_squeeze %dma_start3A_49 : memref<1x80xi32, #tpu.memory_space<vmem>> -> memref<80xi32, #tpu.memory_space<vmem>>
        %dma_start3A_51 = arith.constant 0 : i32
        %dma_start3A_52 = arith.constant 0 : i32
        %dma_start3A_53 = tpu.memref_slice %arg12[%dma_start3A_51, %dma_start3A_52] : memref<10240x128xf32, #tpu.memory_space<vmem_shared>> -> memref<10240x128xf32, #tpu.memory_space<vmem_shared>>
        tpu.enqueue_indirect_dma source(%arg9 : memref<80x128xf32, #tpu.memory_space<vmem>>) target(%dma_start3A_53 : memref<10240x128xf32, #tpu.memory_space<vmem_shared>>) offsets(%dma_start3A_50 : memref<80xi32, #tpu.memory_space<vmem>>) semaphore(%run_scoped3A_13 : memref<!tpu.dma_semaphore, #tpu.memory_space<semaphore_mem>>) {add = true}
        %dma_wait3A_54 = arith.constant 1 : i32
        %dma_wait3A_55 = arith.constant 0 : i32
        %dma_wait3A_56 = tpu.memref_slice %arg7[%dma_wait3A_54, %dma_wait3A_55] : memref<25x80xi32, #tpu.memory_space<vmem>> -> memref<1x80xi32, #tpu.memory_space<vmem>>
        %dma_wait3A_57 = tpu.memref_squeeze %dma_wait3A_56 : memref<1x80xi32, #tpu.memory_space<vmem>> -> memref<80xi32, #tpu.memory_space<vmem>>
        %dma_wait3A_58 = arith.constant 0 : i32
        %dma_wait3A_59 = arith.constant 0 : i32
        %dma_wait3A_60 = tpu.memref_slice %arg2[%dma_wait3A_58, %dma_wait3A_59] : memref<10000x128xf32, #tpu.memory_space<hbm>> -> memref<10000x128xf32, #tpu.memory_space<hbm>>
        tpu.wait_indirect_dma semaphore(%run_scoped3A : memref<!tpu.dma_semaphore, #tpu.memory_space<semaphore_mem>>) src(%dma_wait3A_60 : memref<10000x128xf32, #tpu.memory_space<hbm>>) dst(%arg10 : memref<80x128xf32, #tpu.memory_space<vmem>>)
        %dma_wait3A_61 = arith.constant 0 : i32
        %dma_wait3A_62 = arith.constant 0 : i32
        %dma_wait3A_63 = tpu.memref_slice %arg8[%dma_wait3A_61, %dma_wait3A_62] : memref<25x80xi32, #tpu.memory_space<vmem>> -> memref<1x80xi32, #tpu.memory_space<vmem>>
        %dma_wait3A_64 = tpu.memref_squeeze %dma_wait3A_63 : memref<1x80xi32, #tpu.memory_space<vmem>> -> memref<80xi32, #tpu.memory_space<vmem>>
        %dma_wait3A_65 = arith.constant 0 : i32
        %dma_wait3A_66 = arith.constant 0 : i32
        %dma_wait3A_67 = tpu.memref_slice %arg12[%dma_wait3A_65, %dma_wait3A_66] : memref<10240x128xf32, #tpu.memory_space<vmem_shared>> -> memref<10240x128xf32, #tpu.memory_space<vmem_shared>>
        tpu.wait_indirect_dma semaphore(%run_scoped3A_13 : memref<!tpu.dma_semaphore, #tpu.memory_space<semaphore_mem>>) src(%arg9 : memref<80x128xf32, #tpu.memory_space<vmem>>) dst(%dma_wait3A_67 : memref<10240x128xf32, #tpu.memory_space<vmem_shared>>)
        %dma_start3A_68 = arith.constant 3 : i32
        %dma_start3A_69 = arith.constant 0 : i32
        %dma_start3A_70 = tpu.memref_slice %arg7[%dma_start3A_68, %dma_start3A_69] : memref<25x80xi32, #tpu.memory_space<vmem>> -> memref<1x80xi32, #tpu.memory_space<vmem>>
        %dma_start3A_71 = tpu.memref_squeeze %dma_start3A_70 : memref<1x80xi32, #tpu.memory_space<vmem>> -> memref<80xi32, #tpu.memory_space<vmem>>
        %dma_start3A_72 = arith.constant 0 : i32
        %dma_start3A_73 = arith.constant 0 : i32
        %dma_start3A_74 = tpu.memref_slice %arg2[%dma_start3A_72, %dma_start3A_73] : memref<10000x128xf32, #tpu.memory_space<hbm>> -> memref<10000x128xf32, #tpu.memory_space<hbm>>
        tpu.enqueue_indirect_dma source(%dma_start3A_74 : memref<10000x128xf32, #tpu.memory_space<hbm>>) target(%arg9 : memref<80x128xf32, #tpu.memory_space<vmem>>) offsets(%dma_start3A_71 : memref<80xi32, #tpu.memory_space<vmem>>) semaphore(%run_scoped3A : memref<!tpu.dma_semaphore, #tpu.memory_space<semaphore_mem>>)
        %dma_start3A_75 = arith.constant 1 : i32
        %dma_start3A_76 = arith.constant 0 : i32
        %dma_start3A_77 = tpu.memref_slice %arg8[%dma_start3A_75, %dma_start3A_76] : memref<25x80xi32, #tpu.memory_space<vmem>> -> memref<1x80xi32, #tpu.memory_space<vmem>>
        %dma_start3A_78 = tpu.memref_squeeze %dma_start3A_77 : memref<1x80xi32, #tpu.memory_space<vmem>> -> memref<80xi32, #tpu.memory_space<vmem>>
        %dma_start3A_79 = arith.constant 0 : i32
        %dma_start3A_80 = arith.constant 0 : i32
        %dma_start3A_81 = tpu.memref_slice %arg12[%dma_start3A_79, %dma_start3A_80] : memref<10240x128xf32, #tpu.memory_space<vmem_shared>> -> memref<10240x128xf32, #tpu.memory_space<vmem_shared>>
        tpu.enqueue_indirect_dma source(%arg10 : memref<80x128xf32, #tpu.memory_space<vmem>>) target(%dma_start3A_81 : memref<10240x128xf32, #tpu.memory_space<vmem_shared>>) offsets(%dma_start3A_78 : memref<80xi32, #tpu.memory_space<vmem>>) semaphore(%run_scoped3A_13 : memref<!tpu.dma_semaphore, #tpu.memory_space<semaphore_mem>>) {add = true}
        %dma_wait3A_82 = arith.constant 2 : i32
        %dma_wait3A_83 = arith.constant 0 : i32
        %dma_wait3A_84 = tpu.memref_slice %arg7[%dma_wait3A_82, %dma_wait3A_83] : memref<25x80xi32, #tpu.memory_space<vmem>> -> memref<1x80xi32, #tpu.memory_space<vmem>>
        %dma_wait3A_85 = tpu.memref_squeeze %dma_wait3A_84 : memref<1x80xi32, #tpu.memory_space<vmem>> -> memref<80xi32, #tpu.memory_space<vmem>>
        %dma_wait3A_86 = arith.constant 0 : i32
        %dma_wait3A_87 = arith.constant 0 : i32
        %dma_wait3A_88 = tpu.memref_slice %arg2[%dma_wait3A_86, %dma_wait3A_87] : memref<10000x128xf32, #tpu.memory_space<hbm>> -> memref<10000x128xf32, #tpu.memory_space<hbm>>
        tpu.wait_indirect_dma semaphore(%run_scoped3A : memref<!tpu.dma_semaphore, #tpu.memory_space<semaphore_mem>>) src(%dma_wait3A_88 : memref<10000x128xf32, #tpu.memory_space<hbm>>) dst(%arg11 : memref<80x128xf32, #tpu.memory_space<vmem>>)
        %dma_wait3A_89 = arith.constant 1 : i32
        %dma_wait3A_90 = arith.constant 0 : i32
        %dma_wait3A_91 = tpu.memref_slice %arg8[%dma_wait3A_89, %dma_wait3A_90] : memref<25x80xi32, #tpu.memory_space<vmem>> -> memref<1x80xi32, #tpu.memory_space<vmem>>
        %dma_wait3A_92 = tpu.memref_squeeze %dma_wait3A_91 : memref<1x80xi32, #tpu.memory_space<vmem>> -> memref<80xi32, #tpu.memory_space<vmem>>
        %dma_wait3A_93 = arith.constant 0 : i32
        %dma_wait3A_94 = arith.constant 0 : i32
        %dma_wait3A_95 = tpu.memref_slice %arg12[%dma_wait3A_93, %dma_wait3A_94] : memref<10240x128xf32, #tpu.memory_space<vmem_shared>> -> memref<10240x128xf32, #tpu.memory_space<vmem_shared>>
        tpu.wait_indirect_dma semaphore(%run_scoped3A_13 : memref<!tpu.dma_semaphore, #tpu.memory_space<semaphore_mem>>) src(%arg10 : memref<80x128xf32, #tpu.memory_space<vmem>>) dst(%dma_wait3A_95 : memref<10240x128xf32, #tpu.memory_space<vmem_shared>>)
        %dma_start3A_96 = arith.constant 4 : i32
        %dma_start3A_97 = arith.constant 0 : i32
        %dma_start3A_98 = tpu.memref_slice %arg7[%dma_start3A_96, %dma_start3A_97] : memref<25x80xi32, #tpu.memory_space<vmem>> -> memref<1x80xi32, #tpu.memory_space<vmem>>
        %dma_start3A_99 = tpu.memref_squeeze %dma_start3A_98 : memref<1x80xi32, #tpu.memory_space<vmem>> -> memref<80xi32, #tpu.memory_space<vmem>>
        %dma_start3A_100 = arith.constant 0 : i32
        %dma_start3A_101 = arith.constant 0 : i32
        %dma_start3A_102 = tpu.memref_slice %arg2[%dma_start3A_100, %dma_start3A_101] : memref<10000x128xf32, #tpu.memory_space<hbm>> -> memref<10000x128xf32, #tpu.memory_space<hbm>>
        tpu.enqueue_indirect_dma source(%dma_start3A_102 : memref<10000x128xf32, #tpu.memory_space<hbm>>) target(%arg10 : memref<80x128xf32, #tpu.memory_space<vmem>>) offsets(%dma_start3A_99 : memref<80xi32, #tpu.memory_space<vmem>>) semaphore(%run_scoped3A : memref<!tpu.dma_semaphore, #tpu.memory_space<semaphore_mem>>)
        %dma_start3A_103 = arith.constant 2 : i32
        %dma_start3A_104 = arith.constant 0 : i32
        %dma_start3A_105 = tpu.memref_slice %arg8[%dma_start3A_103, %dma_start3A_104] : memref<25x80xi32, #tpu.memory_space<vmem>> -> memref<1x80xi32, #tpu.memory_space<vmem>>
        %dma_start3A_106 = tpu.memref_squeeze %dma_start3A_105 : memref<1x80xi32, #tpu.memory_space<vmem>> -> memref<80xi32, #tpu.memory_space<vmem>>
        %dma_start3A_107 = arith.constant 0 : i32
        %dma_start3A_108 = arith.constant 0 : i32
        %dma_start3A_109 = tpu.memref_slice %arg12[%dma_start3A_107, %dma_start3A_108] : memref<10240x128xf32, #tpu.memory_space<vmem_shared>> -> memref<10240x128xf32, #tpu.memory_space<vmem_shared>>
        tpu.enqueue_indirect_dma source(%arg11 : memref<80x128xf32, #tpu.memory_space<vmem>>) target(%dma_start3A_109 : memref<10240x128xf32, #tpu.memory_space<vmem_shared>>) offsets(%dma_start3A_106 : memref<80xi32, #tpu.memory_space<vmem>>) semaphore(%run_scoped3A_13 : memref<!tpu.dma_semaphore, #tpu.memory_space<semaphore_mem>>) {add = true}
        %dma_wait3A_110 = arith.constant 3 : i32
        %dma_wait3A_111 = arith.constant 0 : i32
        %dma_wait3A_112 = tpu.memref_slice %arg7[%dma_wait3A_110, %dma_wait3A_111] : memref<25x80xi32, #tpu.memory_space<vmem>> -> memref<1x80xi32, #tpu.memory_space<vmem>>
        %dma_wait3A_113 = tpu.memref_squeeze %dma_wait3A_112 : memref<1x80xi32, #tpu.memory_space<vmem>> -> memref<80xi32, #tpu.memory_space<vmem>>
        %dma_wait3A_114 = arith.constant 0 : i32
        %dma_wait3A_115 = arith.constant 0 : i32
        %dma_wait3A_116 = tpu.memref_slice %arg2[%dma_wait3A_114, %dma_wait3A_115] : memref<10000x128xf32, #tpu.memory_space<hbm>> -> memref<10000x128xf32, #tpu.memory_space<hbm>>
        tpu.wait_indirect_dma semaphore(%run_scoped3A : memref<!tpu.dma_semaphore, #tpu.memory_space<semaphore_mem>>) src(%dma_wait3A_116 : memref<10000x128xf32, #tpu.memory_space<hbm>>) dst(%arg9 : memref<80x128xf32, #tpu.memory_space<vmem>>)
        %dma_wait3A_117 = arith.constant 2 : i32
        %dma_wait3A_118 = arith.constant 0 : i32
        %dma_wait3A_119 = tpu.memref_slice %arg8[%dma_wait3A_117, %dma_wait3A_118] : memref<25x80xi32, #tpu.memory_space<vmem>> -> memref<1x80xi32, #tpu.memory_space<vmem>>
        %dma_wait3A_120 = tpu.memref_squeeze %dma_wait3A_119 : memref<1x80xi32, #tpu.memory_space<vmem>> -> memref<80xi32, #tpu.memory_space<vmem>>
        %dma_wait3A_121 = arith.constant 0 : i32
        %dma_wait3A_122 = arith.constant 0 : i32
        %dma_wait3A_123 = tpu.memref_slice %arg12[%dma_wait3A_121, %dma_wait3A_122] : memref<10240x128xf32, #tpu.memory_space<vmem_shared>> -> memref<10240x128xf32, #tpu.memory_space<vmem_shared>>
        tpu.wait_indirect_dma semaphore(%run_scoped3A_13 : memref<!tpu.dma_semaphore, #tpu.memory_space<semaphore_mem>>) src(%arg11 : memref<80x128xf32, #tpu.memory_space<vmem>>) dst(%dma_wait3A_123 : memref<10240x128xf32, #tpu.memory_space<vmem_shared>>)
        %dma_start3A_124 = arith.constant 5 : i32
        %dma_start3A_125 = arith.constant 0 : i32
        %dma_start3A_126 = tpu.memref_slice %arg7[%dma_start3A_124, %dma_start3A_125] : memref<25x80xi32, #tpu.memory_space<vmem>> -> memref<1x80xi32, #tpu.memory_space<vmem>>
        %dma_start3A_127 = tpu.memref_squeeze %dma_start3A_126 : memref<1x80xi32, #tpu.memory_space<vmem>> -> memref<80xi32, #tpu.memory_space<vmem>>
        %dma_start3A_128 = arith.constant 0 : i32
        %dma_start3A_129 = arith.constant 0 : i32
        %dma_start3A_130 = tpu.memref_slice %arg2[%dma_start3A_128, %dma_start3A_129] : memref<10000x128xf32, #tpu.memory_space<hbm>> -> memref<10000x128xf32, #tpu.memory_space<hbm>>
        tpu.enqueue_indirect_dma source(%dma_start3A_130 : memref<10000x128xf32, #tpu.memory_space<hbm>>) target(%arg11 : memref<80x128xf32, #tpu.memory_space<vmem>>) offsets(%dma_start3A_127 : memref<80xi32, #tpu.memory_space<vmem>>) semaphore(%run_scoped3A : memref<!tpu.dma_semaphore, #tpu.memory_space<semaphore_mem>>)
        %dma_start3A_131 = arith.constant 3 : i32
        %dma_start3A_132 = arith.constant 0 : i32
        %dma_start3A_133 = tpu.memref_slice %arg8[%dma_start3A_131, %dma_start3A_132] : memref<25x80xi32, #tpu.memory_space<vmem>> -> memref<1x80xi32, #tpu.memory_space<vmem>>
        %dma_start3A_134 = tpu.memref_squeeze %dma_start3A_133 : memref<1x80xi32, #tpu.memory_space<vmem>> -> memref<80xi32, #tpu.memory_space<vmem>>
        %dma_start3A_135 = arith.constant 0 : i32
        %dma_start3A_136 = arith.constant 0 : i32
        %dma_start3A_137 = tpu.memref_slice %arg12[%dma_start3A_135, %dma_start3A_136] : memref<10240x128xf32, #tpu.memory_space<vmem_shared>> -> memref<10240x128xf32, #tpu.memory_space<vmem_shared>>
        tpu.enqueue_indirect_dma source(%arg9 : memref<80x128xf32, #tpu.memory_space<vmem>>) target(%dma_start3A_137 : memref<10240x128xf32, #tpu.memory_space<vmem_shared>>) offsets(%dma_start3A_134 : memref<80xi32, #tpu.memory_space<vmem>>) semaphore(%run_scoped3A_13 : memref<!tpu.dma_semaphore, #tpu.memory_space<semaphore_mem>>) {add = true}
        %dma_wait3A_138 = arith.constant 4 : i32
        %dma_wait3A_139 = arith.constant 0 : i32
        %dma_wait3A_140 = tpu.memref_slice %arg7[%dma_wait3A_138, %dma_wait3A_139] : memref<25x80xi32, #tpu.memory_space<vmem>> -> memref<1x80xi32, #tpu.memory_space<vmem>>
        %dma_wait3A_141 = tpu.memref_squeeze %dma_wait3A_140 : memref<1x80xi32, #tpu.memory_space<vmem>> -> memref<80xi32, #tpu.memory_space<vmem>>
        %dma_wait3A_142 = arith.constant 0 : i32
        %dma_wait3A_143 = arith.constant 0 : i32
        %dma_wait3A_144 = tpu.memref_slice %arg2[%dma_wait3A_142, %dma_wait3A_143] : memref<10000x128xf32, #tpu.memory_space<hbm>> -> memref<10000x128xf32, #tpu.memory_space<hbm>>
        tpu.wait_indirect_dma semaphore(%run_scoped3A : memref<!tpu.dma_semaphore, #tpu.memory_space<semaphore_mem>>) src(%dma_wait3A_144 : memref<10000x128xf32, #tpu.memory_space<hbm>>) dst(%arg10 : memref<80x128xf32, #tpu.memory_space<vmem>>)
        %dma_wait3A_145 = arith.constant 3 : i32
        %dma_wait3A_146 = arith.constant 0 : i32
        %dma_wait3A_147 = tpu.memref_slice %arg8[%dma_wait3A_145, %dma_wait3A_146] : memref<25x80xi32, #tpu.memory_space<vmem>> -> memref<1x80xi32, #tpu.memory_space<vmem>>
        %dma_wait3A_148 = tpu.memref_squeeze %dma_wait3A_147 : memref<1x80xi32, #tpu.memory_space<vmem>> -> memref<80xi32, #tpu.memory_space<vmem>>
        %dma_wait3A_149 = arith.constant 0 : i32
        %dma_wait3A_150 = arith.constant 0 : i32
        %dma_wait3A_151 = tpu.memref_slice %arg12[%dma_wait3A_149, %dma_wait3A_150] : memref<10240x128xf32, #tpu.memory_space<vmem_shared>> -> memref<10240x128xf32, #tpu.memory_space<vmem_shared>>
        tpu.wait_indirect_dma semaphore(%run_scoped3A_13 : memref<!tpu.dma_semaphore, #tpu.memory_space<semaphore_mem>>) src(%arg9 : memref<80x128xf32, #tpu.memory_space<vmem>>) dst(%dma_wait3A_151 : memref<10240x128xf32, #tpu.memory_space<vmem_shared>>)
        %dma_start3A_152 = arith.constant 6 : i32
        %dma_start3A_153 = arith.constant 0 : i32
        %dma_start3A_154 = tpu.memref_slice %arg7[%dma_start3A_152, %dma_start3A_153] : memref<25x80xi32, #tpu.memory_space<vmem>> -> memref<1x80xi32, #tpu.memory_space<vmem>>
        %dma_start3A_155 = tpu.memref_squeeze %dma_start3A_154 : memref<1x80xi32, #tpu.memory_space<vmem>> -> memref<80xi32, #tpu.memory_space<vmem>>
        %dma_start3A_156 = arith.constant 0 : i32
        %dma_start3A_157 = arith.constant 0 : i32
        %dma_start3A_158 = tpu.memref_slice %arg2[%dma_start3A_156, %dma_start3A_157] : memref<10000x128xf32, #tpu.memory_space<hbm>> -> memref<10000x128xf32, #tpu.memory_space<hbm>>
        tpu.enqueue_indirect_dma source(%dma_start3A_158 : memref<10000x128xf32, #tpu.memory_space<hbm>>) target(%arg9 : memref<80x128xf32, #tpu.memory_space<vmem>>) offsets(%dma_start3A_155 : memref<80xi32, #tpu.memory_space<vmem>>) semaphore(%run_scoped3A : memref<!tpu.dma_semaphore, #tpu.memory_space<semaphore_mem>>)
        %dma_start3A_159 = arith.constant 4 : i32
        %dma_start3A_160 = arith.constant 0 : i32
        %dma_start3A_161 = tpu.memref_slice %arg8[%dma_start3A_159, %dma_start3A_160] : memref<25x80xi32, #tpu.memory_space<vmem>> -> memref<1x80xi32, #tpu.memory_space<vmem>>
        %dma_start3A_162 = tpu.memref_squeeze %dma_start3A_161 : memref<1x80xi32, #tpu.memory_space<vmem>> -> memref<80xi32, #tpu.memory_space<vmem>>
        %dma_start3A_163 = arith.constant 0 : i32
        %dma_start3A_164 = arith.constant 0 : i32
        %dma_start3A_165 = tpu.memref_slice %arg12[%dma_start3A_163, %dma_start3A_164] : memref<10240x128xf32, #tpu.memory_space<vmem_shared>> -> memref<10240x128xf32, #tpu.memory_space<vmem_shared>>
        tpu.enqueue_indirect_dma source(%arg10 : memref<80x128xf32, #tpu.memory_space<vmem>>) target(%dma_start3A_165 : memref<10240x128xf32, #tpu.memory_space<vmem_shared>>) offsets(%dma_start3A_162 : memref<80xi32, #tpu.memory_space<vmem>>) semaphore(%run_scoped3A_13 : memref<!tpu.dma_semaphore, #tpu.memory_space<semaphore_mem>>) {add = true}
        %dma_wait3A_166 = arith.constant 5 : i32
        %dma_wait3A_167 = arith.constant 0 : i32
        %dma_wait3A_168 = tpu.memref_slice %arg7[%dma_wait3A_166, %dma_wait3A_167] : memref<25x80xi32, #tpu.memory_space<vmem>> -> memref<1x80xi32, #tpu.memory_space<vmem>>
        %dma_wait3A_169 = tpu.memref_squeeze %dma_wait3A_168 : memref<1x80xi32, #tpu.memory_space<vmem>> -> memref<80xi32, #tpu.memory_space<vmem>>
        %dma_wait3A_170 = arith.constant 0 : i32
        %dma_wait3A_171 = arith.constant 0 : i32
        %dma_wait3A_172 = tpu.memref_slice %arg2[%dma_wait3A_170, %dma_wait3A_171] : memref<10000x128xf32, #tpu.memory_space<hbm>> -> memref<10000x128xf32, #tpu.memory_space<hbm>>
        tpu.wait_indirect_dma semaphore(%run_scoped3A : memref<!tpu.dma_semaphore, #tpu.memory_space<semaphore_mem>>) src(%dma_wait3A_172 : memref<10000x128xf32, #tpu.memory_space<hbm>>) dst(%arg11 : memref<80x128xf32, #tpu.memory_space<vmem>>)
        %dma_wait3A_173 = arith.constant 4 : i32
        %dma_wait3A_174 = arith.constant 0 : i32
        %dma_wait3A_175 = tpu.memref_slice %arg8[%dma_wait3A_173, %dma_wait3A_174] : memref<25x80xi32, #tpu.memory_space<vmem>> -> memref<1x80xi32, #tpu.memory_space<vmem>>
        %dma_wait3A_176 = tpu.memref_squeeze %dma_wait3A_175 : memref<1x80xi32, #tpu.memory_space<vmem>> -> memref<80xi32, #tpu.memory_space<vmem>>
        %dma_wait3A_177 = arith.constant 0 : i32
        %dma_wait3A_178 = arith.constant 0 : i32
        %dma_wait3A_179 = tpu.memref_slice %arg12[%dma_wait3A_177, %dma_wait3A_178] : memref<10240x128xf32, #tpu.memory_space<vmem_shared>> -> memref<10240x128xf32, #tpu.memory_space<vmem_shared>>
        tpu.wait_indirect_dma semaphore(%run_scoped3A_13 : memref<!tpu.dma_semaphore, #tpu.memory_space<semaphore_mem>>) src(%arg10 : memref<80x128xf32, #tpu.memory_space<vmem>>) dst(%dma_wait3A_179 : memref<10240x128xf32, #tpu.memory_space<vmem_shared>>)
        %dma_start3A_180 = arith.constant 7 : i32
        %dma_start3A_181 = arith.constant 0 : i32
        %dma_start3A_182 = tpu.memref_slice %arg7[%dma_start3A_180, %dma_start3A_181] : memref<25x80xi32, #tpu.memory_space<vmem>> -> memref<1x80xi32, #tpu.memory_space<vmem>>
        %dma_start3A_183 = tpu.memref_squeeze %dma_start3A_182 : memref<1x80xi32, #tpu.memory_space<vmem>> -> memref<80xi32, #tpu.memory_space<vmem>>
        %dma_start3A_184 = arith.constant 0 : i32
        %dma_start3A_185 = arith.constant 0 : i32
        %dma_start3A_186 = tpu.memref_slice %arg2[%dma_start3A_184, %dma_start3A_185] : memref<10000x128xf32, #tpu.memory_space<hbm>> -> memref<10000x128xf32, #tpu.memory_space<hbm>>
        tpu.enqueue_indirect_dma source(%dma_start3A_186 : memref<10000x128xf32, #tpu.memory_space<hbm>>) target(%arg10 : memref<80x128xf32, #tpu.memory_space<vmem>>) offsets(%dma_start3A_183 : memref<80xi32, #tpu.memory_space<vmem>>) semaphore(%run_scoped3A : memref<!tpu.dma_semaphore, #tpu.memory_space<semaphore_mem>>)
        %dma_start3A_187 = arith.constant 5 : i32
        %dma_start3A_188 = arith.constant 0 : i32
        %dma_start3A_189 = tpu.memref_slice %arg8[%dma_start3A_187, %dma_start3A_188] : memref<25x80xi32, #tpu.memory_space<vmem>> -> memref<1x80xi32, #tpu.memory_space<vmem>>
        %dma_start3A_190 = tpu.memref_squeeze %dma_start3A_189 : memref<1x80xi32, #tpu.memory_space<vmem>> -> memref<80xi32, #tpu.memory_space<vmem>>
        %dma_start3A_191 = arith.constant 0 : i32
        %dma_start3A_192 = arith.constant 0 : i32
        %dma_start3A_193 = tpu.memref_slice %arg12[%dma_start3A_191, %dma_start3A_192] : memref<10240x128xf32, #tpu.memory_space<vmem_shared>> -> memref<10240x128xf32, #tpu.memory_space<vmem_shared>>
        tpu.enqueue_indirect_dma source(%arg11 : memref<80x128xf32, #tpu.memory_space<vmem>>) target(%dma_start3A_193 : memref<10240x128xf32, #tpu.memory_space<vmem_shared>>) offsets(%dma_start3A_190 : memref<80xi32, #tpu.memory_space<vmem>>) semaphore(%run_scoped3A_13 : memref<!tpu.dma_semaphore, #tpu.memory_space<semaphore_mem>>) {add = true}
        %dma_wait3A_194 = arith.constant 6 : i32
        %dma_wait3A_195 = arith.constant 0 : i32
        %dma_wait3A_196 = tpu.memref_slice %arg7[%dma_wait3A_194, %dma_wait3A_195] : memref<25x80xi32, #tpu.memory_space<vmem>> -> memref<1x80xi32, #tpu.memory_space<vmem>>
        %dma_wait3A_197 = tpu.memref_squeeze %dma_wait3A_196 : memref<1x80xi32, #tpu.memory_space<vmem>> -> memref<80xi32, #tpu.memory_space<vmem>>
        %dma_wait3A_198 = arith.constant 0 : i32
        %dma_wait3A_199 = arith.constant 0 : i32
        %dma_wait3A_200 = tpu.memref_slice %arg2[%dma_wait3A_198, %dma_wait3A_199] : memref<10000x128xf32, #tpu.memory_space<hbm>> -> memref<10000x128xf32, #tpu.memory_space<hbm>>
        tpu.wait_indirect_dma semaphore(%run_scoped3A : memref<!tpu.dma_semaphore, #tpu.memory_space<semaphore_mem>>) src(%dma_wait3A_200 : memref<10000x128xf32, #tpu.memory_space<hbm>>) dst(%arg9 : memref<80x128xf32, #tpu.memory_space<vmem>>)
        %dma_wait3A_201 = arith.constant 5 : i32
        %dma_wait3A_202 = arith.constant 0 : i32
        %dma_wait3A_203 = tpu.memref_slice %arg8[%dma_wait3A_201, %dma_wait3A_202] : memref<25x80xi32, #tpu.memory_space<vmem>> -> memref<1x80xi32, #tpu.memory_space<vmem>>
        %dma_wait3A_204 = tpu.memref_squeeze %dma_wait3A_203 : memref<1x80xi32, #tpu.memory_space<vmem>> -> memref<80xi32, #tpu.memory_space<vmem>>
        %dma_wait3A_205 = arith.constant 0 : i32
        %dma_wait3A_206 = arith.constant 0 : i32
        %dma_wait3A_207 = tpu.memref_slice %arg12[%dma_wait3A_205, %dma_wait3A_206] : memref<10240x128xf32, #tpu.memory_space<vmem_shared>> -> memref<10240x128xf32, #tpu.memory_space<vmem_shared>>
        tpu.wait_indirect_dma semaphore(%run_scoped3A_13 : memref<!tpu.dma_semaphore, #tpu.memory_space<semaphore_mem>>) src(%arg11 : memref<80x128xf32, #tpu.memory_space<vmem>>) dst(%dma_wait3A_207 : memref<10240x128xf32, #tpu.memory_space<vmem_shared>>)
        %dma_start3A_208 = arith.constant 8 : i32
        %dma_start3A_209 = arith.constant 0 : i32
        %dma_start3A_210 = tpu.memref_slice %arg7[%dma_start3A_208, %dma_start3A_209] : memref<25x80xi32, #tpu.memory_space<vmem>> -> memref<1x80xi32, #tpu.memory_space<vmem>>
        %dma_start3A_211 = tpu.memref_squeeze %dma_start3A_210 : memref<1x80xi32, #tpu.memory_space<vmem>> -> memref<80xi32, #tpu.memory_space<vmem>>
        %dma_start3A_212 = arith.constant 0 : i32
        %dma_start3A_213 = arith.constant 0 : i32
        %dma_start3A_214 = tpu.memref_slice %arg2[%dma_start3A_212, %dma_start3A_213] : memref<10000x128xf32, #tpu.memory_space<hbm>> -> memref<10000x128xf32, #tpu.memory_space<hbm>>
        tpu.enqueue_indirect_dma source(%dma_start3A_214 : memref<10000x128xf32, #tpu.memory_space<hbm>>) target(%arg11 : memref<80x128xf32, #tpu.memory_space<vmem>>) offsets(%dma_start3A_211 : memref<80xi32, #tpu.memory_space<vmem>>) semaphore(%run_scoped3A : memref<!tpu.dma_semaphore, #tpu.memory_space<semaphore_mem>>)
        %dma_start3A_215 = arith.constant 6 : i32
        %dma_start3A_216 = arith.constant 0 : i32
        %dma_start3A_217 = tpu.memref_slice %arg8[%dma_start3A_215, %dma_start3A_216] : memref<25x80xi32, #tpu.memory_space<vmem>> -> memref<1x80xi32, #tpu.memory_space<vmem>>
        %dma_start3A_218 = tpu.memref_squeeze %dma_start3A_217 : memref<1x80xi32, #tpu.memory_space<vmem>> -> memref<80xi32, #tpu.memory_space<vmem>>
        %dma_start3A_219 = arith.constant 0 : i32
        %dma_start3A_220 = arith.constant 0 : i32
        %dma_start3A_221 = tpu.memref_slice %arg12[%dma_start3A_219, %dma_start3A_220] : memref<10240x128xf32, #tpu.memory_space<vmem_shared>> -> memref<10240x128xf32, #tpu.memory_space<vmem_shared>>
        tpu.enqueue_indirect_dma source(%arg9 : memref<80x128xf32, #tpu.memory_space<vmem>>) target(%dma_start3A_221 : memref<10240x128xf32, #tpu.memory_space<vmem_shared>>) offsets(%dma_start3A_218 : memref<80xi32, #tpu.memory_space<vmem>>) semaphore(%run_scoped3A_13 : memref<!tpu.dma_semaphore, #tpu.memory_space<semaphore_mem>>) {add = true}
        %dma_wait3A_222 = arith.constant 7 : i32
        %dma_wait3A_223 = arith.constant 0 : i32
        %dma_wait3A_224 = tpu.memref_slice %arg7[%dma_wait3A_222, %dma_wait3A_223] : memref<25x80xi32, #tpu.memory_space<vmem>> -> memref<1x80xi32, #tpu.memory_space<vmem>>
        %dma_wait3A_225 = tpu.memref_squeeze %dma_wait3A_224 : memref<1x80xi32, #tpu.memory_space<vmem>> -> memref<80xi32, #tpu.memory_space<vmem>>
        %dma_wait3A_226 = arith.constant 0 : i32
        %dma_wait3A_227 = arith.constant 0 : i32
        %dma_wait3A_228 = tpu.memref_slice %arg2[%dma_wait3A_226, %dma_wait3A_227] : memref<10000x128xf32, #tpu.memory_space<hbm>> -> memref<10000x128xf32, #tpu.memory_space<hbm>>
        tpu.wait_indirect_dma semaphore(%run_scoped3A : memref<!tpu.dma_semaphore, #tpu.memory_space<semaphore_mem>>) src(%dma_wait3A_228 : memref<10000x128xf32, #tpu.memory_space<hbm>>) dst(%arg10 : memref<80x128xf32, #tpu.memory_space<vmem>>)
        %dma_wait3A_229 = arith.constant 6 : i32
        %dma_wait3A_230 = arith.constant 0 : i32
        %dma_wait3A_231 = tpu.memref_slice %arg8[%dma_wait3A_229, %dma_wait3A_230] : memref<25x80xi32, #tpu.memory_space<vmem>> -> memref<1x80xi32, #tpu.memory_space<vmem>>
        %dma_wait3A_232 = tpu.memref_squeeze %dma_wait3A_231 : memref<1x80xi32, #tpu.memory_space<vmem>> -> memref<80xi32, #tpu.memory_space<vmem>>
        %dma_wait3A_233 = arith.constant 0 : i32
        %dma_wait3A_234 = arith.constant 0 : i32
        %dma_wait3A_235 = tpu.memref_slice %arg12[%dma_wait3A_233, %dma_wait3A_234] : memref<10240x128xf32, #tpu.memory_space<vmem_shared>> -> memref<10240x128xf32, #tpu.memory_space<vmem_shared>>
        tpu.wait_indirect_dma semaphore(%run_scoped3A_13 : memref<!tpu.dma_semaphore, #tpu.memory_space<semaphore_mem>>) src(%arg9 : memref<80x128xf32, #tpu.memory_space<vmem>>) dst(%dma_wait3A_235 : memref<10240x128xf32, #tpu.memory_space<vmem_shared>>)
        %dma_start3A_236 = arith.constant 9 : i32
        %dma_start3A_237 = arith.constant 0 : i32
        %dma_start3A_238 = tpu.memref_slice %arg7[%dma_start3A_236, %dma_start3A_237] : memref<25x80xi32, #tpu.memory_space<vmem>> -> memref<1x80xi32, #tpu.memory_space<vmem>>
        %dma_start3A_239 = tpu.memref_squeeze %dma_start3A_238 : memref<1x80xi32, #tpu.memory_space<vmem>> -> memref<80xi32, #tpu.memory_space<vmem>>
        %dma_start3A_240 = arith.constant 0 : i32
        %dma_start3A_241 = arith.constant 0 : i32
        %dma_start3A_242 = tpu.memref_slice %arg2[%dma_start3A_240, %dma_start3A_241] : memref<10000x128xf32, #tpu.memory_space<hbm>> -> memref<10000x128xf32, #tpu.memory_space<hbm>>
        tpu.enqueue_indirect_dma source(%dma_start3A_242 : memref<10000x128xf32, #tpu.memory_space<hbm>>) target(%arg9 : memref<80x128xf32, #tpu.memory_space<vmem>>) offsets(%dma_start3A_239 : memref<80xi32, #tpu.memory_space<vmem>>) semaphore(%run_scoped3A : memref<!tpu.dma_semaphore, #tpu.memory_space<semaphore_mem>>)
        %dma_start3A_243 = arith.constant 7 : i32
        %dma_start3A_244 = arith.constant 0 : i32
        %dma_start3A_245 = tpu.memref_slice %arg8[%dma_start3A_243, %dma_start3A_244] : memref<25x80xi32, #tpu.memory_space<vmem>> -> memref<1x80xi32, #tpu.memory_space<vmem>>
        %dma_start3A_246 = tpu.memref_squeeze %dma_start3A_245 : memref<1x80xi32, #tpu.memory_space<vmem>> -> memref<80xi32, #tpu.memory_space<vmem>>
        %dma_start3A_247 = arith.constant 0 : i32
        %dma_start3A_248 = arith.constant 0 : i32
        %dma_start3A_249 = tpu.memref_slice %arg12[%dma_start3A_247, %dma_start3A_248] : memref<10240x128xf32, #tpu.memory_space<vmem_shared>> -> memref<10240x128xf32, #tpu.memory_space<vmem_shared>>
        tpu.enqueue_indirect_dma source(%arg10 : memref<80x128xf32, #tpu.memory_space<vmem>>) target(%dma_start3A_249 : memref<10240x128xf32, #tpu.memory_space<vmem_shared>>) offsets(%dma_start3A_246 : memref<80xi32, #tpu.memory_space<vmem>>) semaphore(%run_scoped3A_13 : memref<!tpu.dma_semaphore, #tpu.memory_space<semaphore_mem>>) {add = true}
        %dma_wait3A_250 = arith.constant 8 : i32
        %dma_wait3A_251 = arith.constant 0 : i32
        %dma_wait3A_252 = tpu.memref_slice %arg7[%dma_wait3A_250, %dma_wait3A_251] : memref<25x80xi32, #tpu.memory_space<vmem>> -> memref<1x80xi32, #tpu.memory_space<vmem>>
        %dma_wait3A_253 = tpu.memref_squeeze %dma_wait3A_252 : memref<1x80xi32, #tpu.memory_space<vmem>> -> memref<80xi32, #tpu.memory_space<vmem>>
        %dma_wait3A_254 = arith.constant 0 : i32
        %dma_wait3A_255 = arith.constant 0 : i32
        %dma_wait3A_256 = tpu.memref_slice %arg2[%dma_wait3A_254, %dma_wait3A_255] : memref<10000x128xf32, #tpu.memory_space<hbm>> -> memref<10000x128xf32, #tpu.memory_space<hbm>>
        tpu.wait_indirect_dma semaphore(%run_scoped3A : memref<!tpu.dma_semaphore, #tpu.memory_space<semaphore_mem>>) src(%dma_wait3A_256 : memref<10000x128xf32, #tpu.memory_space<hbm>>) dst(%arg11 : memref<80x128xf32, #tpu.memory_space<vmem>>)
        %dma_wait3A_257 = arith.constant 7 : i32
        %dma_wait3A_258 = arith.constant 0 : i32
        %dma_wait3A_259 = tpu.memref_slice %arg8[%dma_wait3A_257, %dma_wait3A_258] : memref<25x80xi32, #tpu.memory_space<vmem>> -> memref<1x80xi32, #tpu.memory_space<vmem>>
        %dma_wait3A_260 = tpu.memref_squeeze %dma_wait3A_259 : memref<1x80xi32, #tpu.memory_space<vmem>> -> memref<80xi32, #tpu.memory_space<vmem>>
        %dma_wait3A_261 = arith.constant 0 : i32
        %dma_wait3A_262 = arith.constant 0 : i32
        %dma_wait3A_263 = tpu.memref_slice %arg12[%dma_wait3A_261, %dma_wait3A_262] : memref<10240x128xf32, #tpu.memory_space<vmem_shared>> -> memref<10240x128xf32, #tpu.memory_space<vmem_shared>>
        tpu.wait_indirect_dma semaphore(%run_scoped3A_13 : memref<!tpu.dma_semaphore, #tpu.memory_space<semaphore_mem>>) src(%arg10 : memref<80x128xf32, #tpu.memory_space<vmem>>) dst(%dma_wait3A_263 : memref<10240x128xf32, #tpu.memory_space<vmem_shared>>)
        %dma_start3A_264 = arith.constant 10 : i32
        %dma_start3A_265 = arith.constant 0 : i32
        %dma_start3A_266 = tpu.memref_slice %arg7[%dma_start3A_264, %dma_start3A_265] : memref<25x80xi32, #tpu.memory_space<vmem>> -> memref<1x80xi32, #tpu.memory_space<vmem>>
        %dma_start3A_267 = tpu.memref_squeeze %dma_start3A_266 : memref<1x80xi32, #tpu.memory_space<vmem>> -> memref<80xi32, #tpu.memory_space<vmem>>
        %dma_start3A_268 = arith.constant 0 : i32
        %dma_start3A_269 = arith.constant 0 : i32
        %dma_start3A_270 = tpu.memref_slice %arg2[%dma_start3A_268, %dma_start3A_269] : memref<10000x128xf32, #tpu.memory_space<hbm>> -> memref<10000x128xf32, #tpu.memory_space<hbm>>
        tpu.enqueue_indirect_dma source(%dma_start3A_270 : memref<10000x128xf32, #tpu.memory_space<hbm>>) target(%arg10 : memref<80x128xf32, #tpu.memory_space<vmem>>) offsets(%dma_start3A_267 : memref<80xi32, #tpu.memory_space<vmem>>) semaphore(%run_scoped3A : memref<!tpu.dma_semaphore, #tpu.memory_space<semaphore_mem>>)
        %dma_start3A_271 = arith.constant 8 : i32
        %dma_start3A_272 = arith.constant 0 : i32
        %dma_start3A_273 = tpu.memref_slice %arg8[%dma_start3A_271, %dma_start3A_272] : memref<25x80xi32, #tpu.memory_space<vmem>> -> memref<1x80xi32, #tpu.memory_space<vmem>>
        %dma_start3A_274 = tpu.memref_squeeze %dma_start3A_273 : memref<1x80xi32, #tpu.memory_space<vmem>> -> memref<80xi32, #tpu.memory_space<vmem>>
        %dma_start3A_275 = arith.constant 0 : i32
        %dma_start3A_276 = arith.constant 0 : i32
        %dma_start3A_277 = tpu.memref_slice %arg12[%dma_start3A_275, %dma_start3A_276] : memref<10240x128xf32, #tpu.memory_space<vmem_shared>> -> memref<10240x128xf32, #tpu.memory_space<vmem_shared>>
        tpu.enqueue_indirect_dma source(%arg11 : memref<80x128xf32, #tpu.memory_space<vmem>>) target(%dma_start3A_277 : memref<10240x128xf32, #tpu.memory_space<vmem_shared>>) offsets(%dma_start3A_274 : memref<80xi32, #tpu.memory_space<vmem>>) semaphore(%run_scoped3A_13 : memref<!tpu.dma_semaphore, #tpu.memory_space<semaphore_mem>>) {add = true}
        %dma_wait3A_278 = arith.constant 9 : i32
        %dma_wait3A_279 = arith.constant 0 : i32
        %dma_wait3A_280 = tpu.memref_slice %arg7[%dma_wait3A_278, %dma_wait3A_279] : memref<25x80xi32, #tpu.memory_space<vmem>> -> memref<1x80xi32, #tpu.memory_space<vmem>>
        %dma_wait3A_281 = tpu.memref_squeeze %dma_wait3A_280 : memref<1x80xi32, #tpu.memory_space<vmem>> -> memref<80xi32, #tpu.memory_space<vmem>>
        %dma_wait3A_282 = arith.constant 0 : i32
        %dma_wait3A_283 = arith.constant 0 : i32
        %dma_wait3A_284 = tpu.memref_slice %arg2[%dma_wait3A_282, %dma_wait3A_283] : memref<10000x128xf32, #tpu.memory_space<hbm>> -> memref<10000x128xf32, #tpu.memory_space<hbm>>
        tpu.wait_indirect_dma semaphore(%run_scoped3A : memref<!tpu.dma_semaphore, #tpu.memory_space<semaphore_mem>>) src(%dma_wait3A_284 : memref<10000x128xf32, #tpu.memory_space<hbm>>) dst(%arg9 : memref<80x128xf32, #tpu.memory_space<vmem>>)
        %dma_wait3A_285 = arith.constant 8 : i32
        %dma_wait3A_286 = arith.constant 0 : i32
        %dma_wait3A_287 = tpu.memref_slice %arg8[%dma_wait3A_285, %dma_wait3A_286] : memref<25x80xi32, #tpu.memory_space<vmem>> -> memref<1x80xi32, #tpu.memory_space<vmem>>
        %dma_wait3A_288 = tpu.memref_squeeze %dma_wait3A_287 : memref<1x80xi32, #tpu.memory_space<vmem>> -> memref<80xi32, #tpu.memory_space<vmem>>
        %dma_wait3A_289 = arith.constant 0 : i32
        %dma_wait3A_290 = arith.constant 0 : i32
        %dma_wait3A_291 = tpu.memref_slice %arg12[%dma_wait3A_289, %dma_wait3A_290] : memref<10240x128xf32, #tpu.memory_space<vmem_shared>> -> memref<10240x128xf32, #tpu.memory_space<vmem_shared>>
        tpu.wait_indirect_dma semaphore(%run_scoped3A_13 : memref<!tpu.dma_semaphore, #tpu.memory_space<semaphore_mem>>) src(%arg11 : memref<80x128xf32, #tpu.memory_space<vmem>>) dst(%dma_wait3A_291 : memref<10240x128xf32, #tpu.memory_space<vmem_shared>>)
        %dma_start3A_292 = arith.constant 11 : i32
        %dma_start3A_293 = arith.constant 0 : i32
        %dma_start3A_294 = tpu.memref_slice %arg7[%dma_start3A_292, %dma_start3A_293] : memref<25x80xi32, #tpu.memory_space<vmem>> -> memref<1x80xi32, #tpu.memory_space<vmem>>
        %dma_start3A_295 = tpu.memref_squeeze %dma_start3A_294 : memref<1x80xi32, #tpu.memory_space<vmem>> -> memref<80xi32, #tpu.memory_space<vmem>>
        %dma_start3A_296 = arith.constant 0 : i32
        %dma_start3A_297 = arith.constant 0 : i32
        %dma_start3A_298 = tpu.memref_slice %arg2[%dma_start3A_296, %dma_start3A_297] : memref<10000x128xf32, #tpu.memory_space<hbm>> -> memref<10000x128xf32, #tpu.memory_space<hbm>>
        tpu.enqueue_indirect_dma source(%dma_start3A_298 : memref<10000x128xf32, #tpu.memory_space<hbm>>) target(%arg11 : memref<80x128xf32, #tpu.memory_space<vmem>>) offsets(%dma_start3A_295 : memref<80xi32, #tpu.memory_space<vmem>>) semaphore(%run_scoped3A : memref<!tpu.dma_semaphore, #tpu.memory_space<semaphore_mem>>)
        %dma_start3A_299 = arith.constant 9 : i32
        %dma_start3A_300 = arith.constant 0 : i32
        %dma_start3A_301 = tpu.memref_slice %arg8[%dma_start3A_299, %dma_start3A_300] : memref<25x80xi32, #tpu.memory_space<vmem>> -> memref<1x80xi32, #tpu.memory_space<vmem>>
        %dma_start3A_302 = tpu.memref_squeeze %dma_start3A_301 : memref<1x80xi32, #tpu.memory_space<vmem>> -> memref<80xi32, #tpu.memory_space<vmem>>
        %dma_start3A_303 = arith.constant 0 : i32
        %dma_start3A_304 = arith.constant 0 : i32
        %dma_start3A_305 = tpu.memref_slice %arg12[%dma_start3A_303, %dma_start3A_304] : memref<10240x128xf32, #tpu.memory_space<vmem_shared>> -> memref<10240x128xf32, #tpu.memory_space<vmem_shared>>
        tpu.enqueue_indirect_dma source(%arg9 : memref<80x128xf32, #tpu.memory_space<vmem>>) target(%dma_start3A_305 : memref<10240x128xf32, #tpu.memory_space<vmem_shared>>) offsets(%dma_start3A_302 : memref<80xi32, #tpu.memory_space<vmem>>) semaphore(%run_scoped3A_13 : memref<!tpu.dma_semaphore, #tpu.memory_space<semaphore_mem>>) {add = true}
        %dma_wait3A_306 = arith.constant 10 : i32
        %dma_wait3A_307 = arith.constant 0 : i32
        %dma_wait3A_308 = tpu.memref_slice %arg7[%dma_wait3A_306, %dma_wait3A_307] : memref<25x80xi32, #tpu.memory_space<vmem>> -> memref<1x80xi32, #tpu.memory_space<vmem>>
        %dma_wait3A_309 = tpu.memref_squeeze %dma_wait3A_308 : memref<1x80xi32, #tpu.memory_space<vmem>> -> memref<80xi32, #tpu.memory_space<vmem>>
        %dma_wait3A_310 = arith.constant 0 : i32
        %dma_wait3A_311 = arith.constant 0 : i32
        %dma_wait3A_312 = tpu.memref_slice %arg2[%dma_wait3A_310, %dma_wait3A_311] : memref<10000x128xf32, #tpu.memory_space<hbm>> -> memref<10000x128xf32, #tpu.memory_space<hbm>>
        tpu.wait_indirect_dma semaphore(%run_scoped3A : memref<!tpu.dma_semaphore, #tpu.memory_space<semaphore_mem>>) src(%dma_wait3A_312 : memref<10000x128xf32, #tpu.memory_space<hbm>>) dst(%arg10 : memref<80x128xf32, #tpu.memory_space<vmem>>)
        %dma_wait3A_313 = arith.constant 9 : i32
        %dma_wait3A_314 = arith.constant 0 : i32
        %dma_wait3A_315 = tpu.memref_slice %arg8[%dma_wait3A_313, %dma_wait3A_314] : memref<25x80xi32, #tpu.memory_space<vmem>> -> memref<1x80xi32, #tpu.memory_space<vmem>>
        %dma_wait3A_316 = tpu.memref_squeeze %dma_wait3A_315 : memref<1x80xi32, #tpu.memory_space<vmem>> -> memref<80xi32, #tpu.memory_space<vmem>>
        %dma_wait3A_317 = arith.constant 0 : i32
        %dma_wait3A_318 = arith.constant 0 : i32
        %dma_wait3A_319 = tpu.memref_slice %arg12[%dma_wait3A_317, %dma_wait3A_318] : memref<10240x128xf32, #tpu.memory_space<vmem_shared>> -> memref<10240x128xf32, #tpu.memory_space<vmem_shared>>
        tpu.wait_indirect_dma semaphore(%run_scoped3A_13 : memref<!tpu.dma_semaphore, #tpu.memory_space<semaphore_mem>>) src(%arg9 : memref<80x128xf32, #tpu.memory_space<vmem>>) dst(%dma_wait3A_319 : memref<10240x128xf32, #tpu.memory_space<vmem_shared>>)
        %dma_start3A_320 = arith.constant 12 : i32
        %dma_start3A_321 = arith.constant 0 : i32
        %dma_start3A_322 = tpu.memref_slice %arg7[%dma_start3A_320, %dma_start3A_321] : memref<25x80xi32, #tpu.memory_space<vmem>> -> memref<1x80xi32, #tpu.memory_space<vmem>>
        %dma_start3A_323 = tpu.memref_squeeze %dma_start3A_322 : memref<1x80xi32, #tpu.memory_space<vmem>> -> memref<80xi32, #tpu.memory_space<vmem>>
        %dma_start3A_324 = arith.constant 0 : i32
        %dma_start3A_325 = arith.constant 0 : i32
        %dma_start3A_326 = tpu.memref_slice %arg2[%dma_start3A_324, %dma_start3A_325] : memref<10000x128xf32, #tpu.memory_space<hbm>> -> memref<10000x128xf32, #tpu.memory_space<hbm>>
        tpu.enqueue_indirect_dma source(%dma_start3A_326 : memref<10000x128xf32, #tpu.memory_space<hbm>>) target(%arg9 : memref<80x128xf32, #tpu.memory_space<vmem>>) offsets(%dma_start3A_323 : memref<80xi32, #tpu.memory_space<vmem>>) semaphore(%run_scoped3A : memref<!tpu.dma_semaphore, #tpu.memory_space<semaphore_mem>>)
        %dma_start3A_327 = arith.constant 10 : i32
        %dma_start3A_328 = arith.constant 0 : i32
        %dma_start3A_329 = tpu.memref_slice %arg8[%dma_start3A_327, %dma_start3A_328] : memref<25x80xi32, #tpu.memory_space<vmem>> -> memref<1x80xi32, #tpu.memory_space<vmem>>
        %dma_start3A_330 = tpu.memref_squeeze %dma_start3A_329 : memref<1x80xi32, #tpu.memory_space<vmem>> -> memref<80xi32, #tpu.memory_space<vmem>>
        %dma_start3A_331 = arith.constant 0 : i32
        %dma_start3A_332 = arith.constant 0 : i32
        %dma_start3A_333 = tpu.memref_slice %arg12[%dma_start3A_331, %dma_start3A_332] : memref<10240x128xf32, #tpu.memory_space<vmem_shared>> -> memref<10240x128xf32, #tpu.memory_space<vmem_shared>>
        tpu.enqueue_indirect_dma source(%arg10 : memref<80x128xf32, #tpu.memory_space<vmem>>) target(%dma_start3A_333 : memref<10240x128xf32, #tpu.memory_space<vmem_shared>>) offsets(%dma_start3A_330 : memref<80xi32, #tpu.memory_space<vmem>>) semaphore(%run_scoped3A_13 : memref<!tpu.dma_semaphore, #tpu.memory_space<semaphore_mem>>) {add = true}
        %dma_wait3A_334 = arith.constant 11 : i32
        %dma_wait3A_335 = arith.constant 0 : i32
        %dma_wait3A_336 = tpu.memref_slice %arg7[%dma_wait3A_334, %dma_wait3A_335] : memref<25x80xi32, #tpu.memory_space<vmem>> -> memref<1x80xi32, #tpu.memory_space<vmem>>
        %dma_wait3A_337 = tpu.memref_squeeze %dma_wait3A_336 : memref<1x80xi32, #tpu.memory_space<vmem>> -> memref<80xi32, #tpu.memory_space<vmem>>
        %dma_wait3A_338 = arith.constant 0 : i32
        %dma_wait3A_339 = arith.constant 0 : i32
        %dma_wait3A_340 = tpu.memref_slice %arg2[%dma_wait3A_338, %dma_wait3A_339] : memref<10000x128xf32, #tpu.memory_space<hbm>> -> memref<10000x128xf32, #tpu.memory_space<hbm>>
        tpu.wait_indirect_dma semaphore(%run_scoped3A : memref<!tpu.dma_semaphore, #tpu.memory_space<semaphore_mem>>) src(%dma_wait3A_340 : memref<10000x128xf32, #tpu.memory_space<hbm>>) dst(%arg11 : memref<80x128xf32, #tpu.memory_space<vmem>>)
        %dma_wait3A_341 = arith.constant 10 : i32
        %dma_wait3A_342 = arith.constant 0 : i32
        %dma_wait3A_343 = tpu.memref_slice %arg8[%dma_wait3A_341, %dma_wait3A_342] : memref<25x80xi32, #tpu.memory_space<vmem>> -> memref<1x80xi32, #tpu.memory_space<vmem>>
        %dma_wait3A_344 = tpu.memref_squeeze %dma_wait3A_343 : memref<1x80xi32, #tpu.memory_space<vmem>> -> memref<80xi32, #tpu.memory_space<vmem>>
        %dma_wait3A_345 = arith.constant 0 : i32
        %dma_wait3A_346 = arith.constant 0 : i32
        %dma_wait3A_347 = tpu.memref_slice %arg12[%dma_wait3A_345, %dma_wait3A_346] : memref<10240x128xf32, #tpu.memory_space<vmem_shared>> -> memref<10240x128xf32, #tpu.memory_space<vmem_shared>>
        tpu.wait_indirect_dma semaphore(%run_scoped3A_13 : memref<!tpu.dma_semaphore, #tpu.memory_space<semaphore_mem>>) src(%arg10 : memref<80x128xf32, #tpu.memory_space<vmem>>) dst(%dma_wait3A_347 : memref<10240x128xf32, #tpu.memory_space<vmem_shared>>)
        %dma_start3A_348 = arith.constant 13 : i32
        %dma_start3A_349 = arith.constant 0 : i32
        %dma_start3A_350 = tpu.memref_slice %arg7[%dma_start3A_348, %dma_start3A_349] : memref<25x80xi32, #tpu.memory_space<vmem>> -> memref<1x80xi32, #tpu.memory_space<vmem>>
        %dma_start3A_351 = tpu.memref_squeeze %dma_start3A_350 : memref<1x80xi32, #tpu.memory_space<vmem>> -> memref<80xi32, #tpu.memory_space<vmem>>
        %dma_start3A_352 = arith.constant 0 : i32
        %dma_start3A_353 = arith.constant 0 : i32
        %dma_start3A_354 = tpu.memref_slice %arg2[%dma_start3A_352, %dma_start3A_353] : memref<10000x128xf32, #tpu.memory_space<hbm>> -> memref<10000x128xf32, #tpu.memory_space<hbm>>
        tpu.enqueue_indirect_dma source(%dma_start3A_354 : memref<10000x128xf32, #tpu.memory_space<hbm>>) target(%arg10 : memref<80x128xf32, #tpu.memory_space<vmem>>) offsets(%dma_start3A_351 : memref<80xi32, #tpu.memory_space<vmem>>) semaphore(%run_scoped3A : memref<!tpu.dma_semaphore, #tpu.memory_space<semaphore_mem>>)
        %dma_start3A_355 = arith.constant 11 : i32
        %dma_start3A_356 = arith.constant 0 : i32
        %dma_start3A_357 = tpu.memref_slice %arg8[%dma_start3A_355, %dma_start3A_356] : memref<25x80xi32, #tpu.memory_space<vmem>> -> memref<1x80xi32, #tpu.memory_space<vmem>>
        %dma_start3A_358 = tpu.memref_squeeze %dma_start3A_357 : memref<1x80xi32, #tpu.memory_space<vmem>> -> memref<80xi32, #tpu.memory_space<vmem>>
        %dma_start3A_359 = arith.constant 0 : i32
        %dma_start3A_360 = arith.constant 0 : i32
        %dma_start3A_361 = tpu.memref_slice %arg12[%dma_start3A_359, %dma_start3A_360] : memref<10240x128xf32, #tpu.memory_space<vmem_shared>> -> memref<10240x128xf32, #tpu.memory_space<vmem_shared>>
        tpu.enqueue_indirect_dma source(%arg11 : memref<80x128xf32, #tpu.memory_space<vmem>>) target(%dma_start3A_361 : memref<10240x128xf32, #tpu.memory_space<vmem_shared>>) offsets(%dma_start3A_358 : memref<80xi32, #tpu.memory_space<vmem>>) semaphore(%run_scoped3A_13 : memref<!tpu.dma_semaphore, #tpu.memory_space<semaphore_mem>>) {add = true}
        %dma_wait3A_362 = arith.constant 12 : i32
        %dma_wait3A_363 = arith.constant 0 : i32
        %dma_wait3A_364 = tpu.memref_slice %arg7[%dma_wait3A_362, %dma_wait3A_363] : memref<25x80xi32, #tpu.memory_space<vmem>> -> memref<1x80xi32, #tpu.memory_space<vmem>>
        %dma_wait3A_365 = tpu.memref_squeeze %dma_wait3A_364 : memref<1x80xi32, #tpu.memory_space<vmem>> -> memref<80xi32, #tpu.memory_space<vmem>>
        %dma_wait3A_366 = arith.constant 0 : i32
        %dma_wait3A_367 = arith.constant 0 : i32
        %dma_wait3A_368 = tpu.memref_slice %arg2[%dma_wait3A_366, %dma_wait3A_367] : memref<10000x128xf32, #tpu.memory_space<hbm>> -> memref<10000x128xf32, #tpu.memory_space<hbm>>
        tpu.wait_indirect_dma semaphore(%run_scoped3A : memref<!tpu.dma_semaphore, #tpu.memory_space<semaphore_mem>>) src(%dma_wait3A_368 : memref<10000x128xf32, #tpu.memory_space<hbm>>) dst(%arg9 : memref<80x128xf32, #tpu.memory_space<vmem>>)
        %dma_wait3A_369 = arith.constant 11 : i32
        %dma_wait3A_370 = arith.constant 0 : i32
        %dma_wait3A_371 = tpu.memref_slice %arg8[%dma_wait3A_369, %dma_wait3A_370] : memref<25x80xi32, #tpu.memory_space<vmem>> -> memref<1x80xi32, #tpu.memory_space<vmem>>
        %dma_wait3A_372 = tpu.memref_squeeze %dma_wait3A_371 : memref<1x80xi32, #tpu.memory_space<vmem>> -> memref<80xi32, #tpu.memory_space<vmem>>
        %dma_wait3A_373 = arith.constant 0 : i32
        %dma_wait3A_374 = arith.constant 0 : i32
        %dma_wait3A_375 = tpu.memref_slice %arg12[%dma_wait3A_373, %dma_wait3A_374] : memref<10240x128xf32, #tpu.memory_space<vmem_shared>> -> memref<10240x128xf32, #tpu.memory_space<vmem_shared>>
        tpu.wait_indirect_dma semaphore(%run_scoped3A_13 : memref<!tpu.dma_semaphore, #tpu.memory_space<semaphore_mem>>) src(%arg11 : memref<80x128xf32, #tpu.memory_space<vmem>>) dst(%dma_wait3A_375 : memref<10240x128xf32, #tpu.memory_space<vmem_shared>>)
        %dma_start3A_376 = arith.constant 14 : i32
        %dma_start3A_377 = arith.constant 0 : i32
        %dma_start3A_378 = tpu.memref_slice %arg7[%dma_start3A_376, %dma_start3A_377] : memref<25x80xi32, #tpu.memory_space<vmem>> -> memref<1x80xi32, #tpu.memory_space<vmem>>
        %dma_start3A_379 = tpu.memref_squeeze %dma_start3A_378 : memref<1x80xi32, #tpu.memory_space<vmem>> -> memref<80xi32, #tpu.memory_space<vmem>>
        %dma_start3A_380 = arith.constant 0 : i32
        %dma_start3A_381 = arith.constant 0 : i32
        %dma_start3A_382 = tpu.memref_slice %arg2[%dma_start3A_380, %dma_start3A_381] : memref<10000x128xf32, #tpu.memory_space<hbm>> -> memref<10000x128xf32, #tpu.memory_space<hbm>>
        tpu.enqueue_indirect_dma source(%dma_start3A_382 : memref<10000x128xf32, #tpu.memory_space<hbm>>) target(%arg11 : memref<80x128xf32, #tpu.memory_space<vmem>>) offsets(%dma_start3A_379 : memref<80xi32, #tpu.memory_space<vmem>>) semaphore(%run_scoped3A : memref<!tpu.dma_semaphore, #tpu.memory_space<semaphore_mem>>)
        %dma_start3A_383 = arith.constant 12 : i32
        %dma_start3A_384 = arith.constant 0 : i32
        %dma_start3A_385 = tpu.memref_slice %arg8[%dma_start3A_383, %dma_start3A_384] : memref<25x80xi32, #tpu.memory_space<vmem>> -> memref<1x80xi32, #tpu.memory_space<vmem>>
        %dma_start3A_386 = tpu.memref_squeeze %dma_start3A_385 : memref<1x80xi32, #tpu.memory_space<vmem>> -> memref<80xi32, #tpu.memory_space<vmem>>
        %dma_start3A_387 = arith.constant 0 : i32
        %dma_start3A_388 = arith.constant 0 : i32
        %dma_start3A_389 = tpu.memref_slice %arg12[%dma_start3A_387, %dma_start3A_388] : memref<10240x128xf32, #tpu.memory_space<vmem_shared>> -> memref<10240x128xf32, #tpu.memory_space<vmem_shared>>
        tpu.enqueue_indirect_dma source(%arg9 : memref<80x128xf32, #tpu.memory_space<vmem>>) target(%dma_start3A_389 : memref<10240x128xf32, #tpu.memory_space<vmem_shared>>) offsets(%dma_start3A_386 : memref<80xi32, #tpu.memory_space<vmem>>) semaphore(%run_scoped3A_13 : memref<!tpu.dma_semaphore, #tpu.memory_space<semaphore_mem>>) {add = true}
        %dma_wait3A_390 = arith.constant 13 : i32
        %dma_wait3A_391 = arith.constant 0 : i32
        %dma_wait3A_392 = tpu.memref_slice %arg7[%dma_wait3A_390, %dma_wait3A_391] : memref<25x80xi32, #tpu.memory_space<vmem>> -> memref<1x80xi32, #tpu.memory_space<vmem>>
        %dma_wait3A_393 = tpu.memref_squeeze %dma_wait3A_392 : memref<1x80xi32, #tpu.memory_space<vmem>> -> memref<80xi32, #tpu.memory_space<vmem>>
        %dma_wait3A_394 = arith.constant 0 : i32
        %dma_wait3A_395 = arith.constant 0 : i32
        %dma_wait3A_396 = tpu.memref_slice %arg2[%dma_wait3A_394, %dma_wait3A_395] : memref<10000x128xf32, #tpu.memory_space<hbm>> -> memref<10000x128xf32, #tpu.memory_space<hbm>>
        tpu.wait_indirect_dma semaphore(%run_scoped3A : memref<!tpu.dma_semaphore, #tpu.memory_space<semaphore_mem>>) src(%dma_wait3A_396 : memref<10000x128xf32, #tpu.memory_space<hbm>>) dst(%arg10 : memref<80x128xf32, #tpu.memory_space<vmem>>)
        %dma_wait3A_397 = arith.constant 12 : i32
        %dma_wait3A_398 = arith.constant 0 : i32
        %dma_wait3A_399 = tpu.memref_slice %arg8[%dma_wait3A_397, %dma_wait3A_398] : memref<25x80xi32, #tpu.memory_space<vmem>> -> memref<1x80xi32, #tpu.memory_space<vmem>>
        %dma_wait3A_400 = tpu.memref_squeeze %dma_wait3A_399 : memref<1x80xi32, #tpu.memory_space<vmem>> -> memref<80xi32, #tpu.memory_space<vmem>>
        %dma_wait3A_401 = arith.constant 0 : i32
        %dma_wait3A_402 = arith.constant 0 : i32
        %dma_wait3A_403 = tpu.memref_slice %arg12[%dma_wait3A_401, %dma_wait3A_402] : memref<10240x128xf32, #tpu.memory_space<vmem_shared>> -> memref<10240x128xf32, #tpu.memory_space<vmem_shared>>
        tpu.wait_indirect_dma semaphore(%run_scoped3A_13 : memref<!tpu.dma_semaphore, #tpu.memory_space<semaphore_mem>>) src(%arg9 : memref<80x128xf32, #tpu.memory_space<vmem>>) dst(%dma_wait3A_403 : memref<10240x128xf32, #tpu.memory_space<vmem_shared>>)
        %dma_start3A_404 = arith.constant 15 : i32
        %dma_start3A_405 = arith.constant 0 : i32
        %dma_start3A_406 = tpu.memref_slice %arg7[%dma_start3A_404, %dma_start3A_405] : memref<25x80xi32, #tpu.memory_space<vmem>> -> memref<1x80xi32, #tpu.memory_space<vmem>>
        %dma_start3A_407 = tpu.memref_squeeze %dma_start3A_406 : memref<1x80xi32, #tpu.memory_space<vmem>> -> memref<80xi32, #tpu.memory_space<vmem>>
        %dma_start3A_408 = arith.constant 0 : i32
        %dma_start3A_409 = arith.constant 0 : i32
        %dma_start3A_410 = tpu.memref_slice %arg2[%dma_start3A_408, %dma_start3A_409] : memref<10000x128xf32, #tpu.memory_space<hbm>> -> memref<10000x128xf32, #tpu.memory_space<hbm>>
        tpu.enqueue_indirect_dma source(%dma_start3A_410 : memref<10000x128xf32, #tpu.memory_space<hbm>>) target(%arg9 : memref<80x128xf32, #tpu.memory_space<vmem>>) offsets(%dma_start3A_407 : memref<80xi32, #tpu.memory_space<vmem>>) semaphore(%run_scoped3A : memref<!tpu.dma_semaphore, #tpu.memory_space<semaphore_mem>>)
        %dma_start3A_411 = arith.constant 13 : i32
        %dma_start3A_412 = arith.constant 0 : i32
        %dma_start3A_413 = tpu.memref_slice %arg8[%dma_start3A_411, %dma_start3A_412] : memref<25x80xi32, #tpu.memory_space<vmem>> -> memref<1x80xi32, #tpu.memory_space<vmem>>
        %dma_start3A_414 = tpu.memref_squeeze %dma_start3A_413 : memref<1x80xi32, #tpu.memory_space<vmem>> -> memref<80xi32, #tpu.memory_space<vmem>>
        %dma_start3A_415 = arith.constant 0 : i32
        %dma_start3A_416 = arith.constant 0 : i32
        %dma_start3A_417 = tpu.memref_slice %arg12[%dma_start3A_415, %dma_start3A_416] : memref<10240x128xf32, #tpu.memory_space<vmem_shared>> -> memref<10240x128xf32, #tpu.memory_space<vmem_shared>>
        tpu.enqueue_indirect_dma source(%arg10 : memref<80x128xf32, #tpu.memory_space<vmem>>) target(%dma_start3A_417 : memref<10240x128xf32, #tpu.memory_space<vmem_shared>>) offsets(%dma_start3A_414 : memref<80xi32, #tpu.memory_space<vmem>>) semaphore(%run_scoped3A_13 : memref<!tpu.dma_semaphore, #tpu.memory_space<semaphore_mem>>) {add = true}
        %dma_wait3A_418 = arith.constant 14 : i32
        %dma_wait3A_419 = arith.constant 0 : i32
        %dma_wait3A_420 = tpu.memref_slice %arg7[%dma_wait3A_418, %dma_wait3A_419] : memref<25x80xi32, #tpu.memory_space<vmem>> -> memref<1x80xi32, #tpu.memory_space<vmem>>
        %dma_wait3A_421 = tpu.memref_squeeze %dma_wait3A_420 : memref<1x80xi32, #tpu.memory_space<vmem>> -> memref<80xi32, #tpu.memory_space<vmem>>
        %dma_wait3A_422 = arith.constant 0 : i32
        %dma_wait3A_423 = arith.constant 0 : i32
        %dma_wait3A_424 = tpu.memref_slice %arg2[%dma_wait3A_422, %dma_wait3A_423] : memref<10000x128xf32, #tpu.memory_space<hbm>> -> memref<10000x128xf32, #tpu.memory_space<hbm>>
        tpu.wait_indirect_dma semaphore(%run_scoped3A : memref<!tpu.dma_semaphore, #tpu.memory_space<semaphore_mem>>) src(%dma_wait3A_424 : memref<10000x128xf32, #tpu.memory_space<hbm>>) dst(%arg11 : memref<80x128xf32, #tpu.memory_space<vmem>>)
        %dma_wait3A_425 = arith.constant 13 : i32
        %dma_wait3A_426 = arith.constant 0 : i32
        %dma_wait3A_427 = tpu.memref_slice %arg8[%dma_wait3A_425, %dma_wait3A_426] : memref<25x80xi32, #tpu.memory_space<vmem>> -> memref<1x80xi32, #tpu.memory_space<vmem>>
        %dma_wait3A_428 = tpu.memref_squeeze %dma_wait3A_427 : memref<1x80xi32, #tpu.memory_space<vmem>> -> memref<80xi32, #tpu.memory_space<vmem>>
        %dma_wait3A_429 = arith.constant 0 : i32
        %dma_wait3A_430 = arith.constant 0 : i32
        %dma_wait3A_431 = tpu.memref_slice %arg12[%dma_wait3A_429, %dma_wait3A_430] : memref<10240x128xf32, #tpu.memory_space<vmem_shared>> -> memref<10240x128xf32, #tpu.memory_space<vmem_shared>>
        tpu.wait_indirect_dma semaphore(%run_scoped3A_13 : memref<!tpu.dma_semaphore, #tpu.memory_space<semaphore_mem>>) src(%arg10 : memref<80x128xf32, #tpu.memory_space<vmem>>) dst(%dma_wait3A_431 : memref<10240x128xf32, #tpu.memory_space<vmem_shared>>)
        %dma_start3A_432 = arith.constant 16 : i32
        %dma_start3A_433 = arith.constant 0 : i32
        %dma_start3A_434 = tpu.memref_slice %arg7[%dma_start3A_432, %dma_start3A_433] : memref<25x80xi32, #tpu.memory_space<vmem>> -> memref<1x80xi32, #tpu.memory_space<vmem>>
        %dma_start3A_435 = tpu.memref_squeeze %dma_start3A_434 : memref<1x80xi32, #tpu.memory_space<vmem>> -> memref<80xi32, #tpu.memory_space<vmem>>
        %dma_start3A_436 = arith.constant 0 : i32
        %dma_start3A_437 = arith.constant 0 : i32
        %dma_start3A_438 = tpu.memref_slice %arg2[%dma_start3A_436, %dma_start3A_437] : memref<10000x128xf32, #tpu.memory_space<hbm>> -> memref<10000x128xf32, #tpu.memory_space<hbm>>
        tpu.enqueue_indirect_dma source(%dma_start3A_438 : memref<10000x128xf32, #tpu.memory_space<hbm>>) target(%arg10 : memref<80x128xf32, #tpu.memory_space<vmem>>) offsets(%dma_start3A_435 : memref<80xi32, #tpu.memory_space<vmem>>) semaphore(%run_scoped3A : memref<!tpu.dma_semaphore, #tpu.memory_space<semaphore_mem>>)
        %dma_start3A_439 = arith.constant 14 : i32
        %dma_start3A_440 = arith.constant 0 : i32
        %dma_start3A_441 = tpu.memref_slice %arg8[%dma_start3A_439, %dma_start3A_440] : memref<25x80xi32, #tpu.memory_space<vmem>> -> memref<1x80xi32, #tpu.memory_space<vmem>>
        %dma_start3A_442 = tpu.memref_squeeze %dma_start3A_441 : memref<1x80xi32, #tpu.memory_space<vmem>> -> memref<80xi32, #tpu.memory_space<vmem>>
        %dma_start3A_443 = arith.constant 0 : i32
        %dma_start3A_444 = arith.constant 0 : i32
        %dma_start3A_445 = tpu.memref_slice %arg12[%dma_start3A_443, %dma_start3A_444] : memref<10240x128xf32, #tpu.memory_space<vmem_shared>> -> memref<10240x128xf32, #tpu.memory_space<vmem_shared>>
        tpu.enqueue_indirect_dma source(%arg11 : memref<80x128xf32, #tpu.memory_space<vmem>>) target(%dma_start3A_445 : memref<10240x128xf32, #tpu.memory_space<vmem_shared>>) offsets(%dma_start3A_442 : memref<80xi32, #tpu.memory_space<vmem>>) semaphore(%run_scoped3A_13 : memref<!tpu.dma_semaphore, #tpu.memory_space<semaphore_mem>>) {add = true}
        %dma_wait3A_446 = arith.constant 15 : i32
        %dma_wait3A_447 = arith.constant 0 : i32
        %dma_wait3A_448 = tpu.memref_slice %arg7[%dma_wait3A_446, %dma_wait3A_447] : memref<25x80xi32, #tpu.memory_space<vmem>> -> memref<1x80xi32, #tpu.memory_space<vmem>>
        %dma_wait3A_449 = tpu.memref_squeeze %dma_wait3A_448 : memref<1x80xi32, #tpu.memory_space<vmem>> -> memref<80xi32, #tpu.memory_space<vmem>>
        %dma_wait3A_450 = arith.constant 0 : i32
        %dma_wait3A_451 = arith.constant 0 : i32
        %dma_wait3A_452 = tpu.memref_slice %arg2[%dma_wait3A_450, %dma_wait3A_451] : memref<10000x128xf32, #tpu.memory_space<hbm>> -> memref<10000x128xf32, #tpu.memory_space<hbm>>
        tpu.wait_indirect_dma semaphore(%run_scoped3A : memref<!tpu.dma_semaphore, #tpu.memory_space<semaphore_mem>>) src(%dma_wait3A_452 : memref<10000x128xf32, #tpu.memory_space<hbm>>) dst(%arg9 : memref<80x128xf32, #tpu.memory_space<vmem>>)
        %dma_wait3A_453 = arith.constant 14 : i32
        %dma_wait3A_454 = arith.constant 0 : i32
        %dma_wait3A_455 = tpu.memref_slice %arg8[%dma_wait3A_453, %dma_wait3A_454] : memref<25x80xi32, #tpu.memory_space<vmem>> -> memref<1x80xi32, #tpu.memory_space<vmem>>
        %dma_wait3A_456 = tpu.memref_squeeze %dma_wait3A_455 : memref<1x80xi32, #tpu.memory_space<vmem>> -> memref<80xi32, #tpu.memory_space<vmem>>
        %dma_wait3A_457 = arith.constant 0 : i32
        %dma_wait3A_458 = arith.constant 0 : i32
        %dma_wait3A_459 = tpu.memref_slice %arg12[%dma_wait3A_457, %dma_wait3A_458] : memref<10240x128xf32, #tpu.memory_space<vmem_shared>> -> memref<10240x128xf32, #tpu.memory_space<vmem_shared>>
        tpu.wait_indirect_dma semaphore(%run_scoped3A_13 : memref<!tpu.dma_semaphore, #tpu.memory_space<semaphore_mem>>) src(%arg11 : memref<80x128xf32, #tpu.memory_space<vmem>>) dst(%dma_wait3A_459 : memref<10240x128xf32, #tpu.memory_space<vmem_shared>>)
        %dma_start3A_460 = arith.constant 17 : i32
        %dma_start3A_461 = arith.constant 0 : i32
        %dma_start3A_462 = tpu.memref_slice %arg7[%dma_start3A_460, %dma_start3A_461] : memref<25x80xi32, #tpu.memory_space<vmem>> -> memref<1x80xi32, #tpu.memory_space<vmem>>
        %dma_start3A_463 = tpu.memref_squeeze %dma_start3A_462 : memref<1x80xi32, #tpu.memory_space<vmem>> -> memref<80xi32, #tpu.memory_space<vmem>>
        %dma_start3A_464 = arith.constant 0 : i32
        %dma_start3A_465 = arith.constant 0 : i32
        %dma_start3A_466 = tpu.memref_slice %arg2[%dma_start3A_464, %dma_start3A_465] : memref<10000x128xf32, #tpu.memory_space<hbm>> -> memref<10000x128xf32, #tpu.memory_space<hbm>>
        tpu.enqueue_indirect_dma source(%dma_start3A_466 : memref<10000x128xf32, #tpu.memory_space<hbm>>) target(%arg11 : memref<80x128xf32, #tpu.memory_space<vmem>>) offsets(%dma_start3A_463 : memref<80xi32, #tpu.memory_space<vmem>>) semaphore(%run_scoped3A : memref<!tpu.dma_semaphore, #tpu.memory_space<semaphore_mem>>)
        %dma_start3A_467 = arith.constant 15 : i32
        %dma_start3A_468 = arith.constant 0 : i32
        %dma_start3A_469 = tpu.memref_slice %arg8[%dma_start3A_467, %dma_start3A_468] : memref<25x80xi32, #tpu.memory_space<vmem>> -> memref<1x80xi32, #tpu.memory_space<vmem>>
        %dma_start3A_470 = tpu.memref_squeeze %dma_start3A_469 : memref<1x80xi32, #tpu.memory_space<vmem>> -> memref<80xi32, #tpu.memory_space<vmem>>
        %dma_start3A_471 = arith.constant 0 : i32
        %dma_start3A_472 = arith.constant 0 : i32
        %dma_start3A_473 = tpu.memref_slice %arg12[%dma_start3A_471, %dma_start3A_472] : memref<10240x128xf32, #tpu.memory_space<vmem_shared>> -> memref<10240x128xf32, #tpu.memory_space<vmem_shared>>
        tpu.enqueue_indirect_dma source(%arg9 : memref<80x128xf32, #tpu.memory_space<vmem>>) target(%dma_start3A_473 : memref<10240x128xf32, #tpu.memory_space<vmem_shared>>) offsets(%dma_start3A_470 : memref<80xi32, #tpu.memory_space<vmem>>) semaphore(%run_scoped3A_13 : memref<!tpu.dma_semaphore, #tpu.memory_space<semaphore_mem>>) {add = true}
        %dma_wait3A_474 = arith.constant 16 : i32
        %dma_wait3A_475 = arith.constant 0 : i32
        %dma_wait3A_476 = tpu.memref_slice %arg7[%dma_wait3A_474, %dma_wait3A_475] : memref<25x80xi32, #tpu.memory_space<vmem>> -> memref<1x80xi32, #tpu.memory_space<vmem>>
        %dma_wait3A_477 = tpu.memref_squeeze %dma_wait3A_476 : memref<1x80xi32, #tpu.memory_space<vmem>> -> memref<80xi32, #tpu.memory_space<vmem>>
        %dma_wait3A_478 = arith.constant 0 : i32
        %dma_wait3A_479 = arith.constant 0 : i32
        %dma_wait3A_480 = tpu.memref_slice %arg2[%dma_wait3A_478, %dma_wait3A_479] : memref<10000x128xf32, #tpu.memory_space<hbm>> -> memref<10000x128xf32, #tpu.memory_space<hbm>>
        tpu.wait_indirect_dma semaphore(%run_scoped3A : memref<!tpu.dma_semaphore, #tpu.memory_space<semaphore_mem>>) src(%dma_wait3A_480 : memref<10000x128xf32, #tpu.memory_space<hbm>>) dst(%arg10 : memref<80x128xf32, #tpu.memory_space<vmem>>)
        %dma_wait3A_481 = arith.constant 15 : i32
        %dma_wait3A_482 = arith.constant 0 : i32
        %dma_wait3A_483 = tpu.memref_slice %arg8[%dma_wait3A_481, %dma_wait3A_482] : memref<25x80xi32, #tpu.memory_space<vmem>> -> memref<1x80xi32, #tpu.memory_space<vmem>>
        %dma_wait3A_484 = tpu.memref_squeeze %dma_wait3A_483 : memref<1x80xi32, #tpu.memory_space<vmem>> -> memref<80xi32, #tpu.memory_space<vmem>>
        %dma_wait3A_485 = arith.constant 0 : i32
        %dma_wait3A_486 = arith.constant 0 : i32
        %dma_wait3A_487 = tpu.memref_slice %arg12[%dma_wait3A_485, %dma_wait3A_486] : memref<10240x128xf32, #tpu.memory_space<vmem_shared>> -> memref<10240x128xf32, #tpu.memory_space<vmem_shared>>
        tpu.wait_indirect_dma semaphore(%run_scoped3A_13 : memref<!tpu.dma_semaphore, #tpu.memory_space<semaphore_mem>>) src(%arg9 : memref<80x128xf32, #tpu.memory_space<vmem>>) dst(%dma_wait3A_487 : memref<10240x128xf32, #tpu.memory_space<vmem_shared>>)
        %dma_start3A_488 = arith.constant 18 : i32
        %dma_start3A_489 = arith.constant 0 : i32
        %dma_start3A_490 = tpu.memref_slice %arg7[%dma_start3A_488, %dma_start3A_489] : memref<25x80xi32, #tpu.memory_space<vmem>> -> memref<1x80xi32, #tpu.memory_space<vmem>>
        %dma_start3A_491 = tpu.memref_squeeze %dma_start3A_490 : memref<1x80xi32, #tpu.memory_space<vmem>> -> memref<80xi32, #tpu.memory_space<vmem>>
        %dma_start3A_492 = arith.constant 0 : i32
        %dma_start3A_493 = arith.constant 0 : i32
        %dma_start3A_494 = tpu.memref_slice %arg2[%dma_start3A_492, %dma_start3A_493] : memref<10000x128xf32, #tpu.memory_space<hbm>> -> memref<10000x128xf32, #tpu.memory_space<hbm>>
        tpu.enqueue_indirect_dma source(%dma_start3A_494 : memref<10000x128xf32, #tpu.memory_space<hbm>>) target(%arg9 : memref<80x128xf32, #tpu.memory_space<vmem>>) offsets(%dma_start3A_491 : memref<80xi32, #tpu.memory_space<vmem>>) semaphore(%run_scoped3A : memref<!tpu.dma_semaphore, #tpu.memory_space<semaphore_mem>>)
        %dma_start3A_495 = arith.constant 16 : i32
        %dma_start3A_496 = arith.constant 0 : i32
        %dma_start3A_497 = tpu.memref_slice %arg8[%dma_start3A_495, %dma_start3A_496] : memref<25x80xi32, #tpu.memory_space<vmem>> -> memref<1x80xi32, #tpu.memory_space<vmem>>
        %dma_start3A_498 = tpu.memref_squeeze %dma_start3A_497 : memref<1x80xi32, #tpu.memory_space<vmem>> -> memref<80xi32, #tpu.memory_space<vmem>>
        %dma_start3A_499 = arith.constant 0 : i32
        %dma_start3A_500 = arith.constant 0 : i32
        %dma_start3A_501 = tpu.memref_slice %arg12[%dma_start3A_499, %dma_start3A_500] : memref<10240x128xf32, #tpu.memory_space<vmem_shared>> -> memref<10240x128xf32, #tpu.memory_space<vmem_shared>>
        tpu.enqueue_indirect_dma source(%arg10 : memref<80x128xf32, #tpu.memory_space<vmem>>) target(%dma_start3A_501 : memref<10240x128xf32, #tpu.memory_space<vmem_shared>>) offsets(%dma_start3A_498 : memref<80xi32, #tpu.memory_space<vmem>>) semaphore(%run_scoped3A_13 : memref<!tpu.dma_semaphore, #tpu.memory_space<semaphore_mem>>) {add = true}
        %dma_wait3A_502 = arith.constant 17 : i32
        %dma_wait3A_503 = arith.constant 0 : i32
        %dma_wait3A_504 = tpu.memref_slice %arg7[%dma_wait3A_502, %dma_wait3A_503] : memref<25x80xi32, #tpu.memory_space<vmem>> -> memref<1x80xi32, #tpu.memory_space<vmem>>
        %dma_wait3A_505 = tpu.memref_squeeze %dma_wait3A_504 : memref<1x80xi32, #tpu.memory_space<vmem>> -> memref<80xi32, #tpu.memory_space<vmem>>
        %dma_wait3A_506 = arith.constant 0 : i32
        %dma_wait3A_507 = arith.constant 0 : i32
        %dma_wait3A_508 = tpu.memref_slice %arg2[%dma_wait3A_506, %dma_wait3A_507] : memref<10000x128xf32, #tpu.memory_space<hbm>> -> memref<10000x128xf32, #tpu.memory_space<hbm>>
        tpu.wait_indirect_dma semaphore(%run_scoped3A : memref<!tpu.dma_semaphore, #tpu.memory_space<semaphore_mem>>) src(%dma_wait3A_508 : memref<10000x128xf32, #tpu.memory_space<hbm>>) dst(%arg11 : memref<80x128xf32, #tpu.memory_space<vmem>>)
        %dma_wait3A_509 = arith.constant 16 : i32
        %dma_wait3A_510 = arith.constant 0 : i32
        %dma_wait3A_511 = tpu.memref_slice %arg8[%dma_wait3A_509, %dma_wait3A_510] : memref<25x80xi32, #tpu.memory_space<vmem>> -> memref<1x80xi32, #tpu.memory_space<vmem>>
        %dma_wait3A_512 = tpu.memref_squeeze %dma_wait3A_511 : memref<1x80xi32, #tpu.memory_space<vmem>> -> memref<80xi32, #tpu.memory_space<vmem>>
        %dma_wait3A_513 = arith.constant 0 : i32
        %dma_wait3A_514 = arith.constant 0 : i32
        %dma_wait3A_515 = tpu.memref_slice %arg12[%dma_wait3A_513, %dma_wait3A_514] : memref<10240x128xf32, #tpu.memory_space<vmem_shared>> -> memref<10240x128xf32, #tpu.memory_space<vmem_shared>>
        tpu.wait_indirect_dma semaphore(%run_scoped3A_13 : memref<!tpu.dma_semaphore, #tpu.memory_space<semaphore_mem>>) src(%arg10 : memref<80x128xf32, #tpu.memory_space<vmem>>) dst(%dma_wait3A_515 : memref<10240x128xf32, #tpu.memory_space<vmem_shared>>)
        %dma_start3A_516 = arith.constant 19 : i32
        %dma_start3A_517 = arith.constant 0 : i32
        %dma_start3A_518 = tpu.memref_slice %arg7[%dma_start3A_516, %dma_start3A_517] : memref<25x80xi32, #tpu.memory_space<vmem>> -> memref<1x80xi32, #tpu.memory_space<vmem>>
        %dma_start3A_519 = tpu.memref_squeeze %dma_start3A_518 : memref<1x80xi32, #tpu.memory_space<vmem>> -> memref<80xi32, #tpu.memory_space<vmem>>
        %dma_start3A_520 = arith.constant 0 : i32
        %dma_start3A_521 = arith.constant 0 : i32
        %dma_start3A_522 = tpu.memref_slice %arg2[%dma_start3A_520, %dma_start3A_521] : memref<10000x128xf32, #tpu.memory_space<hbm>> -> memref<10000x128xf32, #tpu.memory_space<hbm>>
        tpu.enqueue_indirect_dma source(%dma_start3A_522 : memref<10000x128xf32, #tpu.memory_space<hbm>>) target(%arg10 : memref<80x128xf32, #tpu.memory_space<vmem>>) offsets(%dma_start3A_519 : memref<80xi32, #tpu.memory_space<vmem>>) semaphore(%run_scoped3A : memref<!tpu.dma_semaphore, #tpu.memory_space<semaphore_mem>>)
        %dma_start3A_523 = arith.constant 17 : i32
        %dma_start3A_524 = arith.constant 0 : i32
        %dma_start3A_525 = tpu.memref_slice %arg8[%dma_start3A_523, %dma_start3A_524] : memref<25x80xi32, #tpu.memory_space<vmem>> -> memref<1x80xi32, #tpu.memory_space<vmem>>
        %dma_start3A_526 = tpu.memref_squeeze %dma_start3A_525 : memref<1x80xi32, #tpu.memory_space<vmem>> -> memref<80xi32, #tpu.memory_space<vmem>>
        %dma_start3A_527 = arith.constant 0 : i32
        %dma_start3A_528 = arith.constant 0 : i32
        %dma_start3A_529 = tpu.memref_slice %arg12[%dma_start3A_527, %dma_start3A_528] : memref<10240x128xf32, #tpu.memory_space<vmem_shared>> -> memref<10240x128xf32, #tpu.memory_space<vmem_shared>>
        tpu.enqueue_indirect_dma source(%arg11 : memref<80x128xf32, #tpu.memory_space<vmem>>) target(%dma_start3A_529 : memref<10240x128xf32, #tpu.memory_space<vmem_shared>>) offsets(%dma_start3A_526 : memref<80xi32, #tpu.memory_space<vmem>>) semaphore(%run_scoped3A_13 : memref<!tpu.dma_semaphore, #tpu.memory_space<semaphore_mem>>) {add = true}
        %dma_wait3A_530 = arith.constant 18 : i32
        %dma_wait3A_531 = arith.constant 0 : i32
        %dma_wait3A_532 = tpu.memref_slice %arg7[%dma_wait3A_530, %dma_wait3A_531] : memref<25x80xi32, #tpu.memory_space<vmem>> -> memref<1x80xi32, #tpu.memory_space<vmem>>
        %dma_wait3A_533 = tpu.memref_squeeze %dma_wait3A_532 : memref<1x80xi32, #tpu.memory_space<vmem>> -> memref<80xi32, #tpu.memory_space<vmem>>
        %dma_wait3A_534 = arith.constant 0 : i32
        %dma_wait3A_535 = arith.constant 0 : i32
        %dma_wait3A_536 = tpu.memref_slice %arg2[%dma_wait3A_534, %dma_wait3A_535] : memref<10000x128xf32, #tpu.memory_space<hbm>> -> memref<10000x128xf32, #tpu.memory_space<hbm>>
        tpu.wait_indirect_dma semaphore(%run_scoped3A : memref<!tpu.dma_semaphore, #tpu.memory_space<semaphore_mem>>) src(%dma_wait3A_536 : memref<10000x128xf32, #tpu.memory_space<hbm>>) dst(%arg9 : memref<80x128xf32, #tpu.memory_space<vmem>>)
        %dma_wait3A_537 = arith.constant 17 : i32
        %dma_wait3A_538 = arith.constant 0 : i32
        %dma_wait3A_539 = tpu.memref_slice %arg8[%dma_wait3A_537, %dma_wait3A_538] : memref<25x80xi32, #tpu.memory_space<vmem>> -> memref<1x80xi32, #tpu.memory_space<vmem>>
        %dma_wait3A_540 = tpu.memref_squeeze %dma_wait3A_539 : memref<1x80xi32, #tpu.memory_space<vmem>> -> memref<80xi32, #tpu.memory_space<vmem>>
        %dma_wait3A_541 = arith.constant 0 : i32
        %dma_wait3A_542 = arith.constant 0 : i32
        %dma_wait3A_543 = tpu.memref_slice %arg12[%dma_wait3A_541, %dma_wait3A_542] : memref<10240x128xf32, #tpu.memory_space<vmem_shared>> -> memref<10240x128xf32, #tpu.memory_space<vmem_shared>>
        tpu.wait_indirect_dma semaphore(%run_scoped3A_13 : memref<!tpu.dma_semaphore, #tpu.memory_space<semaphore_mem>>) src(%arg11 : memref<80x128xf32, #tpu.memory_space<vmem>>) dst(%dma_wait3A_543 : memref<10240x128xf32, #tpu.memory_space<vmem_shared>>)
        %dma_start3A_544 = arith.constant 20 : i32
        %dma_start3A_545 = arith.constant 0 : i32
        %dma_start3A_546 = tpu.memref_slice %arg7[%dma_start3A_544, %dma_start3A_545] : memref<25x80xi32, #tpu.memory_space<vmem>> -> memref<1x80xi32, #tpu.memory_space<vmem>>
        %dma_start3A_547 = tpu.memref_squeeze %dma_start3A_546 : memref<1x80xi32, #tpu.memory_space<vmem>> -> memref<80xi32, #tpu.memory_space<vmem>>
        %dma_start3A_548 = arith.constant 0 : i32
        %dma_start3A_549 = arith.constant 0 : i32
        %dma_start3A_550 = tpu.memref_slice %arg2[%dma_start3A_548, %dma_start3A_549] : memref<10000x128xf32, #tpu.memory_space<hbm>> -> memref<10000x128xf32, #tpu.memory_space<hbm>>
        tpu.enqueue_indirect_dma source(%dma_start3A_550 : memref<10000x128xf32, #tpu.memory_space<hbm>>) target(%arg11 : memref<80x128xf32, #tpu.memory_space<vmem>>) offsets(%dma_start3A_547 : memref<80xi32, #tpu.memory_space<vmem>>) semaphore(%run_scoped3A : memref<!tpu.dma_semaphore, #tpu.memory_space<semaphore_mem>>)
        %dma_start3A_551 = arith.constant 18 : i32
        %dma_start3A_552 = arith.constant 0 : i32
        %dma_start3A_553 = tpu.memref_slice %arg8[%dma_start3A_551, %dma_start3A_552] : memref<25x80xi32, #tpu.memory_space<vmem>> -> memref<1x80xi32, #tpu.memory_space<vmem>>
        %dma_start3A_554 = tpu.memref_squeeze %dma_start3A_553 : memref<1x80xi32, #tpu.memory_space<vmem>> -> memref<80xi32, #tpu.memory_space<vmem>>
        %dma_start3A_555 = arith.constant 0 : i32
        %dma_start3A_556 = arith.constant 0 : i32
        %dma_start3A_557 = tpu.memref_slice %arg12[%dma_start3A_555, %dma_start3A_556] : memref<10240x128xf32, #tpu.memory_space<vmem_shared>> -> memref<10240x128xf32, #tpu.memory_space<vmem_shared>>
        tpu.enqueue_indirect_dma source(%arg9 : memref<80x128xf32, #tpu.memory_space<vmem>>) target(%dma_start3A_557 : memref<10240x128xf32, #tpu.memory_space<vmem_shared>>) offsets(%dma_start3A_554 : memref<80xi32, #tpu.memory_space<vmem>>) semaphore(%run_scoped3A_13 : memref<!tpu.dma_semaphore, #tpu.memory_space<semaphore_mem>>) {add = true}
        %dma_wait3A_558 = arith.constant 19 : i32
        %dma_wait3A_559 = arith.constant 0 : i32
        %dma_wait3A_560 = tpu.memref_slice %arg7[%dma_wait3A_558, %dma_wait3A_559] : memref<25x80xi32, #tpu.memory_space<vmem>> -> memref<1x80xi32, #tpu.memory_space<vmem>>
        %dma_wait3A_561 = tpu.memref_squeeze %dma_wait3A_560 : memref<1x80xi32, #tpu.memory_space<vmem>> -> memref<80xi32, #tpu.memory_space<vmem>>
        %dma_wait3A_562 = arith.constant 0 : i32
        %dma_wait3A_563 = arith.constant 0 : i32
        %dma_wait3A_564 = tpu.memref_slice %arg2[%dma_wait3A_562, %dma_wait3A_563] : memref<10000x128xf32, #tpu.memory_space<hbm>> -> memref<10000x128xf32, #tpu.memory_space<hbm>>
        tpu.wait_indirect_dma semaphore(%run_scoped3A : memref<!tpu.dma_semaphore, #tpu.memory_space<semaphore_mem>>) src(%dma_wait3A_564 : memref<10000x128xf32, #tpu.memory_space<hbm>>) dst(%arg10 : memref<80x128xf32, #tpu.memory_space<vmem>>)
        %dma_wait3A_565 = arith.constant 18 : i32
        %dma_wait3A_566 = arith.constant 0 : i32
        %dma_wait3A_567 = tpu.memref_slice %arg8[%dma_wait3A_565, %dma_wait3A_566] : memref<25x80xi32, #tpu.memory_space<vmem>> -> memref<1x80xi32, #tpu.memory_space<vmem>>
        %dma_wait3A_568 = tpu.memref_squeeze %dma_wait3A_567 : memref<1x80xi32, #tpu.memory_space<vmem>> -> memref<80xi32, #tpu.memory_space<vmem>>
        %dma_wait3A_569 = arith.constant 0 : i32
        %dma_wait3A_570 = arith.constant 0 : i32
        %dma_wait3A_571 = tpu.memref_slice %arg12[%dma_wait3A_569, %dma_wait3A_570] : memref<10240x128xf32, #tpu.memory_space<vmem_shared>> -> memref<10240x128xf32, #tpu.memory_space<vmem_shared>>
        tpu.wait_indirect_dma semaphore(%run_scoped3A_13 : memref<!tpu.dma_semaphore, #tpu.memory_space<semaphore_mem>>) src(%arg9 : memref<80x128xf32, #tpu.memory_space<vmem>>) dst(%dma_wait3A_571 : memref<10240x128xf32, #tpu.memory_space<vmem_shared>>)
        %dma_start3A_572 = arith.constant 21 : i32
        %dma_start3A_573 = arith.constant 0 : i32
        %dma_start3A_574 = tpu.memref_slice %arg7[%dma_start3A_572, %dma_start3A_573] : memref<25x80xi32, #tpu.memory_space<vmem>> -> memref<1x80xi32, #tpu.memory_space<vmem>>
        %dma_start3A_575 = tpu.memref_squeeze %dma_start3A_574 : memref<1x80xi32, #tpu.memory_space<vmem>> -> memref<80xi32, #tpu.memory_space<vmem>>
        %dma_start3A_576 = arith.constant 0 : i32
        %dma_start3A_577 = arith.constant 0 : i32
        %dma_start3A_578 = tpu.memref_slice %arg2[%dma_start3A_576, %dma_start3A_577] : memref<10000x128xf32, #tpu.memory_space<hbm>> -> memref<10000x128xf32, #tpu.memory_space<hbm>>
        tpu.enqueue_indirect_dma source(%dma_start3A_578 : memref<10000x128xf32, #tpu.memory_space<hbm>>) target(%arg9 : memref<80x128xf32, #tpu.memory_space<vmem>>) offsets(%dma_start3A_575 : memref<80xi32, #tpu.memory_space<vmem>>) semaphore(%run_scoped3A : memref<!tpu.dma_semaphore, #tpu.memory_space<semaphore_mem>>)
        %dma_start3A_579 = arith.constant 19 : i32
        %dma_start3A_580 = arith.constant 0 : i32
        %dma_start3A_581 = tpu.memref_slice %arg8[%dma_start3A_579, %dma_start3A_580] : memref<25x80xi32, #tpu.memory_space<vmem>> -> memref<1x80xi32, #tpu.memory_space<vmem>>
        %dma_start3A_582 = tpu.memref_squeeze %dma_start3A_581 : memref<1x80xi32, #tpu.memory_space<vmem>> -> memref<80xi32, #tpu.memory_space<vmem>>
        %dma_start3A_583 = arith.constant 0 : i32
        %dma_start3A_584 = arith.constant 0 : i32
        %dma_start3A_585 = tpu.memref_slice %arg12[%dma_start3A_583, %dma_start3A_584] : memref<10240x128xf32, #tpu.memory_space<vmem_shared>> -> memref<10240x128xf32, #tpu.memory_space<vmem_shared>>
        tpu.enqueue_indirect_dma source(%arg10 : memref<80x128xf32, #tpu.memory_space<vmem>>) target(%dma_start3A_585 : memref<10240x128xf32, #tpu.memory_space<vmem_shared>>) offsets(%dma_start3A_582 : memref<80xi32, #tpu.memory_space<vmem>>) semaphore(%run_scoped3A_13 : memref<!tpu.dma_semaphore, #tpu.memory_space<semaphore_mem>>) {add = true}
        %dma_wait3A_586 = arith.constant 20 : i32
        %dma_wait3A_587 = arith.constant 0 : i32
        %dma_wait3A_588 = tpu.memref_slice %arg7[%dma_wait3A_586, %dma_wait3A_587] : memref<25x80xi32, #tpu.memory_space<vmem>> -> memref<1x80xi32, #tpu.memory_space<vmem>>
        %dma_wait3A_589 = tpu.memref_squeeze %dma_wait3A_588 : memref<1x80xi32, #tpu.memory_space<vmem>> -> memref<80xi32, #tpu.memory_space<vmem>>
        %dma_wait3A_590 = arith.constant 0 : i32
        %dma_wait3A_591 = arith.constant 0 : i32
        %dma_wait3A_592 = tpu.memref_slice %arg2[%dma_wait3A_590, %dma_wait3A_591] : memref<10000x128xf32, #tpu.memory_space<hbm>> -> memref<10000x128xf32, #tpu.memory_space<hbm>>
        tpu.wait_indirect_dma semaphore(%run_scoped3A : memref<!tpu.dma_semaphore, #tpu.memory_space<semaphore_mem>>) src(%dma_wait3A_592 : memref<10000x128xf32, #tpu.memory_space<hbm>>) dst(%arg11 : memref<80x128xf32, #tpu.memory_space<vmem>>)
        %dma_wait3A_593 = arith.constant 19 : i32
        %dma_wait3A_594 = arith.constant 0 : i32
        %dma_wait3A_595 = tpu.memref_slice %arg8[%dma_wait3A_593, %dma_wait3A_594] : memref<25x80xi32, #tpu.memory_space<vmem>> -> memref<1x80xi32, #tpu.memory_space<vmem>>
        %dma_wait3A_596 = tpu.memref_squeeze %dma_wait3A_595 : memref<1x80xi32, #tpu.memory_space<vmem>> -> memref<80xi32, #tpu.memory_space<vmem>>
        %dma_wait3A_597 = arith.constant 0 : i32
        %dma_wait3A_598 = arith.constant 0 : i32
        %dma_wait3A_599 = tpu.memref_slice %arg12[%dma_wait3A_597, %dma_wait3A_598] : memref<10240x128xf32, #tpu.memory_space<vmem_shared>> -> memref<10240x128xf32, #tpu.memory_space<vmem_shared>>
        tpu.wait_indirect_dma semaphore(%run_scoped3A_13 : memref<!tpu.dma_semaphore, #tpu.memory_space<semaphore_mem>>) src(%arg10 : memref<80x128xf32, #tpu.memory_space<vmem>>) dst(%dma_wait3A_599 : memref<10240x128xf32, #tpu.memory_space<vmem_shared>>)
        %dma_start3A_600 = arith.constant 22 : i32
        %dma_start3A_601 = arith.constant 0 : i32
        %dma_start3A_602 = tpu.memref_slice %arg7[%dma_start3A_600, %dma_start3A_601] : memref<25x80xi32, #tpu.memory_space<vmem>> -> memref<1x80xi32, #tpu.memory_space<vmem>>
        %dma_start3A_603 = tpu.memref_squeeze %dma_start3A_602 : memref<1x80xi32, #tpu.memory_space<vmem>> -> memref<80xi32, #tpu.memory_space<vmem>>
        %dma_start3A_604 = arith.constant 0 : i32
        %dma_start3A_605 = arith.constant 0 : i32
        %dma_start3A_606 = tpu.memref_slice %arg2[%dma_start3A_604, %dma_start3A_605] : memref<10000x128xf32, #tpu.memory_space<hbm>> -> memref<10000x128xf32, #tpu.memory_space<hbm>>
        tpu.enqueue_indirect_dma source(%dma_start3A_606 : memref<10000x128xf32, #tpu.memory_space<hbm>>) target(%arg10 : memref<80x128xf32, #tpu.memory_space<vmem>>) offsets(%dma_start3A_603 : memref<80xi32, #tpu.memory_space<vmem>>) semaphore(%run_scoped3A : memref<!tpu.dma_semaphore, #tpu.memory_space<semaphore_mem>>)
        %dma_start3A_607 = arith.constant 20 : i32
        %dma_start3A_608 = arith.constant 0 : i32
        %dma_start3A_609 = tpu.memref_slice %arg8[%dma_start3A_607, %dma_start3A_608] : memref<25x80xi32, #tpu.memory_space<vmem>> -> memref<1x80xi32, #tpu.memory_space<vmem>>
        %dma_start3A_610 = tpu.memref_squeeze %dma_start3A_609 : memref<1x80xi32, #tpu.memory_space<vmem>> -> memref<80xi32, #tpu.memory_space<vmem>>
        %dma_start3A_611 = arith.constant 0 : i32
        %dma_start3A_612 = arith.constant 0 : i32
        %dma_start3A_613 = tpu.memref_slice %arg12[%dma_start3A_611, %dma_start3A_612] : memref<10240x128xf32, #tpu.memory_space<vmem_shared>> -> memref<10240x128xf32, #tpu.memory_space<vmem_shared>>
        tpu.enqueue_indirect_dma source(%arg11 : memref<80x128xf32, #tpu.memory_space<vmem>>) target(%dma_start3A_613 : memref<10240x128xf32, #tpu.memory_space<vmem_shared>>) offsets(%dma_start3A_610 : memref<80xi32, #tpu.memory_space<vmem>>) semaphore(%run_scoped3A_13 : memref<!tpu.dma_semaphore, #tpu.memory_space<semaphore_mem>>) {add = true}
        %dma_wait3A_614 = arith.constant 21 : i32
        %dma_wait3A_615 = arith.constant 0 : i32
        %dma_wait3A_616 = tpu.memref_slice %arg7[%dma_wait3A_614, %dma_wait3A_615] : memref<25x80xi32, #tpu.memory_space<vmem>> -> memref<1x80xi32, #tpu.memory_space<vmem>>
        %dma_wait3A_617 = tpu.memref_squeeze %dma_wait3A_616 : memref<1x80xi32, #tpu.memory_space<vmem>> -> memref<80xi32, #tpu.memory_space<vmem>>
        %dma_wait3A_618 = arith.constant 0 : i32
        %dma_wait3A_619 = arith.constant 0 : i32
        %dma_wait3A_620 = tpu.memref_slice %arg2[%dma_wait3A_618, %dma_wait3A_619] : memref<10000x128xf32, #tpu.memory_space<hbm>> -> memref<10000x128xf32, #tpu.memory_space<hbm>>
        tpu.wait_indirect_dma semaphore(%run_scoped3A : memref<!tpu.dma_semaphore, #tpu.memory_space<semaphore_mem>>) src(%dma_wait3A_620 : memref<10000x128xf32, #tpu.memory_space<hbm>>) dst(%arg9 : memref<80x128xf32, #tpu.memory_space<vmem>>)
        %dma_wait3A_621 = arith.constant 20 : i32
        %dma_wait3A_622 = arith.constant 0 : i32
        %dma_wait3A_623 = tpu.memref_slice %arg8[%dma_wait3A_621, %dma_wait3A_622] : memref<25x80xi32, #tpu.memory_space<vmem>> -> memref<1x80xi32, #tpu.memory_space<vmem>>
        %dma_wait3A_624 = tpu.memref_squeeze %dma_wait3A_623 : memref<1x80xi32, #tpu.memory_space<vmem>> -> memref<80xi32, #tpu.memory_space<vmem>>
        %dma_wait3A_625 = arith.constant 0 : i32
        %dma_wait3A_626 = arith.constant 0 : i32
        %dma_wait3A_627 = tpu.memref_slice %arg12[%dma_wait3A_625, %dma_wait3A_626] : memref<10240x128xf32, #tpu.memory_space<vmem_shared>> -> memref<10240x128xf32, #tpu.memory_space<vmem_shared>>
        tpu.wait_indirect_dma semaphore(%run_scoped3A_13 : memref<!tpu.dma_semaphore, #tpu.memory_space<semaphore_mem>>) src(%arg11 : memref<80x128xf32, #tpu.memory_space<vmem>>) dst(%dma_wait3A_627 : memref<10240x128xf32, #tpu.memory_space<vmem_shared>>)
        %dma_start3A_628 = arith.constant 23 : i32
        %dma_start3A_629 = arith.constant 0 : i32
        %dma_start3A_630 = tpu.memref_slice %arg7[%dma_start3A_628, %dma_start3A_629] : memref<25x80xi32, #tpu.memory_space<vmem>> -> memref<1x80xi32, #tpu.memory_space<vmem>>
        %dma_start3A_631 = tpu.memref_squeeze %dma_start3A_630 : memref<1x80xi32, #tpu.memory_space<vmem>> -> memref<80xi32, #tpu.memory_space<vmem>>
        %dma_start3A_632 = arith.constant 0 : i32
        %dma_start3A_633 = arith.constant 0 : i32
        %dma_start3A_634 = tpu.memref_slice %arg2[%dma_start3A_632, %dma_start3A_633] : memref<10000x128xf32, #tpu.memory_space<hbm>> -> memref<10000x128xf32, #tpu.memory_space<hbm>>
        tpu.enqueue_indirect_dma source(%dma_start3A_634 : memref<10000x128xf32, #tpu.memory_space<hbm>>) target(%arg11 : memref<80x128xf32, #tpu.memory_space<vmem>>) offsets(%dma_start3A_631 : memref<80xi32, #tpu.memory_space<vmem>>) semaphore(%run_scoped3A : memref<!tpu.dma_semaphore, #tpu.memory_space<semaphore_mem>>)
        %dma_start3A_635 = arith.constant 21 : i32
        %dma_start3A_636 = arith.constant 0 : i32
        %dma_start3A_637 = tpu.memref_slice %arg8[%dma_start3A_635, %dma_start3A_636] : memref<25x80xi32, #tpu.memory_space<vmem>> -> memref<1x80xi32, #tpu.memory_space<vmem>>
        %dma_start3A_638 = tpu.memref_squeeze %dma_start3A_637 : memref<1x80xi32, #tpu.memory_space<vmem>> -> memref<80xi32, #tpu.memory_space<vmem>>
        %dma_start3A_639 = arith.constant 0 : i32
        %dma_start3A_640 = arith.constant 0 : i32
        %dma_start3A_641 = tpu.memref_slice %arg12[%dma_start3A_639, %dma_start3A_640] : memref<10240x128xf32, #tpu.memory_space<vmem_shared>> -> memref<10240x128xf32, #tpu.memory_space<vmem_shared>>
        tpu.enqueue_indirect_dma source(%arg9 : memref<80x128xf32, #tpu.memory_space<vmem>>) target(%dma_start3A_641 : memref<10240x128xf32, #tpu.memory_space<vmem_shared>>) offsets(%dma_start3A_638 : memref<80xi32, #tpu.memory_space<vmem>>) semaphore(%run_scoped3A_13 : memref<!tpu.dma_semaphore, #tpu.memory_space<semaphore_mem>>) {add = true}
        %dma_wait3A_642 = arith.constant 22 : i32
        %dma_wait3A_643 = arith.constant 0 : i32
        %dma_wait3A_644 = tpu.memref_slice %arg7[%dma_wait3A_642, %dma_wait3A_643] : memref<25x80xi32, #tpu.memory_space<vmem>> -> memref<1x80xi32, #tpu.memory_space<vmem>>
        %dma_wait3A_645 = tpu.memref_squeeze %dma_wait3A_644 : memref<1x80xi32, #tpu.memory_space<vmem>> -> memref<80xi32, #tpu.memory_space<vmem>>
        %dma_wait3A_646 = arith.constant 0 : i32
        %dma_wait3A_647 = arith.constant 0 : i32
        %dma_wait3A_648 = tpu.memref_slice %arg2[%dma_wait3A_646, %dma_wait3A_647] : memref<10000x128xf32, #tpu.memory_space<hbm>> -> memref<10000x128xf32, #tpu.memory_space<hbm>>
        tpu.wait_indirect_dma semaphore(%run_scoped3A : memref<!tpu.dma_semaphore, #tpu.memory_space<semaphore_mem>>) src(%dma_wait3A_648 : memref<10000x128xf32, #tpu.memory_space<hbm>>) dst(%arg10 : memref<80x128xf32, #tpu.memory_space<vmem>>)
        %dma_wait3A_649 = arith.constant 21 : i32
        %dma_wait3A_650 = arith.constant 0 : i32
        %dma_wait3A_651 = tpu.memref_slice %arg8[%dma_wait3A_649, %dma_wait3A_650] : memref<25x80xi32, #tpu.memory_space<vmem>> -> memref<1x80xi32, #tpu.memory_space<vmem>>
        %dma_wait3A_652 = tpu.memref_squeeze %dma_wait3A_651 : memref<1x80xi32, #tpu.memory_space<vmem>> -> memref<80xi32, #tpu.memory_space<vmem>>
        %dma_wait3A_653 = arith.constant 0 : i32
        %dma_wait3A_654 = arith.constant 0 : i32
        %dma_wait3A_655 = tpu.memref_slice %arg12[%dma_wait3A_653, %dma_wait3A_654] : memref<10240x128xf32, #tpu.memory_space<vmem_shared>> -> memref<10240x128xf32, #tpu.memory_space<vmem_shared>>
        tpu.wait_indirect_dma semaphore(%run_scoped3A_13 : memref<!tpu.dma_semaphore, #tpu.memory_space<semaphore_mem>>) src(%arg9 : memref<80x128xf32, #tpu.memory_space<vmem>>) dst(%dma_wait3A_655 : memref<10240x128xf32, #tpu.memory_space<vmem_shared>>)
        %dma_start3A_656 = arith.constant 24 : i32
        %dma_start3A_657 = arith.constant 0 : i32
        %dma_start3A_658 = tpu.memref_slice %arg7[%dma_start3A_656, %dma_start3A_657] : memref<25x80xi32, #tpu.memory_space<vmem>> -> memref<1x80xi32, #tpu.memory_space<vmem>>
        %dma_start3A_659 = tpu.memref_squeeze %dma_start3A_658 : memref<1x80xi32, #tpu.memory_space<vmem>> -> memref<80xi32, #tpu.memory_space<vmem>>
        %dma_start3A_660 = arith.constant 0 : i32
        %dma_start3A_661 = arith.constant 0 : i32
        %dma_start3A_662 = tpu.memref_slice %arg2[%dma_start3A_660, %dma_start3A_661] : memref<10000x128xf32, #tpu.memory_space<hbm>> -> memref<10000x128xf32, #tpu.memory_space<hbm>>
        tpu.enqueue_indirect_dma source(%dma_start3A_662 : memref<10000x128xf32, #tpu.memory_space<hbm>>) target(%arg9 : memref<80x128xf32, #tpu.memory_space<vmem>>) offsets(%dma_start3A_659 : memref<80xi32, #tpu.memory_space<vmem>>) semaphore(%run_scoped3A : memref<!tpu.dma_semaphore, #tpu.memory_space<semaphore_mem>>)
        %dma_start3A_663 = arith.constant 22 : i32
        %dma_start3A_664 = arith.constant 0 : i32
        %dma_start3A_665 = tpu.memref_slice %arg8[%dma_start3A_663, %dma_start3A_664] : memref<25x80xi32, #tpu.memory_space<vmem>> -> memref<1x80xi32, #tpu.memory_space<vmem>>
        %dma_start3A_666 = tpu.memref_squeeze %dma_start3A_665 : memref<1x80xi32, #tpu.memory_space<vmem>> -> memref<80xi32, #tpu.memory_space<vmem>>
        %dma_start3A_667 = arith.constant 0 : i32
        %dma_start3A_668 = arith.constant 0 : i32
        %dma_start3A_669 = tpu.memref_slice %arg12[%dma_start3A_667, %dma_start3A_668] : memref<10240x128xf32, #tpu.memory_space<vmem_shared>> -> memref<10240x128xf32, #tpu.memory_space<vmem_shared>>
        tpu.enqueue_indirect_dma source(%arg10 : memref<80x128xf32, #tpu.memory_space<vmem>>) target(%dma_start3A_669 : memref<10240x128xf32, #tpu.memory_space<vmem_shared>>) offsets(%dma_start3A_666 : memref<80xi32, #tpu.memory_space<vmem>>) semaphore(%run_scoped3A_13 : memref<!tpu.dma_semaphore, #tpu.memory_space<semaphore_mem>>) {add = true}
        %dma_wait3A_670 = arith.constant 23 : i32
        %dma_wait3A_671 = arith.constant 0 : i32
        %dma_wait3A_672 = tpu.memref_slice %arg7[%dma_wait3A_670, %dma_wait3A_671] : memref<25x80xi32, #tpu.memory_space<vmem>> -> memref<1x80xi32, #tpu.memory_space<vmem>>
        %dma_wait3A_673 = tpu.memref_squeeze %dma_wait3A_672 : memref<1x80xi32, #tpu.memory_space<vmem>> -> memref<80xi32, #tpu.memory_space<vmem>>
        %dma_wait3A_674 = arith.constant 0 : i32
        %dma_wait3A_675 = arith.constant 0 : i32
        %dma_wait3A_676 = tpu.memref_slice %arg2[%dma_wait3A_674, %dma_wait3A_675] : memref<10000x128xf32, #tpu.memory_space<hbm>> -> memref<10000x128xf32, #tpu.memory_space<hbm>>
        tpu.wait_indirect_dma semaphore(%run_scoped3A : memref<!tpu.dma_semaphore, #tpu.memory_space<semaphore_mem>>) src(%dma_wait3A_676 : memref<10000x128xf32, #tpu.memory_space<hbm>>) dst(%arg11 : memref<80x128xf32, #tpu.memory_space<vmem>>)
        %dma_wait3A_677 = arith.constant 22 : i32
        %dma_wait3A_678 = arith.constant 0 : i32
        %dma_wait3A_679 = tpu.memref_slice %arg8[%dma_wait3A_677, %dma_wait3A_678] : memref<25x80xi32, #tpu.memory_space<vmem>> -> memref<1x80xi32, #tpu.memory_space<vmem>>
        %dma_wait3A_680 = tpu.memref_squeeze %dma_wait3A_679 : memref<1x80xi32, #tpu.memory_space<vmem>> -> memref<80xi32, #tpu.memory_space<vmem>>
        %dma_wait3A_681 = arith.constant 0 : i32
        %dma_wait3A_682 = arith.constant 0 : i32
        %dma_wait3A_683 = tpu.memref_slice %arg12[%dma_wait3A_681, %dma_wait3A_682] : memref<10240x128xf32, #tpu.memory_space<vmem_shared>> -> memref<10240x128xf32, #tpu.memory_space<vmem_shared>>
        tpu.wait_indirect_dma semaphore(%run_scoped3A_13 : memref<!tpu.dma_semaphore, #tpu.memory_space<semaphore_mem>>) src(%arg10 : memref<80x128xf32, #tpu.memory_space<vmem>>) dst(%dma_wait3A_683 : memref<10240x128xf32, #tpu.memory_space<vmem_shared>>)
        %dma_start3A_684 = arith.constant 23 : i32
        %dma_start3A_685 = arith.constant 0 : i32
        %dma_start3A_686 = tpu.memref_slice %arg8[%dma_start3A_684, %dma_start3A_685] : memref<25x80xi32, #tpu.memory_space<vmem>> -> memref<1x80xi32, #tpu.memory_space<vmem>>
        %dma_start3A_687 = tpu.memref_squeeze %dma_start3A_686 : memref<1x80xi32, #tpu.memory_space<vmem>> -> memref<80xi32, #tpu.memory_space<vmem>>
        %dma_start3A_688 = arith.constant 0 : i32
        %dma_start3A_689 = arith.constant 0 : i32
        %dma_start3A_690 = tpu.memref_slice %arg12[%dma_start3A_688, %dma_start3A_689] : memref<10240x128xf32, #tpu.memory_space<vmem_shared>> -> memref<10240x128xf32, #tpu.memory_space<vmem_shared>>
        tpu.enqueue_indirect_dma source(%arg11 : memref<80x128xf32, #tpu.memory_space<vmem>>) target(%dma_start3A_690 : memref<10240x128xf32, #tpu.memory_space<vmem_shared>>) offsets(%dma_start3A_687 : memref<80xi32, #tpu.memory_space<vmem>>) semaphore(%run_scoped3A_13 : memref<!tpu.dma_semaphore, #tpu.memory_space<semaphore_mem>>) {add = true}
        %dma_wait3A_691 = arith.constant 24 : i32
        %dma_wait3A_692 = arith.constant 0 : i32
        %dma_wait3A_693 = tpu.memref_slice %arg7[%dma_wait3A_691, %dma_wait3A_692] : memref<25x80xi32, #tpu.memory_space<vmem>> -> memref<1x80xi32, #tpu.memory_space<vmem>>
        %dma_wait3A_694 = tpu.memref_squeeze %dma_wait3A_693 : memref<1x80xi32, #tpu.memory_space<vmem>> -> memref<80xi32, #tpu.memory_space<vmem>>
        %dma_wait3A_695 = arith.constant 0 : i32
        %dma_wait3A_696 = arith.constant 0 : i32
        %dma_wait3A_697 = tpu.memref_slice %arg2[%dma_wait3A_695, %dma_wait3A_696] : memref<10000x128xf32, #tpu.memory_space<hbm>> -> memref<10000x128xf32, #tpu.memory_space<hbm>>
        tpu.wait_indirect_dma semaphore(%run_scoped3A : memref<!tpu.dma_semaphore, #tpu.memory_space<semaphore_mem>>) src(%dma_wait3A_697 : memref<10000x128xf32, #tpu.memory_space<hbm>>) dst(%arg9 : memref<80x128xf32, #tpu.memory_space<vmem>>)
        %dma_wait3A_698 = arith.constant 23 : i32
        %dma_wait3A_699 = arith.constant 0 : i32
        %dma_wait3A_700 = tpu.memref_slice %arg8[%dma_wait3A_698, %dma_wait3A_699] : memref<25x80xi32, #tpu.memory_space<vmem>> -> memref<1x80xi32, #tpu.memory_space<vmem>>
        %dma_wait3A_701 = tpu.memref_squeeze %dma_wait3A_700 : memref<1x80xi32, #tpu.memory_space<vmem>> -> memref<80xi32, #tpu.memory_space<vmem>>
        %dma_wait3A_702 = arith.constant 0 : i32
        %dma_wait3A_703 = arith.constant 0 : i32
        %dma_wait3A_704 = tpu.memref_slice %arg12[%dma_wait3A_702, %dma_wait3A_703] : memref<10240x128xf32, #tpu.memory_space<vmem_shared>> -> memref<10240x128xf32, #tpu.memory_space<vmem_shared>>
        tpu.wait_indirect_dma semaphore(%run_scoped3A_13 : memref<!tpu.dma_semaphore, #tpu.memory_space<semaphore_mem>>) src(%arg11 : memref<80x128xf32, #tpu.memory_space<vmem>>) dst(%dma_wait3A_704 : memref<10240x128xf32, #tpu.memory_space<vmem_shared>>)
        %dma_start3A_705 = arith.constant 24 : i32
        %dma_start3A_706 = arith.constant 0 : i32
        %dma_start3A_707 = tpu.memref_slice %arg8[%dma_start3A_705, %dma_start3A_706] : memref<25x80xi32, #tpu.memory_space<vmem>> -> memref<1x80xi32, #tpu.memory_space<vmem>>
        %dma_start3A_708 = tpu.memref_squeeze %dma_start3A_707 : memref<1x80xi32, #tpu.memory_space<vmem>> -> memref<80xi32, #tpu.memory_space<vmem>>
        %dma_start3A_709 = arith.constant 0 : i32
        %dma_start3A_710 = arith.constant 0 : i32
        %dma_start3A_711 = tpu.memref_slice %arg12[%dma_start3A_709, %dma_start3A_710] : memref<10240x128xf32, #tpu.memory_space<vmem_shared>> -> memref<10240x128xf32, #tpu.memory_space<vmem_shared>>
        tpu.enqueue_indirect_dma source(%arg9 : memref<80x128xf32, #tpu.memory_space<vmem>>) target(%dma_start3A_711 : memref<10240x128xf32, #tpu.memory_space<vmem_shared>>) offsets(%dma_start3A_708 : memref<80xi32, #tpu.memory_space<vmem>>) semaphore(%run_scoped3A_13 : memref<!tpu.dma_semaphore, #tpu.memory_space<semaphore_mem>>) {add = true}
        %dma_wait3A_712 = arith.constant 24 : i32
        %dma_wait3A_713 = arith.constant 0 : i32
        %dma_wait3A_714 = tpu.memref_slice %arg8[%dma_wait3A_712, %dma_wait3A_713] : memref<25x80xi32, #tpu.memory_space<vmem>> -> memref<1x80xi32, #tpu.memory_space<vmem>>
        %dma_wait3A_715 = tpu.memref_squeeze %dma_wait3A_714 : memref<1x80xi32, #tpu.memory_space<vmem>> -> memref<80xi32, #tpu.memory_space<vmem>>
        %dma_wait3A_716 = arith.constant 0 : i32
        %dma_wait3A_717 = arith.constant 0 : i32
        %dma_wait3A_718 = tpu.memref_slice %arg12[%dma_wait3A_716, %dma_wait3A_717] : memref<10240x128xf32, #tpu.memory_space<vmem_shared>> -> memref<10240x128xf32, #tpu.memory_space<vmem_shared>>
        tpu.wait_indirect_dma semaphore(%run_scoped3A_13 : memref<!tpu.dma_semaphore, #tpu.memory_space<semaphore_mem>>) src(%arg9 : memref<80x128xf32, #tpu.memory_space<vmem>>) dst(%dma_wait3A_718 : memref<10240x128xf32, #tpu.memory_space<vmem_shared>>)
      }
      %scan3A_19 = arith.constant 5 : i32
      tpu.yield
    }) : () -> ()
    %barrier3A_6 = arith.constant 0 : index
    tpu.barrier barrier_id(%barrier3A_6)
    %scan3A_7 = arith.constant 0 : i32
    %scan3A_8 = arith.constant 0 : i32
    %scan3A_9 = arith.constant 8 : i32
    %scan3A_10 = arith.addi %scan3A_8, %scan3A_9 : i32
    %scan3A_11 = arith.constant 1 : i32
    scf.for %scan3A_13 = %scan3A_8 to %scan3A_10 step %scan3A_11  : i32 {
      %mul3A_14 = arith.constant 640 : i32
      %mul3A_15 = arith.muli %arg1, %mul3A_14 : i32
      %mul3A_16 = arith.constant 80 : i32
      %mul3A_17 = arith.muli %scan3A_13, %mul3A_16 : i32
      %add3A_18 = arith.addi %mul3A_15, %mul3A_17 : i32
      "tpu.region"() ({
        %run_scoped3A = tpu.sem_alloc : memref<!tpu.dma_semaphore, #tpu.memory_space<semaphore_mem>>
        %dma_start3A = arith.constant 0 : i32
        %dma_start3A_19 = tpu.memref_slice %arg12[%add3A_18, %dma_start3A] : memref<10240x128xf32, #tpu.memory_space<vmem_shared>> -> memref<80x128xf32, #tpu.memory_space<vmem_shared>>
        %dma_start3A_20 = arith.constant 0 : i32
        %dma_start3A_21 = tpu.memref_slice %arg12[%add3A_18, %dma_start3A_20] : memref<10240x128xf32, #tpu.memory_space<vmem_shared>> -> memref<80x128xf32, #tpu.memory_space<vmem_shared>>
        tpu.enqueue_dma source(%dma_start3A_21 : memref<80x128xf32, #tpu.memory_space<vmem_shared>>) target(%arg9 : memref<80x128xf32, #tpu.memory_space<vmem>>) target_semaphore(%run_scoped3A : memref<!tpu.dma_semaphore, #tpu.memory_space<semaphore_mem>>)
        %dma_wait3A = arith.constant 0 : i32
        %dma_wait3A_22 = tpu.memref_slice %arg12[%add3A_18, %dma_wait3A] : memref<10240x128xf32, #tpu.memory_space<vmem_shared>> -> memref<80x128xf32, #tpu.memory_space<vmem_shared>>
        %dma_wait3A_23 = arith.constant 0 : i32
        %dma_wait3A_24 = tpu.memref_slice %arg12[%add3A_18, %dma_wait3A_23] : memref<10240x128xf32, #tpu.memory_space<vmem_shared>> -> memref<80x128xf32, #tpu.memory_space<vmem_shared>>
        tpu.wait_dma2 semaphore(%run_scoped3A : memref<!tpu.dma_semaphore, #tpu.memory_space<semaphore_mem>>) src(%dma_wait3A_24 : memref<80x128xf32, #tpu.memory_space<vmem_shared>>) dst(%arg9 : memref<80x128xf32, #tpu.memory_space<vmem>>)
        tpu.yield
      }) : () -> ()
      "tpu.region"() ({
        %run_scoped3A = tpu.sem_alloc : memref<!tpu.dma_semaphore, #tpu.memory_space<semaphore_mem>>
        %dma_start3A = arith.constant 0 : i32
        %dma_start3A_19 = tpu.memref_slice %arg6[%arg0, %add3A_18, %dma_start3A] : memref<2x10240x128xf32, #tpu.memory_space<hbm>> -> memref<1x80x128xf32, #tpu.memory_space<hbm>>
        %dma_start3A_20 = tpu.memref_squeeze %dma_start3A_19 : memref<1x80x128xf32, #tpu.memory_space<hbm>> -> memref<80x128xf32, #tpu.memory_space<hbm>>
        %dma_start3A_21 = arith.constant 0 : i32
        %dma_start3A_22 = tpu.memref_slice %arg6[%arg0, %add3A_18, %dma_start3A_21] : memref<2x10240x128xf32, #tpu.memory_space<hbm>> -> memref<1x80x128xf32, #tpu.memory_space<hbm>>
        %dma_start3A_23 = tpu.memref_squeeze %dma_start3A_22 : memref<1x80x128xf32, #tpu.memory_space<hbm>> -> memref<80x128xf32, #tpu.memory_space<hbm>>
        tpu.enqueue_dma source(%arg9 : memref<80x128xf32, #tpu.memory_space<vmem>>) target(%dma_start3A_23 : memref<80x128xf32, #tpu.memory_space<hbm>>) target_semaphore(%run_scoped3A : memref<!tpu.dma_semaphore, #tpu.memory_space<semaphore_mem>>)
        %dma_wait3A = arith.constant 0 : i32
        %dma_wait3A_24 = tpu.memref_slice %arg6[%arg0, %add3A_18, %dma_wait3A] : memref<2x10240x128xf32, #tpu.memory_space<hbm>> -> memref<1x80x128xf32, #tpu.memory_space<hbm>>
        %dma_wait3A_25 = tpu.memref_squeeze %dma_wait3A_24 : memref<1x80x128xf32, #tpu.memory_space<hbm>> -> memref<80x128xf32, #tpu.memory_space<hbm>>
        %dma_wait3A_26 = arith.constant 0 : i32
        %dma_wait3A_27 = tpu.memref_slice %arg6[%arg0, %add3A_18, %dma_wait3A_26] : memref<2x10240x128xf32, #tpu.memory_space<hbm>> -> memref<1x80x128xf32, #tpu.memory_space<hbm>>
        %dma_wait3A_28 = tpu.memref_squeeze %dma_wait3A_27 : memref<1x80x128xf32, #tpu.memory_space<hbm>> -> memref<80x128xf32, #tpu.memory_space<hbm>>
        tpu.wait_dma2 semaphore(%run_scoped3A : memref<!tpu.dma_semaphore, #tpu.memory_space<semaphore_mem>>) src(%arg9 : memref<80x128xf32, #tpu.memory_space<vmem>>) dst(%dma_wait3A_28 : memref<80x128xf32, #tpu.memory_space<hbm>>)
        tpu.yield
      }) : () -> ()
    }
    %scan3A_12 = arith.constant 8 : i32
    return
  }
}

module attributes {stable_mosaic.version = 14 : i64} {
  func.func @_tc_layer_body(%arg0: i32, %arg1: memref<2000x128xf32, #tpu.memory_space<vmem>>, %arg2: memref<2x2000x128xf32, #tpu.memory_space<vmem>>, %arg3: memref<2x2000x128xf32, #tpu.memory_space<vmem>>, %arg4: memref<256x128xf32, #tpu.memory_space<vmem>>, %arg5: memref<1x128xf32, #tpu.memory_space<vmem>>, %arg6: memref<2000x128xf32, #tpu.memory_space<vmem>>) attributes {dimension_semantics = [#tpu.dimension_semantics<arbitrary>], iteration_bounds = array<i64: 5>, scalar_prefetch = 0 : i64, scratch_operands = 0 : i64, tpu.core_type = #tpu.core_type<tc>, window_params = [{transform_indices = @transform_0, window_bounds = array<i64: 2000, 128>}, {transform_indices = @transform_1, window_bounds = array<i64: 2, 2000, 128>}, {transform_indices = @transform_2, window_bounds = array<i64: 2, 2000, 128>}, {pipeline_mode = #tpu.pipeline_mode<synchronous>, transform_indices = @transform_3, window_bounds = array<i64: 256, 128>}, {pipeline_mode = #tpu.pipeline_mode<synchronous>, transform_indices = @transform_4, window_bounds = array<i64: 1, 128>}, {transform_indices = @transform_5, window_bounds = array<i64: 2000, 128>}]} {
    %get3A = arith.constant 0 : index
    %get3A_0 = arith.constant 0 : index
    %get3A_1 = arith.constant 0 : index
    %get3A_2 = vector.load %arg3[%get3A, %get3A_0, %get3A_1] : memref<2x2000x128xf32, #tpu.memory_space<vmem>>, vector<1x2000x1xf32>
    %get3A_3 = vector.shape_cast %get3A_2 : vector<1x2000x1xf32> to vector<2000x1xf32>
    %get3A_4 = arith.constant 1 : index
    %get3A_5 = arith.constant 0 : index
    %get3A_6 = arith.constant 0 : index
    %get3A_7 = vector.load %arg3[%get3A_4, %get3A_5, %get3A_6] : memref<2x2000x128xf32, #tpu.memory_space<vmem>>, vector<1x2000x1xf32>
    %get3A_8 = vector.shape_cast %get3A_7 : vector<1x2000x1xf32> to vector<2000x1xf32>
    %add3A = arith.addf %get3A_3, %get3A_8 : vector<2000x1xf32>
    %max3A = arith.constant 1.000000e+00 : f32
    %max3A_9 = vector.broadcast %max3A : f32 to vector<2000x1xf32>
    %max3A_10 = arith.maximumf %add3A, %max3A_9 : vector<2000x1xf32>
    %div3A = arith.constant 1.000000e+00 : f32
    %div3A_11 = vector.broadcast %div3A : f32 to vector<2000x1xf32>
    %div3A_12 = arith.divf %div3A_11, %max3A_10 : vector<2000x1xf32>
    %get3A_13 = arith.constant 0 : index
    %get3A_14 = arith.constant 0 : index
    %get3A_15 = arith.constant 0 : index
    %get3A_16 = vector.load %arg2[%get3A_13, %get3A_14, %get3A_15] : memref<2x2000x128xf32, #tpu.memory_space<vmem>>, vector<1x2000x128xf32>
    %get3A_17 = vector.shape_cast %get3A_16 : vector<1x2000x128xf32> to vector<2000x128xf32>
    %get3A_18 = arith.constant 1 : index
    %get3A_19 = arith.constant 0 : index
    %get3A_20 = arith.constant 0 : index
    %get3A_21 = vector.load %arg2[%get3A_18, %get3A_19, %get3A_20] : memref<2x2000x128xf32, #tpu.memory_space<vmem>>, vector<1x2000x128xf32>
    %get3A_22 = vector.shape_cast %get3A_21 : vector<1x2000x128xf32> to vector<2000x128xf32>
    %add3A_23 = arith.addf %get3A_17, %get3A_22 : vector<2000x128xf32>
    %mul3A = vector.broadcast %div3A_12 : vector<2000x1xf32> to vector<2000x128xf32>
    %mul3A_24 = arith.mulf %add3A_23, %mul3A : vector<2000x128xf32>
    %get3A_25 = arith.constant 0 : index
    %get3A_26 = arith.constant 0 : index
    %get3A_27 = vector.load %arg1[%get3A_25, %get3A_26] : memref<2000x128xf32, #tpu.memory_space<vmem>>, vector<2000x128xf32>
    %get3A_28 = arith.constant 0 : index
    %get3A_29 = arith.constant 0 : index
    %get3A_30 = vector.load %arg4[%get3A_28, %get3A_29] : memref<256x128xf32, #tpu.memory_space<vmem>>, vector<128x128xf32>
    %dot_general3A = arith.constant dense<0.000000e+00> : vector<2000x128xf32>
    %dot_general3A_31 = tpu.matmul %get3A_27, %get3A_30, %dot_general3A {dimension_numbers = #tpu.dot_dimension_numbers<[1], [0], [0], [1], [0, 0, 1, 1], [], []>, transpose_lhs_hint = false} : vector<2000x128xf32>, vector<128x128xf32>, vector<2000x128xf32> -> vector<2000x128xf32>
    %get3A_32 = arith.constant 128 : index
    %get3A_33 = arith.constant 0 : index
    %get3A_34 = vector.load %arg4[%get3A_32, %get3A_33] : memref<256x128xf32, #tpu.memory_space<vmem>>, vector<128x128xf32>
    %dot_general3A_35 = arith.constant dense<0.000000e+00> : vector<2000x128xf32>
    %dot_general3A_36 = tpu.matmul %mul3A_24, %get3A_34, %dot_general3A_35 {dimension_numbers = #tpu.dot_dimension_numbers<[1], [0], [0], [1], [0, 0, 1, 1], [], []>, transpose_lhs_hint = false} : vector<2000x128xf32>, vector<128x128xf32>, vector<2000x128xf32> -> vector<2000x128xf32>
    %add3A_37 = arith.addf %dot_general3A_31, %dot_general3A_36 : vector<2000x128xf32>
    %get3A_38 = arith.constant 0 : index
    %get3A_39 = arith.constant 0 : index
    %get3A_40 = vector.load %arg5[%get3A_38, %get3A_39] : memref<1x128xf32, #tpu.memory_space<vmem>>, vector<1x128xf32>
    %add3A_41 = vector.broadcast %get3A_40 : vector<1x128xf32> to vector<2000x128xf32>
    %add3A_42 = arith.addf %add3A_37, %add3A_41 : vector<2000x128xf32>
    %max3A_43 = arith.constant 0.000000e+00 : f32
    %max3A_44 = vector.broadcast %max3A_43 : f32 to vector<2000x128xf32>
    %max3A_45 = arith.maximumf %add3A_42, %max3A_44 : vector<2000x128xf32>
    %swap3A = arith.constant 0 : index
    %swap3A_46 = arith.constant 0 : index
    %swap3A_47 = vector.load %arg6[%swap3A, %swap3A_46] : memref<2000x128xf32, #tpu.memory_space<vmem>>, vector<2000x128xf32>
    tpu.vector_store %arg6[%swap3A, %swap3A_46], %max3A_45 {strides = array<i32>} : memref<2000x128xf32, #tpu.memory_space<vmem>>, vector<2000x128xf32>,
    return
  }
  func.func @transform_0(%arg0: i32) -> (i32, i32) {
    %c0_i32 = arith.constant 0 : i32
    %c0_i32_0 = arith.constant 0 : i32
    return %arg0, %c0_i32 : i32, i32
  }
  func.func @transform_1(%arg0: i32) -> (i32, i32, i32) {
    %c0_i32 = arith.constant 0 : i32
    %c0_i32_0 = arith.constant 0 : i32
    %c0_i32_1 = arith.constant 0 : i32
    return %c0_i32, %arg0, %c0_i32_0 : i32, i32, i32
  }
  func.func @transform_2(%arg0: i32) -> (i32, i32, i32) {
    %c0_i32 = arith.constant 0 : i32
    %c0_i32_0 = arith.constant 0 : i32
    %c0_i32_1 = arith.constant 0 : i32
    return %c0_i32, %arg0, %c0_i32_0 : i32, i32, i32
  }
  func.func @transform_3(%arg0: i32) -> (i32, i32) {
    %c0_i32 = arith.constant 0 : i32
    %c0_i32_0 = arith.constant 0 : i32
    %c0_i32_1 = arith.constant 0 : i32
    return %c0_i32, %c0_i32_0 : i32, i32
  }
  func.func @transform_4(%arg0: i32) -> (i32, i32) {
    %c0_i32 = arith.constant 0 : i32
    %c0_i32_0 = arith.constant 0 : i32
    %c0_i32_1 = arith.constant 0 : i32
    return %c0_i32, %c0_i32_0 : i32, i32
  }
  func.func @transform_5(%arg0: i32) -> (i32, i32) {
    %c0_i32 = arith.constant 0 : i32
    %c0_i32_0 = arith.constant 0 : i32
    return %arg0, %c0_i32 : i32, i32
  }
}

module attributes {stable_mosaic.version = 14 : i64} {
  func.func @_tc_layer_body(%arg0: i32, %arg1: memref<2000x128xf32, #tpu.memory_space<vmem>>, %arg2: memref<2x2000x128xf32, #tpu.memory_space<vmem>>, %arg3: memref<2x2000x128xf32, #tpu.memory_space<vmem>>, %arg4: memref<256x128xf32, #tpu.memory_space<vmem>>, %arg5: memref<1x128xf32, #tpu.memory_space<vmem>>, %arg6: memref<2000x128xf32, #tpu.memory_space<vmem>>) attributes {dimension_semantics = [#tpu.dimension_semantics<arbitrary>], iteration_bounds = array<i64: 5>, scalar_prefetch = 0 : i64, scratch_operands = 0 : i64, tpu.core_type = #tpu.core_type<tc>, window_params = [{transform_indices = @transform_0, window_bounds = array<i64: 2000, 128>}, {transform_indices = @transform_1, window_bounds = array<i64: 2, 2000, 128>}, {transform_indices = @transform_2, window_bounds = array<i64: 2, 2000, 128>}, {pipeline_mode = #tpu.pipeline_mode<synchronous>, transform_indices = @transform_3, window_bounds = array<i64: 256, 128>}, {pipeline_mode = #tpu.pipeline_mode<synchronous>, transform_indices = @transform_4, window_bounds = array<i64: 1, 128>}, {transform_indices = @transform_5, window_bounds = array<i64: 2000, 128>}]} {
    %get3A = arith.constant 0 : index
    %get3A_0 = arith.constant 0 : index
    %get3A_1 = arith.constant 0 : index
    %get3A_2 = vector.load %arg3[%get3A, %get3A_0, %get3A_1] : memref<2x2000x128xf32, #tpu.memory_space<vmem>>, vector<1x2000x1xf32>
    %get3A_3 = vector.shape_cast %get3A_2 : vector<1x2000x1xf32> to vector<2000x1xf32>
    %get3A_4 = arith.constant 1 : index
    %get3A_5 = arith.constant 0 : index
    %get3A_6 = arith.constant 0 : index
    %get3A_7 = vector.load %arg3[%get3A_4, %get3A_5, %get3A_6] : memref<2x2000x128xf32, #tpu.memory_space<vmem>>, vector<1x2000x1xf32>
    %get3A_8 = vector.shape_cast %get3A_7 : vector<1x2000x1xf32> to vector<2000x1xf32>
    %add3A = arith.addf %get3A_3, %get3A_8 : vector<2000x1xf32>
    %max3A = arith.constant 1.000000e+00 : f32
    %max3A_9 = vector.broadcast %max3A : f32 to vector<2000x1xf32>
    %max3A_10 = arith.maximumf %add3A, %max3A_9 : vector<2000x1xf32>
    %div3A = arith.constant 1.000000e+00 : f32
    %div3A_11 = vector.broadcast %div3A : f32 to vector<2000x1xf32>
    %div3A_12 = arith.divf %div3A_11, %max3A_10 : vector<2000x1xf32>
    %get3A_13 = arith.constant 0 : index
    %get3A_14 = arith.constant 0 : index
    %get3A_15 = arith.constant 0 : index
    %get3A_16 = vector.load %arg2[%get3A_13, %get3A_14, %get3A_15] : memref<2x2000x128xf32, #tpu.memory_space<vmem>>, vector<1x2000x128xf32>
    %get3A_17 = vector.shape_cast %get3A_16 : vector<1x2000x128xf32> to vector<2000x128xf32>
    %get3A_18 = arith.constant 1 : index
    %get3A_19 = arith.constant 0 : index
    %get3A_20 = arith.constant 0 : index
    %get3A_21 = vector.load %arg2[%get3A_18, %get3A_19, %get3A_20] : memref<2x2000x128xf32, #tpu.memory_space<vmem>>, vector<1x2000x128xf32>
    %get3A_22 = vector.shape_cast %get3A_21 : vector<1x2000x128xf32> to vector<2000x128xf32>
    %add3A_23 = arith.addf %get3A_17, %get3A_22 : vector<2000x128xf32>
    %mul3A = vector.broadcast %div3A_12 : vector<2000x1xf32> to vector<2000x128xf32>
    %mul3A_24 = arith.mulf %add3A_23, %mul3A : vector<2000x128xf32>
    %get3A_25 = arith.constant 0 : index
    %get3A_26 = arith.constant 0 : index
    %get3A_27 = vector.load %arg1[%get3A_25, %get3A_26] : memref<2000x128xf32, #tpu.memory_space<vmem>>, vector<2000x128xf32>
    %get3A_28 = arith.constant 0 : index
    %get3A_29 = arith.constant 0 : index
    %get3A_30 = vector.load %arg4[%get3A_28, %get3A_29] : memref<256x128xf32, #tpu.memory_space<vmem>>, vector<128x128xf32>
    %dot_general3A = arith.constant dense<0.000000e+00> : vector<2000x128xf32>
    %dot_general3A_31 = tpu.matmul %get3A_27, %get3A_30, %dot_general3A {dimension_numbers = #tpu.dot_dimension_numbers<[1], [0], [0], [1], [0, 0, 1, 1], [], []>, transpose_lhs_hint = false} : vector<2000x128xf32>, vector<128x128xf32>, vector<2000x128xf32> -> vector<2000x128xf32>
    %get3A_32 = arith.constant 128 : index
    %get3A_33 = arith.constant 0 : index
    %get3A_34 = vector.load %arg4[%get3A_32, %get3A_33] : memref<256x128xf32, #tpu.memory_space<vmem>>, vector<128x128xf32>
    %dot_general3A_35 = arith.constant dense<0.000000e+00> : vector<2000x128xf32>
    %dot_general3A_36 = tpu.matmul %mul3A_24, %get3A_34, %dot_general3A_35 {dimension_numbers = #tpu.dot_dimension_numbers<[1], [0], [0], [1], [0, 0, 1, 1], [], []>, transpose_lhs_hint = false} : vector<2000x128xf32>, vector<128x128xf32>, vector<2000x128xf32> -> vector<2000x128xf32>
    %add3A_37 = arith.addf %dot_general3A_31, %dot_general3A_36 : vector<2000x128xf32>
    %get3A_38 = arith.constant 0 : index
    %get3A_39 = arith.constant 0 : index
    %get3A_40 = vector.load %arg5[%get3A_38, %get3A_39] : memref<1x128xf32, #tpu.memory_space<vmem>>, vector<1x128xf32>
    %add3A_41 = vector.broadcast %get3A_40 : vector<1x128xf32> to vector<2000x128xf32>
    %add3A_42 = arith.addf %add3A_37, %add3A_41 : vector<2000x128xf32>
    %max3A_43 = arith.constant 0.000000e+00 : f32
    %max3A_44 = vector.broadcast %max3A_43 : f32 to vector<2000x128xf32>
    %max3A_45 = arith.maximumf %add3A_42, %max3A_44 : vector<2000x128xf32>
    %swap3A = arith.constant 0 : index
    %swap3A_46 = arith.constant 0 : index
    %swap3A_47 = vector.load %arg6[%swap3A, %swap3A_46] : memref<2000x128xf32, #tpu.memory_space<vmem>>, vector<2000x128xf32>
    tpu.vector_store %arg6[%swap3A, %swap3A_46], %max3A_45 {strides = array<i32>} : memref<2000x128xf32, #tpu.memory_space<vmem>>, vector<2000x128xf32>,
    return
  }
  func.func @transform_0(%arg0: i32) -> (i32, i32) {
    %c0_i32 = arith.constant 0 : i32
    %c0_i32_0 = arith.constant 0 : i32
    return %arg0, %c0_i32 : i32, i32
  }
  func.func @transform_1(%arg0: i32) -> (i32, i32, i32) {
    %c0_i32 = arith.constant 0 : i32
    %c0_i32_0 = arith.constant 0 : i32
    %c0_i32_1 = arith.constant 0 : i32
    return %c0_i32, %arg0, %c0_i32_0 : i32, i32, i32
  }
  func.func @transform_2(%arg0: i32) -> (i32, i32, i32) {
    %c0_i32 = arith.constant 0 : i32
    %c0_i32_0 = arith.constant 0 : i32
    %c0_i32_1 = arith.constant 0 : i32
    return %c0_i32, %arg0, %c0_i32_0 : i32, i32, i32
  }
  func.func @transform_3(%arg0: i32) -> (i32, i32) {
    %c0_i32 = arith.constant 0 : i32
    %c0_i32_0 = arith.constant 0 : i32
    %c0_i32_1 = arith.constant 0 : i32
    return %c0_i32, %c0_i32_0 : i32, i32
  }
  func.func @transform_4(%arg0: i32) -> (i32, i32) {
    %c0_i32 = arith.constant 0 : i32
    %c0_i32_0 = arith.constant 0 : i32
    %c0_i32_1 = arith.constant 0 : i32
    return %c0_i32, %c0_i32_0 : i32, i32
  }
  func.func @transform_5(%arg0: i32) -> (i32, i32) {
    %c0_i32 = arith.constant 0 : i32
    %c0_i32_0 = arith.constant 0 : i32
    return %arg0, %c0_i32 : i32, i32
  }
}

</mosaic_0001>

<sc_bundles>
// kernel: kernel.10.cloned.1.call-start
scs
__scs_entry_jumppad:
0x0: {  	(pc) =	sbr.rel $0x88, $3  }
0x1: {  	(tag) =	ssettag $0x0;
	lr =	simm.s32 $0x1  }
0x2: {  	[smem:$0x3F9B] =	sst lr;
	_ =	strace $0xD0000000  }
0x3: {  	_ = 	snop  }
0x4: {  	_ = 	snop  }
0x5: {  	_ = 	snop  }
0x6: {  	_ = 	snop  }
0x7: {  	_ = 	snop  }
__scs_overlays_trampoline_lowered:
0x8: {  	[smem:$0x3FAA] =	sst s0  }
0x9: {  	[smem:$0x3FAB] =	sst s1  }
0xa: {  	[smem:$0x3FAC] =	sst s2  }
0xb: {  	[smem:$0x3FAD] =	sst s3  }
0xc: {  	[smem:$0x3FAE] =	sst s4  }
0xd: {  	[smem:$0x3FAF] =	sst s5  }
0xe: {  	[smem:$0x3FB0] =	sst s6  }
0xf: {  	[smem:$0x3FB1] =	sst s7  }
0x10: {  	[smem:$0x3FB2] =	sst s8  }
0x11: {  	[smem:$0x3FB3] =	sst s9;
	s0 =	simm.s32 @!p0 $0x0  }
0x12: {  	s1 =	sld [smem:$0x3F99];
	s0 =	simm.s32 @p0 $0x1  }
0x13: {  	[smem:$0x3FB4] =	sst s0;
	s0 =	simm.s32 @!p1 $0x0  }
0x14: {  	s2 =	sld [smem:$0x3F98];
	s0 =	simm.s32 @p1 $0x1  }
0x15: {  	[smem:$0x3FB5] =	sst s0;
	s0 =	simm.s32 @!p2 $0x0  }
0x16: {  	s3 =	sld [smem:$0x3FDB];
	s0 =	simm.s32 @p2 $0x1  }
0x17: {  	s4 =	simm.s32 $0x1BF5;
	[smem:$0x3FB7] =	sst s0  }
0x18: {  	s0 =	sld [smem:$0x3F9A];
	_ =	swait.ge [sflag:s4], $0x0  }
0x19: {  	s7 =	sld [smem:$0x3F9B]  }
0x1a: {  	s8 =	sadd.s32 $0xFFFFE003, lr  }
0x1b: {  	s9 =	sadd.s32 $0xFFFFFEF7, lr;
	s5 =	simm.s32 $0xFFFFFFFF;
	p2 =	slt.u32 s8, $0xFFFFF086  }
0x1c: {  	p1 =	slt.u32 s9, $0xF7A;
	s5 =	simm.s32 @!p2 $0x0  }
0x1d: {  	s5 =	simm.s32 @p1 $0x1;
	p0 =	seq.s32 s7, s2  }
0x1e: {  	s7 =	smul.u32 @!p0 $0xF7A, s2;
	p2 =	seq.s32 @!p0 s5, $0x0  }
0x1f: {  	s9 =	smul.u32 $0xF7A, s1;
	s8 =	simm.s32 @!p0 $0x1BF5;
	p2 =	por !p2, p0  }
0x20: {  	[sflag:s8] =	ssyncset.s32 @!p0 $0xFFFFF086;
	s6 =	sadd.s32 @!p0 s3, s7;
	s7 =	simm.s32 @!p0 $0x108  }
0x21: {  	s3 =	sadd.s32 s3, s9;
	s6 =	sadd.s32 @!p0 $0x88, s6;
	s7 =	simm.s32 @p2 $0x1082  }
0x22: {  	[simem:s7], [sflag:s8] =	dma.local @!p0 [hbm:s6], $0xF7A  }
0x23: {  	s9 =	sor.u32 $0xD0000000, s2;
	s6 =	simm.s32 $0x108;
	_ =	swait.ge @!p0 [sflag:s8], $0x0  }
0x24: {  	s3 =	sadd.s32 $0x88, s3;
	s6 =	simm.s32 @!p1 $0x1082;
	[sflag:s4] =	ssyncset.s32 $0xFFFFF086  }
0x25: {  	[simem:s6], [sflag:s4] =	dma.local [hbm:s3], $0xF7A  }
0x26: {  	[smem:$0x3F9B] =	sst s1;
	(tag) =	ssettag s2;
	_ =	strace s9  }
0x27: {  	s1 =	sld [smem:$0x3FAB]  }
0x28: {  	s2 =	sld [smem:$0x3FAC]  }
0x29: {  	s4 =	sld [smem:$0x3FAE]  }
0x2a: {  	p0 =	seq.s32 s5, $0x0;
	s5 =	sld [smem:$0x3FAF]  }
0x2b: {  	s6 =	sld [smem:$0x3FB0]  }
0x2c: {  	s7 =	sld [smem:$0x3FB1]  }
0x2d: {  	s3 =	simm.s32 $0x108;
	s8 =	sld [smem:$0x3FB2]  }
0x2e: {  	s3 =	simm.s32 @!p0 $0x1082;
	s9 =	sld [smem:$0x3FB3]  }
0x2f: {  	lr =	sadd.s32 s0, s3;
	s0 =	sld [smem:$0x3FAA]  }
0x30: {  	s3 =	sld [smem:$0x3FAD]  }
0x31: {  	[smem:$0x3FB6] =	sst s10  }
0x32: {  	s10 =	sld [smem:$0x3FB4];
	_ =	sdelay $0x3  }
0x33: {  	p0 =	seq.s32 s10, $0x1;
	s10 =	sld [smem:$0x3FB6];
	_ =	sdelay $0x3  }
0x34: {  	[smem:$0x3FB6] =	sst s10  }
0x35: {  	s10 =	sld [smem:$0x3FB5];
	_ =	sdelay $0x3  }
0x36: {  	p1 =	seq.s32 s10, $0x1;
	s10 =	sld [smem:$0x3FB6];
	_ =	sdelay $0x3  }
0x37: {  	[smem:$0x3FB6] =	sst s10  }
0x38: {  	s10 =	sld [smem:$0x3FB7]  }
0x39: {  	_ = 	snop;
	(pc) =	sbr.ind lr, $3  }
0x3a: {  	_ = 	snop  }
0x3b: {  	_ = 	snop  }
0x3c: {  	p2 =	seq.s32 s10, $0x1;
	s10 =	sld [smem:$0x3FB6]  }
0x3d: {  	_ =	shalt  }
0x3e: {  	_ =	shalt  }
0x3f: {  	_ =	shalt  }
0x40: {  	_ =	shalt  }
0x41: {  	_ =	shalt  }
0x42: {  	_ =	shalt  }
0x43: {  	_ =	shalt  }
0x44: {  	_ =	shalt  }
0x45: {  	_ =	shalt  }
0x46: {  	_ =	shalt  }
0x47: {  	_ =	shalt  }
0x48: {  	_ =	shalt  }
0x49: {  	_ =	shalt  }
0x4a: {  	_ =	shalt  }
0x4b: {  	_ =	shalt  }
0x4c: {  	_ =	shalt  }
0x4d: {  	_ =	shalt  }
0x4e: {  	_ =	shalt  }
0x4f: {  	_ =	shalt  }
0x50: {  	_ =	shalt  }
0x51: {  	_ =	shalt  }
0x52: {  	_ =	shalt  }
0x53: {  	_ =	shalt  }
0x54: {  	_ =	shalt  }
0x55: {  	_ =	shalt  }
0x56: {  	_ =	shalt  }
0x57: {  	_ =	shalt  }
0x58: {  	_ =	shalt  }
0x59: {  	_ =	shalt  }
0x5a: {  	_ =	shalt  }
0x5b: {  	_ =	shalt  }
0x5c: {  	_ =	shalt  }
0x5d: {  	_ =	shalt  }
0x5e: {  	_ =	shalt  }
0x5f: {  	_ =	shalt  }
0x60: {  	_ =	shalt  }
0x61: {  	_ =	shalt  }
0x62: {  	_ =	shalt  }
0x63: {  	_ =	shalt  }
0x64: {  	_ =	shalt  }
0x65: {  	_ =	shalt  }
0x66: {  	_ =	shalt  }
0x67: {  	_ =	shalt  }
0x68: {  	_ =	shalt  }
0x69: {  	_ =	shalt  }
0x6a: {  	_ =	shalt  }
0x6b: {  	_ =	shalt  }
0x6c: {  	_ =	shalt  }
0x6d: {  	_ =	shalt  }
0x6e: {  	_ =	shalt  }
0x6f: {  	_ =	shalt  }
0x70: {  	_ =	shalt  }
0x71: {  	_ =	shalt  }
0x72: {  	_ =	shalt  }
0x73: {  	_ =	shalt  }
0x74: {  	_ =	shalt  }
0x75: {  	_ =	shalt  }
0x76: {  	_ =	shalt  }
0x77: {  	_ =	shalt  }
0x78: {  	_ =	shalt  }
0x79: {  	_ =	shalt  }
0x7a: {  	_ =	shalt  }
0x7b: {  	_ =	shalt  }
0x7c: {  	_ =	shalt  }
0x7d: {  	_ =	shalt  }
0x7e: {  	_ =	shalt  }
0x7f: {  	_ =	shalt  }
0x80: {  	_ =	shalt  }
0x81: {  	_ =	shalt  }
0x82: {  	_ =	shalt  }
0x83: {  	_ =	shalt  }
0x84: {  	_ =	shalt  }
0x85: {  	_ =	shalt  }
0x86: {  	_ =	shalt  }
0x87: {  	_ =	shalt  }
.Lfunc_end0:
.L_simem_size_0:
called_computation.1_lowered:
.L_overlay_start_0:
0x88: {  	s2 =	sld [smem:$0x3FD9]  }
0x89: {  	s3 =	sld [smem:$0x3FFE];
	_ =	sdelay $0x1  }
0x8a: {  	s1 =	srdreg.scid  }
0x8b: {  	s0 =	sand.u32 $0x1, s1  }
0x8c: {  	s17 =	sshll.u32 s0, $0xA;
	s2 =	sadd.s32 s3, s2  }
0x8d: {  	s2 =	sadd.s32 s2, s17  }
0x8e: {  	[smem:$0x3FC2] =	sst s2  }
0x8f: {  	_ = 	snop  }
0x90: {  	s2 =	sld [smem:$0x3FC9];
	(tm) =	ssettm $0x1  }
0x91: {  	s18 =	sld [smem:$0x3FFB];
	_ =	sdelay $0x3  }
0x92: {  	_ =	strace s18  }
0x93: {  	s3 =	sld [smem:$0x3FFC];
	_ =	sdelay $0x3  }
0x94: {  	_ =	strace s3  }
0x95: {  	s3 =	sld [smem:$0x3FFD];
	_ =	sdelay $0x3  }
0x96: {  	_ =	strace s3  }
0x97: {  	_ =	strace $0x8FFFFFFF  }
0x98: {  	s19 =	sld [smem:$0x3FDB];
	_ =	sdelay $0x1  }
0x99: {  	s4 =	simm.s32 $_scs_section_size  }
0x9a: {  	s5 =	simm.s32 $_size__tile_overlayer_lowered;
	s6 =	simm.s32 $_tile_overlayer_lowered  }
0x9b: {  	s22 =	simm.s32 $0x1BFF;
	s21 =	sshll.u32 s6, $0x1;
	s3 =	sadd.s32 s4, s19  }
0x9c: {  	s7 =	simm.s32 $0x0;
	s20 =	sshll.u32 s5, $0x1;
	s5 =	sadd.s32 s21, s3  }
0x9d: {  	[timem:s7], [sflag:s22] =	dma.local [hbm:s5], s20  }
0x9e: {  	_ =	swait.ge [sflag:s22], s20  }
0x9f: {  	s4 =	ssub.s32 $0x0, s20;
	[sflag:s22] =	ssyncset.done $0x0  }
0xa0: {  	[sflag:s22] =	ssyncadd.s32 s4;
	_ =	sdelay $0x1  }
0xa1: {  	s23 =	simm.s32 $0x1B8B  }
0xa2: {  	_ =	swait.ge [sflag:s23], $0x1  }
0xa3: {  	[sflag:s23] =	ssyncset.done $0x0  }
0xa4: {  	s25 =	simm.s32 $0x1B8E;
	s24 =	sld [smem:$0x3FFE];
	[sflag:s23] =	ssyncadd.s32 $0xFFFFFFFF  }
0xa5: {  	s26 =	simm.s32 $execute0_lowered;
	[smem:$0x3FD2] =	sst s25  }
0xa6: {  	s5 =	sshll.u32 s26, $0x1;
	_ =	strace $0x80000046;
	[dreg:$0x1] =	wrdreg $0xFFFFFFFF  }
0xa7: {  	s28 =	simm.s32 $_size_execute0_lowered;
	s3 =	sadd.s32 s3, s5;
	[dreg:$0x0] =	wrdreg $0x0  }
0xa8: {  	s5 =	sshll.u32 s28, $0x1;
	[dreg:$0x2] =	wrdreg s3  }
0xa9: {  	[dreg:$0x3] =	wrdreg s5  }
0xaa: {  	[dreg:$0x4] =	wrdreg $0xC0  }
0xab: {  	_ =	task [dreg:s7], $0x5FFFF  }
0xac: {  	[dreg:$0x1] =	wrdreg $0xFFFFFFFF  }
0xad: {  	[dreg:$0x0] =	wrdreg $0x60  }
0xae: {  	[dreg:$0x2] =	wrdreg s2  }
0xaf: {  	[dreg:$0x3] =	wrdreg s24  }
0xb0: {  	[dreg:$0x4] =	wrdreg $0x98000  }
0xb1: {  	[dreg:$0x5] =	wrdreg $0xA  }
0xb2: {  	_ =	task.clear_ibuf [dreg:s7], $0x6FFFF;
	_ =	strace $0x90000046  }
0xb3: {  	s29 =	simm.s32 $0xA;
	_ =	strace $0x80000048  }
0xb4: {  	_ =	swait.ge [sflag:s29], $0x1  }
0xb5: {  	[sflag:s29] =	ssyncadd.s32 $0xFFFFFFFF  }
0xb6: {  	_ =	strace $0x90000048  }
0xb7: {  	_ =	sfence  }
0xb8: {  	s30 =	sld [smem:$0x0];
	_ =	sdelay $0x2  }
0xb9: {  	s31 =	sshll.u32 s1, $0xD;
	s1 =	sshrl.u32 s1, $0x2  }
0xba: {  	s3 =	sand.u32 $0x4000, s31;
	s1 =	sadd.s32 s1, s30  }
0xbb: {  	s0 =	sor.u32 s3, s0;
	s1 =	sshll.u32 s1, $0x11  }
0xbc: {  	s0 =	sor.u32 s1, s0  }
0xbd: {  	s0 =	sadd.s32 $0x8F2B, s0  }
0xbe: {  	[sflag:s0] =	ssyncadd.remote.s32 $0x1  }
0xbf: {  	_ =	sfence.sel $0xFFFF  }
0xc0: {  	[dreg:$0x0] =	wrdreg $0xFFFFFFFF;
	(pc) =	sbr.abs _section_cstart, $3  }
0xc1: {  	[dreg:$0x1] =	wrdreg $0xFFFFFFFF  }
0xc2: {  	_ =	task.clear_ibuf [dreg:s7], $0x2FFFF;
	_ =	strace $0x9FFFFFFF  }
0xc3: {  	(tm) =	ssettm $0x7FFFFFFF  }
tec
execute0_lowered:
.L_overlay_start_1:
0x0: {  	(tag) =	ssettag $0x1  }
0x1: {  	s2 =	rddreg [dreg:$0x0]  }
0x2: {  	s0 =	srdreg.scid;
	s5 =	rddreg [dreg:$0x1]  }
0x3: {  	s9 =	stileid.u32;
	s3 =	rddreg [dreg:$0x2];
	s4 =	simm.s32 $0x0  }
0x4: {  	s14 =	simm.s32 $0x80;
	s18 =	simm.s32 $0x100;
	s19 =	simm.s32 $0x180  }
0x5: {  	s28 =	simm.s32 $0x50;
	s29 =	simm.s32 $0x4800;
	s30 =	simm.s32 $0x7000  }
0x6: {  	s20 =	smul.u32 $0xA000, s9;
	[smem:$0x7FF] =	sst s4;
	s22 =	sadd.s32 $0x29C00, s5  }
0x7: {  	s7 =	smul.u32 $0x50000, s9;
	_ =	strace $0x80000047;
	[smem:$0x7E5] =	sst s22  }
0x8: {  	s1 =	sand.u32 $0x1, s0;
	s9 =	smul.u32 $0x14000, s9;
	[dreg:$0x6] =	wrdreg s14  }
0x9: {  	s6 =	smul.u32 $0x5000, s1;
	s23 =	ssub.s32 $0x2, s1;
	[dreg:$0x7] =	wrdreg s18  }
0xa: {  	s1 =	smul.u32 $0x140000, s1;
	[dreg:$0x8] =	wrdreg s19;
	s22 =	simm.s32 $0x1100  }
0xb: {  	s19 =	simm.s32 $0x400;
	s7 =	sshrl.u32 s7, $0x2;
	[dreg:$0xb] =	wrdreg s22  }
0xc: {  	s10 =	sadd.s32 $0x5000, s9;
	[dreg:$0x12] =	wrdreg s19;
	s19 =	simm.s32 $0x700  }
0xd: {  	s11 =	sadd.s32 $0x7800, s9;
	s7 =	sadd.s32 s7, s3;
	[dreg:$0x1e] =	wrdreg s19  }
0xe: {  	s12 =	sadd.s32 $0xA000, s9;
	s24 =	sadd.s32 s11, s3;
	[smem:$0x7E6] =	sst s7  }
0xf: {  	s0 =	sadd.s32 s6, s20;
	s26 =	sadd.s32 s12, s3;
	[smem:$0x7E8] =	sst s24  }
0x10: {  	s16 =	sadd.s32 s10, s3;
	s20 =	simm.s32 $0x1080;
	[smem:$0x7E9] =	sst s26  }
0x11: {  	s18 =	sadd.s32 s1, s10;
	s10 =	simm.s32 $0x580;
	[dreg:$0x9] =	wrdreg s20  }
0x12: {  	s22 =	sadd.s32 s1, s11;
	s11 =	simm.s32 $0x1480;
	[dreg:$0x18] =	wrdreg s10  }
0x13: {  	s8 =	sshrl.u32 s23, $0x1;
	s24 =	simm.s32 $0x1180;
	[dreg:$0x19] =	wrdreg s11  }
0x14: {  	s0 =	sshrl.u32 s0, $0x3;
	s26 =	simm.s32 $0x1200;
	[dreg:$0xd] =	wrdreg s24  }
0x15: {  	s7 =	sadd.s32 $0xC800, s9;
	s20 =	simm.s32 $0x1300;
	[dreg:$0xf] =	wrdreg s26  }
0x16: {  	s11 =	simm.s32 $0x0;
	s21 =	sadd.s32 s0, s5;
	[dreg:$0x13] =	wrdreg s20  }
0x17: {  	s0 =	sadd.s32 $0x2A200, s5;
	s17 =	sadd.s32 s7, s3;
	[smem:$0x7FA] =	sst s11  }
0x18: {  	s5 =	ssub.s32 s23, s8;
	s23 =	simm.s32 $0x280;
	[smem:$0x7EA] =	sst s17  }
0x19: {  	s31 =	simm.s32 $0x2;
	s24 =	simm.s32 $0x500;
	[dreg:$0xc] =	wrdreg s23  }
0x1a: {  	s6 =	sadd.s32 $0xF000, s9;
	s20 =	simm.s32 $0x1600;
	[dreg:$0x16] =	wrdreg s24  }
0x1b: {  	s19 =	simm.s32 $0xB00;
	s5 =	smax.u32 s5, $0x1;
	[dreg:$0x1f] =	wrdreg s20  }
0x1c: {  	s10 =	simm.s32 $0x1C00;
	s25 =	sadd.s32 $0x1C00, s21;
	[smem:$0x7E7] =	sst s5  }
0x1d: {  	s8 =	sor.u32 $0x2800, s9;
	s13 =	sadd.s32 $0x15C00, s21;
	[dreg:$0x4] =	wrdreg s25  }
0x1e: {  	s26 =	sadd.s32 s1, s12;
	s21 =	simm.s32 $0x200;
	[dreg:$0x5] =	wrdreg s13  }
0x1f: {  	s7 =	sadd.s32 s1, s7;
	s17 =	simm.s32 $0x1280;
	[dreg:$0xa] =	wrdreg s21  }
0x20: {  	s15 =	sadd.s32 s8, s3;
	s23 =	simm.s32 $0x1380;
	[dreg:$0x11] =	wrdreg s17  }
0x21: {  	s8 =	sadd.s32 s1, s8;
	s24 =	simm.s32 $0x1700;
	[dreg:$0x15] =	wrdreg s23  }
0x22: {  	s7 =	sshrl.u32 s7, $0x3;
	s13 =	sadd.s32 s6, s3;
	[smem:$0x7F7] =	sst s24  }
0x23: {  	s20 =	simm.s32 $0x1A00;
	s25 =	simm.s32 $0x300;
	[smem:$0x7EB] =	sst s13  }
0x24: {  	s5 =	sadd.s32 $0x11800, s9;
	s21 =	simm.s32 $0x480;
	[dreg:$0xe] =	wrdreg s25  }
0x25: {  	s12 =	smov.u32 s15;
	s15 =	simm.s32 $0x600;
	[dreg:$0x14] =	wrdreg s21  }
0x26: {  	s9 =	sadd.s32 s1, s9;
	s7 =	sadd.s32 s0, s7;
	[dreg:$0x1a] =	wrdreg s15  }
0x27: {  	s8 =	sshrl.u32 s8, $0x3;
	s17 =	simm.s32 $0x680;
	[smem:$0x7F1] =	sst s7  }
0x28: {  	s6 =	sadd.s32 s1, s6;
	s23 =	simm.s32 $0x800;
	[dreg:$0x1c] =	wrdreg s17  }
0x29: {  	s24 =	simm.s32 $0x1;
	s14 =	sadd.s32 s5, s3;
	[smem:$0x7F6] =	sst s23  }
0x2a: {  	s9 =	sshrl.u32 s9, $0x3;
	s8 =	sadd.s32 s0, s8;
	[smem:$0x7FB] =	sst s12  }
0x2b: {  	s13 =	smov.u32 s16;
	s16 =	simm.s32 $0x380;
	[smem:$0x7ED] =	sst s8  }
0x2c: {  	s25 =	simm.s32 $0x1400;
	s6 =	sshrl.u32 s6, $0x3;
	[dreg:$0x10] =	wrdreg s16  }
0x2d: {  	s21 =	simm.s32 $0x780;
	s1 =	sadd.s32 s1, s5;
	[dreg:$0x17] =	wrdreg s25  }
0x2e: {  	s23 =	simm.s32 $0x2000;
	s5 =	simm.s32 $0x980;
	[smem:$0x7F3] =	sst s21  }
0x2f: {  	s7 =	simm.s32 $0x1880;
	s15 =	simm.s32 $0xA00;
	[smem:$0x7FC] =	sst s13  }
0x30: {  	s17 =	simm.s32 $0xA80;
	s9 =	sadd.s32 s0, s9;
	[smem:$0x7FD] =	sst s14  }
0x31: {  	s16 =	simm.s32 $0x1500;
	s6 =	sadd.s32 s0, s6;
	[smem:$0x7EC] =	sst s9  }
0x32: {  	s1 =	sshrl.u32 s1, $0x3;
	s25 =	simm.s32 $0x880;
	[dreg:$0x1b] =	wrdreg s16  }
0x33: {  	s21 =	simm.s32 $0xB80;
	s8 =	simm.s32 $0x1B00;
	[smem:$0x7F2] =	sst s6  }
0x34: {  	s9 =	sshrl.u32 s18, $0x3;
	s18 =	simm.s32 $0x1580;
	[smem:$0x7F8] =	sst s25  }
0x35: {  	s25 =	simm.s32 $0x3;
	s16 =	simm.s32 $0x1900;
	s6 =	simm.s32 $0xC00  }
0x36: {  	s9 =	sadd.s32 s0, s9;
	[dreg:$0x1d] =	wrdreg s18;
	s18 =	simm.s32 $0x1980  }
0x37: {  	[smem:$0x7EE] =	sst s9;
	s9 =	sshrl.u32 s22, $0x3;
	s22 =	simm.s32 $0x1680  }
0x38: {  	s9 =	sadd.s32 s0, s9;
	[smem:$0x7F4] =	sst s22;
	s22 =	simm.s32 $0x1A80  }
0x39: {  	[smem:$0x7EF] =	sst s9;
	s9 =	sshrl.u32 s26, $0x3;
	s26 =	simm.s32 $0x1780  }
0x3a: {  	s9 =	sadd.s32 s0, s9;
	s0 =	sadd.s32 s0, s1;
	[smem:$0x7F9] =	sst s26  }
0x3b: {  	s26 =	simm.s32 $0x1000;
	s1 =	simm.s32 $0x900;
	[smem:$0x7F0] =	sst s9  }
0x3c: {  	[smem:$0x7F5] =	sst s0;
	s0 =	simm.s32 $0x1800;
	s9 =	simm.s32 $0x1B80  }
.LBB2_1:
0x3d: {  	s11 =	sld [smem:$0x7E5];
	_ =	sdelay $0x2  }
0x3e: {  	[tilespmem:s23], [sflag:$0x1] =	stream.linear.gather [hbm4b:s11+s4], $0x2800, $0x38;
	[tilespmem:$0x1D800] =	vst v63  }
0x3f: {  	_ =	swait.ge [sflag:s24], $0x2800  }
0x40: {  	s11 =	sld [smem:$0x7E6]  }
0x41: {  	[sflag:s24] =	ssyncset.done $0x0  }
0x42: {  	[sflag:s24] =	ssyncadd.s32 $0xFFFFD800  }
0x43: {  	[spmem:s11] =	stream.linear.scatter [tilespmem:s23], [sflag:$0x1], $0x2800, $0x38;
	[tilespmem:$0x1D800] =	vst v63  }
0x44: {  	_ =	swait.ge [sflag:s24], $0x2800  }
0x45: {  	[sflag:s24] =	ssyncset.done $0x0  }
0x46: {  	[sflag:s24] =	ssyncadd.s32 $0xFFFFD800  }
0x47: {  	[spmem:s12] =	stream.linear.scatter [tilespmem:s23], [sflag:$0x1], $0x2800, $0x38;
	[tilespmem:$0x1D800] =	vst v63  }
0x48: {  	_ =	swait.ge [sflag:s24], $0x2800  }
0x49: {  	[sflag:s24] =	ssyncset.done $0x0  }
0x4a: {  	[sflag:s24] =	ssyncadd.s32 $0xFFFFD800  }
0x4b: {  	[spmem:s13] =	stream.linear.scatter [tilespmem:s23], [sflag:$0x1], $0x2800, $0x38;
	[tilespmem:$0x1D800] =	vst v63  }
0x4c: {  	_ =	swait.ge [sflag:s24], $0x2800  }
0x4d: {  	s13 =	sld [smem:$0x7E8]  }
0x4e: {  	[sflag:s24] =	ssyncset.done $0x0  }
0x4f: {  	[sflag:s24] =	ssyncadd.s32 $0xFFFFD800  }
0x50: {  	[spmem:s13] =	stream.linear.scatter [tilespmem:s23], [sflag:$0x1], $0x2800, $0x38;
	[tilespmem:$0x1D800] =	vst v63  }
0x51: {  	_ =	swait.ge [sflag:s24], $0x2800  }
0x52: {  	s12 =	sld [smem:$0x7E9]  }
0x53: {  	[sflag:s24] =	ssyncset.done $0x0  }
0x54: {  	[sflag:s24] =	ssyncadd.s32 $0xFFFFD800  }
0x55: {  	[spmem:s12] =	stream.linear.scatter [tilespmem:s23], [sflag:$0x1], $0x2800, $0x38;
	[tilespmem:$0x1D800] =	vst v63  }
0x56: {  	_ =	swait.ge [sflag:s24], $0x2800  }
0x57: {  	s13 =	sld [smem:$0x7EA]  }
0x58: {  	[sflag:s24] =	ssyncset.done $0x0  }
0x59: {  	[sflag:s24] =	ssyncadd.s32 $0xFFFFD800  }
0x5a: {  	[spmem:s13] =	stream.linear.scatter [tilespmem:s23], [sflag:$0x1], $0x2800, $0x38;
	[tilespmem:$0x1D800] =	vst v63  }
0x5b: {  	_ =	swait.ge [sflag:s24], $0x2800  }
0x5c: {  	s12 =	sld [smem:$0x7EB]  }
0x5d: {  	[sflag:s24] =	ssyncset.done $0x0  }
0x5e: {  	[sflag:s24] =	ssyncadd.s32 $0xFFFFD800  }
0x5f: {  	[spmem:s12] =	stream.linear.scatter [tilespmem:s23], [sflag:$0x1], $0x2800, $0x38;
	[tilespmem:$0x1D800] =	vst v63  }
0x60: {  	_ =	swait.ge [sflag:s24], $0x2800  }
0x61: {  	[sflag:s24] =	ssyncset.done $0x0  }
0x62: {  	[sflag:s24] =	ssyncadd.s32 $0xFFFFD800  }
0x63: {  	[spmem:s14] =	stream.linear.scatter [tilespmem:s23], [sflag:$0x1], $0x2800, $0x38;
	[tilespmem:$0x1D800] =	vst v63  }
0x64: {  	_ =	swait.ge [sflag:s24], $0x2800  }
0x65: {  	[sflag:s24] =	ssyncset.done $0x0  }
0x66: {  	[sflag:s24] =	ssyncadd.s32 $0xFFFFD800  }
0x67: {  	[bflag:$0x0] =	sbarrier.arrive $0xFFFF  }
0x68: {  	s13 =	rddreg [dreg:$0x5]  }
0x69: {  	s12 =	sadd.s32 $0x0, s13  }
0x6a: {  	[tilespmem:s4], [sflag:$0x3] =	stream.linear.gather [hbm4b:s12+s4], $0xC80, $0x38;
	[tilespmem:$0x1D800] =	vst v63  }
0x6b: {  	_ =	swait.ge [sflag:s25], $0xC80  }
0x6c: {  	s14 =	rddreg [dreg:$0x4];
	[sflag:s25] =	ssyncset.done $0x0  }
0x6d: {  	[sflag:s25] =	ssyncadd.s32 $0xFFFFF380;
	s12 =	sadd.s32 $0x0, s14  }
0x6e: {  	[tilespmem:s26], [sflag:$0x3] =	stream.linear.gather [hbm4b:s12+s4], $0xC80, $0x38;
	[tilespmem:$0x1D800] =	vst v63  }
0x6f: {  	_ =	swait.ge [sflag:s25], $0xC80  }
0x70: {  	[sflag:s25] =	ssyncset.done $0x0  }
0x71: {  	[sflag:s25] =	ssyncadd.s32 $0xFFFFF380  }
0x72: {  	[tilespmem:s23], [sflag:$0x1] =	stream.indirect.gather [hbm4b:s2+s28], $0x80, s4, s28, $0xb8;
	[tilespmem:$0x1D800] =	vst v63  }
0x73: {  	s11 =	rddreg [dreg:$0x6]  }
0x74: {  	[tilespmem:s29], [sflag:$0x1] =	stream.indirect.gather [hbm4b:s2+s28], $0x80, s11, s28, $0xb8;
	[tilespmem:$0x1D800] =	vst v63  }
0x75: {  	_ =	swait.ge [sflag:s24], $0x2800  }
0x76: {  	[sflag:s24] =	ssyncset.done $0x0  }
0x77: {  	s13 =	rddreg [dreg:$0x7];
	[sflag:s24] =	ssyncadd.s32 $0xFFFFD800  }
0x78: {  	[tilespmem:s30], [sflag:$0x1] =	stream.indirect.gather [hbm4b:s2+s28], $0x80, s13, s28, $0xb8;
	[tilespmem:$0x1D800] =	vst v63  }
0x79: {  	_ = 	snop  }
0x7a: {  	[spmem:s3] =	stream.indirect.scatter.add.f32 [tilespmem:s23], [sflag:$0x2], $0x80, s26, s28, $0xb8;
	[tilespmem:$0x1D800] =	vst v63  }
0x7b: {  	_ =	swait.ge [sflag:s24], $0x2800  }
0x7c: {  	[sflag:s24] =	ssyncset.done $0x0  }
0x7d: {  	[sflag:s24] =	ssyncadd.s32 $0xFFFFD800  }
0x7e: {  	_ =	swait.ge [sflag:s31], $0x2800  }
0x7f: {  	[sflag:s31] =	ssyncset.done $0x0  }
0x80: {  	s14 =	rddreg [dreg:$0x8];
	[sflag:s31] =	ssyncadd.s32 $0xFFFFD800  }
0x81: {  	[tilespmem:s23], [sflag:$0x1] =	stream.indirect.gather [hbm4b:s2+s28], $0x80, s14, s28, $0xb8;
	[tilespmem:$0x1D800] =	vst v63  }
0x82: {  	s11 =	rddreg [dreg:$0x9]  }
0x83: {  	[spmem:s3] =	stream.indirect.scatter.add.f32 [tilespmem:s29], [sflag:$0x2], $0x80, s11, s28, $0xb8;
	[tilespmem:$0x1D800] =	vst v63  }
0x84: {  	_ =	swait.ge [sflag:s24], $0x2800  }
0x85: {  	[sflag:s24] =	ssyncset.done $0x0  }
0x86: {  	[sflag:s24] =	ssyncadd.s32 $0xFFFFD800  }
0x87: {  	_ =	swait.ge [sflag:s31], $0x2800  }
0x88: {  	[sflag:s31] =	ssyncset.done $0x0  }
0x89: {  	s14 =	rddreg [dreg:$0xa];
	[sflag:s31] =	ssyncadd.s32 $0xFFFFD800  }
0x8a: {  	[tilespmem:s29], [sflag:$0x1] =	stream.indirect.gather [hbm4b:s2+s28], $0x80, s14, s28, $0xb8;
	[tilespmem:$0x1D800] =	vst v63  }
0x8b: {  	s11 =	rddreg [dreg:$0xb]  }
0x8c: {  	[spmem:s3] =	stream.indirect.scatter.add.f32 [tilespmem:s30], [sflag:$0x2], $0x80, s11, s28, $0xb8;
	[tilespmem:$0x1D800] =	vst v63  }
0x8d: {  	_ =	swait.ge [sflag:s24], $0x2800  }
0x8e: {  	[sflag:s24] =	ssyncset.done $0x0  }
0x8f: {  	[sflag:s24] =	ssyncadd.s32 $0xFFFFD800  }
0x90: {  	_ =	swait.ge [sflag:s31], $0x2800  }
0x91: {  	[sflag:s31] =	ssyncset.done $0x0  }
0x92: {  	s14 =	rddreg [dreg:$0xc];
	[sflag:s31] =	ssyncadd.s32 $0xFFFFD800  }
0x93: {  	[tilespmem:s30], [sflag:$0x1] =	stream.indirect.gather [hbm4b:s2+s28], $0x80, s14, s28, $0xb8;
	[tilespmem:$0x1D800] =	vst v63  }
0x94: {  	s11 =	rddreg [dreg:$0xd]  }
0x95: {  	[spmem:s3] =	stream.indirect.scatter.add.f32 [tilespmem:s23], [sflag:$0x2], $0x80, s11, s28, $0xb8;
	[tilespmem:$0x1D800] =	vst v63  }
0x96: {  	_ =	swait.ge [sflag:s24], $0x2800  }
0x97: {  	[sflag:s24] =	ssyncset.done $0x0  }
0x98: {  	[sflag:s24] =	ssyncadd.s32 $0xFFFFD800  }
0x99: {  	_ =	swait.ge [sflag:s31], $0x2800  }
0x9a: {  	[sflag:s31] =	ssyncset.done $0x0  }
0x9b: {  	s14 =	rddreg [dreg:$0xe];
	[sflag:s31] =	ssyncadd.s32 $0xFFFFD800  }
0x9c: {  	[tilespmem:s23], [sflag:$0x1] =	stream.indirect.gather [hbm4b:s2+s28], $0x80, s14, s28, $0xb8;
	[tilespmem:$0x1D800] =	vst v63  }
0x9d: {  	s11 =	rddreg [dreg:$0xf]  }
0x9e: {  	[spmem:s3] =	stream.indirect.scatter.add.f32 [tilespmem:s29], [sflag:$0x2], $0x80, s11, s28, $0xb8;
	[tilespmem:$0x1D800] =	vst v63  }
0x9f: {  	_ =	swait.ge [sflag:s24], $0x2800  }
0xa0: {  	[sflag:s24] =	ssyncset.done $0x0  }
0xa1: {  	[sflag:s24] =	ssyncadd.s32 $0xFFFFD800  }
0xa2: {  	_ =	swait.ge [sflag:s31], $0x2800  }
0xa3: {  	[sflag:s31] =	ssyncset.done $0x0  }
0xa4: {  	s14 =	rddreg [dreg:$0x10];
	[sflag:s31] =	ssyncadd.s32 $0xFFFFD800  }
0xa5: {  	[tilespmem:s29], [sflag:$0x1] =	stream.indirect.gather [hbm4b:s2+s28], $0x80, s14, s28, $0xb8;
	[tilespmem:$0x1D800] =	vst v63  }
0xa6: {  	s11 =	rddreg [dreg:$0x11]  }
0xa7: {  	[spmem:s3] =	stream.indirect.scatter.add.f32 [tilespmem:s30], [sflag:$0x2], $0x80, s11, s28, $0xb8;
	[tilespmem:$0x1D800] =	vst v63  }
0xa8: {  	_ =	swait.ge [sflag:s24], $0x2800  }
0xa9: {  	[sflag:s24] =	ssyncset.done $0x0  }
0xaa: {  	[sflag:s24] =	ssyncadd.s32 $0xFFFFD800  }
0xab: {  	_ =	swait.ge [sflag:s31], $0x2800  }
0xac: {  	[sflag:s31] =	ssyncset.done $0x0  }
0xad: {  	s14 =	rddreg [dreg:$0x12];
	[sflag:s31] =	ssyncadd.s32 $0xFFFFD800  }
0xae: {  	[tilespmem:s30], [sflag:$0x1] =	stream.indirect.gather [hbm4b:s2+s28], $0x80, s14, s28, $0xb8;
	[tilespmem:$0x1D800] =	vst v63  }
0xaf: {  	s11 =	rddreg [dreg:$0x13]  }
0xb0: {  	[spmem:s3] =	stream.indirect.scatter.add.f32 [tilespmem:s23], [sflag:$0x2], $0x80, s11, s28, $0xb8;
	[tilespmem:$0x1D800] =	vst v63  }
0xb1: {  	_ =	swait.ge [sflag:s24], $0x2800  }
0xb2: {  	[sflag:s24] =	ssyncset.done $0x0  }
0xb3: {  	[sflag:s24] =	ssyncadd.s32 $0xFFFFD800  }
0xb4: {  	_ =	swait.ge [sflag:s31], $0x2800  }
0xb5: {  	[sflag:s31] =	ssyncset.done $0x0  }
0xb6: {  	s14 =	rddreg [dreg:$0x14];
	[sflag:s31] =	ssyncadd.s32 $0xFFFFD800  }
0xb7: {  	[tilespmem:s23], [sflag:$0x1] =	stream.indirect.gather [hbm4b:s2+s28], $0x80, s14, s28, $0xb8;
	[tilespmem:$0x1D800] =	vst v63  }
0xb8: {  	s11 =	rddreg [dreg:$0x15]  }
0xb9: {  	[spmem:s3] =	stream.indirect.scatter.add.f32 [tilespmem:s29], [sflag:$0x2], $0x80, s11, s28, $0xb8;
	[tilespmem:$0x1D800] =	vst v63  }
0xba: {  	_ =	swait.ge [sflag:s24], $0x2800  }
0xbb: {  	[sflag:s24] =	ssyncset.done $0x0  }
0xbc: {  	[sflag:s24] =	ssyncadd.s32 $0xFFFFD800  }
0xbd: {  	_ =	swait.ge [sflag:s31], $0x2800  }
0xbe: {  	[sflag:s31] =	ssyncset.done $0x0  }
0xbf: {  	s14 =	rddreg [dreg:$0x16];
	[sflag:s31] =	ssyncadd.s32 $0xFFFFD800  }
0xc0: {  	[tilespmem:s29], [sflag:$0x1] =	stream.indirect.gather [hbm4b:s2+s28], $0x80, s14, s28, $0xb8;
	[tilespmem:$0x1D800] =	vst v63  }
0xc1: {  	s11 =	rddreg [dreg:$0x17]  }
0xc2: {  	[spmem:s3] =	stream.indirect.scatter.add.f32 [tilespmem:s30], [sflag:$0x2], $0x80, s11, s28, $0xb8;
	[tilespmem:$0x1D800] =	vst v63  }
0xc3: {  	_ =	swait.ge [sflag:s24], $0x2800  }
0xc4: {  	[sflag:s24] =	ssyncset.done $0x0  }
0xc5: {  	[sflag:s24] =	ssyncadd.s32 $0xFFFFD800  }
0xc6: {  	_ =	swait.ge [sflag:s31], $0x2800  }
0xc7: {  	[sflag:s31] =	ssyncset.done $0x0  }
0xc8: {  	s14 =	rddreg [dreg:$0x18];
	[sflag:s31] =	ssyncadd.s32 $0xFFFFD800  }
0xc9: {  	[tilespmem:s30], [sflag:$0x1] =	stream.indirect.gather [hbm4b:s2+s28], $0x80, s14, s28, $0xb8;
	[tilespmem:$0x1D800] =	vst v63  }
0xca: {  	s11 =	rddreg [dreg:$0x19]  }
0xcb: {  	[spmem:s3] =	stream.indirect.scatter.add.f32 [tilespmem:s23], [sflag:$0x2], $0x80, s11, s28, $0xb8;
	[tilespmem:$0x1D800] =	vst v63  }
0xcc: {  	_ =	swait.ge [sflag:s24], $0x2800  }
0xcd: {  	[sflag:s24] =	ssyncset.done $0x0  }
0xce: {  	[sflag:s24] =	ssyncadd.s32 $0xFFFFD800  }
0xcf: {  	_ =	swait.ge [sflag:s31], $0x2800  }
0xd0: {  	[sflag:s31] =	ssyncset.done $0x0  }
0xd1: {  	s14 =	rddreg [dreg:$0x1a];
	[sflag:s31] =	ssyncadd.s32 $0xFFFFD800  }
0xd2: {  	[tilespmem:s23], [sflag:$0x1] =	stream.indirect.gather [hbm4b:s2+s28], $0x80, s14, s28, $0xb8;
	[tilespmem:$0x1D800] =	vst v63  }
0xd3: {  	s11 =	rddreg [dreg:$0x1b]  }
0xd4: {  	[spmem:s3] =	stream.indirect.scatter.add.f32 [tilespmem:s29], [sflag:$0x2], $0x80, s11, s28, $0xb8;
	[tilespmem:$0x1D800] =	vst v63  }
0xd5: {  	_ =	swait.ge [sflag:s24], $0x2800  }
0xd6: {  	[sflag:s24] =	ssyncset.done $0x0  }
0xd7: {  	[sflag:s24] =	ssyncadd.s32 $0xFFFFD800  }
0xd8: {  	_ =	swait.ge [sflag:s31], $0x2800  }
0xd9: {  	[sflag:s31] =	ssyncset.done $0x0  }
0xda: {  	s14 =	rddreg [dreg:$0x1c];
	[sflag:s31] =	ssyncadd.s32 $0xFFFFD800  }
0xdb: {  	[tilespmem:s29], [sflag:$0x1] =	stream.indirect.gather [hbm4b:s2+s28], $0x80, s14, s28, $0xb8;
	[tilespmem:$0x1D800] =	vst v63  }
0xdc: {  	s11 =	rddreg [dreg:$0x1d]  }
0xdd: {  	[spmem:s3] =	stream.indirect.scatter.add.f32 [tilespmem:s30], [sflag:$0x2], $0x80, s11, s28, $0xb8;
	[tilespmem:$0x1D800] =	vst v63  }
0xde: {  	_ =	swait.ge [sflag:s24], $0x2800  }
0xdf: {  	[sflag:s24] =	ssyncset.done $0x0  }
0xe0: {  	[sflag:s24] =	ssyncadd.s32 $0xFFFFD800  }
0xe1: {  	_ =	swait.ge [sflag:s31], $0x2800  }
0xe2: {  	[sflag:s31] =	ssyncset.done $0x0  }
0xe3: {  	s14 =	rddreg [dreg:$0x1e];
	[sflag:s31] =	ssyncadd.s32 $0xFFFFD800  }
0xe4: {  	[tilespmem:s30], [sflag:$0x1] =	stream.indirect.gather [hbm4b:s2+s28], $0x80, s14, s28, $0xb8;
	[tilespmem:$0x1D800] =	vst v63  }
0xe5: {  	s11 =	rddreg [dreg:$0x1f]  }
0xe6: {  	[spmem:s3] =	stream.indirect.scatter.add.f32 [tilespmem:s23], [sflag:$0x2], $0x80, s11, s28, $0xb8;
	[tilespmem:$0x1D800] =	vst v63  }
0xe7: {  	_ =	swait.ge [sflag:s24], $0x2800  }
0xe8: {  	[sflag:s24] =	ssyncset.done $0x0  }
0xe9: {  	[sflag:s24] =	ssyncadd.s32 $0xFFFFD800  }
0xea: {  	_ =	swait.ge [sflag:s31], $0x2800  }
0xeb: {  	s14 =	sld [smem:$0x7F3]  }
0xec: {  	[sflag:s31] =	ssyncset.done $0x0  }
0xed: {  	s11 =	sld [smem:$0x7F4];
	[sflag:s31] =	ssyncadd.s32 $0xFFFFD800  }
0xee: {  	[tilespmem:s23], [sflag:$0x1] =	stream.indirect.gather [hbm4b:s2+s28], $0x80, s14, s28, $0xb8;
	[tilespmem:$0x1D800] =	vst v63  }
0xef: {  	_ = 	snop  }
0xf0: {  	[spmem:s3] =	stream.indirect.scatter.add.f32 [tilespmem:s29], [sflag:$0x2], $0x80, s11, s28, $0xb8;
	[tilespmem:$0x1D800] =	vst v63  }
0xf1: {  	_ =	swait.ge [sflag:s24], $0x2800  }
0xf2: {  	[sflag:s24] =	ssyncset.done $0x0  }
0xf3: {  	[sflag:s24] =	ssyncadd.s32 $0xFFFFD800  }
0xf4: {  	_ =	swait.ge [sflag:s31], $0x2800  }
0xf5: {  	s14 =	sld [smem:$0x7F6]  }
0xf6: {  	[sflag:s31] =	ssyncset.done $0x0  }
0xf7: {  	s11 =	sld [smem:$0x7F7];
	[sflag:s31] =	ssyncadd.s32 $0xFFFFD800  }
0xf8: {  	[tilespmem:s29], [sflag:$0x1] =	stream.indirect.gather [hbm4b:s2+s28], $0x80, s14, s28, $0xb8;
	[tilespmem:$0x1D800] =	vst v63  }
0xf9: {  	_ = 	snop  }
0xfa: {  	[spmem:s3] =	stream.indirect.scatter.add.f32 [tilespmem:s30], [sflag:$0x2], $0x80, s11, s28, $0xb8;
	[tilespmem:$0x1D800] =	vst v63  }
0xfb: {  	_ =	swait.ge [sflag:s24], $0x2800  }
0xfc: {  	[sflag:s24] =	ssyncset.done $0x0  }
0xfd: {  	[sflag:s24] =	ssyncadd.s32 $0xFFFFD800  }
0xfe: {  	_ =	swait.ge [sflag:s31], $0x2800  }
0xff: {  	s13 =	sld [smem:$0x7F8]  }
0x100: {  	[sflag:s31] =	ssyncset.done $0x0  }
0x101: {  	s14 =	sld [smem:$0x7F9];
	[sflag:s31] =	ssyncadd.s32 $0xFFFFD800  }
0x102: {  	[tilespmem:s30], [sflag:$0x1] =	stream.indirect.gather [hbm4b:s2+s28], $0x80, s13, s28, $0xb8;
	[tilespmem:$0x1D800] =	vst v63  }
0x103: {  	_ = 	snop  }
0x104: {  	[spmem:s3] =	stream.indirect.scatter.add.f32 [tilespmem:s23], [sflag:$0x2], $0x80, s14, s28, $0xb8;
	[tilespmem:$0x1D800] =	vst v63  }
0x105: {  	_ =	swait.ge [sflag:s24], $0x2800  }
0x106: {  	[sflag:s24] =	ssyncset.done $0x0  }
0x107: {  	[sflag:s24] =	ssyncadd.s32 $0xFFFFD800  }
0x108: {  	_ =	swait.ge [sflag:s31], $0x2800  }
0x109: {  	[sflag:s31] =	ssyncset.done $0x0  }
0x10a: {  	[sflag:s31] =	ssyncadd.s32 $0xFFFFD800  }
0x10b: {  	[tilespmem:s23], [sflag:$0x1] =	stream.indirect.gather [hbm4b:s2+s28], $0x80, s1, s28, $0xb8;
	[tilespmem:$0x1D800] =	vst v63  }
0x10c: {  	_ = 	snop  }
0x10d: {  	[spmem:s3] =	stream.indirect.scatter.add.f32 [tilespmem:s29], [sflag:$0x2], $0x80, s0, s28, $0xb8;
	[tilespmem:$0x1D800] =	vst v63  }
0x10e: {  	_ =	swait.ge [sflag:s24], $0x2800  }
0x10f: {  	[sflag:s24] =	ssyncset.done $0x0  }
0x110: {  	[sflag:s24] =	ssyncadd.s32 $0xFFFFD800  }
0x111: {  	_ =	swait.ge [sflag:s31], $0x2800  }
0x112: {  	[sflag:s31] =	ssyncset.done $0x0  }
0x113: {  	[sflag:s31] =	ssyncadd.s32 $0xFFFFD800  }
0x114: {  	[tilespmem:s29], [sflag:$0x1] =	stream.indirect.gather [hbm4b:s2+s28], $0x80, s5, s28, $0xb8;
	[tilespmem:$0x1D800] =	vst v63  }
0x115: {  	_ = 	snop  }
0x116: {  	[spmem:s3] =	stream.indirect.scatter.add.f32 [tilespmem:s30], [sflag:$0x2], $0x80, s7, s28, $0xb8;
	[tilespmem:$0x1D800] =	vst v63  }
0x117: {  	_ =	swait.ge [sflag:s24], $0x2800  }
0x118: {  	[sflag:s24] =	ssyncset.done $0x0  }
0x119: {  	[sflag:s24] =	ssyncadd.s32 $0xFFFFD800  }
0x11a: {  	_ =	swait.ge [sflag:s31], $0x2800  }
0x11b: {  	[sflag:s31] =	ssyncset.done $0x0  }
0x11c: {  	[sflag:s31] =	ssyncadd.s32 $0xFFFFD800  }
0x11d: {  	[tilespmem:s30], [sflag:$0x1] =	stream.indirect.gather [hbm4b:s2+s28], $0x80, s15, s28, $0xb8;
	[tilespmem:$0x1D800] =	vst v63  }
0x11e: {  	_ = 	snop  }
0x11f: {  	[spmem:s3] =	stream.indirect.scatter.add.f32 [tilespmem:s23], [sflag:$0x2], $0x80, s16, s28, $0xb8;
	[tilespmem:$0x1D800] =	vst v63  }
0x120: {  	_ =	swait.ge [sflag:s24], $0x2800  }
0x121: {  	[sflag:s24] =	ssyncset.done $0x0  }
0x122: {  	[sflag:s24] =	ssyncadd.s32 $0xFFFFD800  }
0x123: {  	_ =	swait.ge [sflag:s31], $0x2800  }
0x124: {  	[sflag:s31] =	ssyncset.done $0x0  }
0x125: {  	[sflag:s31] =	ssyncadd.s32 $0xFFFFD800  }
0x126: {  	[tilespmem:s23], [sflag:$0x1] =	stream.indirect.gather [hbm4b:s2+s28], $0x80, s17, s28, $0xb8;
	[tilespmem:$0x1D800] =	vst v63  }
0x127: {  	_ = 	snop  }
0x128: {  	[spmem:s3] =	stream.indirect.scatter.add.f32 [tilespmem:s29], [sflag:$0x2], $0x80, s18, s28, $0xb8;
	[tilespmem:$0x1D800] =	vst v63  }
0x129: {  	_ =	swait.ge [sflag:s24], $0x2800  }
0x12a: {  	[sflag:s24] =	ssyncset.done $0x0  }
0x12b: {  	[sflag:s24] =	ssyncadd.s32 $0xFFFFD800  }
0x12c: {  	_ =	swait.ge [sflag:s31], $0x2800  }
0x12d: {  	[sflag:s31] =	ssyncset.done $0x0  }
0x12e: {  	[sflag:s31] =	ssyncadd.s32 $0xFFFFD800  }
0x12f: {  	[tilespmem:s29], [sflag:$0x1] =	stream.indirect.gather [hbm4b:s2+s28], $0x80, s19, s28, $0xb8;
	[tilespmem:$0x1D800] =	vst v63  }
0x130: {  	_ = 	snop  }
0x131: {  	[spmem:s3] =	stream.indirect.scatter.add.f32 [tilespmem:s30], [sflag:$0x2], $0x80, s20, s28, $0xb8;
	[tilespmem:$0x1D800] =	vst v63  }
0x132: {  	_ =	swait.ge [sflag:s24], $0x2800  }
0x133: {  	[sflag:s24] =	ssyncset.done $0x0  }
0x134: {  	[sflag:s24] =	ssyncadd.s32 $0xFFFFD800  }
0x135: {  	_ =	swait.ge [sflag:s31], $0x2800  }
0x136: {  	[sflag:s31] =	ssyncset.done $0x0  }
0x137: {  	[sflag:s31] =	ssyncadd.s32 $0xFFFFD800  }
0x138: {  	[tilespmem:s30], [sflag:$0x1] =	stream.indirect.gather [hbm4b:s2+s28], $0x80, s21, s28, $0xb8;
	[tilespmem:$0x1D800] =	vst v63  }
0x139: {  	_ = 	snop  }
0x13a: {  	[spmem:s3] =	stream.indirect.scatter.add.f32 [tilespmem:s23], [sflag:$0x2], $0x80, s22, s28, $0xb8;
	[tilespmem:$0x1D800] =	vst v63  }
0x13b: {  	_ =	swait.ge [sflag:s24], $0x2800  }
0x13c: {  	[sflag:s24] =	ssyncset.done $0x0  }
0x13d: {  	[sflag:s24] =	ssyncadd.s32 $0xFFFFD800  }
0x13e: {  	_ =	swait.ge [sflag:s31], $0x2800  }
0x13f: {  	[sflag:s31] =	ssyncset.done $0x0  }
0x140: {  	[sflag:s31] =	ssyncadd.s32 $0xFFFFD800  }
0x141: {  	[tilespmem:s23], [sflag:$0x1] =	stream.indirect.gather [hbm4b:s2+s28], $0x80, s6, s28, $0xb8;
	[tilespmem:$0x1D800] =	vst v63  }
0x142: {  	_ = 	snop  }
0x143: {  	[spmem:s3] =	stream.indirect.scatter.add.f32 [tilespmem:s29], [sflag:$0x2], $0x80, s8, s28, $0xb8;
	[tilespmem:$0x1D800] =	vst v63  }
0x144: {  	_ =	swait.ge [sflag:s24], $0x2800  }
0x145: {  	[sflag:s24] =	ssyncset.done $0x0  }
0x146: {  	[sflag:s24] =	ssyncadd.s32 $0xFFFFD800  }
0x147: {  	_ =	swait.ge [sflag:s31], $0x2800  }
0x148: {  	[sflag:s31] =	ssyncset.done $0x0  }
0x149: {  	[sflag:s31] =	ssyncadd.s32 $0xFFFFD800  }
0x14a: {  	[spmem:s3] =	stream.indirect.scatter.add.f32 [tilespmem:s30], [sflag:$0x2], $0x80, s9, s28, $0xb8;
	[tilespmem:$0x1D800] =	vst v63  }
0x14b: {  	_ =	swait.ge [sflag:s24], $0x2800  }
0x14c: {  	[sflag:s24] =	ssyncset.done $0x0  }
0x14d: {  	[sflag:s24] =	ssyncadd.s32 $0xFFFFD800  }
0x14e: {  	_ =	swait.ge [sflag:s31], $0x2800  }
0x14f: {  	[sflag:s31] =	ssyncset.done $0x0  }
0x150: {  	[sflag:s31] =	ssyncadd.s32 $0xFFFFD800  }
0x151: {  	[spmem:s3] =	stream.indirect.scatter.add.f32 [tilespmem:s23], [sflag:$0x2], $0x80, s10, s28, $0xb8;
	[tilespmem:$0x1D800] =	vst v63  }
0x152: {  	s12 =	simm.s32 $0x200;
	_ =	swait.ge [sflag:s31], $0x2800  }
0x153: {  	s13 =	simm.s32 $0x400;
	s14 =	rddreg [dreg:$0x5];
	[sflag:s31] =	ssyncset.done $0x0  }
.LBB2_2:
0x154: {  	[sflag:s31] =	ssyncadd.s32 $0xFFFFD800;
	s14 =	sadd.s32 s12, s14  }
0x155: {  	[tilespmem:s4], [sflag:$0x3] =	stream.linear.gather [hbm4b:s14+s4], $0xC80, $0x38;
	[tilespmem:$0x1D800] =	vst v63  }
0x156: {  	_ =	swait.ge [sflag:s25], $0xC80  }
0x157: {  	s14 =	rddreg [dreg:$0x4];
	[sflag:s25] =	ssyncset.done $0x0  }
0x158: {  	[sflag:s25] =	ssyncadd.s32 $0xFFFFF380;
	s14 =	sadd.s32 s12, s14  }
0x159: {  	[tilespmem:s26], [sflag:$0x3] =	stream.linear.gather [hbm4b:s14+s4], $0xC80, $0x38;
	[tilespmem:$0x1D800] =	vst v63  }
0x15a: {  	_ =	swait.ge [sflag:s25], $0xC80  }
0x15b: {  	[sflag:s25] =	ssyncset.done $0x0  }
0x15c: {  	[sflag:s25] =	ssyncadd.s32 $0xFFFFF380  }
0x15d: {  	[tilespmem:s23], [sflag:$0x1] =	stream.indirect.gather [hbm4b:s2+s28], $0x80, s4, s28, $0xb8;
	[tilespmem:$0x1D800] =	vst v63  }
0x15e: {  	s14 =	rddreg [dreg:$0x6]  }
0x15f: {  	[tilespmem:s29], [sflag:$0x1] =	stream.indirect.gather [hbm4b:s2+s28], $0x80, s14, s28, $0xb8;
	[tilespmem:$0x1D800] =	vst v63  }
0x160: {  	_ =	swait.ge [sflag:s24], $0x2800  }
0x161: {  	[sflag:s24] =	ssyncset.done $0x0  }
0x162: {  	s14 =	rddreg [dreg:$0x7];
	[sflag:s24] =	ssyncadd.s32 $0xFFFFD800  }
0x163: {  	[tilespmem:s30], [sflag:$0x1] =	stream.indirect.gather [hbm4b:s2+s28], $0x80, s14, s28, $0xb8;
	[tilespmem:$0x1D800] =	vst v63  }
0x164: {  	_ = 	snop  }
0x165: {  	[spmem:s3] =	stream.indirect.scatter.add.f32 [tilespmem:s23], [sflag:$0x2], $0x80, s26, s28, $0xb8;
	[tilespmem:$0x1D800] =	vst v63  }
0x166: {  	_ =	swait.ge [sflag:s24], $0x2800  }
0x167: {  	[sflag:s24] =	ssyncset.done $0x0  }
0x168: {  	[sflag:s24] =	ssyncadd.s32 $0xFFFFD800  }
0x169: {  	_ =	swait.ge [sflag:s31], $0x2800  }
0x16a: {  	s11 =	smov.u32 s13;
	[sflag:s31] =	ssyncset.done $0x0  }
0x16b: {  	s12 =	smov.u32 s11;
	s11 =	rddreg [dreg:$0x8];
	[sflag:s31] =	ssyncadd.s32 $0xFFFFD800  }
0x16c: {  	[tilespmem:s23], [sflag:$0x1] =	stream.indirect.gather [hbm4b:s2+s28], $0x80, s11, s28, $0xb8;
	[tilespmem:$0x1D800] =	vst v63  }
0x16d: {  	s14 =	rddreg [dreg:$0x9]  }
0x16e: {  	[spmem:s3] =	stream.indirect.scatter.add.f32 [tilespmem:s29], [sflag:$0x2], $0x80, s14, s28, $0xb8;
	[tilespmem:$0x1D800] =	vst v63  }
0x16f: {  	_ =	swait.ge [sflag:s24], $0x2800  }
0x170: {  	[sflag:s24] =	ssyncset.done $0x0  }
0x171: {  	[sflag:s24] =	ssyncadd.s32 $0xFFFFD800  }
0x172: {  	_ =	swait.ge [sflag:s31], $0x2800  }
0x173: {  	[sflag:s31] =	ssyncset.done $0x0  }
0x174: {  	s11 =	rddreg [dreg:$0xa];
	[sflag:s31] =	ssyncadd.s32 $0xFFFFD800  }
0x175: {  	[tilespmem:s29], [sflag:$0x1] =	stream.indirect.gather [hbm4b:s2+s28], $0x80, s11, s28, $0xb8;
	[tilespmem:$0x1D800] =	vst v63  }
0x176: {  	s14 =	rddreg [dreg:$0xb]  }
0x177: {  	[spmem:s3] =	stream.indirect.scatter.add.f32 [tilespmem:s30], [sflag:$0x2], $0x80, s14, s28, $0xb8;
	[tilespmem:$0x1D800] =	vst v63  }
0x178: {  	_ =	swait.ge [sflag:s24], $0x2800  }
0x179: {  	[sflag:s24] =	ssyncset.done $0x0  }
0x17a: {  	[sflag:s24] =	ssyncadd.s32 $0xFFFFD800  }
0x17b: {  	_ =	swait.ge [sflag:s31], $0x2800  }
0x17c: {  	[sflag:s31] =	ssyncset.done $0x0  }
0x17d: {  	s11 =	rddreg [dreg:$0xc];
	[sflag:s31] =	ssyncadd.s32 $0xFFFFD800  }
0x17e: {  	[tilespmem:s30], [sflag:$0x1] =	stream.indirect.gather [hbm4b:s2+s28], $0x80, s11, s28, $0xb8;
	[tilespmem:$0x1D800] =	vst v63  }
0x17f: {  	s14 =	rddreg [dreg:$0xd]  }
0x180: {  	[spmem:s3] =	stream.indirect.scatter.add.f32 [tilespmem:s23], [sflag:$0x2], $0x80, s14, s28, $0xb8;
	[tilespmem:$0x1D800] =	vst v63  }
0x181: {  	_ =	swait.ge [sflag:s24], $0x2800  }
0x182: {  	[sflag:s24] =	ssyncset.done $0x0  }
0x183: {  	[sflag:s24] =	ssyncadd.s32 $0xFFFFD800  }
0x184: {  	_ =	swait.ge [sflag:s31], $0x2800  }
0x185: {  	[sflag:s31] =	ssyncset.done $0x0  }
0x186: {  	s11 =	rddreg [dreg:$0xe];
	[sflag:s31] =	ssyncadd.s32 $0xFFFFD800  }
0x187: {  	[tilespmem:s23], [sflag:$0x1] =	stream.indirect.gather [hbm4b:s2+s28], $0x80, s11, s28, $0xb8;
	[tilespmem:$0x1D800] =	vst v63  }
0x188: {  	s14 =	rddreg [dreg:$0xf]  }
0x189: {  	[spmem:s3] =	stream.indirect.scatter.add.f32 [tilespmem:s29], [sflag:$0x2], $0x80, s14, s28, $0xb8;
	[tilespmem:$0x1D800] =	vst v63  }
0x18a: {  	_ =	swait.ge [sflag:s24], $0x2800  }
0x18b: {  	[sflag:s24] =	ssyncset.done $0x0  }
0x18c: {  	[sflag:s24] =	ssyncadd.s32 $0xFFFFD800  }
0x18d: {  	_ =	swait.ge [sflag:s31], $0x2800  }
0x18e: {  	[sflag:s31] =	ssyncset.done $0x0  }
0x18f: {  	s11 =	rddreg [dreg:$0x10];
	[sflag:s31] =	ssyncadd.s32 $0xFFFFD800  }
0x190: {  	[tilespmem:s29], [sflag:$0x1] =	stream.indirect.gather [hbm4b:s2+s28], $0x80, s11, s28, $0xb8;
	[tilespmem:$0x1D800] =	vst v63  }
0x191: {  	s14 =	rddreg [dreg:$0x11]  }
0x192: {  	[spmem:s3] =	stream.indirect.scatter.add.f32 [tilespmem:s30], [sflag:$0x2], $0x80, s14, s28, $0xb8;
	[tilespmem:$0x1D800] =	vst v63  }
0x193: {  	_ =	swait.ge [sflag:s24], $0x2800  }
0x194: {  	[sflag:s24] =	ssyncset.done $0x0  }
0x195: {  	[sflag:s24] =	ssyncadd.s32 $0xFFFFD800  }
0x196: {  	_ =	swait.ge [sflag:s31], $0x2800  }
0x197: {  	[sflag:s31] =	ssyncset.done $0x0  }
0x198: {  	s11 =	rddreg [dreg:$0x12];
	[sflag:s31] =	ssyncadd.s32 $0xFFFFD800  }
0x199: {  	[tilespmem:s30], [sflag:$0x1] =	stream.indirect.gather [hbm4b:s2+s28], $0x80, s11, s28, $0xb8;
	[tilespmem:$0x1D800] =	vst v63  }
0x19a: {  	s14 =	rddreg [dreg:$0x13]  }
0x19b: {  	[spmem:s3] =	stream.indirect.scatter.add.f32 [tilespmem:s23], [sflag:$0x2], $0x80, s14, s28, $0xb8;
	[tilespmem:$0x1D800] =	vst v63  }
0x19c: {  	_ =	swait.ge [sflag:s24], $0x2800  }
0x19d: {  	[sflag:s24] =	ssyncset.done $0x0  }
0x19e: {  	[sflag:s24] =	ssyncadd.s32 $0xFFFFD800  }
0x19f: {  	_ =	swait.ge [sflag:s31], $0x2800  }
0x1a0: {  	[sflag:s31] =	ssyncset.done $0x0  }
0x1a1: {  	s11 =	rddreg [dreg:$0x14];
	[sflag:s31] =	ssyncadd.s32 $0xFFFFD800  }
0x1a2: {  	[tilespmem:s23], [sflag:$0x1] =	stream.indirect.gather [hbm4b:s2+s28], $0x80, s11, s28, $0xb8;
	[tilespmem:$0x1D800] =	vst v63  }
0x1a3: {  	s14 =	rddreg [dreg:$0x15]  }
0x1a4: {  	[spmem:s3] =	stream.indirect.scatter.add.f32 [tilespmem:s29], [sflag:$0x2], $0x80, s14, s28, $0xb8;
	[tilespmem:$0x1D800] =	vst v63  }
0x1a5: {  	_ =	swait.ge [sflag:s24], $0x2800  }
0x1a6: {  	[sflag:s24] =	ssyncset.done $0x0  }
0x1a7: {  	[sflag:s24] =	ssyncadd.s32 $0xFFFFD800  }
0x1a8: {  	_ =	swait.ge [sflag:s31], $0x2800  }
0x1a9: {  	[sflag:s31] =	ssyncset.done $0x0  }
0x1aa: {  	s11 =	rddreg [dreg:$0x16];
	[sflag:s31] =	ssyncadd.s32 $0xFFFFD800  }
0x1ab: {  	[tilespmem:s29], [sflag:$0x1] =	stream.indirect.gather [hbm4b:s2+s28], $0x80, s11, s28, $0xb8;
	[tilespmem:$0x1D800] =	vst v63  }
0x1ac: {  	s14 =	rddreg [dreg:$0x17]  }
0x1ad: {  	[spmem:s3] =	stream.indirect.scatter.add.f32 [tilespmem:s30], [sflag:$0x2], $0x80, s14, s28, $0xb8;
	[tilespmem:$0x1D800] =	vst v63  }
0x1ae: {  	_ =	swait.ge [sflag:s24], $0x2800  }
0x1af: {  	[sflag:s24] =	ssyncset.done $0x0  }
0x1b0: {  	[sflag:s24] =	ssyncadd.s32 $0xFFFFD800  }
0x1b1: {  	_ =	swait.ge [sflag:s31], $0x2800  }
0x1b2: {  	[sflag:s31] =	ssyncset.done $0x0  }
0x1b3: {  	s11 =	rddreg [dreg:$0x18];
	[sflag:s31] =	ssyncadd.s32 $0xFFFFD800  }
0x1b4: {  	[tilespmem:s30], [sflag:$0x1] =	stream.indirect.gather [hbm4b:s2+s28], $0x80, s11, s28, $0xb8;
	[tilespmem:$0x1D800] =	vst v63  }
0x1b5: {  	s14 =	rddreg [dreg:$0x19]  }
0x1b6: {  	[spmem:s3] =	stream.indirect.scatter.add.f32 [tilespmem:s23], [sflag:$0x2], $0x80, s14, s28, $0xb8;
	[tilespmem:$0x1D800] =	vst v63  }
0x1b7: {  	_ =	swait.ge [sflag:s24], $0x2800  }
0x1b8: {  	[sflag:s24] =	ssyncset.done $0x0  }
0x1b9: {  	[sflag:s24] =	ssyncadd.s32 $0xFFFFD800  }
0x1ba: {  	_ =	swait.ge [sflag:s31], $0x2800  }
0x1bb: {  	[sflag:s31] =	ssyncset.done $0x0  }
0x1bc: {  	s11 =	rddreg [dreg:$0x1a];
	[sflag:s31] =	ssyncadd.s32 $0xFFFFD800  }
0x1bd: {  	[tilespmem:s23], [sflag:$0x1] =	stream.indirect.gather [hbm4b:s2+s28], $0x80, s11, s28, $0xb8;
	[tilespmem:$0x1D800] =	vst v63  }
0x1be: {  	s14 =	rddreg [dreg:$0x1b]  }
0x1bf: {  	[spmem:s3] =	stream.indirect.scatter.add.f32 [tilespmem:s29], [sflag:$0x2], $0x80, s14, s28, $0xb8;
	[tilespmem:$0x1D800] =	vst v63  }
0x1c0: {  	_ =	swait.ge [sflag:s24], $0x2800  }
0x1c1: {  	[sflag:s24] =	ssyncset.done $0x0  }
0x1c2: {  	[sflag:s24] =	ssyncadd.s32 $0xFFFFD800  }
0x1c3: {  	_ =	swait.ge [sflag:s31], $0x2800  }
0x1c4: {  	[sflag:s31] =	ssyncset.done $0x0  }
0x1c5: {  	s11 =	rddreg [dreg:$0x1c];
	[sflag:s31] =	ssyncadd.s32 $0xFFFFD800  }
0x1c6: {  	[tilespmem:s29], [sflag:$0x1] =	stream.indirect.gather [hbm4b:s2+s28], $0x80, s11, s28, $0xb8;
	[tilespmem:$0x1D800] =	vst v63  }
0x1c7: {  	s14 =	rddreg [dreg:$0x1d]  }
0x1c8: {  	[spmem:s3] =	stream.indirect.scatter.add.f32 [tilespmem:s30], [sflag:$0x2], $0x80, s14, s28, $0xb8;
	[tilespmem:$0x1D800] =	vst v63  }
0x1c9: {  	_ =	swait.ge [sflag:s24], $0x2800  }
0x1ca: {  	[sflag:s24] =	ssyncset.done $0x0  }
0x1cb: {  	[sflag:s24] =	ssyncadd.s32 $0xFFFFD800  }
0x1cc: {  	_ =	swait.ge [sflag:s31], $0x2800  }
0x1cd: {  	[sflag:s31] =	ssyncset.done $0x0  }
0x1ce: {  	s11 =	rddreg [dreg:$0x1e];
	[sflag:s31] =	ssyncadd.s32 $0xFFFFD800  }
0x1cf: {  	[tilespmem:s30], [sflag:$0x1] =	stream.indirect.gather [hbm4b:s2+s28], $0x80, s11, s28, $0xb8;
	[tilespmem:$0x1D800] =	vst v63  }
0x1d0: {  	s14 =	rddreg [dreg:$0x1f]  }
0x1d1: {  	[spmem:s3] =	stream.indirect.scatter.add.f32 [tilespmem:s23], [sflag:$0x2], $0x80, s14, s28, $0xb8;
	[tilespmem:$0x1D800] =	vst v63  }
0x1d2: {  	_ =	swait.ge [sflag:s24], $0x2800  }
0x1d3: {  	[sflag:s24] =	ssyncset.done $0x0  }
0x1d4: {  	[sflag:s24] =	ssyncadd.s32 $0xFFFFD800  }
0x1d5: {  	_ =	swait.ge [sflag:s31], $0x2800  }
0x1d6: {  	s11 =	sld [smem:$0x7F3]  }
0x1d7: {  	[sflag:s31] =	ssyncset.done $0x0  }
0x1d8: {  	s14 =	sld [smem:$0x7F4];
	[sflag:s31] =	ssyncadd.s32 $0xFFFFD800  }
0x1d9: {  	[tilespmem:s23], [sflag:$0x1] =	stream.indirect.gather [hbm4b:s2+s28], $0x80, s11, s28, $0xb8;
	[tilespmem:$0x1D800] =	vst v63  }
0x1da: {  	_ = 	snop  }
0x1db: {  	[spmem:s3] =	stream.indirect.scatter.add.f32 [tilespmem:s29], [sflag:$0x2], $0x80, s14, s28, $0xb8;
	[tilespmem:$0x1D800] =	vst v63  }
0x1dc: {  	_ =	swait.ge [sflag:s24], $0x2800  }
0x1dd: {  	[sflag:s24] =	ssyncset.done $0x0  }
0x1de: {  	[sflag:s24] =	ssyncadd.s32 $0xFFFFD800  }
0x1df: {  	_ =	swait.ge [sflag:s31], $0x2800  }
0x1e0: {  	s11 =	sld [smem:$0x7F6]  }
0x1e1: {  	[sflag:s31] =	ssyncset.done $0x0  }
0x1e2: {  	s14 =	sld [smem:$0x7F7];
	[sflag:s31] =	ssyncadd.s32 $0xFFFFD800  }
0x1e3: {  	[tilespmem:s29], [sflag:$0x1] =	stream.indirect.gather [hbm4b:s2+s28], $0x80, s11, s28, $0xb8;
	[tilespmem:$0x1D800] =	vst v63  }
0x1e4: {  	_ = 	snop  }
0x1e5: {  	[spmem:s3] =	stream.indirect.scatter.add.f32 [tilespmem:s30], [sflag:$0x2], $0x80, s14, s28, $0xb8;
	[tilespmem:$0x1D800] =	vst v63  }
0x1e6: {  	_ =	swait.ge [sflag:s24], $0x2800  }
0x1e7: {  	[sflag:s24] =	ssyncset.done $0x0  }
0x1e8: {  	[sflag:s24] =	ssyncadd.s32 $0xFFFFD800  }
0x1e9: {  	_ =	swait.ge [sflag:s31], $0x2800  }
0x1ea: {  	s11 =	sld [smem:$0x7F8]  }
0x1eb: {  	[sflag:s31] =	ssyncset.done $0x0  }
0x1ec: {  	s14 =	sld [smem:$0x7F9];
	[sflag:s31] =	ssyncadd.s32 $0xFFFFD800  }
0x1ed: {  	[tilespmem:s30], [sflag:$0x1] =	stream.indirect.gather [hbm4b:s2+s28], $0x80, s11, s28, $0xb8;
	[tilespmem:$0x1D800] =	vst v63  }
0x1ee: {  	_ = 	snop  }
0x1ef: {  	[spmem:s3] =	stream.indirect.scatter.add.f32 [tilespmem:s23], [sflag:$0x2], $0x80, s14, s28, $0xb8;
	[tilespmem:$0x1D800] =	vst v63  }
0x1f0: {  	_ =	swait.ge [sflag:s24], $0x2800  }
0x1f1: {  	[sflag:s24] =	ssyncset.done $0x0  }
0x1f2: {  	[sflag:s24] =	ssyncadd.s32 $0xFFFFD800  }
0x1f3: {  	_ =	swait.ge [sflag:s31], $0x2800  }
0x1f4: {  	[sflag:s31] =	ssyncset.done $0x0  }
0x1f5: {  	[sflag:s31] =	ssyncadd.s32 $0xFFFFD800  }
0x1f6: {  	[tilespmem:s23], [sflag:$0x1] =	stream.indirect.gather [hbm4b:s2+s28], $0x80, s1, s28, $0xb8;
	[tilespmem:$0x1D800] =	vst v63  }
0x1f7: {  	_ = 	snop  }
0x1f8: {  	[spmem:s3] =	stream.indirect.scatter.add.f32 [tilespmem:s29], [sflag:$0x2], $0x80, s0, s28, $0xb8;
	[tilespmem:$0x1D800] =	vst v63  }
0x1f9: {  	_ =	swait.ge [sflag:s24], $0x2800  }
0x1fa: {  	[sflag:s24] =	ssyncset.done $0x0  }
0x1fb: {  	[sflag:s24] =	ssyncadd.s32 $0xFFFFD800  }
0x1fc: {  	_ =	swait.ge [sflag:s31], $0x2800  }
0x1fd: {  	[sflag:s31] =	ssyncset.done $0x0  }
0x1fe: {  	[sflag:s31] =	ssyncadd.s32 $0xFFFFD800  }
0x1ff: {  	[tilespmem:s29], [sflag:$0x1] =	stream.indirect.gather [hbm4b:s2+s28], $0x80, s5, s28, $0xb8;
	[tilespmem:$0x1D800] =	vst v63  }
0x200: {  	_ = 	snop  }
0x201: {  	[spmem:s3] =	stream.indirect.scatter.add.f32 [tilespmem:s30], [sflag:$0x2], $0x80, s7, s28, $0xb8;
	[tilespmem:$0x1D800] =	vst v63  }
0x202: {  	_ =	swait.ge [sflag:s24], $0x2800  }
0x203: {  	[sflag:s24] =	ssyncset.done $0x0  }
0x204: {  	[sflag:s24] =	ssyncadd.s32 $0xFFFFD800  }
0x205: {  	_ =	swait.ge [sflag:s31], $0x2800  }
0x206: {  	[sflag:s31] =	ssyncset.done $0x0  }
0x207: {  	[sflag:s31] =	ssyncadd.s32 $0xFFFFD800  }
0x208: {  	[tilespmem:s30], [sflag:$0x1] =	stream.indirect.gather [hbm4b:s2+s28], $0x80, s15, s28, $0xb8;
	[tilespmem:$0x1D800] =	vst v63  }
0x209: {  	_ = 	snop  }
0x20a: {  	[spmem:s3] =	stream.indirect.scatter.add.f32 [tilespmem:s23], [sflag:$0x2], $0x80, s16, s28, $0xb8;
	[tilespmem:$0x1D800] =	vst v63  }
0x20b: {  	_ =	swait.ge [sflag:s24], $0x2800  }
0x20c: {  	[sflag:s24] =	ssyncset.done $0x0  }
0x20d: {  	[sflag:s24] =	ssyncadd.s32 $0xFFFFD800  }
0x20e: {  	_ =	swait.ge [sflag:s31], $0x2800  }
0x20f: {  	[sflag:s31] =	ssyncset.done $0x0  }
0x210: {  	[sflag:s31] =	ssyncadd.s32 $0xFFFFD800  }
0x211: {  	[tilespmem:s23], [sflag:$0x1] =	stream.indirect.gather [hbm4b:s2+s28], $0x80, s17, s28, $0xb8;
	[tilespmem:$0x1D800] =	vst v63  }
0x212: {  	_ = 	snop  }
0x213: {  	[spmem:s3] =	stream.indirect.scatter.add.f32 [tilespmem:s29], [sflag:$0x2], $0x80, s18, s28, $0xb8;
	[tilespmem:$0x1D800] =	vst v63  }
0x214: {  	_ =	swait.ge [sflag:s24], $0x2800  }
0x215: {  	[sflag:s24] =	ssyncset.done $0x0  }
0x216: {  	[sflag:s24] =	ssyncadd.s32 $0xFFFFD800  }
0x217: {  	_ =	swait.ge [sflag:s31], $0x2800  }
0x218: {  	[sflag:s31] =	ssyncset.done $0x0  }
0x219: {  	[sflag:s31] =	ssyncadd.s32 $0xFFFFD800  }
0x21a: {  	[tilespmem:s29], [sflag:$0x1] =	stream.indirect.gather [hbm4b:s2+s28], $0x80, s19, s28, $0xb8;
	[tilespmem:$0x1D800] =	vst v63  }
0x21b: {  	_ = 	snop  }
0x21c: {  	[spmem:s3] =	stream.indirect.scatter.add.f32 [tilespmem:s30], [sflag:$0x2], $0x80, s20, s28, $0xb8;
	[tilespmem:$0x1D800] =	vst v63  }
0x21d: {  	_ =	swait.ge [sflag:s24], $0x2800  }
0x21e: {  	[sflag:s24] =	ssyncset.done $0x0  }
0x21f: {  	[sflag:s24] =	ssyncadd.s32 $0xFFFFD800  }
0x220: {  	_ =	swait.ge [sflag:s31], $0x2800  }
0x221: {  	[sflag:s31] =	ssyncset.done $0x0  }
0x222: {  	[sflag:s31] =	ssyncadd.s32 $0xFFFFD800  }
0x223: {  	[tilespmem:s30], [sflag:$0x1] =	stream.indirect.gather [hbm4b:s2+s28], $0x80, s21, s28, $0xb8;
	[tilespmem:$0x1D800] =	vst v63  }
0x224: {  	_ = 	snop  }
0x225: {  	[spmem:s3] =	stream.indirect.scatter.add.f32 [tilespmem:s23], [sflag:$0x2], $0x80, s22, s28, $0xb8;
	[tilespmem:$0x1D800] =	vst v63  }
0x226: {  	_ =	swait.ge [sflag:s24], $0x2800  }
0x227: {  	[sflag:s24] =	ssyncset.done $0x0  }
0x228: {  	[sflag:s24] =	ssyncadd.s32 $0xFFFFD800  }
0x229: {  	_ =	swait.ge [sflag:s31], $0x2800  }
0x22a: {  	[sflag:s31] =	ssyncset.done $0x0  }
0x22b: {  	[sflag:s31] =	ssyncadd.s32 $0xFFFFD800  }
0x22c: {  	[tilespmem:s23], [sflag:$0x1] =	stream.indirect.gather [hbm4b:s2+s28], $0x80, s6, s28, $0xb8;
	[tilespmem:$0x1D800] =	vst v63  }
0x22d: {  	_ = 	snop  }
0x22e: {  	[spmem:s3] =	stream.indirect.scatter.add.f32 [tilespmem:s29], [sflag:$0x2], $0x80, s8, s28, $0xb8;
	[tilespmem:$0x1D800] =	vst v63  }
0x22f: {  	_ =	swait.ge [sflag:s24], $0x2800  }
0x230: {  	[sflag:s24] =	ssyncset.done $0x0  }
0x231: {  	[sflag:s24] =	ssyncadd.s32 $0xFFFFD800  }
0x232: {  	_ =	swait.ge [sflag:s31], $0x2800  }
0x233: {  	[sflag:s31] =	ssyncset.done $0x0  }
0x234: {  	[sflag:s31] =	ssyncadd.s32 $0xFFFFD800  }
0x235: {  	[spmem:s3] =	stream.indirect.scatter.add.f32 [tilespmem:s30], [sflag:$0x2], $0x80, s9, s28, $0xb8;
	[tilespmem:$0x1D800] =	vst v63  }
0x236: {  	_ =	swait.ge [sflag:s24], $0x2800  }
0x237: {  	[sflag:s24] =	ssyncset.done $0x0  }
0x238: {  	[sflag:s24] =	ssyncadd.s32 $0xFFFFD800  }
0x239: {  	p0 =	sne.s32 s13, $0x800;
	_ =	swait.ge [sflag:s31], $0x2800  }
.Ltmp0:
0x23a: {  	[sflag:s31] =	ssyncset.done $0x0;
	(pc) =	sbr.rel @p0 .LBB2_2-.Ltmp0, $4  }
0x23b: {  	[sflag:s31] =	ssyncadd.s32 $0xFFFFD800  }
0x23c: {  	[spmem:s3] =	stream.indirect.scatter.add.f32 [tilespmem:s23], [sflag:$0x2], $0x80, s10, s28, $0xb8;
	[tilespmem:$0x1D800] =	vst v63  }
0x23d: {  	_ =	swait.ge [sflag:s31], $0x2800  }
0x23e: {  	s13 =	sadd.s32 $0x200, s13;
	s14 =	rddreg [dreg:$0x5];
	[sflag:s31] =	ssyncset.done $0x0  }
0x23f: {  	[sflag:s31] =	ssyncadd.s32 $0xFFFFD800;
	s11 =	sadd.s32 s12, s14  }
0x240: {  	[tilespmem:s4], [sflag:$0x3] =	stream.linear.gather [hbm4b:s11+s4], $0xC80, $0x38;
	[tilespmem:$0x1D800] =	vst v63  }
0x241: {  	_ =	swait.ge [sflag:s25], $0xC80  }
0x242: {  	s13 =	rddreg [dreg:$0x4];
	[sflag:s25] =	ssyncset.done $0x0  }
0x243: {  	[sflag:s25] =	ssyncadd.s32 $0xFFFFF380;
	s11 =	sadd.s32 s12, s13  }
0x244: {  	[tilespmem:s26], [sflag:$0x3] =	stream.linear.gather [hbm4b:s11+s4], $0xC80, $0x38;
	[tilespmem:$0x1D800] =	vst v63  }
0x245: {  	_ =	swait.ge [sflag:s25], $0xC80  }
0x246: {  	[sflag:s25] =	ssyncset.done $0x0  }
0x247: {  	[sflag:s25] =	ssyncadd.s32 $0xFFFFF380  }
0x248: {  	[tilespmem:s23], [sflag:$0x1] =	stream.indirect.gather [hbm4b:s2+s28], $0x80, s4, s28, $0xb8;
	[tilespmem:$0x1D800] =	vst v63  }
0x249: {  	s14 =	rddreg [dreg:$0x6]  }
0x24a: {  	[tilespmem:s29], [sflag:$0x1] =	stream.indirect.gather [hbm4b:s2+s28], $0x80, s14, s28, $0xb8;
	[tilespmem:$0x1D800] =	vst v63  }
0x24b: {  	_ =	swait.ge [sflag:s24], $0x2800  }
0x24c: {  	[sflag:s24] =	ssyncset.done $0x0  }
0x24d: {  	s12 =	rddreg [dreg:$0x7];
	[sflag:s24] =	ssyncadd.s32 $0xFFFFD800  }
0x24e: {  	[tilespmem:s30], [sflag:$0x1] =	stream.indirect.gather [hbm4b:s2+s28], $0x80, s12, s28, $0xb8;
	[tilespmem:$0x1D800] =	vst v63  }
0x24f: {  	_ = 	snop  }
0x250: {  	[spmem:s3] =	stream.indirect.scatter.add.f32 [tilespmem:s23], [sflag:$0x2], $0x80, s26, s28, $0xb8;
	[tilespmem:$0x1D800] =	vst v63  }
0x251: {  	_ =	swait.ge [sflag:s24], $0x2800  }
0x252: {  	[sflag:s24] =	ssyncset.done $0x0  }
0x253: {  	[sflag:s24] =	ssyncadd.s32 $0xFFFFD800  }
0x254: {  	_ =	swait.ge [sflag:s31], $0x2800  }
0x255: {  	[sflag:s31] =	ssyncset.done $0x0  }
0x256: {  	s13 =	rddreg [dreg:$0x8];
	[sflag:s31] =	ssyncadd.s32 $0xFFFFD800  }
0x257: {  	[tilespmem:s23], [sflag:$0x1] =	stream.indirect.gather [hbm4b:s2+s28], $0x80, s13, s28, $0xb8;
	[tilespmem:$0x1D800] =	vst v63  }
0x258: {  	s14 =	rddreg [dreg:$0x9]  }
0x259: {  	[spmem:s3] =	stream.indirect.scatter.add.f32 [tilespmem:s29], [sflag:$0x2], $0x80, s14, s28, $0xb8;
	[tilespmem:$0x1D800] =	vst v63  }
0x25a: {  	_ =	swait.ge [sflag:s24], $0x2800  }
0x25b: {  	[sflag:s24] =	ssyncset.done $0x0  }
0x25c: {  	[sflag:s24] =	ssyncadd.s32 $0xFFFFD800  }
0x25d: {  	_ =	swait.ge [sflag:s31], $0x2800  }
0x25e: {  	[sflag:s31] =	ssyncset.done $0x0  }
0x25f: {  	s13 =	rddreg [dreg:$0xa];
	[sflag:s31] =	ssyncadd.s32 $0xFFFFD800  }
0x260: {  	[tilespmem:s29], [sflag:$0x1] =	stream.indirect.gather [hbm4b:s2+s28], $0x80, s13, s28, $0xb8;
	[tilespmem:$0x1D800] =	vst v63  }
0x261: {  	s14 =	rddreg [dreg:$0xb]  }
0x262: {  	[spmem:s3] =	stream.indirect.scatter.add.f32 [tilespmem:s30], [sflag:$0x2], $0x80, s14, s28, $0xb8;
	[tilespmem:$0x1D800] =	vst v63  }
0x263: {  	_ =	swait.ge [sflag:s24], $0x2800  }
0x264: {  	[sflag:s24] =	ssyncset.done $0x0  }
0x265: {  	[sflag:s24] =	ssyncadd.s32 $0xFFFFD800  }
0x266: {  	_ =	swait.ge [sflag:s31], $0x2800  }
0x267: {  	[sflag:s31] =	ssyncset.done $0x0  }
0x268: {  	s13 =	rddreg [dreg:$0xc];
	[sflag:s31] =	ssyncadd.s32 $0xFFFFD800  }
0x269: {  	[tilespmem:s30], [sflag:$0x1] =	stream.indirect.gather [hbm4b:s2+s28], $0x80, s13, s28, $0xb8;
	[tilespmem:$0x1D800] =	vst v63  }
0x26a: {  	s14 =	rddreg [dreg:$0xd]  }
0x26b: {  	[spmem:s3] =	stream.indirect.scatter.add.f32 [tilespmem:s23], [sflag:$0x2], $0x80, s14, s28, $0xb8;
	[tilespmem:$0x1D800] =	vst v63  }
0x26c: {  	_ =	swait.ge [sflag:s24], $0x2800  }
0x26d: {  	[sflag:s24] =	ssyncset.done $0x0  }
0x26e: {  	[sflag:s24] =	ssyncadd.s32 $0xFFFFD800  }
0x26f: {  	_ =	swait.ge [sflag:s31], $0x2800  }
0x270: {  	[sflag:s31] =	ssyncset.done $0x0  }
0x271: {  	s13 =	rddreg [dreg:$0xe];
	[sflag:s31] =	ssyncadd.s32 $0xFFFFD800  }
0x272: {  	[tilespmem:s23], [sflag:$0x1] =	stream.indirect.gather [hbm4b:s2+s28], $0x80, s13, s28, $0xb8;
	[tilespmem:$0x1D800] =	vst v63  }
0x273: {  	s14 =	rddreg [dreg:$0xf]  }
0x274: {  	[spmem:s3] =	stream.indirect.scatter.add.f32 [tilespmem:s29], [sflag:$0x2], $0x80, s14, s28, $0xb8;
	[tilespmem:$0x1D800] =	vst v63  }
0x275: {  	_ =	swait.ge [sflag:s24], $0x2800  }
0x276: {  	[sflag:s24] =	ssyncset.done $0x0  }
0x277: {  	[sflag:s24] =	ssyncadd.s32 $0xFFFFD800  }
0x278: {  	_ =	swait.ge [sflag:s31], $0x2800  }
0x279: {  	[sflag:s31] =	ssyncset.done $0x0  }
0x27a: {  	s13 =	rddreg [dreg:$0x10];
	[sflag:s31] =	ssyncadd.s32 $0xFFFFD800  }
0x27b: {  	[tilespmem:s29], [sflag:$0x1] =	stream.indirect.gather [hbm4b:s2+s28], $0x80, s13, s28, $0xb8;
	[tilespmem:$0x1D800] =	vst v63  }
0x27c: {  	s14 =	rddreg [dreg:$0x11]  }
0x27d: {  	[spmem:s3] =	stream.indirect.scatter.add.f32 [tilespmem:s30], [sflag:$0x2], $0x80, s14, s28, $0xb8;
	[tilespmem:$0x1D800] =	vst v63  }
0x27e: {  	_ =	swait.ge [sflag:s24], $0x2800  }
0x27f: {  	[sflag:s24] =	ssyncset.done $0x0  }
0x280: {  	[sflag:s24] =	ssyncadd.s32 $0xFFFFD800  }
0x281: {  	_ =	swait.ge [sflag:s31], $0x2800  }
0x282: {  	[sflag:s31] =	ssyncset.done $0x0  }
0x283: {  	s13 =	rddreg [dreg:$0x12];
	[sflag:s31] =	ssyncadd.s32 $0xFFFFD800  }
0x284: {  	[tilespmem:s30], [sflag:$0x1] =	stream.indirect.gather [hbm4b:s2+s28], $0x80, s13, s28, $0xb8;
	[tilespmem:$0x1D800] =	vst v63  }
0x285: {  	s14 =	rddreg [dreg:$0x13]  }
0x286: {  	[spmem:s3] =	stream.indirect.scatter.add.f32 [tilespmem:s23], [sflag:$0x2], $0x80, s14, s28, $0xb8;
	[tilespmem:$0x1D800] =	vst v63  }
0x287: {  	_ =	swait.ge [sflag:s24], $0x2800  }
0x288: {  	[sflag:s24] =	ssyncset.done $0x0  }
0x289: {  	[sflag:s24] =	ssyncadd.s32 $0xFFFFD800  }
0x28a: {  	_ =	swait.ge [sflag:s31], $0x2800  }
0x28b: {  	[sflag:s31] =	ssyncset.done $0x0  }
0x28c: {  	s13 =	rddreg [dreg:$0x14];
	[sflag:s31] =	ssyncadd.s32 $0xFFFFD800  }
0x28d: {  	[tilespmem:s23], [sflag:$0x1] =	stream.indirect.gather [hbm4b:s2+s28], $0x80, s13, s28, $0xb8;
	[tilespmem:$0x1D800] =	vst v63  }
0x28e: {  	s14 =	rddreg [dreg:$0x15]  }
0x28f: {  	[spmem:s3] =	stream.indirect.scatter.add.f32 [tilespmem:s29], [sflag:$0x2], $0x80, s14, s28, $0xb8;
	[tilespmem:$0x1D800] =	vst v63  }
0x290: {  	_ =	swait.ge [sflag:s24], $0x2800  }
0x291: {  	[sflag:s24] =	ssyncset.done $0x0  }
0x292: {  	[sflag:s24] =	ssyncadd.s32 $0xFFFFD800  }
0x293: {  	_ =	swait.ge [sflag:s31], $0x2800  }
0x294: {  	[sflag:s31] =	ssyncset.done $0x0  }
0x295: {  	s13 =	rddreg [dreg:$0x16];
	[sflag:s31] =	ssyncadd.s32 $0xFFFFD800  }
0x296: {  	[tilespmem:s29], [sflag:$0x1] =	stream.indirect.gather [hbm4b:s2+s28], $0x80, s13, s28, $0xb8;
	[tilespmem:$0x1D800] =	vst v63  }
0x297: {  	s14 =	rddreg [dreg:$0x17]  }
0x298: {  	[spmem:s3] =	stream.indirect.scatter.add.f32 [tilespmem:s30], [sflag:$0x2], $0x80, s14, s28, $0xb8;
	[tilespmem:$0x1D800] =	vst v63  }
0x299: {  	_ =	swait.ge [sflag:s24], $0x2800  }
0x29a: {  	[sflag:s24] =	ssyncset.done $0x0  }
0x29b: {  	[sflag:s24] =	ssyncadd.s32 $0xFFFFD800  }
0x29c: {  	_ =	swait.ge [sflag:s31], $0x2800  }
0x29d: {  	[sflag:s31] =	ssyncset.done $0x0  }
0x29e: {  	s13 =	rddreg [dreg:$0x18];
	[sflag:s31] =	ssyncadd.s32 $0xFFFFD800  }
0x29f: {  	[tilespmem:s30], [sflag:$0x1] =	stream.indirect.gather [hbm4b:s2+s28], $0x80, s13, s28, $0xb8;
	[tilespmem:$0x1D800] =	vst v63  }
0x2a0: {  	s14 =	rddreg [dreg:$0x19]  }
0x2a1: {  	[spmem:s3] =	stream.indirect.scatter.add.f32 [tilespmem:s23], [sflag:$0x2], $0x80, s14, s28, $0xb8;
	[tilespmem:$0x1D800] =	vst v63  }
0x2a2: {  	_ =	swait.ge [sflag:s24], $0x2800  }
0x2a3: {  	[sflag:s24] =	ssyncset.done $0x0  }
0x2a4: {  	[sflag:s24] =	ssyncadd.s32 $0xFFFFD800  }
0x2a5: {  	_ =	swait.ge [sflag:s31], $0x2800  }
0x2a6: {  	[sflag:s31] =	ssyncset.done $0x0  }
0x2a7: {  	s13 =	rddreg [dreg:$0x1a];
	[sflag:s31] =	ssyncadd.s32 $0xFFFFD800  }
0x2a8: {  	[tilespmem:s23], [sflag:$0x1] =	stream.indirect.gather [hbm4b:s2+s28], $0x80, s13, s28, $0xb8;
	[tilespmem:$0x1D800] =	vst v63  }
0x2a9: {  	s14 =	rddreg [dreg:$0x1b]  }
0x2aa: {  	[spmem:s3] =	stream.indirect.scatter.add.f32 [tilespmem:s29], [sflag:$0x2], $0x80, s14, s28, $0xb8;
	[tilespmem:$0x1D800] =	vst v63  }
0x2ab: {  	_ =	swait.ge [sflag:s24], $0x2800  }
0x2ac: {  	[sflag:s24] =	ssyncset.done $0x0  }
0x2ad: {  	[sflag:s24] =	ssyncadd.s32 $0xFFFFD800  }
0x2ae: {  	_ =	swait.ge [sflag:s31], $0x2800  }
0x2af: {  	[sflag:s31] =	ssyncset.done $0x0  }
0x2b0: {  	s13 =	rddreg [dreg:$0x1c];
	[sflag:s31] =	ssyncadd.s32 $0xFFFFD800  }
0x2b1: {  	[tilespmem:s29], [sflag:$0x1] =	stream.indirect.gather [hbm4b:s2+s28], $0x80, s13, s28, $0xb8;
	[tilespmem:$0x1D800] =	vst v63  }
0x2b2: {  	s14 =	rddreg [dreg:$0x1d]  }
0x2b3: {  	[spmem:s3] =	stream.indirect.scatter.add.f32 [tilespmem:s30], [sflag:$0x2], $0x80, s14, s28, $0xb8;
	[tilespmem:$0x1D800] =	vst v63  }
0x2b4: {  	_ =	swait.ge [sflag:s24], $0x2800  }
0x2b5: {  	[sflag:s24] =	ssyncset.done $0x0  }
0x2b6: {  	[sflag:s24] =	ssyncadd.s32 $0xFFFFD800  }
0x2b7: {  	_ =	swait.ge [sflag:s31], $0x2800  }
0x2b8: {  	[sflag:s31] =	ssyncset.done $0x0  }
0x2b9: {  	s13 =	rddreg [dreg:$0x1e];
	[sflag:s31] =	ssyncadd.s32 $0xFFFFD800  }
0x2ba: {  	[tilespmem:s30], [sflag:$0x1] =	stream.indirect.gather [hbm4b:s2+s28], $0x80, s13, s28, $0xb8;
	[tilespmem:$0x1D800] =	vst v63  }
0x2bb: {  	s14 =	rddreg [dreg:$0x1f]  }
0x2bc: {  	[spmem:s3] =	stream.indirect.scatter.add.f32 [tilespmem:s23], [sflag:$0x2], $0x80, s14, s28, $0xb8;
	[tilespmem:$0x1D800] =	vst v63  }
0x2bd: {  	_ =	swait.ge [sflag:s24], $0x2800  }
0x2be: {  	[sflag:s24] =	ssyncset.done $0x0  }
0x2bf: {  	[sflag:s24] =	ssyncadd.s32 $0xFFFFD800  }
0x2c0: {  	_ =	swait.ge [sflag:s31], $0x2800  }
0x2c1: {  	s13 =	sld [smem:$0x7F3]  }
0x2c2: {  	[sflag:s31] =	ssyncset.done $0x0  }
0x2c3: {  	s14 =	sld [smem:$0x7F4];
	[sflag:s31] =	ssyncadd.s32 $0xFFFFD800  }
0x2c4: {  	[tilespmem:s23], [sflag:$0x1] =	stream.indirect.gather [hbm4b:s2+s28], $0x80, s13, s28, $0xb8;
	[tilespmem:$0x1D800] =	vst v63  }
0x2c5: {  	_ = 	snop  }
0x2c6: {  	[spmem:s3] =	stream.indirect.scatter.add.f32 [tilespmem:s29], [sflag:$0x2], $0x80, s14, s28, $0xb8;
	[tilespmem:$0x1D800] =	vst v63  }
0x2c7: {  	_ =	swait.ge [sflag:s24], $0x2800  }
0x2c8: {  	[sflag:s24] =	ssyncset.done $0x0  }
0x2c9: {  	[sflag:s24] =	ssyncadd.s32 $0xFFFFD800  }
0x2ca: {  	_ =	swait.ge [sflag:s31], $0x2800  }
0x2cb: {  	s13 =	sld [smem:$0x7F6]  }
0x2cc: {  	[sflag:s31] =	ssyncset.done $0x0  }
0x2cd: {  	s14 =	sld [smem:$0x7F7];
	[sflag:s31] =	ssyncadd.s32 $0xFFFFD800  }
0x2ce: {  	[tilespmem:s29], [sflag:$0x1] =	stream.indirect.gather [hbm4b:s2+s28], $0x80, s13, s28, $0xb8;
	[tilespmem:$0x1D800] =	vst v63  }
0x2cf: {  	_ = 	snop  }
0x2d0: {  	[spmem:s3] =	stream.indirect.scatter.add.f32 [tilespmem:s30], [sflag:$0x2], $0x80, s14, s28, $0xb8;
	[tilespmem:$0x1D800] =	vst v63  }
0x2d1: {  	_ =	swait.ge [sflag:s24], $0x2800  }
0x2d2: {  	[sflag:s24] =	ssyncset.done $0x0  }
0x2d3: {  	[sflag:s24] =	ssyncadd.s32 $0xFFFFD800  }
0x2d4: {  	_ =	swait.ge [sflag:s31], $0x2800  }
0x2d5: {  	s13 =	sld [smem:$0x7F8]  }
0x2d6: {  	[sflag:s31] =	ssyncset.done $0x0  }
0x2d7: {  	s14 =	sld [smem:$0x7F9];
	[sflag:s31] =	ssyncadd.s32 $0xFFFFD800  }
0x2d8: {  	[tilespmem:s30], [sflag:$0x1] =	stream.indirect.gather [hbm4b:s2+s28], $0x80, s13, s28, $0xb8;
	[tilespmem:$0x1D800] =	vst v63  }
0x2d9: {  	_ = 	snop  }
0x2da: {  	[spmem:s3] =	stream.indirect.scatter.add.f32 [tilespmem:s23], [sflag:$0x2], $0x80, s14, s28, $0xb8;
	[tilespmem:$0x1D800] =	vst v63  }
0x2db: {  	_ =	swait.ge [sflag:s24], $0x2800  }
0x2dc: {  	[sflag:s24] =	ssyncset.done $0x0  }
0x2dd: {  	[sflag:s24] =	ssyncadd.s32 $0xFFFFD800  }
0x2de: {  	_ =	swait.ge [sflag:s31], $0x2800  }
0x2df: {  	[sflag:s31] =	ssyncset.done $0x0  }
0x2e0: {  	[sflag:s31] =	ssyncadd.s32 $0xFFFFD800  }
0x2e1: {  	[tilespmem:s23], [sflag:$0x1] =	stream.indirect.gather [hbm4b:s2+s28], $0x80, s1, s28, $0xb8;
	[tilespmem:$0x1D800] =	vst v63  }
0x2e2: {  	_ = 	snop  }
0x2e3: {  	[spmem:s3] =	stream.indirect.scatter.add.f32 [tilespmem:s29], [sflag:$0x2], $0x80, s0, s28, $0xb8;
	[tilespmem:$0x1D800] =	vst v63  }
0x2e4: {  	_ =	swait.ge [sflag:s24], $0x2800  }
0x2e5: {  	[sflag:s24] =	ssyncset.done $0x0  }
0x2e6: {  	[sflag:s24] =	ssyncadd.s32 $0xFFFFD800  }
0x2e7: {  	_ =	swait.ge [sflag:s31], $0x2800  }
0x2e8: {  	[sflag:s31] =	ssyncset.done $0x0  }
0x2e9: {  	[sflag:s31] =	ssyncadd.s32 $0xFFFFD800  }
0x2ea: {  	[tilespmem:s29], [sflag:$0x1] =	stream.indirect.gather [hbm4b:s2+s28], $0x80, s5, s28, $0xb8;
	[tilespmem:$0x1D800] =	vst v63  }
0x2eb: {  	_ = 	snop  }
0x2ec: {  	[spmem:s3] =	stream.indirect.scatter.add.f32 [tilespmem:s30], [sflag:$0x2], $0x80, s7, s28, $0xb8;
	[tilespmem:$0x1D800] =	vst v63  }
0x2ed: {  	_ =	swait.ge [sflag:s24], $0x2800  }
0x2ee: {  	[sflag:s24] =	ssyncset.done $0x0  }
0x2ef: {  	[sflag:s24] =	ssyncadd.s32 $0xFFFFD800  }
0x2f0: {  	_ =	swait.ge [sflag:s31], $0x2800  }
0x2f1: {  	[sflag:s31] =	ssyncset.done $0x0  }
0x2f2: {  	[sflag:s31] =	ssyncadd.s32 $0xFFFFD800  }
0x2f3: {  	[tilespmem:s30], [sflag:$0x1] =	stream.indirect.gather [hbm4b:s2+s28], $0x80, s15, s28, $0xb8;
	[tilespmem:$0x1D800] =	vst v63  }
0x2f4: {  	_ = 	snop  }
0x2f5: {  	[spmem:s3] =	stream.indirect.scatter.add.f32 [tilespmem:s23], [sflag:$0x2], $0x80, s16, s28, $0xb8;
	[tilespmem:$0x1D800] =	vst v63  }
0x2f6: {  	_ =	swait.ge [sflag:s24], $0x2800  }
0x2f7: {  	[sflag:s24] =	ssyncset.done $0x0  }
0x2f8: {  	[sflag:s24] =	ssyncadd.s32 $0xFFFFD800  }
0x2f9: {  	_ =	swait.ge [sflag:s31], $0x2800  }
0x2fa: {  	[sflag:s31] =	ssyncset.done $0x0  }
0x2fb: {  	[sflag:s31] =	ssyncadd.s32 $0xFFFFD800  }
0x2fc: {  	[tilespmem:s23], [sflag:$0x1] =	stream.indirect.gather [hbm4b:s2+s28], $0x80, s17, s28, $0xb8;
	[tilespmem:$0x1D800] =	vst v63  }
0x2fd: {  	_ = 	snop  }
0x2fe: {  	[spmem:s3] =	stream.indirect.scatter.add.f32 [tilespmem:s29], [sflag:$0x2], $0x80, s18, s28, $0xb8;
	[tilespmem:$0x1D800] =	vst v63  }
0x2ff: {  	_ =	swait.ge [sflag:s24], $0x2800  }
0x300: {  	[sflag:s24] =	ssyncset.done $0x0  }
0x301: {  	[sflag:s24] =	ssyncadd.s32 $0xFFFFD800  }
0x302: {  	_ =	swait.ge [sflag:s31], $0x2800  }
0x303: {  	[sflag:s31] =	ssyncset.done $0x0  }
0x304: {  	[sflag:s31] =	ssyncadd.s32 $0xFFFFD800  }
0x305: {  	[tilespmem:s29], [sflag:$0x1] =	stream.indirect.gather [hbm4b:s2+s28], $0x80, s19, s28, $0xb8;
	[tilespmem:$0x1D800] =	vst v63  }
0x306: {  	_ = 	snop  }
0x307: {  	[spmem:s3] =	stream.indirect.scatter.add.f32 [tilespmem:s30], [sflag:$0x2], $0x80, s20, s28, $0xb8;
	[tilespmem:$0x1D800] =	vst v63  }
0x308: {  	_ =	swait.ge [sflag:s24], $0x2800  }
0x309: {  	[sflag:s24] =	ssyncset.done $0x0  }
0x30a: {  	[sflag:s24] =	ssyncadd.s32 $0xFFFFD800  }
0x30b: {  	_ =	swait.ge [sflag:s31], $0x2800  }
0x30c: {  	[sflag:s31] =	ssyncset.done $0x0  }
0x30d: {  	[sflag:s31] =	ssyncadd.s32 $0xFFFFD800  }
0x30e: {  	[tilespmem:s30], [sflag:$0x1] =	stream.indirect.gather [hbm4b:s2+s28], $0x80, s21, s28, $0xb8;
	[tilespmem:$0x1D800] =	vst v63  }
0x30f: {  	_ = 	snop  }
0x310: {  	[spmem:s3] =	stream.indirect.scatter.add.f32 [tilespmem:s23], [sflag:$0x2], $0x80, s22, s28, $0xb8;
	[tilespmem:$0x1D800] =	vst v63  }
0x311: {  	_ =	swait.ge [sflag:s24], $0x2800  }
0x312: {  	[sflag:s24] =	ssyncset.done $0x0  }
0x313: {  	[sflag:s24] =	ssyncadd.s32 $0xFFFFD800  }
0x314: {  	_ =	swait.ge [sflag:s31], $0x2800  }
0x315: {  	[sflag:s31] =	ssyncset.done $0x0  }
0x316: {  	[sflag:s31] =	ssyncadd.s32 $0xFFFFD800  }
0x317: {  	[tilespmem:s23], [sflag:$0x1] =	stream.indirect.gather [hbm4b:s2+s28], $0x80, s6, s28, $0xb8;
	[tilespmem:$0x1D800] =	vst v63  }
0x318: {  	_ = 	snop  }
0x319: {  	[spmem:s3] =	stream.indirect.scatter.add.f32 [tilespmem:s29], [sflag:$0x2], $0x80, s8, s28, $0xb8;
	[tilespmem:$0x1D800] =	vst v63  }
0x31a: {  	_ =	swait.ge [sflag:s24], $0x2800  }
0x31b: {  	[sflag:s24] =	ssyncset.done $0x0  }
0x31c: {  	[sflag:s24] =	ssyncadd.s32 $0xFFFFD800  }
0x31d: {  	_ =	swait.ge [sflag:s31], $0x2800  }
0x31e: {  	[sflag:s31] =	ssyncset.done $0x0  }
0x31f: {  	[sflag:s31] =	ssyncadd.s32 $0xFFFFD800  }
0x320: {  	[spmem:s3] =	stream.indirect.scatter.add.f32 [tilespmem:s30], [sflag:$0x2], $0x80, s9, s28, $0xb8;
	[tilespmem:$0x1D800] =	vst v63  }
0x321: {  	_ =	swait.ge [sflag:s24], $0x2800  }
0x322: {  	[sflag:s24] =	ssyncset.done $0x0  }
0x323: {  	[sflag:s24] =	ssyncadd.s32 $0xFFFFD800  }
0x324: {  	_ =	swait.ge [sflag:s31], $0x2800  }
0x325: {  	[sflag:s31] =	ssyncset.done $0x0  }
0x326: {  	[sflag:s31] =	ssyncadd.s32 $0xFFFFD800  }
0x327: {  	[spmem:s3] =	stream.indirect.scatter.add.f32 [tilespmem:s23], [sflag:$0x2], $0x80, s10, s28, $0xb8;
	[tilespmem:$0x1D800] =	vst v63  }
0x328: {  	_ =	swait.ge [sflag:s31], $0x2800  }
0x329: {  	[sflag:s31] =	ssyncset.done $0x0  }
0x32a: {  	[sflag:s31] =	ssyncadd.s32 $0xFFFFD800  }
0x32b: {  	[bflag:$0x0] =	sbarrier.arrive $0xFFFF  }
0x32c: {  	s13 =	sld [smem:$0x7E6];
	_ =	sdelay $0x2  }
0x32d: {  	[tilespmem:s23], [sflag:$0x1] =	stream.linear.gather [spmem:s13], $0x2800, $0x38;
	[tilespmem:$0x1D800] =	vst v63  }
0x32e: {  	_ =	swait.ge [sflag:s24], $0x2800  }
0x32f: {  	s14 =	sld [smem:$0x7EC]  }
0x330: {  	[sflag:s24] =	ssyncset.done $0x0  }
0x331: {  	[sflag:s24] =	ssyncadd.s32 $0xFFFFD800  }
0x332: {  	[hbm4b:s14+s4] =	stream.linear.scatter [tilespmem:s23], [sflag:$0x1], $0x2800, $0x38;
	[tilespmem:$0x1D800] =	vst v63  }
0x333: {  	_ =	swait.ge [sflag:s24], $0x2800  }
0x334: {  	s12 =	sld [smem:$0x7FB]  }
0x335: {  	[sflag:s24] =	ssyncset.done $0x0  }
0x336: {  	[sflag:s24] =	ssyncadd.s32 $0xFFFFD800  }
0x337: {  	[tilespmem:s23], [sflag:$0x1] =	stream.linear.gather [spmem:s12], $0x2800, $0x38;
	[tilespmem:$0x1D800] =	vst v63  }
0x338: {  	_ =	swait.ge [sflag:s24], $0x2800  }
0x339: {  	s13 =	sld [smem:$0x7ED]  }
0x33a: {  	[sflag:s24] =	ssyncset.done $0x0  }
0x33b: {  	[sflag:s24] =	ssyncadd.s32 $0xFFFFD800  }
0x33c: {  	[hbm4b:s13+s4] =	stream.linear.scatter [tilespmem:s23], [sflag:$0x1], $0x2800, $0x38;
	[tilespmem:$0x1D800] =	vst v63  }
0x33d: {  	_ =	swait.ge [sflag:s24], $0x2800  }
0x33e: {  	s12 =	sld [smem:$0x7FC]  }
0x33f: {  	[sflag:s24] =	ssyncset.done $0x0  }
0x340: {  	[sflag:s24] =	ssyncadd.s32 $0xFFFFD800  }
0x341: {  	[tilespmem:s23], [sflag:$0x1] =	stream.linear.gather [spmem:s12], $0x2800, $0x38;
	[tilespmem:$0x1D800] =	vst v63  }
0x342: {  	_ =	swait.ge [sflag:s24], $0x2800  }
0x343: {  	s14 =	sld [smem:$0x7EE]  }
0x344: {  	[sflag:s24] =	ssyncset.done $0x0  }
0x345: {  	[sflag:s24] =	ssyncadd.s32 $0xFFFFD800  }
0x346: {  	[hbm4b:s14+s4] =	stream.linear.scatter [tilespmem:s23], [sflag:$0x1], $0x2800, $0x38;
	[tilespmem:$0x1D800] =	vst v63  }
0x347: {  	_ =	swait.ge [sflag:s24], $0x2800  }
0x348: {  	s13 =	sld [smem:$0x7E8]  }
0x349: {  	[sflag:s24] =	ssyncset.done $0x0  }
0x34a: {  	[sflag:s24] =	ssyncadd.s32 $0xFFFFD800  }
0x34b: {  	[tilespmem:s23], [sflag:$0x1] =	stream.linear.gather [spmem:s13], $0x2800, $0x38;
	[tilespmem:$0x1D800] =	vst v63  }
0x34c: {  	_ =	swait.ge [sflag:s24], $0x2800  }
0x34d: {  	s14 =	sld [smem:$0x7EF]  }
0x34e: {  	[sflag:s24] =	ssyncset.done $0x0  }
0x34f: {  	[sflag:s24] =	ssyncadd.s32 $0xFFFFD800  }
0x350: {  	[hbm4b:s14+s4] =	stream.linear.scatter [tilespmem:s23], [sflag:$0x1], $0x2800, $0x38;
	[tilespmem:$0x1D800] =	vst v63  }
0x351: {  	_ =	swait.ge [sflag:s24], $0x2800  }
0x352: {  	s13 =	sld [smem:$0x7E9]  }
0x353: {  	[sflag:s24] =	ssyncset.done $0x0  }
0x354: {  	[sflag:s24] =	ssyncadd.s32 $0xFFFFD800  }
0x355: {  	[tilespmem:s23], [sflag:$0x1] =	stream.linear.gather [spmem:s13], $0x2800, $0x38;
	[tilespmem:$0x1D800] =	vst v63  }
0x356: {  	_ =	swait.ge [sflag:s24], $0x2800  }
0x357: {  	s14 =	sld [smem:$0x7F0]  }
0x358: {  	[sflag:s24] =	ssyncset.done $0x0  }
0x359: {  	[sflag:s24] =	ssyncadd.s32 $0xFFFFD800  }
0x35a: {  	[hbm4b:s14+s4] =	stream.linear.scatter [tilespmem:s23], [sflag:$0x1], $0x2800, $0x38;
	[tilespmem:$0x1D800] =	vst v63  }
0x35b: {  	_ =	swait.ge [sflag:s24], $0x2800  }
0x35c: {  	s13 =	sld [smem:$0x7EA]  }
0x35d: {  	[sflag:s24] =	ssyncset.done $0x0  }
0x35e: {  	[sflag:s24] =	ssyncadd.s32 $0xFFFFD800  }
0x35f: {  	[tilespmem:s23], [sflag:$0x1] =	stream.linear.gather [spmem:s13], $0x2800, $0x38;
	[tilespmem:$0x1D800] =	vst v63  }
0x360: {  	_ =	swait.ge [sflag:s24], $0x2800  }
0x361: {  	s14 =	sld [smem:$0x7F1]  }
0x362: {  	[sflag:s24] =	ssyncset.done $0x0  }
0x363: {  	[sflag:s24] =	ssyncadd.s32 $0xFFFFD800  }
0x364: {  	[hbm4b:s14+s4] =	stream.linear.scatter [tilespmem:s23], [sflag:$0x1], $0x2800, $0x38;
	[tilespmem:$0x1D800] =	vst v63  }
0x365: {  	_ =	swait.ge [sflag:s24], $0x2800  }
0x366: {  	s13 =	sld [smem:$0x7EB]  }
0x367: {  	[sflag:s24] =	ssyncset.done $0x0  }
0x368: {  	[sflag:s24] =	ssyncadd.s32 $0xFFFFD800  }
0x369: {  	[tilespmem:s23], [sflag:$0x1] =	stream.linear.gather [spmem:s13], $0x2800, $0x38;
	[tilespmem:$0x1D800] =	vst v63  }
0x36a: {  	_ =	swait.ge [sflag:s24], $0x2800  }
0x36b: {  	s14 =	sld [smem:$0x7F2]  }
0x36c: {  	[sflag:s24] =	ssyncset.done $0x0  }
0x36d: {  	[sflag:s24] =	ssyncadd.s32 $0xFFFFD800  }
0x36e: {  	[hbm4b:s14+s4] =	stream.linear.scatter [tilespmem:s23], [sflag:$0x1], $0x2800, $0x38;
	[tilespmem:$0x1D800] =	vst v63  }
0x36f: {  	_ =	swait.ge [sflag:s24], $0x2800  }
0x370: {  	s14 =	sld [smem:$0x7FD]  }
0x371: {  	[sflag:s24] =	ssyncset.done $0x0  }
0x372: {  	[sflag:s24] =	ssyncadd.s32 $0xFFFFD800  }
0x373: {  	[tilespmem:s23], [sflag:$0x1] =	stream.linear.gather [spmem:s14], $0x2800, $0x38;
	[tilespmem:$0x1D800] =	vst v63  }
0x374: {  	_ =	swait.ge [sflag:s24], $0x2800  }
0x375: {  	s13 =	sld [smem:$0x7F5]  }
0x376: {  	[sflag:s24] =	ssyncset.done $0x0  }
0x377: {  	[sflag:s24] =	ssyncadd.s32 $0xFFFFD800  }
0x378: {  	[hbm4b:s13+s4] =	stream.linear.scatter [tilespmem:s23], [sflag:$0x1], $0x2800, $0x38;
	[tilespmem:$0x1D800] =	vst v63  }
0x379: {  	_ =	swait.ge [sflag:s24], $0x2800  }
0x37a: {  	s13 =	sld [smem:$0x7FA]  }
0x37b: {  	s11 =	sld [smem:$0x7E7];
	_ =	sdelay $0x1  }
0x37c: {  	s13 =	sadd.s32 $0x1, s13  }
0x37d: {  	p0 =	sne.s32 s13, s11  }
.Ltmp1:
0x37e: {  	_ = 	snop;
	(pc) =	sbr.rel @p0 .LBB2_1-.Ltmp1, $3  }
0x37f: {  	_ =	sdelay $0x1  }
0x380: {  	[sflag:s24] =	ssyncset.done $0x0;
	[smem:$0x7FA] =	sst s13  }
0x381: {  	[sflag:s24] =	ssyncadd.s32 $0xFFFFD800;
	s13 =	smov.u32 s12;
	s12 =	sld [smem:$0x7FB]  }
0x382: {  	_ =	sfence.sel $0x180000  }
0x383: {  	[bflag:$0x0] =	sbarrier.arrive $0xFFFF  }
0x384: {  	_ =	strace $0x90000047  }
0x385: {  	s0 =	stileid.u32;
	[bflag:$0x2] =	sbarrier.arrive $0xFFFF  }
0x386: {  	p0 =	sne.s32 s0, $0x0;
	s0 =	rddreg [dreg:$0x3]  }
0x387: {  	s0 =	sadd.s32 @!p0 $0x100000, s0  }
0x388: {  	[sflag:s0] =	ssyncadd.tile.s32 @!p0 $0x1;
	_ =	shalt  }
.Lfunc_end2:
_tile_overlayer_lowered:
.L_overlay_start_2:
0x389: {  	(tag) =	ssettag $0x2  }
0x38a: {  	s0 =	rddreg [dreg:$0x0];
	s2 =	stileid.u32  }
0x38b: {  	s1 =	rddreg [dreg:$0x1];
	p0 =	sne.s32 s2, $0x0  }
0x38c: {  	s3 =	rddreg [dreg:$0x2];
	[bflag:$0x3] =	sbarrier.arrive $0xFFFF;
	s2 =	simm.s32 @!p0 $0x1C01  }
0x38d: {  	[timem:s3], [sflag:s2] =	dma.local @!p0 [hbm:s0], s1  }
0x38e: {  	s0 =	simm.s32 @!p0 $0x1  }
0x38f: {  	_ =	swait.ge @!p0 [sflag:s0], s1  }
0x390: {  	s1 =	ssub.s32 @!p0 $0x0, s1;
	[sflag:s0] =	ssyncset.done @!p0 $0x0  }
0x391: {  	[sflag:s0] =	ssyncadd.s32 @!p0 s1  }
0x392: {  	[bflag:$0x3] =	sbarrier.arrive $0xFFFF  }
0x393: {  	_ =	shalt  }

// kernel: kernel.13.cloned.1.call-start
scs
__scs_entry_jumppad:
0x0: {  	(pc) =	sbr.rel $0x88, $3  }
0x1: {  	(tag) =	ssettag $0x0;
	lr =	simm.s32 $0x1  }
0x2: {  	[smem:$0x3F9B] =	sst lr;
	_ =	strace $0xD0000000  }
0x3: {  	_ = 	snop  }
0x4: {  	_ = 	snop  }
0x5: {  	_ = 	snop  }
0x6: {  	_ = 	snop  }
0x7: {  	_ = 	snop  }
__scs_overlays_trampoline_lowered:
0x8: {  	[smem:$0x3FAA] =	sst s0  }
0x9: {  	[smem:$0x3FAB] =	sst s1  }
0xa: {  	[smem:$0x3FAC] =	sst s2  }
0xb: {  	[smem:$0x3FAD] =	sst s3  }
0xc: {  	[smem:$0x3FAE] =	sst s4  }
0xd: {  	[smem:$0x3FAF] =	sst s5  }
0xe: {  	[smem:$0x3FB0] =	sst s6  }
0xf: {  	[smem:$0x3FB1] =	sst s7  }
0x10: {  	[smem:$0x3FB2] =	sst s8  }
0x11: {  	[smem:$0x3FB3] =	sst s9;
	s0 =	simm.s32 @!p0 $0x0  }
0x12: {  	s1 =	sld [smem:$0x3F99];
	s0 =	simm.s32 @p0 $0x1  }
0x13: {  	[smem:$0x3FB4] =	sst s0;
	s0 =	simm.s32 @!p1 $0x0  }
0x14: {  	s2 =	sld [smem:$0x3F98];
	s0 =	simm.s32 @p1 $0x1  }
0x15: {  	[smem:$0x3FB5] =	sst s0;
	s0 =	simm.s32 @!p2 $0x0  }
0x16: {  	s3 =	sld [smem:$0x3FDB];
	s0 =	simm.s32 @p2 $0x1  }
0x17: {  	s4 =	simm.s32 $0x1BF5;
	[smem:$0x3FB7] =	sst s0  }
0x18: {  	s0 =	sld [smem:$0x3F9A];
	_ =	swait.ge [sflag:s4], $0x0  }
0x19: {  	s7 =	sld [smem:$0x3F9B]  }
0x1a: {  	s8 =	sadd.s32 $0xFFFFE003, lr  }
0x1b: {  	s9 =	sadd.s32 $0xFFFFFEF7, lr;
	s5 =	simm.s32 $0xFFFFFFFF;
	p2 =	slt.u32 s8, $0xFFFFF086  }
0x1c: {  	p1 =	slt.u32 s9, $0xF7A;
	s5 =	simm.s32 @!p2 $0x0  }
0x1d: {  	s5 =	simm.s32 @p1 $0x1;
	p0 =	seq.s32 s7, s2  }
0x1e: {  	s7 =	smul.u32 @!p0 $0xF7A, s2;
	p2 =	seq.s32 @!p0 s5, $0x0  }
0x1f: {  	s9 =	smul.u32 $0xF7A, s1;
	s8 =	simm.s32 @!p0 $0x1BF5;
	p2 =	por !p2, p0  }
0x20: {  	[sflag:s8] =	ssyncset.s32 @!p0 $0xFFFFF086;
	s6 =	sadd.s32 @!p0 s3, s7;
	s7 =	simm.s32 @!p0 $0x108  }
0x21: {  	s3 =	sadd.s32 s3, s9;
	s6 =	sadd.s32 @!p0 $0x88, s6;
	s7 =	simm.s32 @p2 $0x1082  }
0x22: {  	[simem:s7], [sflag:s8] =	dma.local @!p0 [hbm:s6], $0xF7A  }
0x23: {  	s9 =	sor.u32 $0xD0000000, s2;
	s6 =	simm.s32 $0x108;
	_ =	swait.ge @!p0 [sflag:s8], $0x0  }
0x24: {  	s3 =	sadd.s32 $0x88, s3;
	s6 =	simm.s32 @!p1 $0x1082;
	[sflag:s4] =	ssyncset.s32 $0xFFFFF086  }
0x25: {  	[simem:s6], [sflag:s4] =	dma.local [hbm:s3], $0xF7A  }
0x26: {  	[smem:$0x3F9B] =	sst s1;
	(tag) =	ssettag s2;
	_ =	strace s9  }
0x27: {  	s1 =	sld [smem:$0x3FAB]  }
0x28: {  	s2 =	sld [smem:$0x3FAC]  }
0x29: {  	s4 =	sld [smem:$0x3FAE]  }
0x2a: {  	p0 =	seq.s32 s5, $0x0;
	s5 =	sld [smem:$0x3FAF]  }
0x2b: {  	s6 =	sld [smem:$0x3FB0]  }
0x2c: {  	s7 =	sld [smem:$0x3FB1]  }
0x2d: {  	s3 =	simm.s32 $0x108;
	s8 =	sld [smem:$0x3FB2]  }
0x2e: {  	s3 =	simm.s32 @!p0 $0x1082;
	s9 =	sld [smem:$0x3FB3]  }
0x2f: {  	lr =	sadd.s32 s0, s3;
	s0 =	sld [smem:$0x3FAA]  }
0x30: {  	s3 =	sld [smem:$0x3FAD]  }
0x31: {  	[smem:$0x3FB6] =	sst s10  }
0x32: {  	s10 =	sld [smem:$0x3FB4];
	_ =	sdelay $0x3  }
0x33: {  	p0 =	seq.s32 s10, $0x1;
	s10 =	sld [smem:$0x3FB6];
	_ =	sdelay $0x3  }
0x34: {  	[smem:$0x3FB6] =	sst s10  }
0x35: {  	s10 =	sld [smem:$0x3FB5];
	_ =	sdelay $0x3  }
0x36: {  	p1 =	seq.s32 s10, $0x1;
	s10 =	sld [smem:$0x3FB6];
	_ =	sdelay $0x3  }
0x37: {  	[smem:$0x3FB6] =	sst s10  }
0x38: {  	s10 =	sld [smem:$0x3FB7]  }
0x39: {  	_ = 	snop;
	(pc) =	sbr.ind lr, $3  }
0x3a: {  	_ = 	snop  }
0x3b: {  	_ = 	snop  }
0x3c: {  	p2 =	seq.s32 s10, $0x1;
	s10 =	sld [smem:$0x3FB6]  }
0x3d: {  	_ =	shalt  }
0x3e: {  	_ =	shalt  }
0x3f: {  	_ =	shalt  }
0x40: {  	_ =	shalt  }
0x41: {  	_ =	shalt  }
0x42: {  	_ =	shalt  }
0x43: {  	_ =	shalt  }
0x44: {  	_ =	shalt  }
0x45: {  	_ =	shalt  }
0x46: {  	_ =	shalt  }
0x47: {  	_ =	shalt  }
0x48: {  	_ =	shalt  }
0x49: {  	_ =	shalt  }
0x4a: {  	_ =	shalt  }
0x4b: {  	_ =	shalt  }
0x4c: {  	_ =	shalt  }
0x4d: {  	_ =	shalt  }
0x4e: {  	_ =	shalt  }
0x4f: {  	_ =	shalt  }
0x50: {  	_ =	shalt  }
0x51: {  	_ =	shalt  }
0x52: {  	_ =	shalt  }
0x53: {  	_ =	shalt  }
0x54: {  	_ =	shalt  }
0x55: {  	_ =	shalt  }
0x56: {  	_ =	shalt  }
0x57: {  	_ =	shalt  }
0x58: {  	_ =	shalt  }
0x59: {  	_ =	shalt  }
0x5a: {  	_ =	shalt  }
0x5b: {  	_ =	shalt  }
0x5c: {  	_ =	shalt  }
0x5d: {  	_ =	shalt  }
0x5e: {  	_ =	shalt  }
0x5f: {  	_ =	shalt  }
0x60: {  	_ =	shalt  }
0x61: {  	_ =	shalt  }
0x62: {  	_ =	shalt  }
0x63: {  	_ =	shalt  }
0x64: {  	_ =	shalt  }
0x65: {  	_ =	shalt  }
0x66: {  	_ =	shalt  }
0x67: {  	_ =	shalt  }
0x68: {  	_ =	shalt  }
0x69: {  	_ =	shalt  }
0x6a: {  	_ =	shalt  }
0x6b: {  	_ =	shalt  }
0x6c: {  	_ =	shalt  }
0x6d: {  	_ =	shalt  }
0x6e: {  	_ =	shalt  }
0x6f: {  	_ =	shalt  }
0x70: {  	_ =	shalt  }
0x71: {  	_ =	shalt  }
0x72: {  	_ =	shalt  }
0x73: {  	_ =	shalt  }
0x74: {  	_ =	shalt  }
0x75: {  	_ =	shalt  }
0x76: {  	_ =	shalt  }
0x77: {  	_ =	shalt  }
0x78: {  	_ =	shalt  }
0x79: {  	_ =	shalt  }
0x7a: {  	_ =	shalt  }
0x7b: {  	_ =	shalt  }
0x7c: {  	_ =	shalt  }
0x7d: {  	_ =	shalt  }
0x7e: {  	_ =	shalt  }
0x7f: {  	_ =	shalt  }
0x80: {  	_ =	shalt  }
0x81: {  	_ =	shalt  }
0x82: {  	_ =	shalt  }
0x83: {  	_ =	shalt  }
0x84: {  	_ =	shalt  }
0x85: {  	_ =	shalt  }
0x86: {  	_ =	shalt  }
0x87: {  	_ =	shalt  }
.Lfunc_end0:
.L_simem_size_0:
called_computation.2_lowered:
.L_overlay_start_0:
0x88: {  	s2 =	sld [smem:$0x3FD9]  }
0x89: {  	s3 =	sld [smem:$0x3FFE];
	_ =	sdelay $0x1  }
0x8a: {  	s1 =	srdreg.scid  }
0x8b: {  	s0 =	sand.u32 $0x1, s1  }
0x8c: {  	s17 =	sshll.u32 s0, $0xA;
	s2 =	sadd.s32 s3, s2  }
0x8d: {  	s2 =	sadd.s32 s2, s17  }
0x8e: {  	[smem:$0x3FC2] =	sst s2  }
0x8f: {  	_ = 	snop  }
0x90: {  	s2 =	sld [smem:$0x3FD0];
	(tm) =	ssettm $0x1  }
0x91: {  	s18 =	sld [smem:$0x3FFB];
	_ =	sdelay $0x3  }
0x92: {  	_ =	strace s18  }
0x93: {  	s3 =	sld [smem:$0x3FFC];
	_ =	sdelay $0x3  }
0x94: {  	_ =	strace s3  }
0x95: {  	s3 =	sld [smem:$0x3FFD];
	_ =	sdelay $0x3  }
0x96: {  	_ =	strace s3  }
0x97: {  	_ =	strace $0x8FFFFFFF  }
0x98: {  	s19 =	sld [smem:$0x3FDB];
	_ =	sdelay $0x1  }
0x99: {  	s4 =	simm.s32 $_scs_section_size  }
0x9a: {  	s5 =	simm.s32 $_size__tile_overlayer_lowered;
	s6 =	simm.s32 $_tile_overlayer_lowered  }
0x9b: {  	s22 =	simm.s32 $0x1BFF;
	s21 =	sshll.u32 s6, $0x1;
	s3 =	sadd.s32 s4, s19  }
0x9c: {  	s7 =	simm.s32 $0x0;
	s20 =	sshll.u32 s5, $0x1;
	s5 =	sadd.s32 s21, s3  }
0x9d: {  	[timem:s7], [sflag:s22] =	dma.local [hbm:s5], s20  }
0x9e: {  	_ =	swait.ge [sflag:s22], s20  }
0x9f: {  	s4 =	ssub.s32 $0x0, s20;
	[sflag:s22] =	ssyncset.done $0x0  }
0xa0: {  	[sflag:s22] =	ssyncadd.s32 s4;
	_ =	sdelay $0x1  }
0xa1: {  	s23 =	simm.s32 $0x1B8B  }
0xa2: {  	_ =	swait.ge [sflag:s23], $0x1  }
0xa3: {  	[sflag:s23] =	ssyncset.done $0x0  }
0xa4: {  	s25 =	simm.s32 $0x1B8E;
	s24 =	sld [smem:$0x3FFE];
	[sflag:s23] =	ssyncadd.s32 $0xFFFFFFFF  }
0xa5: {  	s26 =	simm.s32 $execute0_lowered;
	[smem:$0x3FD2] =	sst s25  }
0xa6: {  	s5 =	sshll.u32 s26, $0x1;
	_ =	strace $0x8000004C;
	[dreg:$0x1] =	wrdreg $0xFFFFFFFF  }
0xa7: {  	s28 =	simm.s32 $_size_execute0_lowered;
	s3 =	sadd.s32 s3, s5;
	[dreg:$0x0] =	wrdreg $0x0  }
0xa8: {  	s5 =	sshll.u32 s28, $0x1;
	[dreg:$0x2] =	wrdreg s3  }
0xa9: {  	[dreg:$0x3] =	wrdreg s5  }
0xaa: {  	[dreg:$0x4] =	wrdreg $0xC0  }
0xab: {  	_ =	task [dreg:s7], $0x5FFFF  }
0xac: {  	[dreg:$0x1] =	wrdreg $0xFFFFFFFF  }
0xad: {  	[dreg:$0x0] =	wrdreg $0x60  }
0xae: {  	[dreg:$0x2] =	wrdreg s2  }
0xaf: {  	[dreg:$0x3] =	wrdreg s24  }
0xb0: {  	[dreg:$0x4] =	wrdreg $0x98000  }
0xb1: {  	[dreg:$0x5] =	wrdreg $0x9  }
0xb2: {  	_ =	task.clear_ibuf [dreg:s7], $0x6FFFF;
	_ =	strace $0x9000004C  }
0xb3: {  	s29 =	simm.s32 $0x9;
	_ =	strace $0x8000004E  }
0xb4: {  	_ =	swait.ge [sflag:s29], $0x1  }
0xb5: {  	[sflag:s29] =	ssyncadd.s32 $0xFFFFFFFF  }
0xb6: {  	_ =	strace $0x9000004E  }
0xb7: {  	_ =	sfence  }
0xb8: {  	s30 =	sld [smem:$0x0];
	_ =	sdelay $0x2  }
0xb9: {  	s31 =	sshll.u32 s1, $0xD;
	s1 =	sshrl.u32 s1, $0x2  }
0xba: {  	s3 =	sand.u32 $0x4000, s31;
	s1 =	sadd.s32 s1, s30  }
0xbb: {  	s0 =	sor.u32 s3, s0;
	s1 =	sshll.u32 s1, $0x11  }
0xbc: {  	s0 =	sor.u32 s1, s0  }
0xbd: {  	s0 =	sadd.s32 $0x8F2B, s0  }
0xbe: {  	[sflag:s0] =	ssyncadd.remote.s32 $0x1  }
0xbf: {  	_ =	sfence.sel $0xFFFF  }
0xc0: {  	[dreg:$0x0] =	wrdreg $0xFFFFFFFF;
	(pc) =	sbr.abs _section_cstart, $3  }
0xc1: {  	[dreg:$0x1] =	wrdreg $0xFFFFFFFF  }
0xc2: {  	_ =	task.clear_ibuf [dreg:s7], $0x2FFFF;
	_ =	strace $0x9FFFFFFF  }
0xc3: {  	(tm) =	ssettm $0x7FFFFFFF  }
tec
execute0_lowered:
.L_overlay_start_1:
0x0: {  	(tag) =	ssettag $0x1  }
0x1: {  	s2 =	rddreg [dreg:$0x0]  }
0x2: {  	s0 =	srdreg.scid;
	s5 =	rddreg [dreg:$0x1]  }
0x3: {  	s9 =	stileid.u32;
	s3 =	rddreg [dreg:$0x2];
	s4 =	simm.s32 $0x0  }
0x4: {  	s14 =	simm.s32 $0x80;
	s18 =	simm.s32 $0x100;
	s19 =	simm.s32 $0x180  }
0x5: {  	s28 =	simm.s32 $0x50;
	s29 =	simm.s32 $0x4800;
	s30 =	simm.s32 $0x7000  }
0x6: {  	s20 =	smul.u32 $0xA000, s9;
	[smem:$0x7FF] =	sst s4;
	s22 =	sadd.s32 $0x29C00, s5  }
0x7: {  	s7 =	smul.u32 $0x50000, s9;
	_ =	strace $0x8000004D;
	[smem:$0x7E5] =	sst s22  }
0x8: {  	s1 =	sand.u32 $0x1, s0;
	s9 =	smul.u32 $0x14000, s9;
	[dreg:$0x6] =	wrdreg s14  }
0x9: {  	s6 =	smul.u32 $0x5000, s1;
	s23 =	ssub.s32 $0x2, s1;
	[dreg:$0x7] =	wrdreg s18  }
0xa: {  	s1 =	smul.u32 $0x140000, s1;
	[dreg:$0x8] =	wrdreg s19;
	s22 =	simm.s32 $0x1100  }
0xb: {  	s19 =	simm.s32 $0x400;
	s7 =	sshrl.u32 s7, $0x2;
	[dreg:$0xb] =	wrdreg s22  }
0xc: {  	s10 =	sadd.s32 $0x5000, s9;
	[dreg:$0x12] =	wrdreg s19;
	s19 =	simm.s32 $0x700  }
0xd: {  	s11 =	sadd.s32 $0x7800, s9;
	s7 =	sadd.s32 s7, s3;
	[dreg:$0x1e] =	wrdreg s19  }
0xe: {  	s12 =	sadd.s32 $0xA000, s9;
	s24 =	sadd.s32 s11, s3;
	[smem:$0x7E6] =	sst s7  }
0xf: {  	s0 =	sadd.s32 s6, s20;
	s26 =	sadd.s32 s12, s3;
	[smem:$0x7E8] =	sst s24  }
0x10: {  	s16 =	sadd.s32 s10, s3;
	s20 =	simm.s32 $0x1080;
	[smem:$0x7E9] =	sst s26  }
0x11: {  	s18 =	sadd.s32 s1, s10;
	s10 =	simm.s32 $0x580;
	[dreg:$0x9] =	wrdreg s20  }
0x12: {  	s22 =	sadd.s32 s1, s11;
	s11 =	simm.s32 $0x1480;
	[dreg:$0x18] =	wrdreg s10  }
0x13: {  	s8 =	sshrl.u32 s23, $0x1;
	s24 =	simm.s32 $0x1180;
	[dreg:$0x19] =	wrdreg s11  }
0x14: {  	s0 =	sshrl.u32 s0, $0x3;
	s26 =	simm.s32 $0x1200;
	[dreg:$0xd] =	wrdreg s24  }
0x15: {  	s7 =	sadd.s32 $0xC800, s9;
	s20 =	simm.s32 $0x1300;
	[dreg:$0xf] =	wrdreg s26  }
0x16: {  	s11 =	simm.s32 $0x0;
	s21 =	sadd.s32 s0, s5;
	[dreg:$0x13] =	wrdreg s20  }
0x17: {  	s0 =	sadd.s32 $0x2A200, s5;
	s17 =	sadd.s32 s7, s3;
	[smem:$0x7FA] =	sst s11  }
0x18: {  	s5 =	ssub.s32 s23, s8;
	s23 =	simm.s32 $0x280;
	[smem:$0x7EA] =	sst s17  }
0x19: {  	s31 =	simm.s32 $0x2;
	s24 =	simm.s32 $0x500;
	[dreg:$0xc] =	wrdreg s23  }
0x1a: {  	s6 =	sadd.s32 $0xF000, s9;
	s20 =	simm.s32 $0x1600;
	[dreg:$0x16] =	wrdreg s24  }
0x1b: {  	s19 =	simm.s32 $0xB00;
	s5 =	smax.u32 s5, $0x1;
	[dreg:$0x1f] =	wrdreg s20  }
0x1c: {  	s10 =	simm.s32 $0x1C00;
	s25 =	sadd.s32 $0x1C00, s21;
	[smem:$0x7E7] =	sst s5  }
0x1d: {  	s8 =	sor.u32 $0x2800, s9;
	s13 =	sadd.s32 $0x15C00, s21;
	[dreg:$0x4] =	wrdreg s25  }
0x1e: {  	s26 =	sadd.s32 s1, s12;
	s21 =	simm.s32 $0x200;
	[dreg:$0x5] =	wrdreg s13  }
0x1f: {  	s7 =	sadd.s32 s1, s7;
	s17 =	simm.s32 $0x1280;
	[dreg:$0xa] =	wrdreg s21  }
0x20: {  	s15 =	sadd.s32 s8, s3;
	s23 =	simm.s32 $0x1380;
	[dreg:$0x11] =	wrdreg s17  }
0x21: {  	s8 =	sadd.s32 s1, s8;
	s24 =	simm.s32 $0x1700;
	[dreg:$0x15] =	wrdreg s23  }
0x22: {  	s7 =	sshrl.u32 s7, $0x3;
	s13 =	sadd.s32 s6, s3;
	[smem:$0x7F7] =	sst s24  }
0x23: {  	s20 =	simm.s32 $0x1A00;
	s25 =	simm.s32 $0x300;
	[smem:$0x7EB] =	sst s13  }
0x24: {  	s5 =	sadd.s32 $0x11800, s9;
	s21 =	simm.s32 $0x480;
	[dreg:$0xe] =	wrdreg s25  }
0x25: {  	s12 =	smov.u32 s15;
	s15 =	simm.s32 $0x600;
	[dreg:$0x14] =	wrdreg s21  }
0x26: {  	s9 =	sadd.s32 s1, s9;
	s7 =	sadd.s32 s0, s7;
	[dreg:$0x1a] =	wrdreg s15  }
0x27: {  	s8 =	sshrl.u32 s8, $0x3;
	s17 =	simm.s32 $0x680;
	[smem:$0x7F1] =	sst s7  }
0x28: {  	s6 =	sadd.s32 s1, s6;
	s23 =	simm.s32 $0x800;
	[dreg:$0x1c] =	wrdreg s17  }
0x29: {  	s24 =	simm.s32 $0x1;
	s14 =	sadd.s32 s5, s3;
	[smem:$0x7F6] =	sst s23  }
0x2a: {  	s9 =	sshrl.u32 s9, $0x3;
	s8 =	sadd.s32 s0, s8;
	[smem:$0x7FB] =	sst s12  }
0x2b: {  	s13 =	smov.u32 s16;
	s16 =	simm.s32 $0x380;
	[smem:$0x7ED] =	sst s8  }
0x2c: {  	s25 =	simm.s32 $0x1400;
	s6 =	sshrl.u32 s6, $0x3;
	[dreg:$0x10] =	wrdreg s16  }
0x2d: {  	s21 =	simm.s32 $0x780;
	s1 =	sadd.s32 s1, s5;
	[dreg:$0x17] =	wrdreg s25  }
0x2e: {  	s23 =	simm.s32 $0x2000;
	s5 =	simm.s32 $0x980;
	[smem:$0x7F3] =	sst s21  }
0x2f: {  	s7 =	simm.s32 $0x1880;
	s15 =	simm.s32 $0xA00;
	[smem:$0x7FC] =	sst s13  }
0x30: {  	s17 =	simm.s32 $0xA80;
	s9 =	sadd.s32 s0, s9;
	[smem:$0x7FD] =	sst s14  }
0x31: {  	s16 =	simm.s32 $0x1500;
	s6 =	sadd.s32 s0, s6;
	[smem:$0x7EC] =	sst s9  }
0x32: {  	s1 =	sshrl.u32 s1, $0x3;
	s25 =	simm.s32 $0x880;
	[dreg:$0x1b] =	wrdreg s16  }
0x33: {  	s21 =	simm.s32 $0xB80;
	s8 =	simm.s32 $0x1B00;
	[smem:$0x7F2] =	sst s6  }
0x34: {  	s9 =	sshrl.u32 s18, $0x3;
	s18 =	simm.s32 $0x1580;
	[smem:$0x7F8] =	sst s25  }
0x35: {  	s25 =	simm.s32 $0x3;
	s16 =	simm.s32 $0x1900;
	s6 =	simm.s32 $0xC00  }
0x36: {  	s9 =	sadd.s32 s0, s9;
	[dreg:$0x1d] =	wrdreg s18;
	s18 =	simm.s32 $0x1980  }
0x37: {  	[smem:$0x7EE] =	sst s9;
	s9 =	sshrl.u32 s22, $0x3;
	s22 =	simm.s32 $0x1680  }
0x38: {  	s9 =	sadd.s32 s0, s9;
	[smem:$0x7F4] =	sst s22;
	s22 =	simm.s32 $0x1A80  }
0x39: {  	[smem:$0x7EF] =	sst s9;
	s9 =	sshrl.u32 s26, $0x3;
	s26 =	simm.s32 $0x1780  }
0x3a: {  	s9 =	sadd.s32 s0, s9;
	s0 =	sadd.s32 s0, s1;
	[smem:$0x7F9] =	sst s26  }
0x3b: {  	s26 =	simm.s32 $0x1000;
	s1 =	simm.s32 $0x900;
	[smem:$0x7F0] =	sst s9  }
0x3c: {  	[smem:$0x7F5] =	sst s0;
	s0 =	simm.s32 $0x1800;
	s9 =	simm.s32 $0x1B80  }
.LBB2_1:
0x3d: {  	s11 =	sld [smem:$0x7E5];
	_ =	sdelay $0x2  }
0x3e: {  	[tilespmem:s23], [sflag:$0x1] =	stream.linear.gather [hbm4b:s11+s4], $0x2800, $0x38;
	[tilespmem:$0x1D800] =	vst v63  }
0x3f: {  	_ =	swait.ge [sflag:s24], $0x2800  }
0x40: {  	s11 =	sld [smem:$0x7E6]  }
0x41: {  	[sflag:s24] =	ssyncset.done $0x0  }
0x42: {  	[sflag:s24] =	ssyncadd.s32 $0xFFFFD800  }
0x43: {  	[spmem:s11] =	stream.linear.scatter [tilespmem:s23], [sflag:$0x1], $0x2800, $0x38;
	[tilespmem:$0x1D800] =	vst v63  }
0x44: {  	_ =	swait.ge [sflag:s24], $0x2800  }
0x45: {  	[sflag:s24] =	ssyncset.done $0x0  }
0x46: {  	[sflag:s24] =	ssyncadd.s32 $0xFFFFD800  }
0x47: {  	[spmem:s12] =	stream.linear.scatter [tilespmem:s23], [sflag:$0x1], $0x2800, $0x38;
	[tilespmem:$0x1D800] =	vst v63  }
0x48: {  	_ =	swait.ge [sflag:s24], $0x2800  }
0x49: {  	[sflag:s24] =	ssyncset.done $0x0  }
0x4a: {  	[sflag:s24] =	ssyncadd.s32 $0xFFFFD800  }
0x4b: {  	[spmem:s13] =	stream.linear.scatter [tilespmem:s23], [sflag:$0x1], $0x2800, $0x38;
	[tilespmem:$0x1D800] =	vst v63  }
0x4c: {  	_ =	swait.ge [sflag:s24], $0x2800  }
0x4d: {  	s13 =	sld [smem:$0x7E8]  }
0x4e: {  	[sflag:s24] =	ssyncset.done $0x0  }
0x4f: {  	[sflag:s24] =	ssyncadd.s32 $0xFFFFD800  }
0x50: {  	[spmem:s13] =	stream.linear.scatter [tilespmem:s23], [sflag:$0x1], $0x2800, $0x38;
	[tilespmem:$0x1D800] =	vst v63  }
0x51: {  	_ =	swait.ge [sflag:s24], $0x2800  }
0x52: {  	s12 =	sld [smem:$0x7E9]  }
0x53: {  	[sflag:s24] =	ssyncset.done $0x0  }
0x54: {  	[sflag:s24] =	ssyncadd.s32 $0xFFFFD800  }
0x55: {  	[spmem:s12] =	stream.linear.scatter [tilespmem:s23], [sflag:$0x1], $0x2800, $0x38;
	[tilespmem:$0x1D800] =	vst v63  }
0x56: {  	_ =	swait.ge [sflag:s24], $0x2800  }
0x57: {  	s13 =	sld [smem:$0x7EA]  }
0x58: {  	[sflag:s24] =	ssyncset.done $0x0  }
0x59: {  	[sflag:s24] =	ssyncadd.s32 $0xFFFFD800  }
0x5a: {  	[spmem:s13] =	stream.linear.scatter [tilespmem:s23], [sflag:$0x1], $0x2800, $0x38;
	[tilespmem:$0x1D800] =	vst v63  }
0x5b: {  	_ =	swait.ge [sflag:s24], $0x2800  }
0x5c: {  	s12 =	sld [smem:$0x7EB]  }
0x5d: {  	[sflag:s24] =	ssyncset.done $0x0  }
0x5e: {  	[sflag:s24] =	ssyncadd.s32 $0xFFFFD800  }
0x5f: {  	[spmem:s12] =	stream.linear.scatter [tilespmem:s23], [sflag:$0x1], $0x2800, $0x38;
	[tilespmem:$0x1D800] =	vst v63  }
0x60: {  	_ =	swait.ge [sflag:s24], $0x2800  }
0x61: {  	[sflag:s24] =	ssyncset.done $0x0  }
0x62: {  	[sflag:s24] =	ssyncadd.s32 $0xFFFFD800  }
0x63: {  	[spmem:s14] =	stream.linear.scatter [tilespmem:s23], [sflag:$0x1], $0x2800, $0x38;
	[tilespmem:$0x1D800] =	vst v63  }
0x64: {  	_ =	swait.ge [sflag:s24], $0x2800  }
0x65: {  	[sflag:s24] =	ssyncset.done $0x0  }
0x66: {  	[sflag:s24] =	ssyncadd.s32 $0xFFFFD800  }
0x67: {  	[bflag:$0x0] =	sbarrier.arrive $0xFFFF  }
0x68: {  	s13 =	rddreg [dreg:$0x5]  }
0x69: {  	s12 =	sadd.s32 $0x0, s13  }
0x6a: {  	[tilespmem:s4], [sflag:$0x3] =	stream.linear.gather [hbm4b:s12+s4], $0xC80, $0x38;
	[tilespmem:$0x1D800] =	vst v63  }
0x6b: {  	_ =	swait.ge [sflag:s25], $0xC80  }
0x6c: {  	s14 =	rddreg [dreg:$0x4];
	[sflag:s25] =	ssyncset.done $0x0  }
0x6d: {  	[sflag:s25] =	ssyncadd.s32 $0xFFFFF380;
	s12 =	sadd.s32 $0x0, s14  }
0x6e: {  	[tilespmem:s26], [sflag:$0x3] =	stream.linear.gather [hbm4b:s12+s4], $0xC80, $0x38;
	[tilespmem:$0x1D800] =	vst v63  }
0x6f: {  	_ =	swait.ge [sflag:s25], $0xC80  }
0x70: {  	[sflag:s25] =	ssyncset.done $0x0  }
0x71: {  	[sflag:s25] =	ssyncadd.s32 $0xFFFFF380  }
0x72: {  	[tilespmem:s23], [sflag:$0x1] =	stream.indirect.gather [hbm4b:s2+s28], $0x80, s4, s28, $0xb8;
	[tilespmem:$0x1D800] =	vst v63  }
0x73: {  	s11 =	rddreg [dreg:$0x6]  }
0x74: {  	[tilespmem:s29], [sflag:$0x1] =	stream.indirect.gather [hbm4b:s2+s28], $0x80, s11, s28, $0xb8;
	[tilespmem:$0x1D800] =	vst v63  }
0x75: {  	_ =	swait.ge [sflag:s24], $0x2800  }
0x76: {  	[sflag:s24] =	ssyncset.done $0x0  }
0x77: {  	s13 =	rddreg [dreg:$0x7];
	[sflag:s24] =	ssyncadd.s32 $0xFFFFD800  }
0x78: {  	[tilespmem:s30], [sflag:$0x1] =	stream.indirect.gather [hbm4b:s2+s28], $0x80, s13, s28, $0xb8;
	[tilespmem:$0x1D800] =	vst v63  }
0x79: {  	_ = 	snop  }
0x7a: {  	[spmem:s3] =	stream.indirect.scatter.add.f32 [tilespmem:s23], [sflag:$0x2], $0x80, s26, s28, $0xb8;
	[tilespmem:$0x1D800] =	vst v63  }
0x7b: {  	_ =	swait.ge [sflag:s24], $0x2800  }
0x7c: {  	[sflag:s24] =	ssyncset.done $0x0  }
0x7d: {  	[sflag:s24] =	ssyncadd.s32 $0xFFFFD800  }
0x7e: {  	_ =	swait.ge [sflag:s31], $0x2800  }
0x7f: {  	[sflag:s31] =	ssyncset.done $0x0  }
0x80: {  	s14 =	rddreg [dreg:$0x8];
	[sflag:s31] =	ssyncadd.s32 $0xFFFFD800  }
0x81: {  	[tilespmem:s23], [sflag:$0x1] =	stream.indirect.gather [hbm4b:s2+s28], $0x80, s14, s28, $0xb8;
	[tilespmem:$0x1D800] =	vst v63  }
0x82: {  	s11 =	rddreg [dreg:$0x9]  }
0x83: {  	[spmem:s3] =	stream.indirect.scatter.add.f32 [tilespmem:s29], [sflag:$0x2], $0x80, s11, s28, $0xb8;
	[tilespmem:$0x1D800] =	vst v63  }
0x84: {  	_ =	swait.ge [sflag:s24], $0x2800  }
0x85: {  	[sflag:s24] =	ssyncset.done $0x0  }
0x86: {  	[sflag:s24] =	ssyncadd.s32 $0xFFFFD800  }
0x87: {  	_ =	swait.ge [sflag:s31], $0x2800  }
0x88: {  	[sflag:s31] =	ssyncset.done $0x0  }
0x89: {  	s14 =	rddreg [dreg:$0xa];
	[sflag:s31] =	ssyncadd.s32 $0xFFFFD800  }
0x8a: {  	[tilespmem:s29], [sflag:$0x1] =	stream.indirect.gather [hbm4b:s2+s28], $0x80, s14, s28, $0xb8;
	[tilespmem:$0x1D800] =	vst v63  }
0x8b: {  	s11 =	rddreg [dreg:$0xb]  }
0x8c: {  	[spmem:s3] =	stream.indirect.scatter.add.f32 [tilespmem:s30], [sflag:$0x2], $0x80, s11, s28, $0xb8;
	[tilespmem:$0x1D800] =	vst v63  }
0x8d: {  	_ =	swait.ge [sflag:s24], $0x2800  }
0x8e: {  	[sflag:s24] =	ssyncset.done $0x0  }
0x8f: {  	[sflag:s24] =	ssyncadd.s32 $0xFFFFD800  }
0x90: {  	_ =	swait.ge [sflag:s31], $0x2800  }
0x91: {  	[sflag:s31] =	ssyncset.done $0x0  }
0x92: {  	s14 =	rddreg [dreg:$0xc];
	[sflag:s31] =	ssyncadd.s32 $0xFFFFD800  }
0x93: {  	[tilespmem:s30], [sflag:$0x1] =	stream.indirect.gather [hbm4b:s2+s28], $0x80, s14, s28, $0xb8;
	[tilespmem:$0x1D800] =	vst v63  }
0x94: {  	s11 =	rddreg [dreg:$0xd]  }
0x95: {  	[spmem:s3] =	stream.indirect.scatter.add.f32 [tilespmem:s23], [sflag:$0x2], $0x80, s11, s28, $0xb8;
	[tilespmem:$0x1D800] =	vst v63  }
0x96: {  	_ =	swait.ge [sflag:s24], $0x2800  }
0x97: {  	[sflag:s24] =	ssyncset.done $0x0  }
0x98: {  	[sflag:s24] =	ssyncadd.s32 $0xFFFFD800  }
0x99: {  	_ =	swait.ge [sflag:s31], $0x2800  }
0x9a: {  	[sflag:s31] =	ssyncset.done $0x0  }
0x9b: {  	s14 =	rddreg [dreg:$0xe];
	[sflag:s31] =	ssyncadd.s32 $0xFFFFD800  }
0x9c: {  	[tilespmem:s23], [sflag:$0x1] =	stream.indirect.gather [hbm4b:s2+s28], $0x80, s14, s28, $0xb8;
	[tilespmem:$0x1D800] =	vst v63  }
0x9d: {  	s11 =	rddreg [dreg:$0xf]  }
0x9e: {  	[spmem:s3] =	stream.indirect.scatter.add.f32 [tilespmem:s29], [sflag:$0x2], $0x80, s11, s28, $0xb8;
	[tilespmem:$0x1D800] =	vst v63  }
0x9f: {  	_ =	swait.ge [sflag:s24], $0x2800  }
0xa0: {  	[sflag:s24] =	ssyncset.done $0x0  }
0xa1: {  	[sflag:s24] =	ssyncadd.s32 $0xFFFFD800  }
0xa2: {  	_ =	swait.ge [sflag:s31], $0x2800  }
0xa3: {  	[sflag:s31] =	ssyncset.done $0x0  }
0xa4: {  	s14 =	rddreg [dreg:$0x10];
	[sflag:s31] =	ssyncadd.s32 $0xFFFFD800  }
0xa5: {  	[tilespmem:s29], [sflag:$0x1] =	stream.indirect.gather [hbm4b:s2+s28], $0x80, s14, s28, $0xb8;
	[tilespmem:$0x1D800] =	vst v63  }
0xa6: {  	s11 =	rddreg [dreg:$0x11]  }
0xa7: {  	[spmem:s3] =	stream.indirect.scatter.add.f32 [tilespmem:s30], [sflag:$0x2], $0x80, s11, s28, $0xb8;
	[tilespmem:$0x1D800] =	vst v63  }
0xa8: {  	_ =	swait.ge [sflag:s24], $0x2800  }
0xa9: {  	[sflag:s24] =	ssyncset.done $0x0  }
0xaa: {  	[sflag:s24] =	ssyncadd.s32 $0xFFFFD800  }
0xab: {  	_ =	swait.ge [sflag:s31], $0x2800  }
0xac: {  	[sflag:s31] =	ssyncset.done $0x0  }
0xad: {  	s14 =	rddreg [dreg:$0x12];
	[sflag:s31] =	ssyncadd.s32 $0xFFFFD800  }
0xae: {  	[tilespmem:s30], [sflag:$0x1] =	stream.indirect.gather [hbm4b:s2+s28], $0x80, s14, s28, $0xb8;
	[tilespmem:$0x1D800] =	vst v63  }
0xaf: {  	s11 =	rddreg [dreg:$0x13]  }
0xb0: {  	[spmem:s3] =	stream.indirect.scatter.add.f32 [tilespmem:s23], [sflag:$0x2], $0x80, s11, s28, $0xb8;
	[tilespmem:$0x1D800] =	vst v63  }
0xb1: {  	_ =	swait.ge [sflag:s24], $0x2800  }
0xb2: {  	[sflag:s24] =	ssyncset.done $0x0  }
0xb3: {  	[sflag:s24] =	ssyncadd.s32 $0xFFFFD800  }
0xb4: {  	_ =	swait.ge [sflag:s31], $0x2800  }
0xb5: {  	[sflag:s31] =	ssyncset.done $0x0  }
0xb6: {  	s14 =	rddreg [dreg:$0x14];
	[sflag:s31] =	ssyncadd.s32 $0xFFFFD800  }
0xb7: {  	[tilespmem:s23], [sflag:$0x1] =	stream.indirect.gather [hbm4b:s2+s28], $0x80, s14, s28, $0xb8;
	[tilespmem:$0x1D800] =	vst v63  }
0xb8: {  	s11 =	rddreg [dreg:$0x15]  }
0xb9: {  	[spmem:s3] =	stream.indirect.scatter.add.f32 [tilespmem:s29], [sflag:$0x2], $0x80, s11, s28, $0xb8;
	[tilespmem:$0x1D800] =	vst v63  }
0xba: {  	_ =	swait.ge [sflag:s24], $0x2800  }
0xbb: {  	[sflag:s24] =	ssyncset.done $0x0  }
0xbc: {  	[sflag:s24] =	ssyncadd.s32 $0xFFFFD800  }
0xbd: {  	_ =	swait.ge [sflag:s31], $0x2800  }
0xbe: {  	[sflag:s31] =	ssyncset.done $0x0  }
0xbf: {  	s14 =	rddreg [dreg:$0x16];
	[sflag:s31] =	ssyncadd.s32 $0xFFFFD800  }
0xc0: {  	[tilespmem:s29], [sflag:$0x1] =	stream.indirect.gather [hbm4b:s2+s28], $0x80, s14, s28, $0xb8;
	[tilespmem:$0x1D800] =	vst v63  }
0xc1: {  	s11 =	rddreg [dreg:$0x17]  }
0xc2: {  	[spmem:s3] =	stream.indirect.scatter.add.f32 [tilespmem:s30], [sflag:$0x2], $0x80, s11, s28, $0xb8;
	[tilespmem:$0x1D800] =	vst v63  }
0xc3: {  	_ =	swait.ge [sflag:s24], $0x2800  }
0xc4: {  	[sflag:s24] =	ssyncset.done $0x0  }
0xc5: {  	[sflag:s24] =	ssyncadd.s32 $0xFFFFD800  }
0xc6: {  	_ =	swait.ge [sflag:s31], $0x2800  }
0xc7: {  	[sflag:s31] =	ssyncset.done $0x0  }
0xc8: {  	s14 =	rddreg [dreg:$0x18];
	[sflag:s31] =	ssyncadd.s32 $0xFFFFD800  }
0xc9: {  	[tilespmem:s30], [sflag:$0x1] =	stream.indirect.gather [hbm4b:s2+s28], $0x80, s14, s28, $0xb8;
	[tilespmem:$0x1D800] =	vst v63  }
0xca: {  	s11 =	rddreg [dreg:$0x19]  }
0xcb: {  	[spmem:s3] =	stream.indirect.scatter.add.f32 [tilespmem:s23], [sflag:$0x2], $0x80, s11, s28, $0xb8;
	[tilespmem:$0x1D800] =	vst v63  }
0xcc: {  	_ =	swait.ge [sflag:s24], $0x2800  }
0xcd: {  	[sflag:s24] =	ssyncset.done $0x0  }
0xce: {  	[sflag:s24] =	ssyncadd.s32 $0xFFFFD800  }
0xcf: {  	_ =	swait.ge [sflag:s31], $0x2800  }
0xd0: {  	[sflag:s31] =	ssyncset.done $0x0  }
0xd1: {  	s14 =	rddreg [dreg:$0x1a];
	[sflag:s31] =	ssyncadd.s32 $0xFFFFD800  }
0xd2: {  	[tilespmem:s23], [sflag:$0x1] =	stream.indirect.gather [hbm4b:s2+s28], $0x80, s14, s28, $0xb8;
	[tilespmem:$0x1D800] =	vst v63  }
0xd3: {  	s11 =	rddreg [dreg:$0x1b]  }
0xd4: {  	[spmem:s3] =	stream.indirect.scatter.add.f32 [tilespmem:s29], [sflag:$0x2], $0x80, s11, s28, $0xb8;
	[tilespmem:$0x1D800] =	vst v63  }
0xd5: {  	_ =	swait.ge [sflag:s24], $0x2800  }
0xd6: {  	[sflag:s24] =	ssyncset.done $0x0  }
0xd7: {  	[sflag:s24] =	ssyncadd.s32 $0xFFFFD800  }
0xd8: {  	_ =	swait.ge [sflag:s31], $0x2800  }
0xd9: {  	[sflag:s31] =	ssyncset.done $0x0  }
0xda: {  	s14 =	rddreg [dreg:$0x1c];
	[sflag:s31] =	ssyncadd.s32 $0xFFFFD800  }
0xdb: {  	[tilespmem:s29], [sflag:$0x1] =	stream.indirect.gather [hbm4b:s2+s28], $0x80, s14, s28, $0xb8;
	[tilespmem:$0x1D800] =	vst v63  }
0xdc: {  	s11 =	rddreg [dreg:$0x1d]  }
0xdd: {  	[spmem:s3] =	stream.indirect.scatter.add.f32 [tilespmem:s30], [sflag:$0x2], $0x80, s11, s28, $0xb8;
	[tilespmem:$0x1D800] =	vst v63  }
0xde: {  	_ =	swait.ge [sflag:s24], $0x2800  }
0xdf: {  	[sflag:s24] =	ssyncset.done $0x0  }
0xe0: {  	[sflag:s24] =	ssyncadd.s32 $0xFFFFD800  }
0xe1: {  	_ =	swait.ge [sflag:s31], $0x2800  }
0xe2: {  	[sflag:s31] =	ssyncset.done $0x0  }
0xe3: {  	s14 =	rddreg [dreg:$0x1e];
	[sflag:s31] =	ssyncadd.s32 $0xFFFFD800  }
0xe4: {  	[tilespmem:s30], [sflag:$0x1] =	stream.indirect.gather [hbm4b:s2+s28], $0x80, s14, s28, $0xb8;
	[tilespmem:$0x1D800] =	vst v63  }
0xe5: {  	s11 =	rddreg [dreg:$0x1f]  }
0xe6: {  	[spmem:s3] =	stream.indirect.scatter.add.f32 [tilespmem:s23], [sflag:$0x2], $0x80, s11, s28, $0xb8;
	[tilespmem:$0x1D800] =	vst v63  }
0xe7: {  	_ =	swait.ge [sflag:s24], $0x2800  }
0xe8: {  	[sflag:s24] =	ssyncset.done $0x0  }
0xe9: {  	[sflag:s24] =	ssyncadd.s32 $0xFFFFD800  }
0xea: {  	_ =	swait.ge [sflag:s31], $0x2800  }
0xeb: {  	s14 =	sld [smem:$0x7F3]  }
0xec: {  	[sflag:s31] =	ssyncset.done $0x0  }
0xed: {  	s11 =	sld [smem:$0x7F4];
	[sflag:s31] =	ssyncadd.s32 $0xFFFFD800  }
0xee: {  	[tilespmem:s23], [sflag:$0x1] =	stream.indirect.gather [hbm4b:s2+s28], $0x80, s14, s28, $0xb8;
	[tilespmem:$0x1D800] =	vst v63  }
0xef: {  	_ = 	snop  }
0xf0: {  	[spmem:s3] =	stream.indirect.scatter.add.f32 [tilespmem:s29], [sflag:$0x2], $0x80, s11, s28, $0xb8;
	[tilespmem:$0x1D800] =	vst v63  }
0xf1: {  	_ =	swait.ge [sflag:s24], $0x2800  }
0xf2: {  	[sflag:s24] =	ssyncset.done $0x0  }
0xf3: {  	[sflag:s24] =	ssyncadd.s32 $0xFFFFD800  }
0xf4: {  	_ =	swait.ge [sflag:s31], $0x2800  }
0xf5: {  	s14 =	sld [smem:$0x7F6]  }
0xf6: {  	[sflag:s31] =	ssyncset.done $0x0  }
0xf7: {  	s11 =	sld [smem:$0x7F7];
	[sflag:s31] =	ssyncadd.s32 $0xFFFFD800  }
0xf8: {  	[tilespmem:s29], [sflag:$0x1] =	stream.indirect.gather [hbm4b:s2+s28], $0x80, s14, s28, $0xb8;
	[tilespmem:$0x1D800] =	vst v63  }
0xf9: {  	_ = 	snop  }
0xfa: {  	[spmem:s3] =	stream.indirect.scatter.add.f32 [tilespmem:s30], [sflag:$0x2], $0x80, s11, s28, $0xb8;
	[tilespmem:$0x1D800] =	vst v63  }
0xfb: {  	_ =	swait.ge [sflag:s24], $0x2800  }
0xfc: {  	[sflag:s24] =	ssyncset.done $0x0  }
0xfd: {  	[sflag:s24] =	ssyncadd.s32 $0xFFFFD800  }
0xfe: {  	_ =	swait.ge [sflag:s31], $0x2800  }
0xff: {  	s13 =	sld [smem:$0x7F8]  }
0x100: {  	[sflag:s31] =	ssyncset.done $0x0  }
0x101: {  	s14 =	sld [smem:$0x7F9];
	[sflag:s31] =	ssyncadd.s32 $0xFFFFD800  }
0x102: {  	[tilespmem:s30], [sflag:$0x1] =	stream.indirect.gather [hbm4b:s2+s28], $0x80, s13, s28, $0xb8;
	[tilespmem:$0x1D800] =	vst v63  }
0x103: {  	_ = 	snop  }
0x104: {  	[spmem:s3] =	stream.indirect.scatter.add.f32 [tilespmem:s23], [sflag:$0x2], $0x80, s14, s28, $0xb8;
	[tilespmem:$0x1D800] =	vst v63  }
0x105: {  	_ =	swait.ge [sflag:s24], $0x2800  }
0x106: {  	[sflag:s24] =	ssyncset.done $0x0  }
0x107: {  	[sflag:s24] =	ssyncadd.s32 $0xFFFFD800  }
0x108: {  	_ =	swait.ge [sflag:s31], $0x2800  }
0x109: {  	[sflag:s31] =	ssyncset.done $0x0  }
0x10a: {  	[sflag:s31] =	ssyncadd.s32 $0xFFFFD800  }
0x10b: {  	[tilespmem:s23], [sflag:$0x1] =	stream.indirect.gather [hbm4b:s2+s28], $0x80, s1, s28, $0xb8;
	[tilespmem:$0x1D800] =	vst v63  }
0x10c: {  	_ = 	snop  }
0x10d: {  	[spmem:s3] =	stream.indirect.scatter.add.f32 [tilespmem:s29], [sflag:$0x2], $0x80, s0, s28, $0xb8;
	[tilespmem:$0x1D800] =	vst v63  }
0x10e: {  	_ =	swait.ge [sflag:s24], $0x2800  }
0x10f: {  	[sflag:s24] =	ssyncset.done $0x0  }
0x110: {  	[sflag:s24] =	ssyncadd.s32 $0xFFFFD800  }
0x111: {  	_ =	swait.ge [sflag:s31], $0x2800  }
0x112: {  	[sflag:s31] =	ssyncset.done $0x0  }
0x113: {  	[sflag:s31] =	ssyncadd.s32 $0xFFFFD800  }
0x114: {  	[tilespmem:s29], [sflag:$0x1] =	stream.indirect.gather [hbm4b:s2+s28], $0x80, s5, s28, $0xb8;
	[tilespmem:$0x1D800] =	vst v63  }
0x115: {  	_ = 	snop  }
0x116: {  	[spmem:s3] =	stream.indirect.scatter.add.f32 [tilespmem:s30], [sflag:$0x2], $0x80, s7, s28, $0xb8;
	[tilespmem:$0x1D800] =	vst v63  }
0x117: {  	_ =	swait.ge [sflag:s24], $0x2800  }
0x118: {  	[sflag:s24] =	ssyncset.done $0x0  }
0x119: {  	[sflag:s24] =	ssyncadd.s32 $0xFFFFD800  }
0x11a: {  	_ =	swait.ge [sflag:s31], $0x2800  }
0x11b: {  	[sflag:s31] =	ssyncset.done $0x0  }
0x11c: {  	[sflag:s31] =	ssyncadd.s32 $0xFFFFD800  }
0x11d: {  	[tilespmem:s30], [sflag:$0x1] =	stream.indirect.gather [hbm4b:s2+s28], $0x80, s15, s28, $0xb8;
	[tilespmem:$0x1D800] =	vst v63  }
0x11e: {  	_ = 	snop  }
0x11f: {  	[spmem:s3] =	stream.indirect.scatter.add.f32 [tilespmem:s23], [sflag:$0x2], $0x80, s16, s28, $0xb8;
	[tilespmem:$0x1D800] =	vst v63  }
0x120: {  	_ =	swait.ge [sflag:s24], $0x2800  }
0x121: {  	[sflag:s24] =	ssyncset.done $0x0  }
0x122: {  	[sflag:s24] =	ssyncadd.s32 $0xFFFFD800  }
0x123: {  	_ =	swait.ge [sflag:s31], $0x2800  }
0x124: {  	[sflag:s31] =	ssyncset.done $0x0  }
0x125: {  	[sflag:s31] =	ssyncadd.s32 $0xFFFFD800  }
0x126: {  	[tilespmem:s23], [sflag:$0x1] =	stream.indirect.gather [hbm4b:s2+s28], $0x80, s17, s28, $0xb8;
	[tilespmem:$0x1D800] =	vst v63  }
0x127: {  	_ = 	snop  }
0x128: {  	[spmem:s3] =	stream.indirect.scatter.add.f32 [tilespmem:s29], [sflag:$0x2], $0x80, s18, s28, $0xb8;
	[tilespmem:$0x1D800] =	vst v63  }
0x129: {  	_ =	swait.ge [sflag:s24], $0x2800  }
0x12a: {  	[sflag:s24] =	ssyncset.done $0x0  }
0x12b: {  	[sflag:s24] =	ssyncadd.s32 $0xFFFFD800  }
0x12c: {  	_ =	swait.ge [sflag:s31], $0x2800  }
0x12d: {  	[sflag:s31] =	ssyncset.done $0x0  }
0x12e: {  	[sflag:s31] =	ssyncadd.s32 $0xFFFFD800  }
0x12f: {  	[tilespmem:s29], [sflag:$0x1] =	stream.indirect.gather [hbm4b:s2+s28], $0x80, s19, s28, $0xb8;
	[tilespmem:$0x1D800] =	vst v63  }
0x130: {  	_ = 	snop  }
0x131: {  	[spmem:s3] =	stream.indirect.scatter.add.f32 [tilespmem:s30], [sflag:$0x2], $0x80, s20, s28, $0xb8;
	[tilespmem:$0x1D800] =	vst v63  }
0x132: {  	_ =	swait.ge [sflag:s24], $0x2800  }
0x133: {  	[sflag:s24] =	ssyncset.done $0x0  }
0x134: {  	[sflag:s24] =	ssyncadd.s32 $0xFFFFD800  }
0x135: {  	_ =	swait.ge [sflag:s31], $0x2800  }
0x136: {  	[sflag:s31] =	ssyncset.done $0x0  }
0x137: {  	[sflag:s31] =	ssyncadd.s32 $0xFFFFD800  }
0x138: {  	[tilespmem:s30], [sflag:$0x1] =	stream.indirect.gather [hbm4b:s2+s28], $0x80, s21, s28, $0xb8;
	[tilespmem:$0x1D800] =	vst v63  }
0x139: {  	_ = 	snop  }
0x13a: {  	[spmem:s3] =	stream.indirect.scatter.add.f32 [tilespmem:s23], [sflag:$0x2], $0x80, s22, s28, $0xb8;
	[tilespmem:$0x1D800] =	vst v63  }
0x13b: {  	_ =	swait.ge [sflag:s24], $0x2800  }
0x13c: {  	[sflag:s24] =	ssyncset.done $0x0  }
0x13d: {  	[sflag:s24] =	ssyncadd.s32 $0xFFFFD800  }
0x13e: {  	_ =	swait.ge [sflag:s31], $0x2800  }
0x13f: {  	[sflag:s31] =	ssyncset.done $0x0  }
0x140: {  	[sflag:s31] =	ssyncadd.s32 $0xFFFFD800  }
0x141: {  	[tilespmem:s23], [sflag:$0x1] =	stream.indirect.gather [hbm4b:s2+s28], $0x80, s6, s28, $0xb8;
	[tilespmem:$0x1D800] =	vst v63  }
0x142: {  	_ = 	snop  }
0x143: {  	[spmem:s3] =	stream.indirect.scatter.add.f32 [tilespmem:s29], [sflag:$0x2], $0x80, s8, s28, $0xb8;
	[tilespmem:$0x1D800] =	vst v63  }
0x144: {  	_ =	swait.ge [sflag:s24], $0x2800  }
0x145: {  	[sflag:s24] =	ssyncset.done $0x0  }
0x146: {  	[sflag:s24] =	ssyncadd.s32 $0xFFFFD800  }
0x147: {  	_ =	swait.ge [sflag:s31], $0x2800  }
0x148: {  	[sflag:s31] =	ssyncset.done $0x0  }
0x149: {  	[sflag:s31] =	ssyncadd.s32 $0xFFFFD800  }
0x14a: {  	[spmem:s3] =	stream.indirect.scatter.add.f32 [tilespmem:s30], [sflag:$0x2], $0x80, s9, s28, $0xb8;
	[tilespmem:$0x1D800] =	vst v63  }
0x14b: {  	_ =	swait.ge [sflag:s24], $0x2800  }
0x14c: {  	[sflag:s24] =	ssyncset.done $0x0  }
0x14d: {  	[sflag:s24] =	ssyncadd.s32 $0xFFFFD800  }
0x14e: {  	_ =	swait.ge [sflag:s31], $0x2800  }
0x14f: {  	[sflag:s31] =	ssyncset.done $0x0  }
0x150: {  	[sflag:s31] =	ssyncadd.s32 $0xFFFFD800  }
0x151: {  	[spmem:s3] =	stream.indirect.scatter.add.f32 [tilespmem:s23], [sflag:$0x2], $0x80, s10, s28, $0xb8;
	[tilespmem:$0x1D800] =	vst v63  }
0x152: {  	s12 =	simm.s32 $0x200;
	_ =	swait.ge [sflag:s31], $0x2800  }
0x153: {  	s13 =	simm.s32 $0x400;
	s14 =	rddreg [dreg:$0x5];
	[sflag:s31] =	ssyncset.done $0x0  }
.LBB2_2:
0x154: {  	[sflag:s31] =	ssyncadd.s32 $0xFFFFD800;
	s14 =	sadd.s32 s12, s14  }
0x155: {  	[tilespmem:s4], [sflag:$0x3] =	stream.linear.gather [hbm4b:s14+s4], $0xC80, $0x38;
	[tilespmem:$0x1D800] =	vst v63  }
0x156: {  	_ =	swait.ge [sflag:s25], $0xC80  }
0x157: {  	s14 =	rddreg [dreg:$0x4];
	[sflag:s25] =	ssyncset.done $0x0  }
0x158: {  	[sflag:s25] =	ssyncadd.s32 $0xFFFFF380;
	s14 =	sadd.s32 s12, s14  }
0x159: {  	[tilespmem:s26], [sflag:$0x3] =	stream.linear.gather [hbm4b:s14+s4], $0xC80, $0x38;
	[tilespmem:$0x1D800] =	vst v63  }
0x15a: {  	_ =	swait.ge [sflag:s25], $0xC80  }
0x15b: {  	[sflag:s25] =	ssyncset.done $0x0  }
0x15c: {  	[sflag:s25] =	ssyncadd.s32 $0xFFFFF380  }
0x15d: {  	[tilespmem:s23], [sflag:$0x1] =	stream.indirect.gather [hbm4b:s2+s28], $0x80, s4, s28, $0xb8;
	[tilespmem:$0x1D800] =	vst v63  }
0x15e: {  	s14 =	rddreg [dreg:$0x6]  }
0x15f: {  	[tilespmem:s29], [sflag:$0x1] =	stream.indirect.gather [hbm4b:s2+s28], $0x80, s14, s28, $0xb8;
	[tilespmem:$0x1D800] =	vst v63  }
0x160: {  	_ =	swait.ge [sflag:s24], $0x2800  }
0x161: {  	[sflag:s24] =	ssyncset.done $0x0  }
0x162: {  	s14 =	rddreg [dreg:$0x7];
	[sflag:s24] =	ssyncadd.s32 $0xFFFFD800  }
0x163: {  	[tilespmem:s30], [sflag:$0x1] =	stream.indirect.gather [hbm4b:s2+s28], $0x80, s14, s28, $0xb8;
	[tilespmem:$0x1D800] =	vst v63  }
0x164: {  	_ = 	snop  }
0x165: {  	[spmem:s3] =	stream.indirect.scatter.add.f32 [tilespmem:s23], [sflag:$0x2], $0x80, s26, s28, $0xb8;
	[tilespmem:$0x1D800] =	vst v63  }
0x166: {  	_ =	swait.ge [sflag:s24], $0x2800  }
0x167: {  	[sflag:s24] =	ssyncset.done $0x0  }
0x168: {  	[sflag:s24] =	ssyncadd.s32 $0xFFFFD800  }
0x169: {  	_ =	swait.ge [sflag:s31], $0x2800  }
0x16a: {  	s11 =	smov.u32 s13;
	[sflag:s31] =	ssyncset.done $0x0  }
0x16b: {  	s12 =	smov.u32 s11;
	s11 =	rddreg [dreg:$0x8];
	[sflag:s31] =	ssyncadd.s32 $0xFFFFD800  }
0x16c: {  	[tilespmem:s23], [sflag:$0x1] =	stream.indirect.gather [hbm4b:s2+s28], $0x80, s11, s28, $0xb8;
	[tilespmem:$0x1D800] =	vst v63  }
0x16d: {  	s14 =	rddreg [dreg:$0x9]  }
0x16e: {  	[spmem:s3] =	stream.indirect.scatter.add.f32 [tilespmem:s29], [sflag:$0x2], $0x80, s14, s28, $0xb8;
	[tilespmem:$0x1D800] =	vst v63  }
0x16f: {  	_ =	swait.ge [sflag:s24], $0x2800  }
0x170: {  	[sflag:s24] =	ssyncset.done $0x0  }
0x171: {  	[sflag:s24] =	ssyncadd.s32 $0xFFFFD800  }
0x172: {  	_ =	swait.ge [sflag:s31], $0x2800  }
0x173: {  	[sflag:s31] =	ssyncset.done $0x0  }
0x174: {  	s11 =	rddreg [dreg:$0xa];
	[sflag:s31] =	ssyncadd.s32 $0xFFFFD800  }
0x175: {  	[tilespmem:s29], [sflag:$0x1] =	stream.indirect.gather [hbm4b:s2+s28], $0x80, s11, s28, $0xb8;
	[tilespmem:$0x1D800] =	vst v63  }
0x176: {  	s14 =	rddreg [dreg:$0xb]  }
0x177: {  	[spmem:s3] =	stream.indirect.scatter.add.f32 [tilespmem:s30], [sflag:$0x2], $0x80, s14, s28, $0xb8;
	[tilespmem:$0x1D800] =	vst v63  }
0x178: {  	_ =	swait.ge [sflag:s24], $0x2800  }
0x179: {  	[sflag:s24] =	ssyncset.done $0x0  }
0x17a: {  	[sflag:s24] =	ssyncadd.s32 $0xFFFFD800  }
0x17b: {  	_ =	swait.ge [sflag:s31], $0x2800  }
0x17c: {  	[sflag:s31] =	ssyncset.done $0x0  }
0x17d: {  	s11 =	rddreg [dreg:$0xc];
	[sflag:s31] =	ssyncadd.s32 $0xFFFFD800  }
0x17e: {  	[tilespmem:s30], [sflag:$0x1] =	stream.indirect.gather [hbm4b:s2+s28], $0x80, s11, s28, $0xb8;
	[tilespmem:$0x1D800] =	vst v63  }
0x17f: {  	s14 =	rddreg [dreg:$0xd]  }
0x180: {  	[spmem:s3] =	stream.indirect.scatter.add.f32 [tilespmem:s23], [sflag:$0x2], $0x80, s14, s28, $0xb8;
	[tilespmem:$0x1D800] =	vst v63  }
0x181: {  	_ =	swait.ge [sflag:s24], $0x2800  }
0x182: {  	[sflag:s24] =	ssyncset.done $0x0  }
0x183: {  	[sflag:s24] =	ssyncadd.s32 $0xFFFFD800  }
0x184: {  	_ =	swait.ge [sflag:s31], $0x2800  }
0x185: {  	[sflag:s31] =	ssyncset.done $0x0  }
0x186: {  	s11 =	rddreg [dreg:$0xe];
	[sflag:s31] =	ssyncadd.s32 $0xFFFFD800  }
0x187: {  	[tilespmem:s23], [sflag:$0x1] =	stream.indirect.gather [hbm4b:s2+s28], $0x80, s11, s28, $0xb8;
	[tilespmem:$0x1D800] =	vst v63  }
0x188: {  	s14 =	rddreg [dreg:$0xf]  }
0x189: {  	[spmem:s3] =	stream.indirect.scatter.add.f32 [tilespmem:s29], [sflag:$0x2], $0x80, s14, s28, $0xb8;
	[tilespmem:$0x1D800] =	vst v63  }
0x18a: {  	_ =	swait.ge [sflag:s24], $0x2800  }
0x18b: {  	[sflag:s24] =	ssyncset.done $0x0  }
0x18c: {  	[sflag:s24] =	ssyncadd.s32 $0xFFFFD800  }
0x18d: {  	_ =	swait.ge [sflag:s31], $0x2800  }
0x18e: {  	[sflag:s31] =	ssyncset.done $0x0  }
0x18f: {  	s11 =	rddreg [dreg:$0x10];
	[sflag:s31] =	ssyncadd.s32 $0xFFFFD800  }
0x190: {  	[tilespmem:s29], [sflag:$0x1] =	stream.indirect.gather [hbm4b:s2+s28], $0x80, s11, s28, $0xb8;
	[tilespmem:$0x1D800] =	vst v63  }
0x191: {  	s14 =	rddreg [dreg:$0x11]  }
0x192: {  	[spmem:s3] =	stream.indirect.scatter.add.f32 [tilespmem:s30], [sflag:$0x2], $0x80, s14, s28, $0xb8;
	[tilespmem:$0x1D800] =	vst v63  }
0x193: {  	_ =	swait.ge [sflag:s24], $0x2800  }
0x194: {  	[sflag:s24] =	ssyncset.done $0x0  }
0x195: {  	[sflag:s24] =	ssyncadd.s32 $0xFFFFD800  }
0x196: {  	_ =	swait.ge [sflag:s31], $0x2800  }
0x197: {  	[sflag:s31] =	ssyncset.done $0x0  }
0x198: {  	s11 =	rddreg [dreg:$0x12];
	[sflag:s31] =	ssyncadd.s32 $0xFFFFD800  }
0x199: {  	[tilespmem:s30], [sflag:$0x1] =	stream.indirect.gather [hbm4b:s2+s28], $0x80, s11, s28, $0xb8;
	[tilespmem:$0x1D800] =	vst v63  }
0x19a: {  	s14 =	rddreg [dreg:$0x13]  }
0x19b: {  	[spmem:s3] =	stream.indirect.scatter.add.f32 [tilespmem:s23], [sflag:$0x2], $0x80, s14, s28, $0xb8;
	[tilespmem:$0x1D800] =	vst v63  }
0x19c: {  	_ =	swait.ge [sflag:s24], $0x2800  }
0x19d: {  	[sflag:s24] =	ssyncset.done $0x0  }
0x19e: {  	[sflag:s24] =	ssyncadd.s32 $0xFFFFD800  }
0x19f: {  	_ =	swait.ge [sflag:s31], $0x2800  }
0x1a0: {  	[sflag:s31] =	ssyncset.done $0x0  }
0x1a1: {  	s11 =	rddreg [dreg:$0x14];
	[sflag:s31] =	ssyncadd.s32 $0xFFFFD800  }
0x1a2: {  	[tilespmem:s23], [sflag:$0x1] =	stream.indirect.gather [hbm4b:s2+s28], $0x80, s11, s28, $0xb8;
	[tilespmem:$0x1D800] =	vst v63  }
0x1a3: {  	s14 =	rddreg [dreg:$0x15]  }
0x1a4: {  	[spmem:s3] =	stream.indirect.scatter.add.f32 [tilespmem:s29], [sflag:$0x2], $0x80, s14, s28, $0xb8;
	[tilespmem:$0x1D800] =	vst v63  }
0x1a5: {  	_ =	swait.ge [sflag:s24], $0x2800  }
0x1a6: {  	[sflag:s24] =	ssyncset.done $0x0  }
0x1a7: {  	[sflag:s24] =	ssyncadd.s32 $0xFFFFD800  }
0x1a8: {  	_ =	swait.ge [sflag:s31], $0x2800  }
0x1a9: {  	[sflag:s31] =	ssyncset.done $0x0  }
0x1aa: {  	s11 =	rddreg [dreg:$0x16];
	[sflag:s31] =	ssyncadd.s32 $0xFFFFD800  }
0x1ab: {  	[tilespmem:s29], [sflag:$0x1] =	stream.indirect.gather [hbm4b:s2+s28], $0x80, s11, s28, $0xb8;
	[tilespmem:$0x1D800] =	vst v63  }
0x1ac: {  	s14 =	rddreg [dreg:$0x17]  }
0x1ad: {  	[spmem:s3] =	stream.indirect.scatter.add.f32 [tilespmem:s30], [sflag:$0x2], $0x80, s14, s28, $0xb8;
	[tilespmem:$0x1D800] =	vst v63  }
0x1ae: {  	_ =	swait.ge [sflag:s24], $0x2800  }
0x1af: {  	[sflag:s24] =	ssyncset.done $0x0  }
0x1b0: {  	[sflag:s24] =	ssyncadd.s32 $0xFFFFD800  }
0x1b1: {  	_ =	swait.ge [sflag:s31], $0x2800  }
0x1b2: {  	[sflag:s31] =	ssyncset.done $0x0  }
0x1b3: {  	s11 =	rddreg [dreg:$0x18];
	[sflag:s31] =	ssyncadd.s32 $0xFFFFD800  }
0x1b4: {  	[tilespmem:s30], [sflag:$0x1] =	stream.indirect.gather [hbm4b:s2+s28], $0x80, s11, s28, $0xb8;
	[tilespmem:$0x1D800] =	vst v63  }
0x1b5: {  	s14 =	rddreg [dreg:$0x19]  }
0x1b6: {  	[spmem:s3] =	stream.indirect.scatter.add.f32 [tilespmem:s23], [sflag:$0x2], $0x80, s14, s28, $0xb8;
	[tilespmem:$0x1D800] =	vst v63  }
0x1b7: {  	_ =	swait.ge [sflag:s24], $0x2800  }
0x1b8: {  	[sflag:s24] =	ssyncset.done $0x0  }
0x1b9: {  	[sflag:s24] =	ssyncadd.s32 $0xFFFFD800  }
0x1ba: {  	_ =	swait.ge [sflag:s31], $0x2800  }
0x1bb: {  	[sflag:s31] =	ssyncset.done $0x0  }
0x1bc: {  	s11 =	rddreg [dreg:$0x1a];
	[sflag:s31] =	ssyncadd.s32 $0xFFFFD800  }
0x1bd: {  	[tilespmem:s23], [sflag:$0x1] =	stream.indirect.gather [hbm4b:s2+s28], $0x80, s11, s28, $0xb8;
	[tilespmem:$0x1D800] =	vst v63  }
0x1be: {  	s14 =	rddreg [dreg:$0x1b]  }
0x1bf: {  	[spmem:s3] =	stream.indirect.scatter.add.f32 [tilespmem:s29], [sflag:$0x2], $0x80, s14, s28, $0xb8;
	[tilespmem:$0x1D800] =	vst v63  }
0x1c0: {  	_ =	swait.ge [sflag:s24], $0x2800  }
0x1c1: {  	[sflag:s24] =	ssyncset.done $0x0  }
0x1c2: {  	[sflag:s24] =	ssyncadd.s32 $0xFFFFD800  }
0x1c3: {  	_ =	swait.ge [sflag:s31], $0x2800  }
0x1c4: {  	[sflag:s31] =	ssyncset.done $0x0  }
0x1c5: {  	s11 =	rddreg [dreg:$0x1c];
	[sflag:s31] =	ssyncadd.s32 $0xFFFFD800  }
0x1c6: {  	[tilespmem:s29], [sflag:$0x1] =	stream.indirect.gather [hbm4b:s2+s28], $0x80, s11, s28, $0xb8;
	[tilespmem:$0x1D800] =	vst v63  }
0x1c7: {  	s14 =	rddreg [dreg:$0x1d]  }
0x1c8: {  	[spmem:s3] =	stream.indirect.scatter.add.f32 [tilespmem:s30], [sflag:$0x2], $0x80, s14, s28, $0xb8;
	[tilespmem:$0x1D800] =	vst v63  }
0x1c9: {  	_ =	swait.ge [sflag:s24], $0x2800  }
0x1ca: {  	[sflag:s24] =	ssyncset.done $0x0  }
0x1cb: {  	[sflag:s24] =	ssyncadd.s32 $0xFFFFD800  }
0x1cc: {  	_ =	swait.ge [sflag:s31], $0x2800  }
0x1cd: {  	[sflag:s31] =	ssyncset.done $0x0  }
0x1ce: {  	s11 =	rddreg [dreg:$0x1e];
	[sflag:s31] =	ssyncadd.s32 $0xFFFFD800  }
0x1cf: {  	[tilespmem:s30], [sflag:$0x1] =	stream.indirect.gather [hbm4b:s2+s28], $0x80, s11, s28, $0xb8;
	[tilespmem:$0x1D800] =	vst v63  }
0x1d0: {  	s14 =	rddreg [dreg:$0x1f]  }
0x1d1: {  	[spmem:s3] =	stream.indirect.scatter.add.f32 [tilespmem:s23], [sflag:$0x2], $0x80, s14, s28, $0xb8;
	[tilespmem:$0x1D800] =	vst v63  }
0x1d2: {  	_ =	swait.ge [sflag:s24], $0x2800  }
0x1d3: {  	[sflag:s24] =	ssyncset.done $0x0  }
0x1d4: {  	[sflag:s24] =	ssyncadd.s32 $0xFFFFD800  }
0x1d5: {  	_ =	swait.ge [sflag:s31], $0x2800  }
0x1d6: {  	s11 =	sld [smem:$0x7F3]  }
0x1d7: {  	[sflag:s31] =	ssyncset.done $0x0  }
0x1d8: {  	s14 =	sld [smem:$0x7F4];
	[sflag:s31] =	ssyncadd.s32 $0xFFFFD800  }
0x1d9: {  	[tilespmem:s23], [sflag:$0x1] =	stream.indirect.gather [hbm4b:s2+s28], $0x80, s11, s28, $0xb8;
	[tilespmem:$0x1D800] =	vst v63  }
0x1da: {  	_ = 	snop  }
0x1db: {  	[spmem:s3] =	stream.indirect.scatter.add.f32 [tilespmem:s29], [sflag:$0x2], $0x80, s14, s28, $0xb8;
	[tilespmem:$0x1D800] =	vst v63  }
0x1dc: {  	_ =	swait.ge [sflag:s24], $0x2800  }
0x1dd: {  	[sflag:s24] =	ssyncset.done $0x0  }
0x1de: {  	[sflag:s24] =	ssyncadd.s32 $0xFFFFD800  }
0x1df: {  	_ =	swait.ge [sflag:s31], $0x2800  }
0x1e0: {  	s11 =	sld [smem:$0x7F6]  }
0x1e1: {  	[sflag:s31] =	ssyncset.done $0x0  }
0x1e2: {  	s14 =	sld [smem:$0x7F7];
	[sflag:s31] =	ssyncadd.s32 $0xFFFFD800  }
0x1e3: {  	[tilespmem:s29], [sflag:$0x1] =	stream.indirect.gather [hbm4b:s2+s28], $0x80, s11, s28, $0xb8;
	[tilespmem:$0x1D800] =	vst v63  }
0x1e4: {  	_ = 	snop  }
0x1e5: {  	[spmem:s3] =	stream.indirect.scatter.add.f32 [tilespmem:s30], [sflag:$0x2], $0x80, s14, s28, $0xb8;
	[tilespmem:$0x1D800] =	vst v63  }
0x1e6: {  	_ =	swait.ge [sflag:s24], $0x2800  }
0x1e7: {  	[sflag:s24] =	ssyncset.done $0x0  }
0x1e8: {  	[sflag:s24] =	ssyncadd.s32 $0xFFFFD800  }
0x1e9: {  	_ =	swait.ge [sflag:s31], $0x2800  }
0x1ea: {  	s11 =	sld [smem:$0x7F8]  }
0x1eb: {  	[sflag:s31] =	ssyncset.done $0x0  }
0x1ec: {  	s14 =	sld [smem:$0x7F9];
	[sflag:s31] =	ssyncadd.s32 $0xFFFFD800  }
0x1ed: {  	[tilespmem:s30], [sflag:$0x1] =	stream.indirect.gather [hbm4b:s2+s28], $0x80, s11, s28, $0xb8;
	[tilespmem:$0x1D800] =	vst v63  }
0x1ee: {  	_ = 	snop  }
0x1ef: {  	[spmem:s3] =	stream.indirect.scatter.add.f32 [tilespmem:s23], [sflag:$0x2], $0x80, s14, s28, $0xb8;
	[tilespmem:$0x1D800] =	vst v63  }
0x1f0: {  	_ =	swait.ge [sflag:s24], $0x2800  }
0x1f1: {  	[sflag:s24] =	ssyncset.done $0x0  }
0x1f2: {  	[sflag:s24] =	ssyncadd.s32 $0xFFFFD800  }
0x1f3: {  	_ =	swait.ge [sflag:s31], $0x2800  }
0x1f4: {  	[sflag:s31] =	ssyncset.done $0x0  }
0x1f5: {  	[sflag:s31] =	ssyncadd.s32 $0xFFFFD800  }
0x1f6: {  	[tilespmem:s23], [sflag:$0x1] =	stream.indirect.gather [hbm4b:s2+s28], $0x80, s1, s28, $0xb8;
	[tilespmem:$0x1D800] =	vst v63  }
0x1f7: {  	_ = 	snop  }
0x1f8: {  	[spmem:s3] =	stream.indirect.scatter.add.f32 [tilespmem:s29], [sflag:$0x2], $0x80, s0, s28, $0xb8;
	[tilespmem:$0x1D800] =	vst v63  }
0x1f9: {  	_ =	swait.ge [sflag:s24], $0x2800  }
0x1fa: {  	[sflag:s24] =	ssyncset.done $0x0  }
0x1fb: {  	[sflag:s24] =	ssyncadd.s32 $0xFFFFD800  }
0x1fc: {  	_ =	swait.ge [sflag:s31], $0x2800  }
0x1fd: {  	[sflag:s31] =	ssyncset.done $0x0  }
0x1fe: {  	[sflag:s31] =	ssyncadd.s32 $0xFFFFD800  }
0x1ff: {  	[tilespmem:s29], [sflag:$0x1] =	stream.indirect.gather [hbm4b:s2+s28], $0x80, s5, s28, $0xb8;
	[tilespmem:$0x1D800] =	vst v63  }
0x200: {  	_ = 	snop  }
0x201: {  	[spmem:s3] =	stream.indirect.scatter.add.f32 [tilespmem:s30], [sflag:$0x2], $0x80, s7, s28, $0xb8;
	[tilespmem:$0x1D800] =	vst v63  }
0x202: {  	_ =	swait.ge [sflag:s24], $0x2800  }
0x203: {  	[sflag:s24] =	ssyncset.done $0x0  }
0x204: {  	[sflag:s24] =	ssyncadd.s32 $0xFFFFD800  }
0x205: {  	_ =	swait.ge [sflag:s31], $0x2800  }
0x206: {  	[sflag:s31] =	ssyncset.done $0x0  }
0x207: {  	[sflag:s31] =	ssyncadd.s32 $0xFFFFD800  }
0x208: {  	[tilespmem:s30], [sflag:$0x1] =	stream.indirect.gather [hbm4b:s2+s28], $0x80, s15, s28, $0xb8;
	[tilespmem:$0x1D800] =	vst v63  }
0x209: {  	_ = 	snop  }
0x20a: {  	[spmem:s3] =	stream.indirect.scatter.add.f32 [tilespmem:s23], [sflag:$0x2], $0x80, s16, s28, $0xb8;
	[tilespmem:$0x1D800] =	vst v63  }
0x20b: {  	_ =	swait.ge [sflag:s24], $0x2800  }
0x20c: {  	[sflag:s24] =	ssyncset.done $0x0  }
0x20d: {  	[sflag:s24] =	ssyncadd.s32 $0xFFFFD800  }
0x20e: {  	_ =	swait.ge [sflag:s31], $0x2800  }
0x20f: {  	[sflag:s31] =	ssyncset.done $0x0  }
0x210: {  	[sflag:s31] =	ssyncadd.s32 $0xFFFFD800  }
0x211: {  	[tilespmem:s23], [sflag:$0x1] =	stream.indirect.gather [hbm4b:s2+s28], $0x80, s17, s28, $0xb8;
	[tilespmem:$0x1D800] =	vst v63  }
0x212: {  	_ = 	snop  }
0x213: {  	[spmem:s3] =	stream.indirect.scatter.add.f32 [tilespmem:s29], [sflag:$0x2], $0x80, s18, s28, $0xb8;
	[tilespmem:$0x1D800] =	vst v63  }
0x214: {  	_ =	swait.ge [sflag:s24], $0x2800  }
0x215: {  	[sflag:s24] =	ssyncset.done $0x0  }
0x216: {  	[sflag:s24] =	ssyncadd.s32 $0xFFFFD800  }
0x217: {  	_ =	swait.ge [sflag:s31], $0x2800  }
0x218: {  	[sflag:s31] =	ssyncset.done $0x0  }
0x219: {  	[sflag:s31] =	ssyncadd.s32 $0xFFFFD800  }
0x21a: {  	[tilespmem:s29], [sflag:$0x1] =	stream.indirect.gather [hbm4b:s2+s28], $0x80, s19, s28, $0xb8;
	[tilespmem:$0x1D800] =	vst v63  }
0x21b: {  	_ = 	snop  }
0x21c: {  	[spmem:s3] =	stream.indirect.scatter.add.f32 [tilespmem:s30], [sflag:$0x2], $0x80, s20, s28, $0xb8;
	[tilespmem:$0x1D800] =	vst v63  }
0x21d: {  	_ =	swait.ge [sflag:s24], $0x2800  }
0x21e: {  	[sflag:s24] =	ssyncset.done $0x0  }
0x21f: {  	[sflag:s24] =	ssyncadd.s32 $0xFFFFD800  }
0x220: {  	_ =	swait.ge [sflag:s31], $0x2800  }
0x221: {  	[sflag:s31] =	ssyncset.done $0x0  }
0x222: {  	[sflag:s31] =	ssyncadd.s32 $0xFFFFD800  }
0x223: {  	[tilespmem:s30], [sflag:$0x1] =	stream.indirect.gather [hbm4b:s2+s28], $0x80, s21, s28, $0xb8;
	[tilespmem:$0x1D800] =	vst v63  }
0x224: {  	_ = 	snop  }
0x225: {  	[spmem:s3] =	stream.indirect.scatter.add.f32 [tilespmem:s23], [sflag:$0x2], $0x80, s22, s28, $0xb8;
	[tilespmem:$0x1D800] =	vst v63  }
0x226: {  	_ =	swait.ge [sflag:s24], $0x2800  }
0x227: {  	[sflag:s24] =	ssyncset.done $0x0  }
0x228: {  	[sflag:s24] =	ssyncadd.s32 $0xFFFFD800  }
0x229: {  	_ =	swait.ge [sflag:s31], $0x2800  }
0x22a: {  	[sflag:s31] =	ssyncset.done $0x0  }
0x22b: {  	[sflag:s31] =	ssyncadd.s32 $0xFFFFD800  }
0x22c: {  	[tilespmem:s23], [sflag:$0x1] =	stream.indirect.gather [hbm4b:s2+s28], $0x80, s6, s28, $0xb8;
	[tilespmem:$0x1D800] =	vst v63  }
0x22d: {  	_ = 	snop  }
0x22e: {  	[spmem:s3] =	stream.indirect.scatter.add.f32 [tilespmem:s29], [sflag:$0x2], $0x80, s8, s28, $0xb8;
	[tilespmem:$0x1D800] =	vst v63  }
0x22f: {  	_ =	swait.ge [sflag:s24], $0x2800  }
0x230: {  	[sflag:s24] =	ssyncset.done $0x0  }
0x231: {  	[sflag:s24] =	ssyncadd.s32 $0xFFFFD800  }
0x232: {  	_ =	swait.ge [sflag:s31], $0x2800  }
0x233: {  	[sflag:s31] =	ssyncset.done $0x0  }
0x234: {  	[sflag:s31] =	ssyncadd.s32 $0xFFFFD800  }
0x235: {  	[spmem:s3] =	stream.indirect.scatter.add.f32 [tilespmem:s30], [sflag:$0x2], $0x80, s9, s28, $0xb8;
	[tilespmem:$0x1D800] =	vst v63  }
0x236: {  	_ =	swait.ge [sflag:s24], $0x2800  }
0x237: {  	[sflag:s24] =	ssyncset.done $0x0  }
0x238: {  	[sflag:s24] =	ssyncadd.s32 $0xFFFFD800  }
0x239: {  	p0 =	sne.s32 s13, $0x800;
	_ =	swait.ge [sflag:s31], $0x2800  }
.Ltmp0:
0x23a: {  	[sflag:s31] =	ssyncset.done $0x0;
	(pc) =	sbr.rel @p0 .LBB2_2-.Ltmp0, $4  }
0x23b: {  	[sflag:s31] =	ssyncadd.s32 $0xFFFFD800  }
0x23c: {  	[spmem:s3] =	stream.indirect.scatter.add.f32 [tilespmem:s23], [sflag:$0x2], $0x80, s10, s28, $0xb8;
	[tilespmem:$0x1D800] =	vst v63  }
0x23d: {  	_ =	swait.ge [sflag:s31], $0x2800  }
0x23e: {  	s13 =	sadd.s32 $0x200, s13;
	s14 =	rddreg [dreg:$0x5];
	[sflag:s31] =	ssyncset.done $0x0  }
0x23f: {  	[sflag:s31] =	ssyncadd.s32 $0xFFFFD800;
	s11 =	sadd.s32 s12, s14  }
0x240: {  	[tilespmem:s4], [sflag:$0x3] =	stream.linear.gather [hbm4b:s11+s4], $0xC80, $0x38;
	[tilespmem:$0x1D800] =	vst v63  }
0x241: {  	_ =	swait.ge [sflag:s25], $0xC80  }
0x242: {  	s13 =	rddreg [dreg:$0x4];
	[sflag:s25] =	ssyncset.done $0x0  }
0x243: {  	[sflag:s25] =	ssyncadd.s32 $0xFFFFF380;
	s11 =	sadd.s32 s12, s13  }
0x244: {  	[tilespmem:s26], [sflag:$0x3] =	stream.linear.gather [hbm4b:s11+s4], $0xC80, $0x38;
	[tilespmem:$0x1D800] =	vst v63  }
0x245: {  	_ =	swait.ge [sflag:s25], $0xC80  }
0x246: {  	[sflag:s25] =	ssyncset.done $0x0  }
0x247: {  	[sflag:s25] =	ssyncadd.s32 $0xFFFFF380  }
0x248: {  	[tilespmem:s23], [sflag:$0x1] =	stream.indirect.gather [hbm4b:s2+s28], $0x80, s4, s28, $0xb8;
	[tilespmem:$0x1D800] =	vst v63  }
0x249: {  	s14 =	rddreg [dreg:$0x6]  }
0x24a: {  	[tilespmem:s29], [sflag:$0x1] =	stream.indirect.gather [hbm4b:s2+s28], $0x80, s14, s28, $0xb8;
	[tilespmem:$0x1D800] =	vst v63  }
0x24b: {  	_ =	swait.ge [sflag:s24], $0x2800  }
0x24c: {  	[sflag:s24] =	ssyncset.done $0x0  }
0x24d: {  	s12 =	rddreg [dreg:$0x7];
	[sflag:s24] =	ssyncadd.s32 $0xFFFFD800  }
0x24e: {  	[tilespmem:s30], [sflag:$0x1] =	stream.indirect.gather [hbm4b:s2+s28], $0x80, s12, s28, $0xb8;
	[tilespmem:$0x1D800] =	vst v63  }
0x24f: {  	_ = 	snop  }
0x250: {  	[spmem:s3] =	stream.indirect.scatter.add.f32 [tilespmem:s23], [sflag:$0x2], $0x80, s26, s28, $0xb8;
	[tilespmem:$0x1D800] =	vst v63  }
0x251: {  	_ =	swait.ge [sflag:s24], $0x2800  }
0x252: {  	[sflag:s24] =	ssyncset.done $0x0  }
0x253: {  	[sflag:s24] =	ssyncadd.s32 $0xFFFFD800  }
0x254: {  	_ =	swait.ge [sflag:s31], $0x2800  }
0x255: {  	[sflag:s31] =	ssyncset.done $0x0  }
0x256: {  	s13 =	rddreg [dreg:$0x8];
	[sflag:s31] =	ssyncadd.s32 $0xFFFFD800  }
0x257: {  	[tilespmem:s23], [sflag:$0x1] =	stream.indirect.gather [hbm4b:s2+s28], $0x80, s13, s28, $0xb8;
	[tilespmem:$0x1D800] =	vst v63  }
0x258: {  	s14 =	rddreg [dreg:$0x9]  }
0x259: {  	[spmem:s3] =	stream.indirect.scatter.add.f32 [tilespmem:s29], [sflag:$0x2], $0x80, s14, s28, $0xb8;
	[tilespmem:$0x1D800] =	vst v63  }
0x25a: {  	_ =	swait.ge [sflag:s24], $0x2800  }
0x25b: {  	[sflag:s24] =	ssyncset.done $0x0  }
0x25c: {  	[sflag:s24] =	ssyncadd.s32 $0xFFFFD800  }
0x25d: {  	_ =	swait.ge [sflag:s31], $0x2800  }
0x25e: {  	[sflag:s31] =	ssyncset.done $0x0  }
0x25f: {  	s13 =	rddreg [dreg:$0xa];
	[sflag:s31] =	ssyncadd.s32 $0xFFFFD800  }
0x260: {  	[tilespmem:s29], [sflag:$0x1] =	stream.indirect.gather [hbm4b:s2+s28], $0x80, s13, s28, $0xb8;
	[tilespmem:$0x1D800] =	vst v63  }
0x261: {  	s14 =	rddreg [dreg:$0xb]  }
0x262: {  	[spmem:s3] =	stream.indirect.scatter.add.f32 [tilespmem:s30], [sflag:$0x2], $0x80, s14, s28, $0xb8;
	[tilespmem:$0x1D800] =	vst v63  }
0x263: {  	_ =	swait.ge [sflag:s24], $0x2800  }
0x264: {  	[sflag:s24] =	ssyncset.done $0x0  }
0x265: {  	[sflag:s24] =	ssyncadd.s32 $0xFFFFD800  }
0x266: {  	_ =	swait.ge [sflag:s31], $0x2800  }
0x267: {  	[sflag:s31] =	ssyncset.done $0x0  }
0x268: {  	s13 =	rddreg [dreg:$0xc];
	[sflag:s31] =	ssyncadd.s32 $0xFFFFD800  }
0x269: {  	[tilespmem:s30], [sflag:$0x1] =	stream.indirect.gather [hbm4b:s2+s28], $0x80, s13, s28, $0xb8;
	[tilespmem:$0x1D800] =	vst v63  }
0x26a: {  	s14 =	rddreg [dreg:$0xd]  }
0x26b: {  	[spmem:s3] =	stream.indirect.scatter.add.f32 [tilespmem:s23], [sflag:$0x2], $0x80, s14, s28, $0xb8;
	[tilespmem:$0x1D800] =	vst v63  }
0x26c: {  	_ =	swait.ge [sflag:s24], $0x2800  }
0x26d: {  	[sflag:s24] =	ssyncset.done $0x0  }
0x26e: {  	[sflag:s24] =	ssyncadd.s32 $0xFFFFD800  }
0x26f: {  	_ =	swait.ge [sflag:s31], $0x2800  }
0x270: {  	[sflag:s31] =	ssyncset.done $0x0  }
0x271: {  	s13 =	rddreg [dreg:$0xe];
	[sflag:s31] =	ssyncadd.s32 $0xFFFFD800  }
0x272: {  	[tilespmem:s23], [sflag:$0x1] =	stream.indirect.gather [hbm4b:s2+s28], $0x80, s13, s28, $0xb8;
	[tilespmem:$0x1D800] =	vst v63  }
0x273: {  	s14 =	rddreg [dreg:$0xf]  }
0x274: {  	[spmem:s3] =	stream.indirect.scatter.add.f32 [tilespmem:s29], [sflag:$0x2], $0x80, s14, s28, $0xb8;
	[tilespmem:$0x1D800] =	vst v63  }
0x275: {  	_ =	swait.ge [sflag:s24], $0x2800  }
0x276: {  	[sflag:s24] =	ssyncset.done $0x0  }
0x277: {  	[sflag:s24] =	ssyncadd.s32 $0xFFFFD800  }
0x278: {  	_ =	swait.ge [sflag:s31], $0x2800  }
0x279: {  	[sflag:s31] =	ssyncset.done $0x0  }
0x27a: {  	s13 =	rddreg [dreg:$0x10];
	[sflag:s31] =	ssyncadd.s32 $0xFFFFD800  }
0x27b: {  	[tilespmem:s29], [sflag:$0x1] =	stream.indirect.gather [hbm4b:s2+s28], $0x80, s13, s28, $0xb8;
	[tilespmem:$0x1D800] =	vst v63  }
0x27c: {  	s14 =	rddreg [dreg:$0x11]  }
0x27d: {  	[spmem:s3] =	stream.indirect.scatter.add.f32 [tilespmem:s30], [sflag:$0x2], $0x80, s14, s28, $0xb8;
	[tilespmem:$0x1D800] =	vst v63  }
0x27e: {  	_ =	swait.ge [sflag:s24], $0x2800  }
0x27f: {  	[sflag:s24] =	ssyncset.done $0x0  }
0x280: {  	[sflag:s24] =	ssyncadd.s32 $0xFFFFD800  }
0x281: {  	_ =	swait.ge [sflag:s31], $0x2800  }
0x282: {  	[sflag:s31] =	ssyncset.done $0x0  }
0x283: {  	s13 =	rddreg [dreg:$0x12];
	[sflag:s31] =	ssyncadd.s32 $0xFFFFD800  }
0x284: {  	[tilespmem:s30], [sflag:$0x1] =	stream.indirect.gather [hbm4b:s2+s28], $0x80, s13, s28, $0xb8;
	[tilespmem:$0x1D800] =	vst v63  }
0x285: {  	s14 =	rddreg [dreg:$0x13]  }
0x286: {  	[spmem:s3] =	stream.indirect.scatter.add.f32 [tilespmem:s23], [sflag:$0x2], $0x80, s14, s28, $0xb8;
	[tilespmem:$0x1D800] =	vst v63  }
0x287: {  	_ =	swait.ge [sflag:s24], $0x2800  }
0x288: {  	[sflag:s24] =	ssyncset.done $0x0  }
0x289: {  	[sflag:s24] =	ssyncadd.s32 $0xFFFFD800  }
0x28a: {  	_ =	swait.ge [sflag:s31], $0x2800  }
0x28b: {  	[sflag:s31] =	ssyncset.done $0x0  }
0x28c: {  	s13 =	rddreg [dreg:$0x14];
	[sflag:s31] =	ssyncadd.s32 $0xFFFFD800  }
0x28d: {  	[tilespmem:s23], [sflag:$0x1] =	stream.indirect.gather [hbm4b:s2+s28], $0x80, s13, s28, $0xb8;
	[tilespmem:$0x1D800] =	vst v63  }
0x28e: {  	s14 =	rddreg [dreg:$0x15]  }
0x28f: {  	[spmem:s3] =	stream.indirect.scatter.add.f32 [tilespmem:s29], [sflag:$0x2], $0x80, s14, s28, $0xb8;
	[tilespmem:$0x1D800] =	vst v63  }
0x290: {  	_ =	swait.ge [sflag:s24], $0x2800  }
0x291: {  	[sflag:s24] =	ssyncset.done $0x0  }
0x292: {  	[sflag:s24] =	ssyncadd.s32 $0xFFFFD800  }
0x293: {  	_ =	swait.ge [sflag:s31], $0x2800  }
0x294: {  	[sflag:s31] =	ssyncset.done $0x0  }
0x295: {  	s13 =	rddreg [dreg:$0x16];
	[sflag:s31] =	ssyncadd.s32 $0xFFFFD800  }
0x296: {  	[tilespmem:s29], [sflag:$0x1] =	stream.indirect.gather [hbm4b:s2+s28], $0x80, s13, s28, $0xb8;
	[tilespmem:$0x1D800] =	vst v63  }
0x297: {  	s14 =	rddreg [dreg:$0x17]  }
0x298: {  	[spmem:s3] =	stream.indirect.scatter.add.f32 [tilespmem:s30], [sflag:$0x2], $0x80, s14, s28, $0xb8;
	[tilespmem:$0x1D800] =	vst v63  }
0x299: {  	_ =	swait.ge [sflag:s24], $0x2800  }
0x29a: {  	[sflag:s24] =	ssyncset.done $0x0  }
0x29b: {  	[sflag:s24] =	ssyncadd.s32 $0xFFFFD800  }
0x29c: {  	_ =	swait.ge [sflag:s31], $0x2800  }
0x29d: {  	[sflag:s31] =	ssyncset.done $0x0  }
0x29e: {  	s13 =	rddreg [dreg:$0x18];
	[sflag:s31] =	ssyncadd.s32 $0xFFFFD800  }
0x29f: {  	[tilespmem:s30], [sflag:$0x1] =	stream.indirect.gather [hbm4b:s2+s28], $0x80, s13, s28, $0xb8;
	[tilespmem:$0x1D800] =	vst v63  }
0x2a0: {  	s14 =	rddreg [dreg:$0x19]  }
0x2a1: {  	[spmem:s3] =	stream.indirect.scatter.add.f32 [tilespmem:s23], [sflag:$0x2], $0x80, s14, s28, $0xb8;
	[tilespmem:$0x1D800] =	vst v63  }
0x2a2: {  	_ =	swait.ge [sflag:s24], $0x2800  }
0x2a3: {  	[sflag:s24] =	ssyncset.done $0x0  }
0x2a4: {  	[sflag:s24] =	ssyncadd.s32 $0xFFFFD800  }
0x2a5: {  	_ =	swait.ge [sflag:s31], $0x2800  }
0x2a6: {  	[sflag:s31] =	ssyncset.done $0x0  }
0x2a7: {  	s13 =	rddreg [dreg:$0x1a];
	[sflag:s31] =	ssyncadd.s32 $0xFFFFD800  }
0x2a8: {  	[tilespmem:s23], [sflag:$0x1] =	stream.indirect.gather [hbm4b:s2+s28], $0x80, s13, s28, $0xb8;
	[tilespmem:$0x1D800] =	vst v63  }
0x2a9: {  	s14 =	rddreg [dreg:$0x1b]  }
0x2aa: {  	[spmem:s3] =	stream.indirect.scatter.add.f32 [tilespmem:s29], [sflag:$0x2], $0x80, s14, s28, $0xb8;
	[tilespmem:$0x1D800] =	vst v63  }
0x2ab: {  	_ =	swait.ge [sflag:s24], $0x2800  }
0x2ac: {  	[sflag:s24] =	ssyncset.done $0x0  }
0x2ad: {  	[sflag:s24] =	ssyncadd.s32 $0xFFFFD800  }
0x2ae: {  	_ =	swait.ge [sflag:s31], $0x2800  }
0x2af: {  	[sflag:s31] =	ssyncset.done $0x0  }
0x2b0: {  	s13 =	rddreg [dreg:$0x1c];
	[sflag:s31] =	ssyncadd.s32 $0xFFFFD800  }
0x2b1: {  	[tilespmem:s29], [sflag:$0x1] =	stream.indirect.gather [hbm4b:s2+s28], $0x80, s13, s28, $0xb8;
	[tilespmem:$0x1D800] =	vst v63  }
0x2b2: {  	s14 =	rddreg [dreg:$0x1d]  }
0x2b3: {  	[spmem:s3] =	stream.indirect.scatter.add.f32 [tilespmem:s30], [sflag:$0x2], $0x80, s14, s28, $0xb8;
	[tilespmem:$0x1D800] =	vst v63  }
0x2b4: {  	_ =	swait.ge [sflag:s24], $0x2800  }
0x2b5: {  	[sflag:s24] =	ssyncset.done $0x0  }
0x2b6: {  	[sflag:s24] =	ssyncadd.s32 $0xFFFFD800  }
0x2b7: {  	_ =	swait.ge [sflag:s31], $0x2800  }
0x2b8: {  	[sflag:s31] =	ssyncset.done $0x0  }
0x2b9: {  	s13 =	rddreg [dreg:$0x1e];
	[sflag:s31] =	ssyncadd.s32 $0xFFFFD800  }
0x2ba: {  	[tilespmem:s30], [sflag:$0x1] =	stream.indirect.gather [hbm4b:s2+s28], $0x80, s13, s28, $0xb8;
	[tilespmem:$0x1D800] =	vst v63  }
0x2bb: {  	s14 =	rddreg [dreg:$0x1f]  }
0x2bc: {  	[spmem:s3] =	stream.indirect.scatter.add.f32 [tilespmem:s23], [sflag:$0x2], $0x80, s14, s28, $0xb8;
	[tilespmem:$0x1D800] =	vst v63  }
0x2bd: {  	_ =	swait.ge [sflag:s24], $0x2800  }
0x2be: {  	[sflag:s24] =	ssyncset.done $0x0  }
0x2bf: {  	[sflag:s24] =	ssyncadd.s32 $0xFFFFD800  }
0x2c0: {  	_ =	swait.ge [sflag:s31], $0x2800  }
0x2c1: {  	s13 =	sld [smem:$0x7F3]  }
0x2c2: {  	[sflag:s31] =	ssyncset.done $0x0  }
0x2c3: {  	s14 =	sld [smem:$0x7F4];
	[sflag:s31] =	ssyncadd.s32 $0xFFFFD800  }
0x2c4: {  	[tilespmem:s23], [sflag:$0x1] =	stream.indirect.gather [hbm4b:s2+s28], $0x80, s13, s28, $0xb8;
	[tilespmem:$0x1D800] =	vst v63  }
0x2c5: {  	_ = 	snop  }
0x2c6: {  	[spmem:s3] =	stream.indirect.scatter.add.f32 [tilespmem:s29], [sflag:$0x2], $0x80, s14, s28, $0xb8;
	[tilespmem:$0x1D800] =	vst v63  }
0x2c7: {  	_ =	swait.ge [sflag:s24], $0x2800  }
0x2c8: {  	[sflag:s24] =	ssyncset.done $0x0  }
0x2c9: {  	[sflag:s24] =	ssyncadd.s32 $0xFFFFD800  }
0x2ca: {  	_ =	swait.ge [sflag:s31], $0x2800  }
0x2cb: {  	s13 =	sld [smem:$0x7F6]  }
0x2cc: {  	[sflag:s31] =	ssyncset.done $0x0  }
0x2cd: {  	s14 =	sld [smem:$0x7F7];
	[sflag:s31] =	ssyncadd.s32 $0xFFFFD800  }
0x2ce: {  	[tilespmem:s29], [sflag:$0x1] =	stream.indirect.gather [hbm4b:s2+s28], $0x80, s13, s28, $0xb8;
	[tilespmem:$0x1D800] =	vst v63  }
0x2cf: {  	_ = 	snop  }
0x2d0: {  	[spmem:s3] =	stream.indirect.scatter.add.f32 [tilespmem:s30], [sflag:$0x2], $0x80, s14, s28, $0xb8;
	[tilespmem:$0x1D800] =	vst v63  }
0x2d1: {  	_ =	swait.ge [sflag:s24], $0x2800  }
0x2d2: {  	[sflag:s24] =	ssyncset.done $0x0  }
0x2d3: {  	[sflag:s24] =	ssyncadd.s32 $0xFFFFD800  }
0x2d4: {  	_ =	swait.ge [sflag:s31], $0x2800  }
0x2d5: {  	s13 =	sld [smem:$0x7F8]  }
0x2d6: {  	[sflag:s31] =	ssyncset.done $0x0  }
0x2d7: {  	s14 =	sld [smem:$0x7F9];
	[sflag:s31] =	ssyncadd.s32 $0xFFFFD800  }
0x2d8: {  	[tilespmem:s30], [sflag:$0x1] =	stream.indirect.gather [hbm4b:s2+s28], $0x80, s13, s28, $0xb8;
	[tilespmem:$0x1D800] =	vst v63  }
0x2d9: {  	_ = 	snop  }
0x2da: {  	[spmem:s3] =	stream.indirect.scatter.add.f32 [tilespmem:s23], [sflag:$0x2], $0x80, s14, s28, $0xb8;
	[tilespmem:$0x1D800] =	vst v63  }
0x2db: {  	_ =	swait.ge [sflag:s24], $0x2800  }
0x2dc: {  	[sflag:s24] =	ssyncset.done $0x0  }
0x2dd: {  	[sflag:s24] =	ssyncadd.s32 $0xFFFFD800  }
0x2de: {  	_ =	swait.ge [sflag:s31], $0x2800  }
0x2df: {  	[sflag:s31] =	ssyncset.done $0x0  }
0x2e0: {  	[sflag:s31] =	ssyncadd.s32 $0xFFFFD800  }
0x2e1: {  	[tilespmem:s23], [sflag:$0x1] =	stream.indirect.gather [hbm4b:s2+s28], $0x80, s1, s28, $0xb8;
	[tilespmem:$0x1D800] =	vst v63  }
0x2e2: {  	_ = 	snop  }
0x2e3: {  	[spmem:s3] =	stream.indirect.scatter.add.f32 [tilespmem:s29], [sflag:$0x2], $0x80, s0, s28, $0xb8;
	[tilespmem:$0x1D800] =	vst v63  }
0x2e4: {  	_ =	swait.ge [sflag:s24], $0x2800  }
0x2e5: {  	[sflag:s24] =	ssyncset.done $0x0  }
0x2e6: {  	[sflag:s24] =	ssyncadd.s32 $0xFFFFD800  }
0x2e7: {  	_ =	swait.ge [sflag:s31], $0x2800  }
0x2e8: {  	[sflag:s31] =	ssyncset.done $0x0  }
0x2e9: {  	[sflag:s31] =	ssyncadd.s32 $0xFFFFD800  }
0x2ea: {  	[tilespmem:s29], [sflag:$0x1] =	stream.indirect.gather [hbm4b:s2+s28], $0x80, s5, s28, $0xb8;
	[tilespmem:$0x1D800] =	vst v63  }
0x2eb: {  	_ = 	snop  }
0x2ec: {  	[spmem:s3] =	stream.indirect.scatter.add.f32 [tilespmem:s30], [sflag:$0x2], $0x80, s7, s28, $0xb8;
	[tilespmem:$0x1D800] =	vst v63  }
0x2ed: {  	_ =	swait.ge [sflag:s24], $0x2800  }
0x2ee: {  	[sflag:s24] =	ssyncset.done $0x0  }
0x2ef: {  	[sflag:s24] =	ssyncadd.s32 $0xFFFFD800  }
0x2f0: {  	_ =	swait.ge [sflag:s31], $0x2800  }
0x2f1: {  	[sflag:s31] =	ssyncset.done $0x0  }
0x2f2: {  	[sflag:s31] =	ssyncadd.s32 $0xFFFFD800  }
0x2f3: {  	[tilespmem:s30], [sflag:$0x1] =	stream.indirect.gather [hbm4b:s2+s28], $0x80, s15, s28, $0xb8;
	[tilespmem:$0x1D800] =	vst v63  }
0x2f4: {  	_ = 	snop  }
0x2f5: {  	[spmem:s3] =	stream.indirect.scatter.add.f32 [tilespmem:s23], [sflag:$0x2], $0x80, s16, s28, $0xb8;
	[tilespmem:$0x1D800] =	vst v63  }
0x2f6: {  	_ =	swait.ge [sflag:s24], $0x2800  }
0x2f7: {  	[sflag:s24] =	ssyncset.done $0x0  }
0x2f8: {  	[sflag:s24] =	ssyncadd.s32 $0xFFFFD800  }
0x2f9: {  	_ =	swait.ge [sflag:s31], $0x2800  }
0x2fa: {  	[sflag:s31] =	ssyncset.done $0x0  }
0x2fb: {  	[sflag:s31] =	ssyncadd.s32 $0xFFFFD800  }
0x2fc: {  	[tilespmem:s23], [sflag:$0x1] =	stream.indirect.gather [hbm4b:s2+s28], $0x80, s17, s28, $0xb8;
	[tilespmem:$0x1D800] =	vst v63  }
0x2fd: {  	_ = 	snop  }
0x2fe: {  	[spmem:s3] =	stream.indirect.scatter.add.f32 [tilespmem:s29], [sflag:$0x2], $0x80, s18, s28, $0xb8;
	[tilespmem:$0x1D800] =	vst v63  }
0x2ff: {  	_ =	swait.ge [sflag:s24], $0x2800  }
0x300: {  	[sflag:s24] =	ssyncset.done $0x0  }
0x301: {  	[sflag:s24] =	ssyncadd.s32 $0xFFFFD800  }
0x302: {  	_ =	swait.ge [sflag:s31], $0x2800  }
0x303: {  	[sflag:s31] =	ssyncset.done $0x0  }
0x304: {  	[sflag:s31] =	ssyncadd.s32 $0xFFFFD800  }
0x305: {  	[tilespmem:s29], [sflag:$0x1] =	stream.indirect.gather [hbm4b:s2+s28], $0x80, s19, s28, $0xb8;
	[tilespmem:$0x1D800] =	vst v63  }
0x306: {  	_ = 	snop  }
0x307: {  	[spmem:s3] =	stream.indirect.scatter.add.f32 [tilespmem:s30], [sflag:$0x2], $0x80, s20, s28, $0xb8;
	[tilespmem:$0x1D800] =	vst v63  }
0x308: {  	_ =	swait.ge [sflag:s24], $0x2800  }
0x309: {  	[sflag:s24] =	ssyncset.done $0x0  }
0x30a: {  	[sflag:s24] =	ssyncadd.s32 $0xFFFFD800  }
0x30b: {  	_ =	swait.ge [sflag:s31], $0x2800  }
0x30c: {  	[sflag:s31] =	ssyncset.done $0x0  }
0x30d: {  	[sflag:s31] =	ssyncadd.s32 $0xFFFFD800  }
0x30e: {  	[tilespmem:s30], [sflag:$0x1] =	stream.indirect.gather [hbm4b:s2+s28], $0x80, s21, s28, $0xb8;
	[tilespmem:$0x1D800] =	vst v63  }
0x30f: {  	_ = 	snop  }
0x310: {  	[spmem:s3] =	stream.indirect.scatter.add.f32 [tilespmem:s23], [sflag:$0x2], $0x80, s22, s28, $0xb8;
	[tilespmem:$0x1D800] =	vst v63  }
0x311: {  	_ =	swait.ge [sflag:s24], $0x2800  }
0x312: {  	[sflag:s24] =	ssyncset.done $0x0  }
0x313: {  	[sflag:s24] =	ssyncadd.s32 $0xFFFFD800  }
0x314: {  	_ =	swait.ge [sflag:s31], $0x2800  }
0x315: {  	[sflag:s31] =	ssyncset.done $0x0  }
0x316: {  	[sflag:s31] =	ssyncadd.s32 $0xFFFFD800  }
0x317: {  	[tilespmem:s23], [sflag:$0x1] =	stream.indirect.gather [hbm4b:s2+s28], $0x80, s6, s28, $0xb8;
	[tilespmem:$0x1D800] =	vst v63  }
0x318: {  	_ = 	snop  }
0x319: {  	[spmem:s3] =	stream.indirect.scatter.add.f32 [tilespmem:s29], [sflag:$0x2], $0x80, s8, s28, $0xb8;
	[tilespmem:$0x1D800] =	vst v63  }
0x31a: {  	_ =	swait.ge [sflag:s24], $0x2800  }
0x31b: {  	[sflag:s24] =	ssyncset.done $0x0  }
0x31c: {  	[sflag:s24] =	ssyncadd.s32 $0xFFFFD800  }
0x31d: {  	_ =	swait.ge [sflag:s31], $0x2800  }
0x31e: {  	[sflag:s31] =	ssyncset.done $0x0  }
0x31f: {  	[sflag:s31] =	ssyncadd.s32 $0xFFFFD800  }
0x320: {  	[spmem:s3] =	stream.indirect.scatter.add.f32 [tilespmem:s30], [sflag:$0x2], $0x80, s9, s28, $0xb8;
	[tilespmem:$0x1D800] =	vst v63  }
0x321: {  	_ =	swait.ge [sflag:s24], $0x2800  }
0x322: {  	[sflag:s24] =	ssyncset.done $0x0  }
0x323: {  	[sflag:s24] =	ssyncadd.s32 $0xFFFFD800  }
0x324: {  	_ =	swait.ge [sflag:s31], $0x2800  }
0x325: {  	[sflag:s31] =	ssyncset.done $0x0  }
0x326: {  	[sflag:s31] =	ssyncadd.s32 $0xFFFFD800  }
0x327: {  	[spmem:s3] =	stream.indirect.scatter.add.f32 [tilespmem:s23], [sflag:$0x2], $0x80, s10, s28, $0xb8;
	[tilespmem:$0x1D800] =	vst v63  }
0x328: {  	_ =	swait.ge [sflag:s31], $0x2800  }
0x329: {  	[sflag:s31] =	ssyncset.done $0x0  }
0x32a: {  	[sflag:s31] =	ssyncadd.s32 $0xFFFFD800  }
0x32b: {  	[bflag:$0x0] =	sbarrier.arrive $0xFFFF  }
0x32c: {  	s13 =	sld [smem:$0x7E6];
	_ =	sdelay $0x2  }
0x32d: {  	[tilespmem:s23], [sflag:$0x1] =	stream.linear.gather [spmem:s13], $0x2800, $0x38;
	[tilespmem:$0x1D800] =	vst v63  }
0x32e: {  	_ =	swait.ge [sflag:s24], $0x2800  }
0x32f: {  	s14 =	sld [smem:$0x7EC]  }
0x330: {  	[sflag:s24] =	ssyncset.done $0x0  }
0x331: {  	[sflag:s24] =	ssyncadd.s32 $0xFFFFD800  }
0x332: {  	[hbm4b:s14+s4] =	stream.linear.scatter [tilespmem:s23], [sflag:$0x1], $0x2800, $0x38;
	[tilespmem:$0x1D800] =	vst v63  }
0x333: {  	_ =	swait.ge [sflag:s24], $0x2800  }
0x334: {  	s12 =	sld [smem:$0x7FB]  }
0x335: {  	[sflag:s24] =	ssyncset.done $0x0  }
0x336: {  	[sflag:s24] =	ssyncadd.s32 $0xFFFFD800  }
0x337: {  	[tilespmem:s23], [sflag:$0x1] =	stream.linear.gather [spmem:s12], $0x2800, $0x38;
	[tilespmem:$0x1D800] =	vst v63  }
0x338: {  	_ =	swait.ge [sflag:s24], $0x2800  }
0x339: {  	s13 =	sld [smem:$0x7ED]  }
0x33a: {  	[sflag:s24] =	ssyncset.done $0x0  }
0x33b: {  	[sflag:s24] =	ssyncadd.s32 $0xFFFFD800  }
0x33c: {  	[hbm4b:s13+s4] =	stream.linear.scatter [tilespmem:s23], [sflag:$0x1], $0x2800, $0x38;
	[tilespmem:$0x1D800] =	vst v63  }
0x33d: {  	_ =	swait.ge [sflag:s24], $0x2800  }
0x33e: {  	s12 =	sld [smem:$0x7FC]  }
0x33f: {  	[sflag:s24] =	ssyncset.done $0x0  }
0x340: {  	[sflag:s24] =	ssyncadd.s32 $0xFFFFD800  }
0x341: {  	[tilespmem:s23], [sflag:$0x1] =	stream.linear.gather [spmem:s12], $0x2800, $0x38;
	[tilespmem:$0x1D800] =	vst v63  }
0x342: {  	_ =	swait.ge [sflag:s24], $0x2800  }
0x343: {  	s14 =	sld [smem:$0x7EE]  }
0x344: {  	[sflag:s24] =	ssyncset.done $0x0  }
0x345: {  	[sflag:s24] =	ssyncadd.s32 $0xFFFFD800  }
0x346: {  	[hbm4b:s14+s4] =	stream.linear.scatter [tilespmem:s23], [sflag:$0x1], $0x2800, $0x38;
	[tilespmem:$0x1D800] =	vst v63  }
0x347: {  	_ =	swait.ge [sflag:s24], $0x2800  }
0x348: {  	s13 =	sld [smem:$0x7E8]  }
0x349: {  	[sflag:s24] =	ssyncset.done $0x0  }
0x34a: {  	[sflag:s24] =	ssyncadd.s32 $0xFFFFD800  }
0x34b: {  	[tilespmem:s23], [sflag:$0x1] =	stream.linear.gather [spmem:s13], $0x2800, $0x38;
	[tilespmem:$0x1D800] =	vst v63  }
0x34c: {  	_ =	swait.ge [sflag:s24], $0x2800  }
0x34d: {  	s14 =	sld [smem:$0x7EF]  }
0x34e: {  	[sflag:s24] =	ssyncset.done $0x0  }
0x34f: {  	[sflag:s24] =	ssyncadd.s32 $0xFFFFD800  }
0x350: {  	[hbm4b:s14+s4] =	stream.linear.scatter [tilespmem:s23], [sflag:$0x1], $0x2800, $0x38;
	[tilespmem:$0x1D800] =	vst v63  }
0x351: {  	_ =	swait.ge [sflag:s24], $0x2800  }
0x352: {  	s13 =	sld [smem:$0x7E9]  }
0x353: {  	[sflag:s24] =	ssyncset.done $0x0  }
0x354: {  	[sflag:s24] =	ssyncadd.s32 $0xFFFFD800  }
0x355: {  	[tilespmem:s23], [sflag:$0x1] =	stream.linear.gather [spmem:s13], $0x2800, $0x38;
	[tilespmem:$0x1D800] =	vst v63  }
0x356: {  	_ =	swait.ge [sflag:s24], $0x2800  }
0x357: {  	s14 =	sld [smem:$0x7F0]  }
0x358: {  	[sflag:s24] =	ssyncset.done $0x0  }
0x359: {  	[sflag:s24] =	ssyncadd.s32 $0xFFFFD800  }
0x35a: {  	[hbm4b:s14+s4] =	stream.linear.scatter [tilespmem:s23], [sflag:$0x1], $0x2800, $0x38;
	[tilespmem:$0x1D800] =	vst v63  }
0x35b: {  	_ =	swait.ge [sflag:s24], $0x2800  }
0x35c: {  	s13 =	sld [smem:$0x7EA]  }
0x35d: {  	[sflag:s24] =	ssyncset.done $0x0  }
0x35e: {  	[sflag:s24] =	ssyncadd.s32 $0xFFFFD800  }
0x35f: {  	[tilespmem:s23], [sflag:$0x1] =	stream.linear.gather [spmem:s13], $0x2800, $0x38;
	[tilespmem:$0x1D800] =	vst v63  }
0x360: {  	_ =	swait.ge [sflag:s24], $0x2800  }
0x361: {  	s14 =	sld [smem:$0x7F1]  }
0x362: {  	[sflag:s24] =	ssyncset.done $0x0  }
0x363: {  	[sflag:s24] =	ssyncadd.s32 $0xFFFFD800  }
0x364: {  	[hbm4b:s14+s4] =	stream.linear.scatter [tilespmem:s23], [sflag:$0x1], $0x2800, $0x38;
	[tilespmem:$0x1D800] =	vst v63  }
0x365: {  	_ =	swait.ge [sflag:s24], $0x2800  }
0x366: {  	s13 =	sld [smem:$0x7EB]  }
0x367: {  	[sflag:s24] =	ssyncset.done $0x0  }
0x368: {  	[sflag:s24] =	ssyncadd.s32 $0xFFFFD800  }
0x369: {  	[tilespmem:s23], [sflag:$0x1] =	stream.linear.gather [spmem:s13], $0x2800, $0x38;
	[tilespmem:$0x1D800] =	vst v63  }
0x36a: {  	_ =	swait.ge [sflag:s24], $0x2800  }
0x36b: {  	s14 =	sld [smem:$0x7F2]  }
0x36c: {  	[sflag:s24] =	ssyncset.done $0x0  }
0x36d: {  	[sflag:s24] =	ssyncadd.s32 $0xFFFFD800  }
0x36e: {  	[hbm4b:s14+s4] =	stream.linear.scatter [tilespmem:s23], [sflag:$0x1], $0x2800, $0x38;
	[tilespmem:$0x1D800] =	vst v63  }
0x36f: {  	_ =	swait.ge [sflag:s24], $0x2800  }
0x370: {  	s14 =	sld [smem:$0x7FD]  }
0x371: {  	[sflag:s24] =	ssyncset.done $0x0  }
0x372: {  	[sflag:s24] =	ssyncadd.s32 $0xFFFFD800  }
0x373: {  	[tilespmem:s23], [sflag:$0x1] =	stream.linear.gather [spmem:s14], $0x2800, $0x38;
	[tilespmem:$0x1D800] =	vst v63  }
0x374: {  	_ =	swait.ge [sflag:s24], $0x2800  }
0x375: {  	s13 =	sld [smem:$0x7F5]  }
0x376: {  	[sflag:s24] =	ssyncset.done $0x0  }
0x377: {  	[sflag:s24] =	ssyncadd.s32 $0xFFFFD800  }
0x378: {  	[hbm4b:s13+s4] =	stream.linear.scatter [tilespmem:s23], [sflag:$0x1], $0x2800, $0x38;
	[tilespmem:$0x1D800] =	vst v63  }
0x379: {  	_ =	swait.ge [sflag:s24], $0x2800  }
0x37a: {  	s13 =	sld [smem:$0x7FA]  }
0x37b: {  	s11 =	sld [smem:$0x7E7];
	_ =	sdelay $0x1  }
0x37c: {  	s13 =	sadd.s32 $0x1, s13  }
0x37d: {  	p0 =	sne.s32 s13, s11  }
.Ltmp1:
0x37e: {  	_ = 	snop;
	(pc) =	sbr.rel @p0 .LBB2_1-.Ltmp1, $3  }
0x37f: {  	_ =	sdelay $0x1  }
0x380: {  	[sflag:s24] =	ssyncset.done $0x0;
	[smem:$0x7FA] =	sst s13  }
0x381: {  	[sflag:s24] =	ssyncadd.s32 $0xFFFFD800;
	s13 =	smov.u32 s12;
	s12 =	sld [smem:$0x7FB]  }
0x382: {  	_ =	sfence.sel $0x180000  }
0x383: {  	[bflag:$0x0] =	sbarrier.arrive $0xFFFF  }
0x384: {  	_ =	strace $0x9000004D  }
0x385: {  	s0 =	stileid.u32;
	[bflag:$0x2] =	sbarrier.arrive $0xFFFF  }
0x386: {  	p0 =	sne.s32 s0, $0x0;
	s0 =	rddreg [dreg:$0x3]  }
0x387: {  	s0 =	sadd.s32 @!p0 $0x100000, s0  }
0x388: {  	[sflag:s0] =	ssyncadd.tile.s32 @!p0 $0x1;
	_ =	shalt  }
.Lfunc_end2:
_tile_overlayer_lowered:
.L_overlay_start_2:
0x389: {  	(tag) =	ssettag $0x2  }
0x38a: {  	s0 =	rddreg [dreg:$0x0];
	s2 =	stileid.u32  }
0x38b: {  	s1 =	rddreg [dreg:$0x1];
	p0 =	sne.s32 s2, $0x0  }
0x38c: {  	s3 =	rddreg [dreg:$0x2];
	[bflag:$0x3] =	sbarrier.arrive $0xFFFF;
	s2 =	simm.s32 @!p0 $0x1C01  }
0x38d: {  	[timem:s3], [sflag:s2] =	dma.local @!p0 [hbm:s0], s1  }
0x38e: {  	s0 =	simm.s32 @!p0 $0x1  }
0x38f: {  	_ =	swait.ge @!p0 [sflag:s0], s1  }
0x390: {  	s1 =	ssub.s32 @!p0 $0x0, s1;
	[sflag:s0] =	ssyncset.done @!p0 $0x0  }
0x391: {  	[sflag:s0] =	ssyncadd.s32 @!p0 s1  }
0x392: {  	[bflag:$0x3] =	sbarrier.arrive $0xFFFF  }
0x393: {  	_ =	shalt  }

// kernel: kernel.7.cloned.1.call-start
scs
__scs_entry_jumppad:
0x0: {  	(pc) =	sbr.rel $0x88, $3  }
0x1: {  	(tag) =	ssettag $0x0;
	lr =	simm.s32 $0x1  }
0x2: {  	[smem:$0x3F9B] =	sst lr;
	_ =	strace $0xD0000000  }
0x3: {  	_ = 	snop  }
0x4: {  	_ = 	snop  }
0x5: {  	_ = 	snop  }
0x6: {  	_ = 	snop  }
0x7: {  	_ = 	snop  }
__scs_overlays_trampoline_lowered:
0x8: {  	[smem:$0x3FAA] =	sst s0  }
0x9: {  	[smem:$0x3FAB] =	sst s1  }
0xa: {  	[smem:$0x3FAC] =	sst s2  }
0xb: {  	[smem:$0x3FAD] =	sst s3  }
0xc: {  	[smem:$0x3FAE] =	sst s4  }
0xd: {  	[smem:$0x3FAF] =	sst s5  }
0xe: {  	[smem:$0x3FB0] =	sst s6  }
0xf: {  	[smem:$0x3FB1] =	sst s7  }
0x10: {  	[smem:$0x3FB2] =	sst s8  }
0x11: {  	[smem:$0x3FB3] =	sst s9;
	s0 =	simm.s32 @!p0 $0x0  }
0x12: {  	s1 =	sld [smem:$0x3F99];
	s0 =	simm.s32 @p0 $0x1  }
0x13: {  	[smem:$0x3FB4] =	sst s0;
	s0 =	simm.s32 @!p1 $0x0  }
0x14: {  	s2 =	sld [smem:$0x3F98];
	s0 =	simm.s32 @p1 $0x1  }
0x15: {  	[smem:$0x3FB5] =	sst s0;
	s0 =	simm.s32 @!p2 $0x0  }
0x16: {  	s3 =	sld [smem:$0x3FDB];
	s0 =	simm.s32 @p2 $0x1  }
0x17: {  	s4 =	simm.s32 $0x1BF5;
	[smem:$0x3FB7] =	sst s0  }
0x18: {  	s0 =	sld [smem:$0x3F9A];
	_ =	swait.ge [sflag:s4], $0x0  }
0x19: {  	s7 =	sld [smem:$0x3F9B]  }
0x1a: {  	s8 =	sadd.s32 $0xFFFFE003, lr  }
0x1b: {  	s9 =	sadd.s32 $0xFFFFFEF7, lr;
	s5 =	simm.s32 $0xFFFFFFFF;
	p2 =	slt.u32 s8, $0xFFFFF086  }
0x1c: {  	p1 =	slt.u32 s9, $0xF7A;
	s5 =	simm.s32 @!p2 $0x0  }
0x1d: {  	s5 =	simm.s32 @p1 $0x1;
	p0 =	seq.s32 s7, s2  }
0x1e: {  	s7 =	smul.u32 @!p0 $0xF7A, s2;
	p2 =	seq.s32 @!p0 s5, $0x0  }
0x1f: {  	s9 =	smul.u32 $0xF7A, s1;
	s8 =	simm.s32 @!p0 $0x1BF5;
	p2 =	por !p2, p0  }
0x20: {  	[sflag:s8] =	ssyncset.s32 @!p0 $0xFFFFF086;
	s6 =	sadd.s32 @!p0 s3, s7;
	s7 =	simm.s32 @!p0 $0x108  }
0x21: {  	s3 =	sadd.s32 s3, s9;
	s6 =	sadd.s32 @!p0 $0x88, s6;
	s7 =	simm.s32 @p2 $0x1082  }
0x22: {  	[simem:s7], [sflag:s8] =	dma.local @!p0 [hbm:s6], $0xF7A  }
0x23: {  	s9 =	sor.u32 $0xD0000000, s2;
	s6 =	simm.s32 $0x108;
	_ =	swait.ge @!p0 [sflag:s8], $0x0  }
0x24: {  	s3 =	sadd.s32 $0x88, s3;
	s6 =	simm.s32 @!p1 $0x1082;
	[sflag:s4] =	ssyncset.s32 $0xFFFFF086  }
0x25: {  	[simem:s6], [sflag:s4] =	dma.local [hbm:s3], $0xF7A  }
0x26: {  	[smem:$0x3F9B] =	sst s1;
	(tag) =	ssettag s2;
	_ =	strace s9  }
0x27: {  	s1 =	sld [smem:$0x3FAB]  }
0x28: {  	s2 =	sld [smem:$0x3FAC]  }
0x29: {  	s4 =	sld [smem:$0x3FAE]  }
0x2a: {  	p0 =	seq.s32 s5, $0x0;
	s5 =	sld [smem:$0x3FAF]  }
0x2b: {  	s6 =	sld [smem:$0x3FB0]  }
0x2c: {  	s7 =	sld [smem:$0x3FB1]  }
0x2d: {  	s3 =	simm.s32 $0x108;
	s8 =	sld [smem:$0x3FB2]  }
0x2e: {  	s3 =	simm.s32 @!p0 $0x1082;
	s9 =	sld [smem:$0x3FB3]  }
0x2f: {  	lr =	sadd.s32 s0, s3;
	s0 =	sld [smem:$0x3FAA]  }
0x30: {  	s3 =	sld [smem:$0x3FAD]  }
0x31: {  	[smem:$0x3FB6] =	sst s10  }
0x32: {  	s10 =	sld [smem:$0x3FB4];
	_ =	sdelay $0x3  }
0x33: {  	p0 =	seq.s32 s10, $0x1;
	s10 =	sld [smem:$0x3FB6];
	_ =	sdelay $0x3  }
0x34: {  	[smem:$0x3FB6] =	sst s10  }
0x35: {  	s10 =	sld [smem:$0x3FB5];
	_ =	sdelay $0x3  }
0x36: {  	p1 =	seq.s32 s10, $0x1;
	s10 =	sld [smem:$0x3FB6];
	_ =	sdelay $0x3  }
0x37: {  	[smem:$0x3FB6] =	sst s10  }
0x38: {  	s10 =	sld [smem:$0x3FB7]  }
0x39: {  	_ = 	snop;
	(pc) =	sbr.ind lr, $3  }
0x3a: {  	_ = 	snop  }
0x3b: {  	_ = 	snop  }
0x3c: {  	p2 =	seq.s32 s10, $0x1;
	s10 =	sld [smem:$0x3FB6]  }
0x3d: {  	_ =	shalt  }
0x3e: {  	_ =	shalt  }
0x3f: {  	_ =	shalt  }
0x40: {  	_ =	shalt  }
0x41: {  	_ =	shalt  }
0x42: {  	_ =	shalt  }
0x43: {  	_ =	shalt  }
0x44: {  	_ =	shalt  }
0x45: {  	_ =	shalt  }
0x46: {  	_ =	shalt  }
0x47: {  	_ =	shalt  }
0x48: {  	_ =	shalt  }
0x49: {  	_ =	shalt  }
0x4a: {  	_ =	shalt  }
0x4b: {  	_ =	shalt  }
0x4c: {  	_ =	shalt  }
0x4d: {  	_ =	shalt  }
0x4e: {  	_ =	shalt  }
0x4f: {  	_ =	shalt  }
0x50: {  	_ =	shalt  }
0x51: {  	_ =	shalt  }
0x52: {  	_ =	shalt  }
0x53: {  	_ =	shalt  }
0x54: {  	_ =	shalt  }
0x55: {  	_ =	shalt  }
0x56: {  	_ =	shalt  }
0x57: {  	_ =	shalt  }
0x58: {  	_ =	shalt  }
0x59: {  	_ =	shalt  }
0x5a: {  	_ =	shalt  }
0x5b: {  	_ =	shalt  }
0x5c: {  	_ =	shalt  }
0x5d: {  	_ =	shalt  }
0x5e: {  	_ =	shalt  }
0x5f: {  	_ =	shalt  }
0x60: {  	_ =	shalt  }
0x61: {  	_ =	shalt  }
0x62: {  	_ =	shalt  }
0x63: {  	_ =	shalt  }
0x64: {  	_ =	shalt  }
0x65: {  	_ =	shalt  }
0x66: {  	_ =	shalt  }
0x67: {  	_ =	shalt  }
0x68: {  	_ =	shalt  }
0x69: {  	_ =	shalt  }
0x6a: {  	_ =	shalt  }
0x6b: {  	_ =	shalt  }
0x6c: {  	_ =	shalt  }
0x6d: {  	_ =	shalt  }
0x6e: {  	_ =	shalt  }
0x6f: {  	_ =	shalt  }
0x70: {  	_ =	shalt  }
0x71: {  	_ =	shalt  }
0x72: {  	_ =	shalt  }
0x73: {  	_ =	shalt  }
0x74: {  	_ =	shalt  }
0x75: {  	_ =	shalt  }
0x76: {  	_ =	shalt  }
0x77: {  	_ =	shalt  }
0x78: {  	_ =	shalt  }
0x79: {  	_ =	shalt  }
0x7a: {  	_ =	shalt  }
0x7b: {  	_ =	shalt  }
0x7c: {  	_ =	shalt  }
0x7d: {  	_ =	shalt  }
0x7e: {  	_ =	shalt  }
0x7f: {  	_ =	shalt  }
0x80: {  	_ =	shalt  }
0x81: {  	_ =	shalt  }
0x82: {  	_ =	shalt  }
0x83: {  	_ =	shalt  }
0x84: {  	_ =	shalt  }
0x85: {  	_ =	shalt  }
0x86: {  	_ =	shalt  }
0x87: {  	_ =	shalt  }
.Lfunc_end0:
.L_simem_size_0:
called_computation_lowered:
.L_overlay_start_0:
0x88: {  	s2 =	sld [smem:$0x3FD9]  }
0x89: {  	s3 =	sld [smem:$0x3FFE];
	_ =	sdelay $0x1  }
0x8a: {  	s1 =	srdreg.scid  }
0x8b: {  	s0 =	sand.u32 $0x1, s1  }
0x8c: {  	s17 =	sshll.u32 s0, $0xA;
	s2 =	sadd.s32 s3, s2  }
0x8d: {  	s2 =	sadd.s32 s2, s17  }
0x8e: {  	[smem:$0x3FC2] =	sst s2  }
0x8f: {  	_ = 	snop  }
0x90: {  	s18 =	sld [smem:$0x3FD0];
	(tm) =	ssettm $0x1  }
0x91: {  	s19 =	sld [smem:$0x3FFB];
	_ =	sdelay $0x3  }
0x92: {  	_ =	strace s19  }
0x93: {  	s2 =	sld [smem:$0x3FFC];
	_ =	sdelay $0x3  }
0x94: {  	_ =	strace s2  }
0x95: {  	s2 =	sld [smem:$0x3FFD];
	_ =	sdelay $0x3  }
0x96: {  	_ =	strace s2  }
0x97: {  	_ =	strace $0x8FFFFFFF  }
0x98: {  	s20 =	sld [smem:$0x3FDB];
	_ =	sdelay $0x1  }
0x99: {  	s4 =	simm.s32 $_scs_section_size  }
0x9a: {  	s5 =	simm.s32 $_size__tile_overlayer_lowered;
	s6 =	simm.s32 $_tile_overlayer_lowered  }
0x9b: {  	s7 =	simm.s32 $0x1BFF;
	s21 =	sshll.u32 s6, $0x1;
	s4 =	sadd.s32 s4, s20  }
0x9c: {  	s22 =	simm.s32 $0x0;
	s5 =	sshll.u32 s5, $0x1;
	s6 =	sadd.s32 s21, s4  }
0x9d: {  	[timem:s22], [sflag:s7] =	dma.local [hbm:s6], s5  }
0x9e: {  	_ =	swait.ge [sflag:s7], s5  }
0x9f: {  	s5 =	ssub.s32 $0x0, s5;
	[sflag:s7] =	ssyncset.done $0x0  }
0xa0: {  	[sflag:s7] =	ssyncadd.s32 s5;
	_ =	sdelay $0x1  }
0xa1: {  	s23 =	simm.s32 $0x1B8B  }
0xa2: {  	_ =	swait.ge [sflag:s23], $0x1  }
0xa3: {  	[sflag:s23] =	ssyncset.done $0x0  }
0xa4: {  	[sflag:s23] =	ssyncadd.s32 $0xFFFFFFFF  }
0xa5: {  	s5 =	sld [smem:$0x0]  }
0xa6: {  	s6 =	sand.u32 $0xFFFFFFFE, s1  }
0xa7: {  	p0 =	sne.s32 s1, s6  }
0xa8: {  	s6 =	sshll.u32 @p0 s6, $0xE  }
0xa9: {  	s6 =	sadd.s32 @p0 $0x11B8D, s6;
	s7 =	sshll.u32 @p0 s5, $0x11  }
0xaa: {  	s6 =	sor.u32 @p0 s7, s6  }
0xab: {  	[sflag:s6] =	ssyncadd.remote.s32 @p0 $0x1;
	_ =	sdelay $0x1  }
0xac: {  	s6 =	simm.s32 @p0 $0x1B8D  }
0xad: {  	_ =	swait.eq @p0 [sflag:s6], $0x1  }
0xae: {  	[sflag:s6] =	ssyncadd.s32 @p0 $0xFFFFFFFF  }
0xaf: {  	s7 =	sshll.u32 @!p0 s1, $0xE  }
0xb0: {  	s7 =	sor.u32 @!p0 $0x4000, s7;
	s6 =	simm.s32 @!p0 $0x1B8D  }
0xb1: {  	s5 =	sshll.u32 @!p0 s5, $0x11;
	s7 =	sadd.s32 @!p0 $0x11B8D, s7;
	_ =	swait.eq @!p0 [sflag:s6], $0x1  }
0xb2: {  	s5 =	sor.u32 @!p0 s5, s7;
	[sflag:s6] =	ssyncadd.s32 @!p0 $0xFFFFFFFF  }
0xb3: {  	s25 =	simm.s32 $0x1B8E;
	s24 =	sld [smem:$0x3FFE];
	[sflag:s5] =	ssyncadd.remote.s32 @!p0 $0x1  }
0xb4: {  	s26 =	simm.s32 $execute0_lowered;
	[smem:$0x3FD2] =	sst s25  }
0xb5: {  	s6 =	sshll.u32 s26, $0x1;
	_ =	strace $0x80000049;
	[dreg:$0x1] =	wrdreg $0xFFFFFFFF  }
0xb6: {  	s28 =	simm.s32 $_size_execute0_lowered;
	s4 =	sadd.s32 s4, s6;
	[dreg:$0x0] =	wrdreg $0x0  }
0xb7: {  	s6 =	sshll.u32 s28, $0x1;
	[dreg:$0x2] =	wrdreg s4  }
0xb8: {  	[dreg:$0x3] =	wrdreg s6  }
0xb9: {  	[dreg:$0x4] =	wrdreg $0xC0  }
0xba: {  	_ =	task [dreg:s22], $0x5FFFF  }
0xbb: {  	[dreg:$0x1] =	wrdreg $0xFFFFFFFF  }
0xbc: {  	[dreg:$0x0] =	wrdreg $0x60  }
0xbd: {  	[dreg:$0x2] =	wrdreg s18  }
0xbe: {  	[dreg:$0x3] =	wrdreg s24  }
0xbf: {  	[dreg:$0x4] =	wrdreg $0x38000  }
0xc0: {  	[dreg:$0x5] =	wrdreg $0x9  }
0xc1: {  	_ =	task.clear_ibuf [dreg:s22], $0x6FFFF;
	_ =	strace $0x90000049  }
0xc2: {  	s29 =	simm.s32 $0x9;
	_ =	strace $0x8000004B  }
0xc3: {  	_ =	swait.ge [sflag:s29], $0x1  }
0xc4: {  	[sflag:s29] =	ssyncadd.s32 $0xFFFFFFFF  }
0xc5: {  	_ =	strace $0x9000004B  }
0xc6: {  	_ =	sfence  }
0xc7: {  	s30 =	sld [smem:$0x0];
	_ =	sdelay $0x2  }
0xc8: {  	s31 =	sshll.u32 s1, $0xD;
	s1 =	sshrl.u32 s1, $0x2  }
0xc9: {  	s4 =	sand.u32 $0x4000, s31;
	s1 =	sadd.s32 s1, s30  }
0xca: {  	s0 =	sor.u32 s4, s0;
	s1 =	sshll.u32 s1, $0x11  }
0xcb: {  	s0 =	sor.u32 s1, s0  }
0xcc: {  	s0 =	sadd.s32 $0x8F2B, s0  }
0xcd: {  	[sflag:s0] =	ssyncadd.remote.s32 $0x1  }
0xce: {  	_ =	sfence.sel $0xFFFF  }
0xcf: {  	[dreg:$0x0] =	wrdreg $0xFFFFFFFF;
	(pc) =	sbr.abs _section_cstart, $3  }
0xd0: {  	[dreg:$0x1] =	wrdreg $0xFFFFFFFF  }
0xd1: {  	_ =	task.clear_ibuf [dreg:s22], $0x2FFFF;
	_ =	strace $0x9FFFFFFF  }
0xd2: {  	(tm) =	ssettm $0x7FFFFFFF  }
0xd3: {  	_ =	shalt  }
tec
execute0_lowered:
.L_overlay_start_1:
0x0: {  	(tag) =	ssettag $0x1  }
0x1: {  	s0 =	srdreg.scid;
	s2 =	rddreg [dreg:$0x1]  }
0x2: {  	s8 =	stileid.u32;
	s3 =	rddreg [dreg:$0x2];
	s4 =	simm.s32 $0x0  }
0x3: {  	s29 =	simm.s32 $0x200;
	s30 =	simm.s32 $0x280;
	s1 =	smul.u32 $0xA000, s8  }
0x4: {  	s31 =	simm.s32 $0x300;
	s0 =	sand.u32 $0x1, s0;
	s18 =	smul.u32 $0x50000, s8  }
0x5: {  	[smem:$0x7FF] =	sst s4;
	s6 =	sadd.s32 $0x29C00, s2;
	s8 =	smul.u32 $0x14000, s8  }
0x6: {  	s5 =	smul.u32 $0x5000, s0;
	_ =	strace $0x8000004A;
	s19 =	ssub.s32 $0x2, s0  }
0x7: {  	[dreg:$0x7] =	wrdreg s6;
	s0 =	smul.u32 $0x140000, s0;
	s7 =	sshrl.u32 s19, $0x1  }
0x8: {  	s21 =	sor.u32 $0x2800, s8;
	s22 =	sadd.s32 $0x5000, s8;
	s25 =	sadd.s32 $0x7800, s8  }
0x9: {  	s26 =	sadd.s32 $0xA000, s8;
	s10 =	sadd.s32 $0xC800, s8;
	s15 =	sadd.s32 $0xF000, s8  }
0xa: {  	s12 =	sadd.s32 $0x11800, s8;
	s1 =	sadd.s32 s5, s1;
	s5 =	sshrl.u32 s18, $0x2  }
0xb: {  	s6 =	ssub.s32 s19, s7;
	s23 =	sadd.s32 s21, s3;
	s24 =	sadd.s32 s22, s3  }
0xc: {  	s9 =	sadd.s32 s25, s3;
	s11 =	sadd.s32 s26, s3;
	s14 =	sadd.s32 s10, s3  }
0xd: {  	s13 =	sadd.s32 s15, s3;
	s8 =	sadd.s32 s0, s8;
	[dreg:$0xa] =	wrdreg s23  }
0xe: {  	s17 =	sadd.s32 s0, s25;
	s19 =	sadd.s32 s0, s26;
	[dreg:$0xb] =	wrdreg s24  }
0xf: {  	s25 =	simm.s32 $0x80;
	s26 =	simm.s32 $0x100;
	[dreg:$0xc] =	wrdreg s9  }
0x10: {  	s7 =	simm.s32 $0x580;
	s1 =	sshrl.u32 s1, $0x3;
	[dreg:$0xd] =	wrdreg s11  }
0x11: {  	s28 =	sadd.s32 s5, s3;
	s20 =	smax.u32 s6, $0x1;
	[dreg:$0xe] =	wrdreg s14  }
0x12: {  	s14 =	sadd.s32 s12, s3;
	s8 =	sshrl.u32 s8, $0x3;
	s5 =	sadd.s32 s0, s21  }
0x13: {  	s6 =	sadd.s32 s0, s22;
	s18 =	sshrl.u32 s17, $0x3;
	s21 =	sadd.s32 s0, s10  }
0x14: {  	s23 =	sadd.s32 s0, s15;
	s0 =	sadd.s32 s0, s12;
	[dreg:$0x5] =	wrdreg s25  }
0x15: {  	[dreg:$0x6] =	wrdreg s26;
	s25 =	simm.s32 $0x2;
	s26 =	simm.s32 $0x50  }
0x16: {  	s15 =	simm.s32 $0x600;
	s17 =	simm.s32 $0x700;
	s9 =	simm.s32 $0xB00  }
0x17: {  	s10 =	simm.s32 $0xB80;
	s11 =	simm.s32 $0xC00;
	s12 =	simm.s32 $0x0  }
0x18: {  	[dreg:$0xf] =	wrdreg s13;
	s1 =	sadd.s32 s1, s2;
	s2 =	sadd.s32 $0x7A200, s2  }
0x19: {  	[dreg:$0x9] =	wrdreg s20;
	s5 =	sshrl.u32 s5, $0x3;
	s16 =	sshrl.u32 s6, $0x3  }
0x1a: {  	s20 =	sshrl.u32 s19, $0x3;
	s22 =	sshrl.u32 s21, $0x3;
	[dreg:$0x19] =	wrdreg s12  }
0x1b: {  	s24 =	sshrl.u32 s23, $0x3;
	s0 =	sshrl.u32 s0, $0x3;
	[dreg:$0x8] =	wrdreg s28  }
0x1c: {  	s23 =	simm.s32 $0x1000;
	[dreg:$0x10] =	wrdreg s14;
	s8 =	sadd.s32 s2, s8  }
0x1d: {  	s19 =	simm.s32 $0x800;
	s5 =	sadd.s32 s2, s5;
	[dreg:$0x11] =	wrdreg s8  }
0x1e: {  	s21 =	simm.s32 $0x900;
	s0 =	sadd.s32 s2, s0;
	[dreg:$0x12] =	wrdreg s5  }
0x1f: {  	s6 =	simm.s32 $0xA00;
	s1 =	sadd.s32 $0x1C00, s1;
	[dreg:$0x18] =	wrdreg s0  }
0x20: {  	s5 =	sadd.s32 s2, s16;
	[dreg:$0x4] =	wrdreg s1;
	s1 =	simm.s32 $0x380  }
0x21: {  	s0 =	simm.s32 $0x400;
	s16 =	simm.s32 $0x680;
	s8 =	simm.s32 $0xA80  }
0x22: {  	[dreg:$0x13] =	wrdreg s5;
	s5 =	sadd.s32 s2, s18;
	s18 =	simm.s32 $0x780  }
0x23: {  	[dreg:$0x14] =	wrdreg s5;
	s5 =	sadd.s32 s2, s20;
	s20 =	simm.s32 $0x880  }
0x24: {  	[dreg:$0x15] =	wrdreg s5;
	s5 =	sadd.s32 s2, s22;
	s22 =	simm.s32 $0x980  }
0x25: {  	[dreg:$0x16] =	wrdreg s5;
	s5 =	sadd.s32 s2, s24;
	s24 =	simm.s32 $0x1  }
0x26: {  	s2 =	simm.s32 $0x480;
	[dreg:$0x17] =	wrdreg s5;
	s5 =	simm.s32 $0x500  }
.LBB2_1:
0x27: {  	s12 =	rddreg [dreg:$0x7]  }
0x28: {  	[tilespmem:s23], [sflag:$0x1] =	stream.linear.gather [hbm4b:s12+s4], $0x2800, $0x38;
	[tilespmem:$0x17800] =	vst v63  }
0x29: {  	_ =	swait.ge [sflag:s24], $0x2800  }
0x2a: {  	[sflag:s24] =	ssyncset.done $0x0  }
0x2b: {  	[sflag:s24] =	ssyncadd.s32 $0xFFFFD800  }
0x2c: {  	[spmem:s28] =	stream.linear.scatter [tilespmem:s23], [sflag:$0x1], $0x2800, $0x38;
	[tilespmem:$0x17800] =	vst v63  }
0x2d: {  	_ =	swait.ge [sflag:s24], $0x2800  }
0x2e: {  	[sflag:s24] =	ssyncset.done $0x0  }
0x2f: {  	s28 =	rddreg [dreg:$0xa];
	[sflag:s24] =	ssyncadd.s32 $0xFFFFD800  }
0x30: {  	[spmem:s28] =	stream.linear.scatter [tilespmem:s23], [sflag:$0x1], $0x2800, $0x38;
	[tilespmem:$0x17800] =	vst v63  }
0x31: {  	_ =	swait.ge [sflag:s24], $0x2800  }
0x32: {  	[sflag:s24] =	ssyncset.done $0x0  }
0x33: {  	s28 =	rddreg [dreg:$0xb];
	[sflag:s24] =	ssyncadd.s32 $0xFFFFD800  }
0x34: {  	[spmem:s28] =	stream.linear.scatter [tilespmem:s23], [sflag:$0x1], $0x2800, $0x38;
	[tilespmem:$0x17800] =	vst v63  }
0x35: {  	_ =	swait.ge [sflag:s24], $0x2800  }
0x36: {  	[sflag:s24] =	ssyncset.done $0x0  }
0x37: {  	s28 =	rddreg [dreg:$0xc];
	[sflag:s24] =	ssyncadd.s32 $0xFFFFD800  }
0x38: {  	[spmem:s28] =	stream.linear.scatter [tilespmem:s23], [sflag:$0x1], $0x2800, $0x38;
	[tilespmem:$0x17800] =	vst v63  }
0x39: {  	_ =	swait.ge [sflag:s24], $0x2800  }
0x3a: {  	[sflag:s24] =	ssyncset.done $0x0  }
0x3b: {  	s28 =	rddreg [dreg:$0xd];
	[sflag:s24] =	ssyncadd.s32 $0xFFFFD800  }
0x3c: {  	[spmem:s28] =	stream.linear.scatter [tilespmem:s23], [sflag:$0x1], $0x2800, $0x38;
	[tilespmem:$0x17800] =	vst v63  }
0x3d: {  	_ =	swait.ge [sflag:s24], $0x2800  }
0x3e: {  	[sflag:s24] =	ssyncset.done $0x0  }
0x3f: {  	s28 =	rddreg [dreg:$0xe];
	[sflag:s24] =	ssyncadd.s32 $0xFFFFD800  }
0x40: {  	[spmem:s28] =	stream.linear.scatter [tilespmem:s23], [sflag:$0x1], $0x2800, $0x38;
	[tilespmem:$0x17800] =	vst v63  }
0x41: {  	_ =	swait.ge [sflag:s24], $0x2800  }
0x42: {  	[sflag:s24] =	ssyncset.done $0x0  }
0x43: {  	[sflag:s24] =	ssyncadd.s32 $0xFFFFD800  }
0x44: {  	[spmem:s13] =	stream.linear.scatter [tilespmem:s23], [sflag:$0x1], $0x2800, $0x38;
	[tilespmem:$0x17800] =	vst v63  }
0x45: {  	_ =	swait.ge [sflag:s24], $0x2800  }
0x46: {  	[sflag:s24] =	ssyncset.done $0x0  }
0x47: {  	[sflag:s24] =	ssyncadd.s32 $0xFFFFD800  }
0x48: {  	[spmem:s14] =	stream.linear.scatter [tilespmem:s23], [sflag:$0x1], $0x2800, $0x38;
	[tilespmem:$0x17800] =	vst v63  }
0x49: {  	_ =	swait.ge [sflag:s24], $0x2800  }
0x4a: {  	[sflag:s24] =	ssyncset.done $0x0  }
0x4b: {  	[sflag:s24] =	ssyncadd.s32 $0xFFFFD800  }
0x4c: {  	s14 =	rddreg [dreg:$0x0]  }
0x4d: {  	[tilespmem:s23], [sflag:$0x1] =	stream.linear.gather [hbm4b:s14+s4], $0x2800, $0x38;
	[tilespmem:$0x17800] =	vst v63  }
0x4e: {  	_ =	swait.ge [sflag:s24], $0x2800  }
0x4f: {  	[sflag:s24] =	ssyncset.done $0x0  }
0x50: {  	[sflag:s24] =	ssyncadd.s32 $0xFFFFD800  }
0x51: {  	[bflag:$0x0] =	sbarrier.arrive $0xFFFF  }
0x52: {  	s28 =	rddreg [dreg:$0x4]  }
0x53: {  	s12 =	sadd.s32 $0x0, s28  }
0x54: {  	[tilespmem:s4], [sflag:$0x2] =	stream.linear.gather [hbm4b:s12+s4], $0xC80, $0x38;
	[tilespmem:$0x17800] =	vst v63  }
0x55: {  	_ =	swait.ge [sflag:s25], $0xC80  }
0x56: {  	[sflag:s25] =	ssyncset.done $0x0  }
0x57: {  	[sflag:s25] =	ssyncadd.s32 $0xFFFFF380  }
0x58: {  	[spmem:s3] =	stream.indirect.scatter.add.f32 [tilespmem:s23], [sflag:$0x1], $0x80, s4, s26, $0xb8;
	[tilespmem:$0x17800] =	vst v63  }
0x59: {  	s13 =	rddreg [dreg:$0x5]  }
0x5a: {  	[spmem:s3] =	stream.indirect.scatter.add.f32 [tilespmem:s23], [sflag:$0x1], $0x80, s13, s26, $0xb8;
	[tilespmem:$0x17800] =	vst v63  }
0x5b: {  	s14 =	rddreg [dreg:$0x6]  }
0x5c: {  	[spmem:s3] =	stream.indirect.scatter.add.f32 [tilespmem:s23], [sflag:$0x1], $0x80, s14, s26, $0xb8;
	[tilespmem:$0x17800] =	vst v63  }
0x5d: {  	s28 =	simm.s32 $0x180  }
0x5e: {  	[spmem:s3] =	stream.indirect.scatter.add.f32 [tilespmem:s23], [sflag:$0x1], $0x80, s28, s26, $0xb8;
	[tilespmem:$0x17800] =	vst v63  }
0x5f: {  	_ = 	snop  }
0x60: {  	[spmem:s3] =	stream.indirect.scatter.add.f32 [tilespmem:s23], [sflag:$0x1], $0x80, s29, s26, $0xb8;
	[tilespmem:$0x17800] =	vst v63  }
0x61: {  	_ = 	snop  }
0x62: {  	[spmem:s3] =	stream.indirect.scatter.add.f32 [tilespmem:s23], [sflag:$0x1], $0x80, s30, s26, $0xb8;
	[tilespmem:$0x17800] =	vst v63  }
0x63: {  	_ = 	snop  }
0x64: {  	[spmem:s3] =	stream.indirect.scatter.add.f32 [tilespmem:s23], [sflag:$0x1], $0x80, s31, s26, $0xb8;
	[tilespmem:$0x17800] =	vst v63  }
0x65: {  	_ = 	snop  }
0x66: {  	[spmem:s3] =	stream.indirect.scatter.add.f32 [tilespmem:s23], [sflag:$0x1], $0x80, s1, s26, $0xb8;
	[tilespmem:$0x17800] =	vst v63  }
0x67: {  	_ = 	snop  }
0x68: {  	[spmem:s3] =	stream.indirect.scatter.add.f32 [tilespmem:s23], [sflag:$0x1], $0x80, s0, s26, $0xb8;
	[tilespmem:$0x17800] =	vst v63  }
0x69: {  	_ = 	snop  }
0x6a: {  	[spmem:s3] =	stream.indirect.scatter.add.f32 [tilespmem:s23], [sflag:$0x1], $0x80, s2, s26, $0xb8;
	[tilespmem:$0x17800] =	vst v63  }
0x6b: {  	_ = 	snop  }
0x6c: {  	[spmem:s3] =	stream.indirect.scatter.add.f32 [tilespmem:s23], [sflag:$0x1], $0x80, s5, s26, $0xb8;
	[tilespmem:$0x17800] =	vst v63  }
0x6d: {  	_ = 	snop  }
0x6e: {  	[spmem:s3] =	stream.indirect.scatter.add.f32 [tilespmem:s23], [sflag:$0x1], $0x80, s7, s26, $0xb8;
	[tilespmem:$0x17800] =	vst v63  }
0x6f: {  	_ = 	snop  }
0x70: {  	[spmem:s3] =	stream.indirect.scatter.add.f32 [tilespmem:s23], [sflag:$0x1], $0x80, s15, s26, $0xb8;
	[tilespmem:$0x17800] =	vst v63  }
0x71: {  	_ = 	snop  }
0x72: {  	[spmem:s3] =	stream.indirect.scatter.add.f32 [tilespmem:s23], [sflag:$0x1], $0x80, s16, s26, $0xb8;
	[tilespmem:$0x17800] =	vst v63  }
0x73: {  	_ = 	snop  }
0x74: {  	[spmem:s3] =	stream.indirect.scatter.add.f32 [tilespmem:s23], [sflag:$0x1], $0x80, s17, s26, $0xb8;
	[tilespmem:$0x17800] =	vst v63  }
0x75: {  	_ = 	snop  }
0x76: {  	[spmem:s3] =	stream.indirect.scatter.add.f32 [tilespmem:s23], [sflag:$0x1], $0x80, s18, s26, $0xb8;
	[tilespmem:$0x17800] =	vst v63  }
0x77: {  	_ = 	snop  }
0x78: {  	[spmem:s3] =	stream.indirect.scatter.add.f32 [tilespmem:s23], [sflag:$0x1], $0x80, s19, s26, $0xb8;
	[tilespmem:$0x17800] =	vst v63  }
0x79: {  	_ = 	snop  }
0x7a: {  	[spmem:s3] =	stream.indirect.scatter.add.f32 [tilespmem:s23], [sflag:$0x1], $0x80, s20, s26, $0xb8;
	[tilespmem:$0x17800] =	vst v63  }
0x7b: {  	_ = 	snop  }
0x7c: {  	[spmem:s3] =	stream.indirect.scatter.add.f32 [tilespmem:s23], [sflag:$0x1], $0x80, s21, s26, $0xb8;
	[tilespmem:$0x17800] =	vst v63  }
0x7d: {  	_ = 	snop  }
0x7e: {  	[spmem:s3] =	stream.indirect.scatter.add.f32 [tilespmem:s23], [sflag:$0x1], $0x80, s22, s26, $0xb8;
	[tilespmem:$0x17800] =	vst v63  }
0x7f: {  	_ = 	snop  }
0x80: {  	[spmem:s3] =	stream.indirect.scatter.add.f32 [tilespmem:s23], [sflag:$0x1], $0x80, s6, s26, $0xb8;
	[tilespmem:$0x17800] =	vst v63  }
0x81: {  	_ = 	snop  }
0x82: {  	[spmem:s3] =	stream.indirect.scatter.add.f32 [tilespmem:s23], [sflag:$0x1], $0x80, s8, s26, $0xb8;
	[tilespmem:$0x17800] =	vst v63  }
0x83: {  	_ = 	snop  }
0x84: {  	[spmem:s3] =	stream.indirect.scatter.add.f32 [tilespmem:s23], [sflag:$0x1], $0x80, s9, s26, $0xb8;
	[tilespmem:$0x17800] =	vst v63  }
0x85: {  	_ = 	snop  }
0x86: {  	[spmem:s3] =	stream.indirect.scatter.add.f32 [tilespmem:s23], [sflag:$0x1], $0x80, s10, s26, $0xb8;
	[tilespmem:$0x17800] =	vst v63  }
0x87: {  	_ = 	snop  }
0x88: {  	[spmem:s3] =	stream.indirect.scatter.add.f32 [tilespmem:s23], [sflag:$0x1], $0x80, s11, s26, $0xb8;
	[tilespmem:$0x17800] =	vst v63  }
0x89: {  	_ =	swait.ge [sflag:s24], $0x2800  }
0x8a: {  	[sflag:s24] =	ssyncset.done $0x0  }
0x8b: {  	[sflag:s24] =	ssyncadd.s32 $0xFFFFD800  }
0x8c: {  	_ =	swait.ge [sflag:s24], $0x2800  }
0x8d: {  	[sflag:s24] =	ssyncset.done $0x0  }
0x8e: {  	[sflag:s24] =	ssyncadd.s32 $0xFFFFD800  }
0x8f: {  	_ =	swait.ge [sflag:s24], $0x2800  }
0x90: {  	[sflag:s24] =	ssyncset.done $0x0  }
0x91: {  	[sflag:s24] =	ssyncadd.s32 $0xFFFFD800  }
0x92: {  	_ =	swait.ge [sflag:s24], $0x2800  }
0x93: {  	[sflag:s24] =	ssyncset.done $0x0  }
0x94: {  	[sflag:s24] =	ssyncadd.s32 $0xFFFFD800  }
0x95: {  	_ =	swait.ge [sflag:s24], $0x2800  }
0x96: {  	[sflag:s24] =	ssyncset.done $0x0  }
0x97: {  	[sflag:s24] =	ssyncadd.s32 $0xFFFFD800  }
0x98: {  	_ =	swait.ge [sflag:s24], $0x2800  }
0x99: {  	[sflag:s24] =	ssyncset.done $0x0  }
0x9a: {  	[sflag:s24] =	ssyncadd.s32 $0xFFFFD800  }
0x9b: {  	_ =	swait.ge [sflag:s24], $0x2800  }
0x9c: {  	[sflag:s24] =	ssyncset.done $0x0  }
0x9d: {  	[sflag:s24] =	ssyncadd.s32 $0xFFFFD800  }
0x9e: {  	_ =	swait.ge [sflag:s24], $0x2800  }
0x9f: {  	[sflag:s24] =	ssyncset.done $0x0  }
0xa0: {  	[sflag:s24] =	ssyncadd.s32 $0xFFFFD800  }
0xa1: {  	_ =	swait.ge [sflag:s24], $0x2800  }
0xa2: {  	[sflag:s24] =	ssyncset.done $0x0  }
0xa3: {  	[sflag:s24] =	ssyncadd.s32 $0xFFFFD800  }
0xa4: {  	_ =	swait.ge [sflag:s24], $0x2800  }
0xa5: {  	[sflag:s24] =	ssyncset.done $0x0  }
0xa6: {  	[sflag:s24] =	ssyncadd.s32 $0xFFFFD800  }
0xa7: {  	_ =	swait.ge [sflag:s24], $0x2800  }
0xa8: {  	[sflag:s24] =	ssyncset.done $0x0  }
0xa9: {  	[sflag:s24] =	ssyncadd.s32 $0xFFFFD800  }
0xaa: {  	_ =	swait.ge [sflag:s24], $0x2800  }
0xab: {  	[sflag:s24] =	ssyncset.done $0x0  }
0xac: {  	[sflag:s24] =	ssyncadd.s32 $0xFFFFD800  }
0xad: {  	_ =	swait.ge [sflag:s24], $0x2800  }
0xae: {  	[sflag:s24] =	ssyncset.done $0x0  }
0xaf: {  	[sflag:s24] =	ssyncadd.s32 $0xFFFFD800  }
0xb0: {  	_ =	swait.ge [sflag:s24], $0x2800  }
0xb1: {  	[sflag:s24] =	ssyncset.done $0x0  }
0xb2: {  	[sflag:s24] =	ssyncadd.s32 $0xFFFFD800  }
0xb3: {  	_ =	swait.ge [sflag:s24], $0x2800  }
0xb4: {  	[sflag:s24] =	ssyncset.done $0x0  }
0xb5: {  	[sflag:s24] =	ssyncadd.s32 $0xFFFFD800  }
0xb6: {  	_ =	swait.ge [sflag:s24], $0x2800  }
0xb7: {  	[sflag:s24] =	ssyncset.done $0x0  }
0xb8: {  	[sflag:s24] =	ssyncadd.s32 $0xFFFFD800  }
0xb9: {  	_ =	swait.ge [sflag:s24], $0x2800  }
0xba: {  	[sflag:s24] =	ssyncset.done $0x0  }
0xbb: {  	[sflag:s24] =	ssyncadd.s32 $0xFFFFD800  }
0xbc: {  	_ =	swait.ge [sflag:s24], $0x2800  }
0xbd: {  	[sflag:s24] =	ssyncset.done $0x0  }
0xbe: {  	[sflag:s24] =	ssyncadd.s32 $0xFFFFD800  }
0xbf: {  	_ =	swait.ge [sflag:s24], $0x2800  }
0xc0: {  	[sflag:s24] =	ssyncset.done $0x0  }
0xc1: {  	[sflag:s24] =	ssyncadd.s32 $0xFFFFD800  }
0xc2: {  	_ =	swait.ge [sflag:s24], $0x2800  }
0xc3: {  	[sflag:s24] =	ssyncset.done $0x0  }
0xc4: {  	[sflag:s24] =	ssyncadd.s32 $0xFFFFD800  }
0xc5: {  	_ =	swait.ge [sflag:s24], $0x2800  }
0xc6: {  	[sflag:s24] =	ssyncset.done $0x0  }
0xc7: {  	[sflag:s24] =	ssyncadd.s32 $0xFFFFD800  }
0xc8: {  	_ =	swait.ge [sflag:s24], $0x2800  }
0xc9: {  	[sflag:s24] =	ssyncset.done $0x0  }
0xca: {  	[sflag:s24] =	ssyncadd.s32 $0xFFFFD800  }
0xcb: {  	_ =	swait.ge [sflag:s24], $0x2800  }
0xcc: {  	[sflag:s24] =	ssyncset.done $0x0  }
0xcd: {  	[sflag:s24] =	ssyncadd.s32 $0xFFFFD800  }
0xce: {  	_ =	swait.ge [sflag:s24], $0x2800  }
0xcf: {  	[sflag:s24] =	ssyncset.done $0x0  }
0xd0: {  	[sflag:s24] =	ssyncadd.s32 $0xFFFFD800  }
0xd1: {  	s13 =	simm.s32 $0x200;
	_ =	swait.ge [sflag:s24], $0x2800  }
0xd2: {  	s14 =	simm.s32 $0x400;
	s12 =	rddreg [dreg:$0x4];
	[sflag:s24] =	ssyncset.done $0x0  }
.LBB2_2:
0xd3: {  	[sflag:s24] =	ssyncadd.s32 $0xFFFFD800;
	s12 =	sadd.s32 s13, s12  }
0xd4: {  	[tilespmem:s4], [sflag:$0x2] =	stream.linear.gather [hbm4b:s12+s4], $0xC80, $0x38;
	[tilespmem:$0x17800] =	vst v63  }
0xd5: {  	_ =	swait.ge [sflag:s25], $0xC80  }
0xd6: {  	[sflag:s25] =	ssyncset.done $0x0  }
0xd7: {  	[sflag:s25] =	ssyncadd.s32 $0xFFFFF380  }
0xd8: {  	[spmem:s3] =	stream.indirect.scatter.add.f32 [tilespmem:s23], [sflag:$0x1], $0x80, s4, s26, $0xb8;
	[tilespmem:$0x17800] =	vst v63  }
0xd9: {  	s28 =	smov.u32 s14;
	s12 =	rddreg [dreg:$0x5]  }
0xda: {  	[spmem:s3] =	stream.indirect.scatter.add.f32 [tilespmem:s23], [sflag:$0x1], $0x80, s12, s26, $0xb8;
	[tilespmem:$0x17800] =	vst v63  }
0xdb: {  	s13 =	smov.u32 s28;
	s28 =	rddreg [dreg:$0x6]  }
0xdc: {  	[spmem:s3] =	stream.indirect.scatter.add.f32 [tilespmem:s23], [sflag:$0x1], $0x80, s28, s26, $0xb8;
	[tilespmem:$0x17800] =	vst v63  }
0xdd: {  	s28 =	simm.s32 $0x180  }
0xde: {  	[spmem:s3] =	stream.indirect.scatter.add.f32 [tilespmem:s23], [sflag:$0x1], $0x80, s28, s26, $0xb8;
	[tilespmem:$0x17800] =	vst v63  }
0xdf: {  	_ = 	snop  }
0xe0: {  	[spmem:s3] =	stream.indirect.scatter.add.f32 [tilespmem:s23], [sflag:$0x1], $0x80, s29, s26, $0xb8;
	[tilespmem:$0x17800] =	vst v63  }
0xe1: {  	_ = 	snop  }
0xe2: {  	[spmem:s3] =	stream.indirect.scatter.add.f32 [tilespmem:s23], [sflag:$0x1], $0x80, s30, s26, $0xb8;
	[tilespmem:$0x17800] =	vst v63  }
0xe3: {  	_ = 	snop  }
0xe4: {  	[spmem:s3] =	stream.indirect.scatter.add.f32 [tilespmem:s23], [sflag:$0x1], $0x80, s31, s26, $0xb8;
	[tilespmem:$0x17800] =	vst v63  }
0xe5: {  	_ = 	snop  }
0xe6: {  	[spmem:s3] =	stream.indirect.scatter.add.f32 [tilespmem:s23], [sflag:$0x1], $0x80, s1, s26, $0xb8;
	[tilespmem:$0x17800] =	vst v63  }
0xe7: {  	_ = 	snop  }
0xe8: {  	[spmem:s3] =	stream.indirect.scatter.add.f32 [tilespmem:s23], [sflag:$0x1], $0x80, s0, s26, $0xb8;
	[tilespmem:$0x17800] =	vst v63  }
0xe9: {  	_ = 	snop  }
0xea: {  	[spmem:s3] =	stream.indirect.scatter.add.f32 [tilespmem:s23], [sflag:$0x1], $0x80, s2, s26, $0xb8;
	[tilespmem:$0x17800] =	vst v63  }
0xeb: {  	_ = 	snop  }
0xec: {  	[spmem:s3] =	stream.indirect.scatter.add.f32 [tilespmem:s23], [sflag:$0x1], $0x80, s5, s26, $0xb8;
	[tilespmem:$0x17800] =	vst v63  }
0xed: {  	_ = 	snop  }
0xee: {  	[spmem:s3] =	stream.indirect.scatter.add.f32 [tilespmem:s23], [sflag:$0x1], $0x80, s7, s26, $0xb8;
	[tilespmem:$0x17800] =	vst v63  }
0xef: {  	_ = 	snop  }
0xf0: {  	[spmem:s3] =	stream.indirect.scatter.add.f32 [tilespmem:s23], [sflag:$0x1], $0x80, s15, s26, $0xb8;
	[tilespmem:$0x17800] =	vst v63  }
0xf1: {  	_ = 	snop  }
0xf2: {  	[spmem:s3] =	stream.indirect.scatter.add.f32 [tilespmem:s23], [sflag:$0x1], $0x80, s16, s26, $0xb8;
	[tilespmem:$0x17800] =	vst v63  }
0xf3: {  	_ = 	snop  }
0xf4: {  	[spmem:s3] =	stream.indirect.scatter.add.f32 [tilespmem:s23], [sflag:$0x1], $0x80, s17, s26, $0xb8;
	[tilespmem:$0x17800] =	vst v63  }
0xf5: {  	_ = 	snop  }
0xf6: {  	[spmem:s3] =	stream.indirect.scatter.add.f32 [tilespmem:s23], [sflag:$0x1], $0x80, s18, s26, $0xb8;
	[tilespmem:$0x17800] =	vst v63  }
0xf7: {  	_ = 	snop  }
0xf8: {  	[spmem:s3] =	stream.indirect.scatter.add.f32 [tilespmem:s23], [sflag:$0x1], $0x80, s19, s26, $0xb8;
	[tilespmem:$0x17800] =	vst v63  }
0xf9: {  	_ = 	snop  }
0xfa: {  	[spmem:s3] =	stream.indirect.scatter.add.f32 [tilespmem:s23], [sflag:$0x1], $0x80, s20, s26, $0xb8;
	[tilespmem:$0x17800] =	vst v63  }
0xfb: {  	_ = 	snop  }
0xfc: {  	[spmem:s3] =	stream.indirect.scatter.add.f32 [tilespmem:s23], [sflag:$0x1], $0x80, s21, s26, $0xb8;
	[tilespmem:$0x17800] =	vst v63  }
0xfd: {  	_ = 	snop  }
0xfe: {  	[spmem:s3] =	stream.indirect.scatter.add.f32 [tilespmem:s23], [sflag:$0x1], $0x80, s22, s26, $0xb8;
	[tilespmem:$0x17800] =	vst v63  }
0xff: {  	_ = 	snop  }
0x100: {  	[spmem:s3] =	stream.indirect.scatter.add.f32 [tilespmem:s23], [sflag:$0x1], $0x80, s6, s26, $0xb8;
	[tilespmem:$0x17800] =	vst v63  }
0x101: {  	_ = 	snop  }
0x102: {  	[spmem:s3] =	stream.indirect.scatter.add.f32 [tilespmem:s23], [sflag:$0x1], $0x80, s8, s26, $0xb8;
	[tilespmem:$0x17800] =	vst v63  }
0x103: {  	_ = 	snop  }
0x104: {  	[spmem:s3] =	stream.indirect.scatter.add.f32 [tilespmem:s23], [sflag:$0x1], $0x80, s9, s26, $0xb8;
	[tilespmem:$0x17800] =	vst v63  }
0x105: {  	_ = 	snop  }
0x106: {  	[spmem:s3] =	stream.indirect.scatter.add.f32 [tilespmem:s23], [sflag:$0x1], $0x80, s10, s26, $0xb8;
	[tilespmem:$0x17800] =	vst v63  }
0x107: {  	_ = 	snop  }
0x108: {  	[spmem:s3] =	stream.indirect.scatter.add.f32 [tilespmem:s23], [sflag:$0x1], $0x80, s11, s26, $0xb8;
	[tilespmem:$0x17800] =	vst v63  }
0x109: {  	_ =	swait.ge [sflag:s24], $0x2800  }
0x10a: {  	[sflag:s24] =	ssyncset.done $0x0  }
0x10b: {  	[sflag:s24] =	ssyncadd.s32 $0xFFFFD800  }
0x10c: {  	_ =	swait.ge [sflag:s24], $0x2800  }
0x10d: {  	[sflag:s24] =	ssyncset.done $0x0  }
0x10e: {  	[sflag:s24] =	ssyncadd.s32 $0xFFFFD800  }
0x10f: {  	_ =	swait.ge [sflag:s24], $0x2800  }
0x110: {  	[sflag:s24] =	ssyncset.done $0x0  }
0x111: {  	[sflag:s24] =	ssyncadd.s32 $0xFFFFD800  }
0x112: {  	_ =	swait.ge [sflag:s24], $0x2800  }
0x113: {  	[sflag:s24] =	ssyncset.done $0x0  }
0x114: {  	[sflag:s24] =	ssyncadd.s32 $0xFFFFD800  }
0x115: {  	_ =	swait.ge [sflag:s24], $0x2800  }
0x116: {  	[sflag:s24] =	ssyncset.done $0x0  }
0x117: {  	[sflag:s24] =	ssyncadd.s32 $0xFFFFD800  }
0x118: {  	_ =	swait.ge [sflag:s24], $0x2800  }
0x119: {  	[sflag:s24] =	ssyncset.done $0x0  }
0x11a: {  	[sflag:s24] =	ssyncadd.s32 $0xFFFFD800  }
0x11b: {  	_ =	swait.ge [sflag:s24], $0x2800  }
0x11c: {  	[sflag:s24] =	ssyncset.done $0x0  }
0x11d: {  	[sflag:s24] =	ssyncadd.s32 $0xFFFFD800  }
0x11e: {  	_ =	swait.ge [sflag:s24], $0x2800  }
0x11f: {  	[sflag:s24] =	ssyncset.done $0x0  }
0x120: {  	[sflag:s24] =	ssyncadd.s32 $0xFFFFD800  }
0x121: {  	_ =	swait.ge [sflag:s24], $0x2800  }
0x122: {  	[sflag:s24] =	ssyncset.done $0x0  }
0x123: {  	[sflag:s24] =	ssyncadd.s32 $0xFFFFD800  }
0x124: {  	_ =	swait.ge [sflag:s24], $0x2800  }
0x125: {  	[sflag:s24] =	ssyncset.done $0x0  }
0x126: {  	[sflag:s24] =	ssyncadd.s32 $0xFFFFD800  }
0x127: {  	_ =	swait.ge [sflag:s24], $0x2800  }
0x128: {  	[sflag:s24] =	ssyncset.done $0x0  }
0x129: {  	[sflag:s24] =	ssyncadd.s32 $0xFFFFD800  }
0x12a: {  	_ =	swait.ge [sflag:s24], $0x2800  }
0x12b: {  	[sflag:s24] =	ssyncset.done $0x0  }
0x12c: {  	[sflag:s24] =	ssyncadd.s32 $0xFFFFD800  }
0x12d: {  	_ =	swait.ge [sflag:s24], $0x2800  }
0x12e: {  	[sflag:s24] =	ssyncset.done $0x0  }
0x12f: {  	[sflag:s24] =	ssyncadd.s32 $0xFFFFD800  }
0x130: {  	_ =	swait.ge [sflag:s24], $0x2800  }
0x131: {  	[sflag:s24] =	ssyncset.done $0x0  }
0x132: {  	[sflag:s24] =	ssyncadd.s32 $0xFFFFD800  }
0x133: {  	_ =	swait.ge [sflag:s24], $0x2800  }
0x134: {  	[sflag:s24] =	ssyncset.done $0x0  }
0x135: {  	[sflag:s24] =	ssyncadd.s32 $0xFFFFD800  }
0x136: {  	_ =	swait.ge [sflag:s24], $0x2800  }
0x137: {  	[sflag:s24] =	ssyncset.done $0x0  }
0x138: {  	[sflag:s24] =	ssyncadd.s32 $0xFFFFD800  }
0x139: {  	_ =	swait.ge [sflag:s24], $0x2800  }
0x13a: {  	[sflag:s24] =	ssyncset.done $0x0  }
0x13b: {  	[sflag:s24] =	ssyncadd.s32 $0xFFFFD800  }
0x13c: {  	_ =	swait.ge [sflag:s24], $0x2800  }
0x13d: {  	[sflag:s24] =	ssyncset.done $0x0  }
0x13e: {  	[sflag:s24] =	ssyncadd.s32 $0xFFFFD800  }
0x13f: {  	_ =	swait.ge [sflag:s24], $0x2800  }
0x140: {  	[sflag:s24] =	ssyncset.done $0x0  }
0x141: {  	[sflag:s24] =	ssyncadd.s32 $0xFFFFD800  }
0x142: {  	_ =	swait.ge [sflag:s24], $0x2800  }
0x143: {  	[sflag:s24] =	ssyncset.done $0x0  }
0x144: {  	[sflag:s24] =	ssyncadd.s32 $0xFFFFD800  }
0x145: {  	_ =	swait.ge [sflag:s24], $0x2800  }
0x146: {  	[sflag:s24] =	ssyncset.done $0x0  }
0x147: {  	[sflag:s24] =	ssyncadd.s32 $0xFFFFD800  }
0x148: {  	_ =	swait.ge [sflag:s24], $0x2800  }
0x149: {  	[sflag:s24] =	ssyncset.done $0x0  }
0x14a: {  	[sflag:s24] =	ssyncadd.s32 $0xFFFFD800  }
0x14b: {  	_ =	swait.ge [sflag:s24], $0x2800  }
0x14c: {  	[sflag:s24] =	ssyncset.done $0x0  }
0x14d: {  	p0 =	sne.s32 s14, $0x800;
	[sflag:s24] =	ssyncadd.s32 $0xFFFFD800  }
.Ltmp0:
0x14e: {  	_ =	swait.ge [sflag:s24], $0x2800;
	(pc) =	sbr.rel @p0 .LBB2_2-.Ltmp0, $4  }
0x14f: {  	[sflag:s24] =	ssyncset.done $0x0  }
0x150: {  	[sflag:s24] =	ssyncadd.s32 $0xFFFFD800  }
0x151: {  	_ =	swait.ge [sflag:s24], $0x2800  }
0x152: {  	s14 =	sadd.s32 $0x200, s14;
	s12 =	rddreg [dreg:$0x4];
	[sflag:s24] =	ssyncset.done $0x0  }
0x153: {  	[sflag:s24] =	ssyncadd.s32 $0xFFFFD800;
	s12 =	sadd.s32 s13, s12  }
0x154: {  	[tilespmem:s4], [sflag:$0x2] =	stream.linear.gather [hbm4b:s12+s4], $0xC80, $0x38;
	[tilespmem:$0x17800] =	vst v63  }
0x155: {  	_ =	swait.ge [sflag:s25], $0xC80  }
0x156: {  	[sflag:s25] =	ssyncset.done $0x0  }
0x157: {  	[sflag:s25] =	ssyncadd.s32 $0xFFFFF380  }
0x158: {  	[spmem:s3] =	stream.indirect.scatter.add.f32 [tilespmem:s23], [sflag:$0x1], $0x80, s4, s26, $0xb8;
	[tilespmem:$0x17800] =	vst v63  }
0x159: {  	s13 =	rddreg [dreg:$0x5]  }
0x15a: {  	[spmem:s3] =	stream.indirect.scatter.add.f32 [tilespmem:s23], [sflag:$0x1], $0x80, s13, s26, $0xb8;
	[tilespmem:$0x17800] =	vst v63  }
0x15b: {  	s14 =	rddreg [dreg:$0x6]  }
0x15c: {  	[spmem:s3] =	stream.indirect.scatter.add.f32 [tilespmem:s23], [sflag:$0x1], $0x80, s14, s26, $0xb8;
	[tilespmem:$0x17800] =	vst v63  }
0x15d: {  	s13 =	simm.s32 $0x180  }
0x15e: {  	[spmem:s3] =	stream.indirect.scatter.add.f32 [tilespmem:s23], [sflag:$0x1], $0x80, s13, s26, $0xb8;
	[tilespmem:$0x17800] =	vst v63  }
0x15f: {  	_ = 	snop  }
0x160: {  	[spmem:s3] =	stream.indirect.scatter.add.f32 [tilespmem:s23], [sflag:$0x1], $0x80, s29, s26, $0xb8;
	[tilespmem:$0x17800] =	vst v63  }
0x161: {  	_ = 	snop  }
0x162: {  	[spmem:s3] =	stream.indirect.scatter.add.f32 [tilespmem:s23], [sflag:$0x1], $0x80, s30, s26, $0xb8;
	[tilespmem:$0x17800] =	vst v63  }
0x163: {  	_ = 	snop  }
0x164: {  	[spmem:s3] =	stream.indirect.scatter.add.f32 [tilespmem:s23], [sflag:$0x1], $0x80, s31, s26, $0xb8;
	[tilespmem:$0x17800] =	vst v63  }
0x165: {  	_ = 	snop  }
0x166: {  	[spmem:s3] =	stream.indirect.scatter.add.f32 [tilespmem:s23], [sflag:$0x1], $0x80, s1, s26, $0xb8;
	[tilespmem:$0x17800] =	vst v63  }
0x167: {  	_ = 	snop  }
0x168: {  	[spmem:s3] =	stream.indirect.scatter.add.f32 [tilespmem:s23], [sflag:$0x1], $0x80, s0, s26, $0xb8;
	[tilespmem:$0x17800] =	vst v63  }
0x169: {  	_ = 	snop  }
0x16a: {  	[spmem:s3] =	stream.indirect.scatter.add.f32 [tilespmem:s23], [sflag:$0x1], $0x80, s2, s26, $0xb8;
	[tilespmem:$0x17800] =	vst v63  }
0x16b: {  	_ = 	snop  }
0x16c: {  	[spmem:s3] =	stream.indirect.scatter.add.f32 [tilespmem:s23], [sflag:$0x1], $0x80, s5, s26, $0xb8;
	[tilespmem:$0x17800] =	vst v63  }
0x16d: {  	_ = 	snop  }
0x16e: {  	[spmem:s3] =	stream.indirect.scatter.add.f32 [tilespmem:s23], [sflag:$0x1], $0x80, s7, s26, $0xb8;
	[tilespmem:$0x17800] =	vst v63  }
0x16f: {  	_ = 	snop  }
0x170: {  	[spmem:s3] =	stream.indirect.scatter.add.f32 [tilespmem:s23], [sflag:$0x1], $0x80, s15, s26, $0xb8;
	[tilespmem:$0x17800] =	vst v63  }
0x171: {  	_ = 	snop  }
0x172: {  	[spmem:s3] =	stream.indirect.scatter.add.f32 [tilespmem:s23], [sflag:$0x1], $0x80, s16, s26, $0xb8;
	[tilespmem:$0x17800] =	vst v63  }
0x173: {  	_ = 	snop  }
0x174: {  	[spmem:s3] =	stream.indirect.scatter.add.f32 [tilespmem:s23], [sflag:$0x1], $0x80, s17, s26, $0xb8;
	[tilespmem:$0x17800] =	vst v63  }
0x175: {  	_ = 	snop  }
0x176: {  	[spmem:s3] =	stream.indirect.scatter.add.f32 [tilespmem:s23], [sflag:$0x1], $0x80, s18, s26, $0xb8;
	[tilespmem:$0x17800] =	vst v63  }
0x177: {  	_ = 	snop  }
0x178: {  	[spmem:s3] =	stream.indirect.scatter.add.f32 [tilespmem:s23], [sflag:$0x1], $0x80, s19, s26, $0xb8;
	[tilespmem:$0x17800] =	vst v63  }
0x179: {  	_ = 	snop  }
0x17a: {  	[spmem:s3] =	stream.indirect.scatter.add.f32 [tilespmem:s23], [sflag:$0x1], $0x80, s20, s26, $0xb8;
	[tilespmem:$0x17800] =	vst v63  }
0x17b: {  	_ = 	snop  }
0x17c: {  	[spmem:s3] =	stream.indirect.scatter.add.f32 [tilespmem:s23], [sflag:$0x1], $0x80, s21, s26, $0xb8;
	[tilespmem:$0x17800] =	vst v63  }
0x17d: {  	_ = 	snop  }
0x17e: {  	[spmem:s3] =	stream.indirect.scatter.add.f32 [tilespmem:s23], [sflag:$0x1], $0x80, s22, s26, $0xb8;
	[tilespmem:$0x17800] =	vst v63  }
0x17f: {  	_ = 	snop  }
0x180: {  	[spmem:s3] =	stream.indirect.scatter.add.f32 [tilespmem:s23], [sflag:$0x1], $0x80, s6, s26, $0xb8;
	[tilespmem:$0x17800] =	vst v63  }
0x181: {  	_ = 	snop  }
0x182: {  	[spmem:s3] =	stream.indirect.scatter.add.f32 [tilespmem:s23], [sflag:$0x1], $0x80, s8, s26, $0xb8;
	[tilespmem:$0x17800] =	vst v63  }
0x183: {  	_ = 	snop  }
0x184: {  	[spmem:s3] =	stream.indirect.scatter.add.f32 [tilespmem:s23], [sflag:$0x1], $0x80, s9, s26, $0xb8;
	[tilespmem:$0x17800] =	vst v63  }
0x185: {  	_ = 	snop  }
0x186: {  	[spmem:s3] =	stream.indirect.scatter.add.f32 [tilespmem:s23], [sflag:$0x1], $0x80, s10, s26, $0xb8;
	[tilespmem:$0x17800] =	vst v63  }
0x187: {  	_ = 	snop  }
0x188: {  	[spmem:s3] =	stream.indirect.scatter.add.f32 [tilespmem:s23], [sflag:$0x1], $0x80, s11, s26, $0xb8;
	[tilespmem:$0x17800] =	vst v63  }
0x189: {  	_ =	swait.ge [sflag:s24], $0x2800  }
0x18a: {  	[sflag:s24] =	ssyncset.done $0x0  }
0x18b: {  	[sflag:s24] =	ssyncadd.s32 $0xFFFFD800  }
0x18c: {  	_ =	swait.ge [sflag:s24], $0x2800  }
0x18d: {  	[sflag:s24] =	ssyncset.done $0x0  }
0x18e: {  	[sflag:s24] =	ssyncadd.s32 $0xFFFFD800  }
0x18f: {  	_ =	swait.ge [sflag:s24], $0x2800  }
0x190: {  	[sflag:s24] =	ssyncset.done $0x0  }
0x191: {  	[sflag:s24] =	ssyncadd.s32 $0xFFFFD800  }
0x192: {  	_ =	swait.ge [sflag:s24], $0x2800  }
0x193: {  	[sflag:s24] =	ssyncset.done $0x0  }
0x194: {  	[sflag:s24] =	ssyncadd.s32 $0xFFFFD800  }
0x195: {  	_ =	swait.ge [sflag:s24], $0x2800  }
0x196: {  	[sflag:s24] =	ssyncset.done $0x0  }
0x197: {  	[sflag:s24] =	ssyncadd.s32 $0xFFFFD800  }
0x198: {  	_ =	swait.ge [sflag:s24], $0x2800  }
0x199: {  	[sflag:s24] =	ssyncset.done $0x0  }
0x19a: {  	[sflag:s24] =	ssyncadd.s32 $0xFFFFD800  }
0x19b: {  	_ =	swait.ge [sflag:s24], $0x2800  }
0x19c: {  	[sflag:s24] =	ssyncset.done $0x0  }
0x19d: {  	[sflag:s24] =	ssyncadd.s32 $0xFFFFD800  }
0x19e: {  	_ =	swait.ge [sflag:s24], $0x2800  }
0x19f: {  	[sflag:s24] =	ssyncset.done $0x0  }
0x1a0: {  	[sflag:s24] =	ssyncadd.s32 $0xFFFFD800  }
0x1a1: {  	_ =	swait.ge [sflag:s24], $0x2800  }
0x1a2: {  	[sflag:s24] =	ssyncset.done $0x0  }
0x1a3: {  	[sflag:s24] =	ssyncadd.s32 $0xFFFFD800  }
0x1a4: {  	_ =	swait.ge [sflag:s24], $0x2800  }
0x1a5: {  	[sflag:s24] =	ssyncset.done $0x0  }
0x1a6: {  	[sflag:s24] =	ssyncadd.s32 $0xFFFFD800  }
0x1a7: {  	_ =	swait.ge [sflag:s24], $0x2800  }
0x1a8: {  	[sflag:s24] =	ssyncset.done $0x0  }
0x1a9: {  	[sflag:s24] =	ssyncadd.s32 $0xFFFFD800  }
0x1aa: {  	_ =	swait.ge [sflag:s24], $0x2800  }
0x1ab: {  	[sflag:s24] =	ssyncset.done $0x0  }
0x1ac: {  	[sflag:s24] =	ssyncadd.s32 $0xFFFFD800  }
0x1ad: {  	_ =	swait.ge [sflag:s24], $0x2800  }
0x1ae: {  	[sflag:s24] =	ssyncset.done $0x0  }
0x1af: {  	[sflag:s24] =	ssyncadd.s32 $0xFFFFD800  }
0x1b0: {  	_ =	swait.ge [sflag:s24], $0x2800  }
0x1b1: {  	[sflag:s24] =	ssyncset.done $0x0  }
0x1b2: {  	[sflag:s24] =	ssyncadd.s32 $0xFFFFD800  }
0x1b3: {  	_ =	swait.ge [sflag:s24], $0x2800  }
0x1b4: {  	[sflag:s24] =	ssyncset.done $0x0  }
0x1b5: {  	[sflag:s24] =	ssyncadd.s32 $0xFFFFD800  }
0x1b6: {  	_ =	swait.ge [sflag:s24], $0x2800  }
0x1b7: {  	[sflag:s24] =	ssyncset.done $0x0  }
0x1b8: {  	[sflag:s24] =	ssyncadd.s32 $0xFFFFD800  }
0x1b9: {  	_ =	swait.ge [sflag:s24], $0x2800  }
0x1ba: {  	[sflag:s24] =	ssyncset.done $0x0  }
0x1bb: {  	[sflag:s24] =	ssyncadd.s32 $0xFFFFD800  }
0x1bc: {  	_ =	swait.ge [sflag:s24], $0x2800  }
0x1bd: {  	[sflag:s24] =	ssyncset.done $0x0  }
0x1be: {  	[sflag:s24] =	ssyncadd.s32 $0xFFFFD800  }
0x1bf: {  	_ =	swait.ge [sflag:s24], $0x2800  }
0x1c0: {  	[sflag:s24] =	ssyncset.done $0x0  }
0x1c1: {  	[sflag:s24] =	ssyncadd.s32 $0xFFFFD800  }
0x1c2: {  	_ =	swait.ge [sflag:s24], $0x2800  }
0x1c3: {  	[sflag:s24] =	ssyncset.done $0x0  }
0x1c4: {  	[sflag:s24] =	ssyncadd.s32 $0xFFFFD800  }
0x1c5: {  	_ =	swait.ge [sflag:s24], $0x2800  }
0x1c6: {  	[sflag:s24] =	ssyncset.done $0x0  }
0x1c7: {  	[sflag:s24] =	ssyncadd.s32 $0xFFFFD800  }
0x1c8: {  	_ =	swait.ge [sflag:s24], $0x2800  }
0x1c9: {  	[sflag:s24] =	ssyncset.done $0x0  }
0x1ca: {  	[sflag:s24] =	ssyncadd.s32 $0xFFFFD800  }
0x1cb: {  	_ =	swait.ge [sflag:s24], $0x2800  }
0x1cc: {  	[sflag:s24] =	ssyncset.done $0x0  }
0x1cd: {  	[sflag:s24] =	ssyncadd.s32 $0xFFFFD800  }
0x1ce: {  	_ =	swait.ge [sflag:s24], $0x2800  }
0x1cf: {  	[sflag:s24] =	ssyncset.done $0x0  }
0x1d0: {  	[sflag:s24] =	ssyncadd.s32 $0xFFFFD800  }
0x1d1: {  	_ =	swait.ge [sflag:s24], $0x2800  }
0x1d2: {  	[sflag:s24] =	ssyncset.done $0x0  }
0x1d3: {  	[sflag:s24] =	ssyncadd.s32 $0xFFFFD800  }
0x1d4: {  	[bflag:$0x0] =	sbarrier.arrive $0xFFFF  }
0x1d5: {  	s14 =	rddreg [dreg:$0x8]  }
0x1d6: {  	[tilespmem:s23], [sflag:$0x1] =	stream.linear.gather [spmem:s14], $0x2800, $0x38;
	[tilespmem:$0x17800] =	vst v63  }
0x1d7: {  	_ =	swait.ge [sflag:s24], $0x2800  }
0x1d8: {  	[sflag:s24] =	ssyncset.done $0x0  }
0x1d9: {  	s13 =	rddreg [dreg:$0x11];
	[sflag:s24] =	ssyncadd.s32 $0xFFFFD800  }
0x1da: {  	[hbm4b:s13+s4] =	stream.linear.scatter [tilespmem:s23], [sflag:$0x1], $0x2800, $0x38;
	[tilespmem:$0x17800] =	vst v63  }
0x1db: {  	_ =	swait.ge [sflag:s24], $0x2800  }
0x1dc: {  	[sflag:s24] =	ssyncset.done $0x0  }
0x1dd: {  	s14 =	rddreg [dreg:$0xa];
	[sflag:s24] =	ssyncadd.s32 $0xFFFFD800  }
0x1de: {  	[tilespmem:s23], [sflag:$0x1] =	stream.linear.gather [spmem:s14], $0x2800, $0x38;
	[tilespmem:$0x17800] =	vst v63  }
0x1df: {  	_ =	swait.ge [sflag:s24], $0x2800  }
0x1e0: {  	[sflag:s24] =	ssyncset.done $0x0  }
0x1e1: {  	s13 =	rddreg [dreg:$0x12];
	[sflag:s24] =	ssyncadd.s32 $0xFFFFD800  }
0x1e2: {  	[hbm4b:s13+s4] =	stream.linear.scatter [tilespmem:s23], [sflag:$0x1], $0x2800, $0x38;
	[tilespmem:$0x17800] =	vst v63  }
0x1e3: {  	_ =	swait.ge [sflag:s24], $0x2800  }
0x1e4: {  	[sflag:s24] =	ssyncset.done $0x0  }
0x1e5: {  	s14 =	rddreg [dreg:$0xb];
	[sflag:s24] =	ssyncadd.s32 $0xFFFFD800  }
0x1e6: {  	[tilespmem:s23], [sflag:$0x1] =	stream.linear.gather [spmem:s14], $0x2800, $0x38;
	[tilespmem:$0x17800] =	vst v63  }
0x1e7: {  	_ =	swait.ge [sflag:s24], $0x2800  }
0x1e8: {  	[sflag:s24] =	ssyncset.done $0x0  }
0x1e9: {  	s13 =	rddreg [dreg:$0x13];
	[sflag:s24] =	ssyncadd.s32 $0xFFFFD800  }
0x1ea: {  	[hbm4b:s13+s4] =	stream.linear.scatter [tilespmem:s23], [sflag:$0x1], $0x2800, $0x38;
	[tilespmem:$0x17800] =	vst v63  }
0x1eb: {  	_ =	swait.ge [sflag:s24], $0x2800  }
0x1ec: {  	[sflag:s24] =	ssyncset.done $0x0  }
0x1ed: {  	s14 =	rddreg [dreg:$0xc];
	[sflag:s24] =	ssyncadd.s32 $0xFFFFD800  }
0x1ee: {  	[tilespmem:s23], [sflag:$0x1] =	stream.linear.gather [spmem:s14], $0x2800, $0x38;
	[tilespmem:$0x17800] =	vst v63  }
0x1ef: {  	_ =	swait.ge [sflag:s24], $0x2800  }
0x1f0: {  	[sflag:s24] =	ssyncset.done $0x0  }
0x1f1: {  	s13 =	rddreg [dreg:$0x14];
	[sflag:s24] =	ssyncadd.s32 $0xFFFFD800  }
0x1f2: {  	[hbm4b:s13+s4] =	stream.linear.scatter [tilespmem:s23], [sflag:$0x1], $0x2800, $0x38;
	[tilespmem:$0x17800] =	vst v63  }
0x1f3: {  	_ =	swait.ge [sflag:s24], $0x2800  }
0x1f4: {  	[sflag:s24] =	ssyncset.done $0x0  }
0x1f5: {  	s14 =	rddreg [dreg:$0xd];
	[sflag:s24] =	ssyncadd.s32 $0xFFFFD800  }
0x1f6: {  	[tilespmem:s23], [sflag:$0x1] =	stream.linear.gather [spmem:s14], $0x2800, $0x38;
	[tilespmem:$0x17800] =	vst v63  }
0x1f7: {  	_ =	swait.ge [sflag:s24], $0x2800  }
0x1f8: {  	[sflag:s24] =	ssyncset.done $0x0  }
0x1f9: {  	s13 =	rddreg [dreg:$0x15];
	[sflag:s24] =	ssyncadd.s32 $0xFFFFD800  }
0x1fa: {  	[hbm4b:s13+s4] =	stream.linear.scatter [tilespmem:s23], [sflag:$0x1], $0x2800, $0x38;
	[tilespmem:$0x17800] =	vst v63  }
0x1fb: {  	_ =	swait.ge [sflag:s24], $0x2800  }
0x1fc: {  	[sflag:s24] =	ssyncset.done $0x0  }
0x1fd: {  	s14 =	rddreg [dreg:$0xe];
	[sflag:s24] =	ssyncadd.s32 $0xFFFFD800  }
0x1fe: {  	[tilespmem:s23], [sflag:$0x1] =	stream.linear.gather [spmem:s14], $0x2800, $0x38;
	[tilespmem:$0x17800] =	vst v63  }
0x1ff: {  	_ =	swait.ge [sflag:s24], $0x2800  }
0x200: {  	[sflag:s24] =	ssyncset.done $0x0  }
0x201: {  	s13 =	rddreg [dreg:$0x16];
	[sflag:s24] =	ssyncadd.s32 $0xFFFFD800  }
0x202: {  	[hbm4b:s13+s4] =	stream.linear.scatter [tilespmem:s23], [sflag:$0x1], $0x2800, $0x38;
	[tilespmem:$0x17800] =	vst v63  }
0x203: {  	_ =	swait.ge [sflag:s24], $0x2800  }
0x204: {  	[sflag:s24] =	ssyncset.done $0x0  }
0x205: {  	s13 =	rddreg [dreg:$0xf];
	[sflag:s24] =	ssyncadd.s32 $0xFFFFD800  }
0x206: {  	[tilespmem:s23], [sflag:$0x1] =	stream.linear.gather [spmem:s13], $0x2800, $0x38;
	[tilespmem:$0x17800] =	vst v63  }
0x207: {  	_ =	swait.ge [sflag:s24], $0x2800  }
0x208: {  	[sflag:s24] =	ssyncset.done $0x0  }
0x209: {  	s14 =	rddreg [dreg:$0x17];
	[sflag:s24] =	ssyncadd.s32 $0xFFFFD800  }
0x20a: {  	[hbm4b:s14+s4] =	stream.linear.scatter [tilespmem:s23], [sflag:$0x1], $0x2800, $0x38;
	[tilespmem:$0x17800] =	vst v63  }
0x20b: {  	_ =	swait.ge [sflag:s24], $0x2800  }
0x20c: {  	[sflag:s24] =	ssyncset.done $0x0  }
0x20d: {  	s14 =	rddreg [dreg:$0x10];
	[sflag:s24] =	ssyncadd.s32 $0xFFFFD800  }
0x20e: {  	[tilespmem:s23], [sflag:$0x1] =	stream.linear.gather [spmem:s14], $0x2800, $0x38;
	[tilespmem:$0x17800] =	vst v63  }
0x20f: {  	_ =	swait.ge [sflag:s24], $0x2800  }
0x210: {  	[sflag:s24] =	ssyncset.done $0x0  }
0x211: {  	s12 =	rddreg [dreg:$0x18];
	[sflag:s24] =	ssyncadd.s32 $0xFFFFD800  }
0x212: {  	[hbm4b:s12+s4] =	stream.linear.scatter [tilespmem:s23], [sflag:$0x1], $0x2800, $0x38;
	[tilespmem:$0x17800] =	vst v63  }
0x213: {  	_ =	swait.ge [sflag:s24], $0x2800  }
0x214: {  	s28 =	rddreg [dreg:$0x19]  }
0x215: {  	s12 =	rddreg [dreg:$0x9];
	s28 =	sadd.s32 $0x1, s28  }
0x216: {  	p0 =	sne.s32 s28, s12  }
.Ltmp1:
0x217: {  	_ = 	snop;
	(pc) =	sbr.rel @p0 .LBB2_1-.Ltmp1, $3  }
0x218: {  	_ =	sdelay $0x1  }
0x219: {  	[sflag:s24] =	ssyncset.done $0x0;
	[dreg:$0x19] =	wrdreg s28  }
0x21a: {  	[sflag:s24] =	ssyncadd.s32 $0xFFFFD800;
	s28 =	rddreg [dreg:$0x8]  }
0x21b: {  	_ =	sfence.sel $0x180000  }
0x21c: {  	[bflag:$0x0] =	sbarrier.arrive $0xFFFF  }
0x21d: {  	_ =	strace $0x9000004A  }
0x21e: {  	s0 =	stileid.u32;
	[bflag:$0x2] =	sbarrier.arrive $0xFFFF  }
0x21f: {  	p0 =	sne.s32 s0, $0x0;
	s0 =	rddreg [dreg:$0x3]  }
0x220: {  	s0 =	sadd.s32 @!p0 $0x100000, s0  }
0x221: {  	[sflag:s0] =	ssyncadd.tile.s32 @!p0 $0x1;
	_ =	shalt  }
.Lfunc_end2:
_tile_overlayer_lowered:
.L_overlay_start_2:
0x222: {  	(tag) =	ssettag $0x2  }
0x223: {  	s0 =	rddreg [dreg:$0x0];
	s2 =	stileid.u32  }
0x224: {  	s1 =	rddreg [dreg:$0x1];
	p0 =	sne.s32 s2, $0x0  }
0x225: {  	s3 =	rddreg [dreg:$0x2];
	[bflag:$0x3] =	sbarrier.arrive $0xFFFF;
	s2 =	simm.s32 @!p0 $0x1C01  }
0x226: {  	[timem:s3], [sflag:s2] =	dma.local @!p0 [hbm:s0], s1  }
0x227: {  	s0 =	simm.s32 @!p0 $0x1  }
0x228: {  	_ =	swait.ge @!p0 [sflag:s0], s1  }
0x229: {  	s1 =	ssub.s32 @!p0 $0x0, s1;
	[sflag:s0] =	ssyncset.done @!p0 $0x0  }
0x22a: {  	[sflag:s0] =	ssyncadd.s32 @!p0 s1  }
0x22b: {  	[bflag:$0x3] =	sbarrier.arrive $0xFFFF  }
0x22c: {  	_ =	shalt  }

</sc_bundles>
